<compile_context>
chip_gen: v7x
topology: tpu7x:2x2x1
jax: 0.10.2.dev20260603
libtpu: 0.0.44.dev20260713+nightly
codegen_flags: <defaults>
</compile_context>

<pallas_src>
import functools

import jax
import jax.numpy as jnp
from jax import lax
from jax.experimental import pallas as pl
from jax.experimental.pallas import tpu as pltpu
from jax.experimental.pallas import tpu_sc as plsc

HPAD = 32
NC, NS = 2, 16
NW = NC * NS
CHUNK = 256
D = 4
B = 8


def _scatter_partials(npad, cpt):
    rows_pt = npad // NS

    mesh = plsc.VectorSubcoreMesh(core_axis_name="c", subcore_axis_name="s")
    scratch = [
        pltpu.VMEM_SHARED((npad, HPAD), jnp.float32),
        pltpu.VMEM_SHARED((npad, HPAD), jnp.float32),
        pltpu.VMEM((cpt, CHUNK), jnp.int32),
        pltpu.VMEM((cpt, CHUNK), jnp.int32),
        pltpu.VMEM((B, CHUNK, HPAD), jnp.float32),
    ] + [pltpu.SemaphoreType.DMA] * (2 * B)

    @functools.partial(
        pl.kernel,
        out_type=jax.ShapeDtypeStruct((NC, npad, HPAD), jnp.float32),
        mesh=mesh,
        scratch_types=scratch,
        compiler_params=pltpu.CompilerParams(use_tc_tiling_on_sc=False),
    )
    def kern(z_hbm, src_hbm, dst_hbm, out_hbm, acc, z_sp, src_v, dst_v, rows,
             *sems):
        gsem = sems[:B]
        ssem = sems[B:]
        c = lax.axis_index("c")
        s = lax.axis_index("s")
        wid = s * NC + c
        r0 = s * rows_pt

        pltpu.sync_copy(z_hbm.at[pl.ds(c * npad + r0, rows_pt)],
                        acc.at[pl.ds(r0, rows_pt)])
        pltpu.sync_copy(z_hbm.at[pl.ds(r0, rows_pt)],
                        z_sp.at[pl.ds(r0, rows_pt)])
        pltpu.sync_copy(src_hbm.at[wid], src_v)
        pltpu.sync_copy(dst_hbm.at[wid], dst_v)

        plsc.subcore_barrier()

        for j in range(D):
            pltpu.async_copy(z_sp.at[src_v.at[j]], rows.at[j], gsem[j])

        def step(chunk, b, wait_scatter, prefetch):
            pltpu.make_async_copy(
                z_sp.at[src_v.at[chunk]], rows.at[b], gsem[b]).wait()
            pltpu.async_copy(
                rows.at[b], acc.at[dst_v.at[chunk]], ssem[b], add=True)
            if prefetch:
                j = chunk + D
                bj = (b + D) % B
                if wait_scatter:
                    pltpu.make_async_copy(
                        rows.at[bj], acc.at[dst_v.at[j - B]], ssem[bj]).wait()
                pltpu.async_copy(z_sp.at[src_v.at[j]], rows.at[bj], gsem[bj])

        for k in range(D):
            step(k, k, False, True)

        def body(io, carry):
            for k in range(B):
                step(D + io * B + k, (D + k) % B, True, True)
            return carry

        lax.fori_loop(0, (cpt - 2 * D) // B, body, 0)
        for k in range(D):
            step(cpt - D + k, (cpt - D + k) % B, False, False)
        for k in range(B):
            pltpu.make_async_copy(
                rows.at[k], acc.at[dst_v.at[cpt - B + k]], ssem[k]).wait()

        plsc.subcore_barrier()
        pltpu.sync_copy(acc.at[pl.ds(r0, rows_pt)],
                        out_hbm.at[c, pl.ds(r0, rows_pt)])

    return kern


def _tc_project(x, w1, npad):
    def body(x_ref, w_ref, o_ref):
        z = jnp.dot(x_ref[...], w_ref[...], preferred_element_type=jnp.float32)
        o_ref[pl.ds(0, npad), :] = z
        o_ref[pl.ds(npad, npad), :] = jnp.zeros_like(z)

    return pl.pallas_call(
        body,
        out_shape=jax.ShapeDtypeStruct((2 * npad, HPAD), jnp.float32),
    )(x, w1)


def _tc_combine(p, b1, w2, b2, w1n, npad, n):
    def body(p_ref, b1_ref, w2_ref, b2_ref, w1n_ref, o_ref):
        u = jnp.maximum(p_ref[0] + p_ref[1] + b1_ref[...], 0.0)
        v = jnp.dot(u, w2_ref[...], preferred_element_type=jnp.float32) + b2_ref[...]
        h = jnp.maximum(v, 0.0)
        z = jnp.dot(h, w1n_ref[...], preferred_element_type=jnp.float32)
        row = lax.broadcasted_iota(jnp.int32, z.shape, 0)
        z = jnp.where(row < n, z, 0.0)
        o_ref[pl.ds(0, npad), :] = z
        o_ref[pl.ds(npad, npad), :] = jnp.zeros_like(z)

    return pl.pallas_call(
        body,
        out_shape=jax.ShapeDtypeStruct((2 * npad, HPAD), jnp.float32),
    )(p, b1, w2, b2, w1n)


def _tc_final(p, b1, w2, b2, npad, h_real):
    def body(p_ref, b1_ref, w2_ref, b2_ref, o_ref):
        u = jnp.maximum(p_ref[0] + p_ref[1] + b1_ref[...], 0.0)
        v = jnp.dot(u, w2_ref[...], preferred_element_type=jnp.float32) + b2_ref[...]
        h = jnp.maximum(v, 0.0)
        col = lax.broadcasted_iota(jnp.int32, h.shape, 1)
        hm = jnp.where(col < h_real, h, -jnp.inf)
        m = jnp.max(hm, axis=1, keepdims=True)
        lse = m + jnp.log(jnp.sum(jnp.exp(hm - m), axis=1, keepdims=True))
        o_ref[...] = h - lse

    return pl.pallas_call(
        body,
        out_shape=jax.ShapeDtypeStruct((npad, HPAD), jnp.float32),
    )(p, b1, w2, b2)


def _pad_w(w):
    return jnp.pad(w, ((0, 0), (0, HPAD - w.shape[1])))


def _pad_w2(w):
    return jnp.pad(w, ((0, HPAD - w.shape[0]), (0, HPAD - w.shape[1])))


def _pad_b(b):
    return jnp.pad(b, (0, HPAD - b.shape[0])).reshape(1, HPAD)


def kernel(x, edge_index, W1a, b1a, W2a, b2a, W1b, b1b, W2b, b2b,
           W1c, b1c, W2c, b2c):
    n, din = x.shape
    h_real = W1a.shape[1]
    e = edge_index.shape[1]

    npad = (n // 128 + 1) * 128
    cpt = B * (-(-e // (NW * CHUNK * B)))
    epad = NW * cpt * CHUNK

    src = jnp.concatenate(
        [edge_index[0], jnp.full((epad - e,), n, jnp.int32)]).reshape(
            NW, cpt, CHUNK)
    dst = jnp.concatenate(
        [edge_index[1], jnp.zeros((epad - e,), jnp.int32)]).reshape(
            NW, cpt, CHUNK)

    xp = jnp.pad(x, ((0, npad - n), (0, 0)))
    scatter = _scatter_partials(npad, cpt)

    z = _tc_project(xp, _pad_w(W1a), npad)
    p = scatter(z, src, dst)
    z = _tc_combine(p, _pad_b(b1a), _pad_w2(W2a), _pad_b(b2a), _pad_w2(W1b),
                    npad, n)
    p = scatter(z, src, dst)
    z = _tc_combine(p, _pad_b(b1b), _pad_w2(W2b), _pad_b(b2b), _pad_w2(W1c),
                    npad, n)
    p = scatter(z, src, dst)
    out = _tc_final(p, _pad_b(b1c), _pad_w2(W2c), _pad_b(b2c), npad, h_real)
    return out[:n, :h_real]

# --- scband reference (transcript-rebuilt; emitter-appended) ---
"""Pipeline reference for scband-gin-22668837388504 (READ-ONLY COPY).

The authoritative reference and input builder live on the scoring server;
editing this copy changes nothing except your own understanding.
"""

import jax, jax.numpy as jnp
import numpy as np

N, E, DIN, H = 10000, 320000, 128, 30


def setup_inputs(seed: int = 0) -> dict:
    key = jax.random.key(seed)
    ks = jax.random.split(key, 16)
    x = jax.random.normal(ks[0], (N, DIN), dtype=jnp.float32)
    edge_index = jax.random.randint(ks[1], (2, E), 0, N, dtype=jnp.int32)

    def lin(k, fan_in, fan_out):
        kw, kb = jax.random.split(k)
        bound = 1.0 / np.sqrt(fan_in)
        W = jax.random.uniform(kw, (fan_in, fan_out), minval=-bound, maxval=bound, dtype=jnp.float32)
        b = jax.random.uniform(kb, (fan_out,), minval=-bound, maxval=bound, dtype=jnp.float32)
        return W, b

    W1a, b1a = lin(ks[2], DIN, H)
    W2a, b2a = lin(ks[3], H, H)
    W1b, b1b = lin(ks[4], H, H)
    W2b, b2b = lin(ks[5], H, H)
    W1c, b1c = lin(ks[6], H, H)
    W2c, b2c = lin(ks[7], H, H)
    return {
        "x": x, "edge_index": edge_index,
        "W1a": W1a, "b1a": b1a, "W2a": W2a, "b2a": b2a,
        "W1b": W1b, "b1b": b1b, "W2b": W2b, "b2b": b2b,
        "W1c": W1c, "b1c": b1c, "W2c": W2c, "b2c": b2c,
    }


def _gin_conv(x, src, dst, W1, b1, W2, b2, eps=0.0):
    # GINConv: mlp((1 + eps) * x + sum_{j in N(i)} x_j)
    agg = jnp.zeros((x.shape[0], x.shape[1]), dtype=x.dtype).at[dst].add(x[src])
    h = (1.0 + eps) * x + agg
    h = jnp.maximum(h @ W1 + b1, 0.0)
    h = h @ W2 + b2
    return h


def reference(x, edge_index, W1a, b1a, W2a, b2a, W1b, b1b, W2b, b2b, W1c, b1c, W2c, b2c):
    src = edge_index[0]
    dst = edge_index[1]
    # eval mode: dropout(p=0.5, training=False) is identity
    h = jnp.maximum(_gin_conv(x, src, dst, W1a, b1a, W2a, b2a), 0.0)
    h = jnp.maximum(_gin_conv(h, src, dst, W1b, b1b, W2b, b2b), 0.0)
    h = jnp.maximum(_gin_conv(h, src, dst, W1c, b1c, W2c, b2c), 0.0)
    # log_softmax over dim=1
    out = h - jax.scipy.special.logsumexp(h, axis=1, keepdims=True)
    return out

if __name__ == "__main__":
    import jax
    _d = setup_inputs()
    print(jax.jit(kernel)(*tuple(_d.values())))

</pallas_src>

<mosaic_0001>
#map = affine_map<(d0, d1) -> (0, 0)>
#map1 = affine_map<(d0, d1) -> (0, 0, 0)>
module attributes {stable_mosaic.version = 14 : i64} {
  func.func @kern(%arg0: i32, %arg1: i32, %arg2: memref<20224x32xf32, #tpu.memory_space<hbm>>, %arg3: memref<32x40x256xi32, #tpu.memory_space<hbm>>, %arg4: memref<32x40x256xi32, #tpu.memory_space<hbm>>, %arg5: memref<2x10112x32xf32, #tpu.memory_space<hbm>>, %arg6: memref<10112x32xf32, #tpu.memory_space<vmem_shared>>, %arg7: memref<10112x32xf32, #tpu.memory_space<vmem_shared>>, %arg8: memref<40x256xi32, #tpu.memory_space<vmem>>, %arg9: memref<40x256xi32, #tpu.memory_space<vmem>>, %arg10: memref<8x256x32xf32, #tpu.memory_space<vmem>>, %arg11: memref<!tpu.dma_semaphore, #tpu.memory_space<semaphore_mem>>, %arg12: memref<!tpu.dma_semaphore, #tpu.memory_space<semaphore_mem>>, %arg13: memref<!tpu.dma_semaphore, #tpu.memory_space<semaphore_mem>>, %arg14: memref<!tpu.dma_semaphore, #tpu.memory_space<semaphore_mem>>, %arg15: memref<!tpu.dma_semaphore, #tpu.memory_space<semaphore_mem>>, %arg16: memref<!tpu.dma_semaphore, #tpu.memory_space<semaphore_mem>>, %arg17: memref<!tpu.dma_semaphore, #tpu.memory_space<semaphore_mem>>, %arg18: memref<!tpu.dma_semaphore, #tpu.memory_space<semaphore_mem>>, %arg19: memref<!tpu.dma_semaphore, #tpu.memory_space<semaphore_mem>>, %arg20: memref<!tpu.dma_semaphore, #tpu.memory_space<semaphore_mem>>, %arg21: memref<!tpu.dma_semaphore, #tpu.memory_space<semaphore_mem>>, %arg22: memref<!tpu.dma_semaphore, #tpu.memory_space<semaphore_mem>>, %arg23: memref<!tpu.dma_semaphore, #tpu.memory_space<semaphore_mem>>, %arg24: memref<!tpu.dma_semaphore, #tpu.memory_space<semaphore_mem>>, %arg25: memref<!tpu.dma_semaphore, #tpu.memory_space<semaphore_mem>>, %arg26: memref<!tpu.dma_semaphore, #tpu.memory_space<semaphore_mem>>) attributes {dimension_semantics = [#tpu.dimension_semantics<core_parallel>, #tpu.dimension_semantics<subcore_parallel>], iteration_bounds = array<i64: 2, 16>, scalar_prefetch = 0 : i64, scratch_operands = 21 : i64, tpu.core_type = #tpu.core_type<sc_vector_subcore>, window_params = [{transform_indices = #map}, {transform_indices = #map1}, {transform_indices = #map1}, {transform_indices = #map1}]} {
    %mul3A = arith.constant 2 : i32
    %mul3A_0 = arith.muli %arg1, %mul3A : i32
    %add3A = arith.addi %mul3A_0, %arg0 : i32
    %mul3A_1 = arith.constant 632 : i32
    %mul3A_2 = arith.muli %arg1, %mul3A_1 : i32
    %mul3A_3 = arith.constant 10112 : i32
    %mul3A_4 = arith.muli %arg0, %mul3A_3 : i32
    %add3A_5 = arith.addi %mul3A_4, %mul3A_2 : i32
    "tpu.region"() ({
      %run_scoped3A = tpu.sem_alloc : memref<!tpu.dma_semaphore, #tpu.memory_space<semaphore_mem>>
      %dma_start3A_394 = arith.constant 0 : i32
      %dma_start3A_395 = tpu.memref_slice %arg6[%mul3A_2, %dma_start3A_394] : memref<10112x32xf32, #tpu.memory_space<vmem_shared>> -> memref<632x32xf32, #tpu.memory_space<vmem_shared>>
      %dma_start3A_396 = arith.constant 0 : i32
      %dma_start3A_397 = tpu.memref_slice %arg2[%add3A_5, %dma_start3A_396] : memref<20224x32xf32, #tpu.memory_space<hbm>> -> memref<632x32xf32, #tpu.memory_space<hbm>>
      tpu.enqueue_dma source(%dma_start3A_397 : memref<632x32xf32, #tpu.memory_space<hbm>>) target(%dma_start3A_395 : memref<632x32xf32, #tpu.memory_space<vmem_shared>>) target_semaphore(%run_scoped3A : memref<!tpu.dma_semaphore, #tpu.memory_space<semaphore_mem>>)
      %dma_wait3A_398 = arith.constant 0 : i32
      %dma_wait3A_399 = tpu.memref_slice %arg6[%mul3A_2, %dma_wait3A_398] : memref<10112x32xf32, #tpu.memory_space<vmem_shared>> -> memref<632x32xf32, #tpu.memory_space<vmem_shared>>
      %dma_wait3A_400 = arith.constant 0 : i32
      %dma_wait3A_401 = tpu.memref_slice %arg2[%add3A_5, %dma_wait3A_400] : memref<20224x32xf32, #tpu.memory_space<hbm>> -> memref<632x32xf32, #tpu.memory_space<hbm>>
      tpu.wait_dma2 semaphore(%run_scoped3A : memref<!tpu.dma_semaphore, #tpu.memory_space<semaphore_mem>>) src(%dma_wait3A_401 : memref<632x32xf32, #tpu.memory_space<hbm>>) dst(%dma_wait3A_399 : memref<632x32xf32, #tpu.memory_space<vmem_shared>>)
      tpu.yield
    }) : () -> ()
    "tpu.region"() ({
      %run_scoped3A = tpu.sem_alloc : memref<!tpu.dma_semaphore, #tpu.memory_space<semaphore_mem>>
      %dma_start3A_394 = arith.constant 0 : i32
      %dma_start3A_395 = tpu.memref_slice %arg7[%mul3A_2, %dma_start3A_394] : memref<10112x32xf32, #tpu.memory_space<vmem_shared>> -> memref<632x32xf32, #tpu.memory_space<vmem_shared>>
      %dma_start3A_396 = arith.constant 0 : i32
      %dma_start3A_397 = tpu.memref_slice %arg2[%mul3A_2, %dma_start3A_396] : memref<20224x32xf32, #tpu.memory_space<hbm>> -> memref<632x32xf32, #tpu.memory_space<hbm>>
      tpu.enqueue_dma source(%dma_start3A_397 : memref<632x32xf32, #tpu.memory_space<hbm>>) target(%dma_start3A_395 : memref<632x32xf32, #tpu.memory_space<vmem_shared>>) target_semaphore(%run_scoped3A : memref<!tpu.dma_semaphore, #tpu.memory_space<semaphore_mem>>)
      %dma_wait3A_398 = arith.constant 0 : i32
      %dma_wait3A_399 = tpu.memref_slice %arg7[%mul3A_2, %dma_wait3A_398] : memref<10112x32xf32, #tpu.memory_space<vmem_shared>> -> memref<632x32xf32, #tpu.memory_space<vmem_shared>>
      %dma_wait3A_400 = arith.constant 0 : i32
      %dma_wait3A_401 = tpu.memref_slice %arg2[%mul3A_2, %dma_wait3A_400] : memref<20224x32xf32, #tpu.memory_space<hbm>> -> memref<632x32xf32, #tpu.memory_space<hbm>>
      tpu.wait_dma2 semaphore(%run_scoped3A : memref<!tpu.dma_semaphore, #tpu.memory_space<semaphore_mem>>) src(%dma_wait3A_401 : memref<632x32xf32, #tpu.memory_space<hbm>>) dst(%dma_wait3A_399 : memref<632x32xf32, #tpu.memory_space<vmem_shared>>)
      tpu.yield
    }) : () -> ()
    "tpu.region"() ({
      %run_scoped3A = tpu.sem_alloc : memref<!tpu.dma_semaphore, #tpu.memory_space<semaphore_mem>>
      %dma_start3A_394 = arith.constant 0 : i32
      %dma_start3A_395 = arith.constant 0 : i32
      %dma_start3A_396 = tpu.memref_slice %arg3[%add3A, %dma_start3A_394, %dma_start3A_395] : memref<32x40x256xi32, #tpu.memory_space<hbm>> -> memref<1x40x256xi32, #tpu.memory_space<hbm>>
      %dma_start3A_397 = tpu.memref_squeeze %dma_start3A_396 : memref<1x40x256xi32, #tpu.memory_space<hbm>> -> memref<40x256xi32, #tpu.memory_space<hbm>>
      %dma_start3A_398 = arith.constant 0 : i32
      %dma_start3A_399 = arith.constant 0 : i32
      %dma_start3A_400 = tpu.memref_slice %arg3[%add3A, %dma_start3A_398, %dma_start3A_399] : memref<32x40x256xi32, #tpu.memory_space<hbm>> -> memref<1x40x256xi32, #tpu.memory_space<hbm>>
      %dma_start3A_401 = tpu.memref_squeeze %dma_start3A_400 : memref<1x40x256xi32, #tpu.memory_space<hbm>> -> memref<40x256xi32, #tpu.memory_space<hbm>>
      tpu.enqueue_dma source(%dma_start3A_401 : memref<40x256xi32, #tpu.memory_space<hbm>>) target(%arg8 : memref<40x256xi32, #tpu.memory_space<vmem>>) target_semaphore(%run_scoped3A : memref<!tpu.dma_semaphore, #tpu.memory_space<semaphore_mem>>)
      %dma_wait3A_402 = arith.constant 0 : i32
      %dma_wait3A_403 = arith.constant 0 : i32
      %dma_wait3A_404 = tpu.memref_slice %arg3[%add3A, %dma_wait3A_402, %dma_wait3A_403] : memref<32x40x256xi32, #tpu.memory_space<hbm>> -> memref<1x40x256xi32, #tpu.memory_space<hbm>>
      %dma_wait3A_405 = tpu.memref_squeeze %dma_wait3A_404 : memref<1x40x256xi32, #tpu.memory_space<hbm>> -> memref<40x256xi32, #tpu.memory_space<hbm>>
      %dma_wait3A_406 = arith.constant 0 : i32
      %dma_wait3A_407 = arith.constant 0 : i32
      %dma_wait3A_408 = tpu.memref_slice %arg3[%add3A, %dma_wait3A_406, %dma_wait3A_407] : memref<32x40x256xi32, #tpu.memory_space<hbm>> -> memref<1x40x256xi32, #tpu.memory_space<hbm>>
      %dma_wait3A_409 = tpu.memref_squeeze %dma_wait3A_408 : memref<1x40x256xi32, #tpu.memory_space<hbm>> -> memref<40x256xi32, #tpu.memory_space<hbm>>
      tpu.wait_dma2 semaphore(%run_scoped3A : memref<!tpu.dma_semaphore, #tpu.memory_space<semaphore_mem>>) src(%dma_wait3A_409 : memref<40x256xi32, #tpu.memory_space<hbm>>) dst(%arg8 : memref<40x256xi32, #tpu.memory_space<vmem>>)
      tpu.yield
    }) : () -> ()
    "tpu.region"() ({
      %run_scoped3A = tpu.sem_alloc : memref<!tpu.dma_semaphore, #tpu.memory_space<semaphore_mem>>
      %dma_start3A_394 = arith.constant 0 : i32
      %dma_start3A_395 = arith.constant 0 : i32
      %dma_start3A_396 = tpu.memref_slice %arg4[%add3A, %dma_start3A_394, %dma_start3A_395] : memref<32x40x256xi32, #tpu.memory_space<hbm>> -> memref<1x40x256xi32, #tpu.memory_space<hbm>>
      %dma_start3A_397 = tpu.memref_squeeze %dma_start3A_396 : memref<1x40x256xi32, #tpu.memory_space<hbm>> -> memref<40x256xi32, #tpu.memory_space<hbm>>
      %dma_start3A_398 = arith.constant 0 : i32
      %dma_start3A_399 = arith.constant 0 : i32
      %dma_start3A_400 = tpu.memref_slice %arg4[%add3A, %dma_start3A_398, %dma_start3A_399] : memref<32x40x256xi32, #tpu.memory_space<hbm>> -> memref<1x40x256xi32, #tpu.memory_space<hbm>>
      %dma_start3A_401 = tpu.memref_squeeze %dma_start3A_400 : memref<1x40x256xi32, #tpu.memory_space<hbm>> -> memref<40x256xi32, #tpu.memory_space<hbm>>
      tpu.enqueue_dma source(%dma_start3A_401 : memref<40x256xi32, #tpu.memory_space<hbm>>) target(%arg9 : memref<40x256xi32, #tpu.memory_space<vmem>>) target_semaphore(%run_scoped3A : memref<!tpu.dma_semaphore, #tpu.memory_space<semaphore_mem>>)
      %dma_wait3A_402 = arith.constant 0 : i32
      %dma_wait3A_403 = arith.constant 0 : i32
      %dma_wait3A_404 = tpu.memref_slice %arg4[%add3A, %dma_wait3A_402, %dma_wait3A_403] : memref<32x40x256xi32, #tpu.memory_space<hbm>> -> memref<1x40x256xi32, #tpu.memory_space<hbm>>
      %dma_wait3A_405 = tpu.memref_squeeze %dma_wait3A_404 : memref<1x40x256xi32, #tpu.memory_space<hbm>> -> memref<40x256xi32, #tpu.memory_space<hbm>>
      %dma_wait3A_406 = arith.constant 0 : i32
      %dma_wait3A_407 = arith.constant 0 : i32
      %dma_wait3A_408 = tpu.memref_slice %arg4[%add3A, %dma_wait3A_406, %dma_wait3A_407] : memref<32x40x256xi32, #tpu.memory_space<hbm>> -> memref<1x40x256xi32, #tpu.memory_space<hbm>>
      %dma_wait3A_409 = tpu.memref_squeeze %dma_wait3A_408 : memref<1x40x256xi32, #tpu.memory_space<hbm>> -> memref<40x256xi32, #tpu.memory_space<hbm>>
      tpu.wait_dma2 semaphore(%run_scoped3A : memref<!tpu.dma_semaphore, #tpu.memory_space<semaphore_mem>>) src(%dma_wait3A_409 : memref<40x256xi32, #tpu.memory_space<hbm>>) dst(%arg9 : memref<40x256xi32, #tpu.memory_space<vmem>>)
      tpu.yield
    }) : () -> ()
    %barrier3A = arith.constant 0 : index
    tpu.barrier barrier_id(%barrier3A)
    %dma_start3A = arith.constant 0 : i32
    %dma_start3A_6 = arith.constant 0 : i32
    %dma_start3A_7 = arith.constant 0 : i32
    %dma_start3A_8 = arith.constant 0 : i32
    %dma_start3A_9 = tpu.memref_slice %arg10[%dma_start3A_6, %dma_start3A_7, %dma_start3A_8] : memref<8x256x32xf32, #tpu.memory_space<vmem>> -> memref<1x256x32xf32, #tpu.memory_space<vmem>>
    %dma_start3A_10 = tpu.memref_squeeze %dma_start3A_9 : memref<1x256x32xf32, #tpu.memory_space<vmem>> -> memref<256x32xf32, #tpu.memory_space<vmem>>
    %dma_start3A_11 = arith.constant 0 : i32
    %dma_start3A_12 = tpu.memref_slice %arg8[%dma_start3A, %dma_start3A_11] : memref<40x256xi32, #tpu.memory_space<vmem>> -> memref<1x256xi32, #tpu.memory_space<vmem>>
    %dma_start3A_13 = tpu.memref_squeeze %dma_start3A_12 : memref<1x256xi32, #tpu.memory_space<vmem>> -> memref<256xi32, #tpu.memory_space<vmem>>
    %dma_start3A_14 = arith.constant 0 : i32
    %dma_start3A_15 = arith.constant 0 : i32
    %dma_start3A_16 = tpu.memref_slice %arg7[%dma_start3A_14, %dma_start3A_15] : memref<10112x32xf32, #tpu.memory_space<vmem_shared>> -> memref<10112x32xf32, #tpu.memory_space<vmem_shared>>
    tpu.enqueue_indirect_dma source(%dma_start3A_16 : memref<10112x32xf32, #tpu.memory_space<vmem_shared>>) target(%dma_start3A_10 : memref<256x32xf32, #tpu.memory_space<vmem>>) offsets(%dma_start3A_13 : memref<256xi32, #tpu.memory_space<vmem>>) semaphore(%arg11 : memref<!tpu.dma_semaphore, #tpu.memory_space<semaphore_mem>>)
    %dma_start3A_17 = arith.constant 1 : i32
    %dma_start3A_18 = arith.constant 1 : i32
    %dma_start3A_19 = arith.constant 0 : i32
    %dma_start3A_20 = arith.constant 0 : i32
    %dma_start3A_21 = tpu.memref_slice %arg10[%dma_start3A_18, %dma_start3A_19, %dma_start3A_20] : memref<8x256x32xf32, #tpu.memory_space<vmem>> -> memref<1x256x32xf32, #tpu.memory_space<vmem>>
    %dma_start3A_22 = tpu.memref_squeeze %dma_start3A_21 : memref<1x256x32xf32, #tpu.memory_space<vmem>> -> memref<256x32xf32, #tpu.memory_space<vmem>>
    %dma_start3A_23 = arith.constant 0 : i32
    %dma_start3A_24 = tpu.memref_slice %arg8[%dma_start3A_17, %dma_start3A_23] : memref<40x256xi32, #tpu.memory_space<vmem>> -> memref<1x256xi32, #tpu.memory_space<vmem>>
    %dma_start3A_25 = tpu.memref_squeeze %dma_start3A_24 : memref<1x256xi32, #tpu.memory_space<vmem>> -> memref<256xi32, #tpu.memory_space<vmem>>
    %dma_start3A_26 = arith.constant 0 : i32
    %dma_start3A_27 = arith.constant 0 : i32
    %dma_start3A_28 = tpu.memref_slice %arg7[%dma_start3A_26, %dma_start3A_27] : memref<10112x32xf32, #tpu.memory_space<vmem_shared>> -> memref<10112x32xf32, #tpu.memory_space<vmem_shared>>
    tpu.enqueue_indirect_dma source(%dma_start3A_28 : memref<10112x32xf32, #tpu.memory_space<vmem_shared>>) target(%dma_start3A_22 : memref<256x32xf32, #tpu.memory_space<vmem>>) offsets(%dma_start3A_25 : memref<256xi32, #tpu.memory_space<vmem>>) semaphore(%arg12 : memref<!tpu.dma_semaphore, #tpu.memory_space<semaphore_mem>>)
    %dma_start3A_29 = arith.constant 2 : i32
    %dma_start3A_30 = arith.constant 2 : i32
    %dma_start3A_31 = arith.constant 0 : i32
    %dma_start3A_32 = arith.constant 0 : i32
    %dma_start3A_33 = tpu.memref_slice %arg10[%dma_start3A_30, %dma_start3A_31, %dma_start3A_32] : memref<8x256x32xf32, #tpu.memory_space<vmem>> -> memref<1x256x32xf32, #tpu.memory_space<vmem>>
    %dma_start3A_34 = tpu.memref_squeeze %dma_start3A_33 : memref<1x256x32xf32, #tpu.memory_space<vmem>> -> memref<256x32xf32, #tpu.memory_space<vmem>>
    %dma_start3A_35 = arith.constant 0 : i32
    %dma_start3A_36 = tpu.memref_slice %arg8[%dma_start3A_29, %dma_start3A_35] : memref<40x256xi32, #tpu.memory_space<vmem>> -> memref<1x256xi32, #tpu.memory_space<vmem>>
    %dma_start3A_37 = tpu.memref_squeeze %dma_start3A_36 : memref<1x256xi32, #tpu.memory_space<vmem>> -> memref<256xi32, #tpu.memory_space<vmem>>
    %dma_start3A_38 = arith.constant 0 : i32
    %dma_start3A_39 = arith.constant 0 : i32
    %dma_start3A_40 = tpu.memref_slice %arg7[%dma_start3A_38, %dma_start3A_39] : memref<10112x32xf32, #tpu.memory_space<vmem_shared>> -> memref<10112x32xf32, #tpu.memory_space<vmem_shared>>
    tpu.enqueue_indirect_dma source(%dma_start3A_40 : memref<10112x32xf32, #tpu.memory_space<vmem_shared>>) target(%dma_start3A_34 : memref<256x32xf32, #tpu.memory_space<vmem>>) offsets(%dma_start3A_37 : memref<256xi32, #tpu.memory_space<vmem>>) semaphore(%arg13 : memref<!tpu.dma_semaphore, #tpu.memory_space<semaphore_mem>>)
    %dma_start3A_41 = arith.constant 3 : i32
    %dma_start3A_42 = arith.constant 3 : i32
    %dma_start3A_43 = arith.constant 0 : i32
    %dma_start3A_44 = arith.constant 0 : i32
    %dma_start3A_45 = tpu.memref_slice %arg10[%dma_start3A_42, %dma_start3A_43, %dma_start3A_44] : memref<8x256x32xf32, #tpu.memory_space<vmem>> -> memref<1x256x32xf32, #tpu.memory_space<vmem>>
    %dma_start3A_46 = tpu.memref_squeeze %dma_start3A_45 : memref<1x256x32xf32, #tpu.memory_space<vmem>> -> memref<256x32xf32, #tpu.memory_space<vmem>>
    %dma_start3A_47 = arith.constant 0 : i32
    %dma_start3A_48 = tpu.memref_slice %arg8[%dma_start3A_41, %dma_start3A_47] : memref<40x256xi32, #tpu.memory_space<vmem>> -> memref<1x256xi32, #tpu.memory_space<vmem>>
    %dma_start3A_49 = tpu.memref_squeeze %dma_start3A_48 : memref<1x256xi32, #tpu.memory_space<vmem>> -> memref<256xi32, #tpu.memory_space<vmem>>
    %dma_start3A_50 = arith.constant 0 : i32
    %dma_start3A_51 = arith.constant 0 : i32
    %dma_start3A_52 = tpu.memref_slice %arg7[%dma_start3A_50, %dma_start3A_51] : memref<10112x32xf32, #tpu.memory_space<vmem_shared>> -> memref<10112x32xf32, #tpu.memory_space<vmem_shared>>
    tpu.enqueue_indirect_dma source(%dma_start3A_52 : memref<10112x32xf32, #tpu.memory_space<vmem_shared>>) target(%dma_start3A_46 : memref<256x32xf32, #tpu.memory_space<vmem>>) offsets(%dma_start3A_49 : memref<256xi32, #tpu.memory_space<vmem>>) semaphore(%arg14 : memref<!tpu.dma_semaphore, #tpu.memory_space<semaphore_mem>>)
    %dma_wait3A = arith.constant 0 : i32
    %dma_wait3A_53 = arith.constant 0 : i32
    %dma_wait3A_54 = arith.constant 0 : i32
    %dma_wait3A_55 = arith.constant 0 : i32
    %dma_wait3A_56 = tpu.memref_slice %arg10[%dma_wait3A_53, %dma_wait3A_54, %dma_wait3A_55] : memref<8x256x32xf32, #tpu.memory_space<vmem>> -> memref<1x256x32xf32, #tpu.memory_space<vmem>>
    %dma_wait3A_57 = tpu.memref_squeeze %dma_wait3A_56 : memref<1x256x32xf32, #tpu.memory_space<vmem>> -> memref<256x32xf32, #tpu.memory_space<vmem>>
    %dma_wait3A_58 = arith.constant 0 : i32
    %dma_wait3A_59 = tpu.memref_slice %arg8[%dma_wait3A, %dma_wait3A_58] : memref<40x256xi32, #tpu.memory_space<vmem>> -> memref<1x256xi32, #tpu.memory_space<vmem>>
    %dma_wait3A_60 = tpu.memref_squeeze %dma_wait3A_59 : memref<1x256xi32, #tpu.memory_space<vmem>> -> memref<256xi32, #tpu.memory_space<vmem>>
    %dma_wait3A_61 = arith.constant 0 : i32
    %dma_wait3A_62 = arith.constant 0 : i32
    %dma_wait3A_63 = tpu.memref_slice %arg7[%dma_wait3A_61, %dma_wait3A_62] : memref<10112x32xf32, #tpu.memory_space<vmem_shared>> -> memref<10112x32xf32, #tpu.memory_space<vmem_shared>>
    tpu.wait_indirect_dma semaphore(%arg11 : memref<!tpu.dma_semaphore, #tpu.memory_space<semaphore_mem>>) src(%dma_wait3A_63 : memref<10112x32xf32, #tpu.memory_space<vmem_shared>>) dst(%dma_wait3A_57 : memref<256x32xf32, #tpu.memory_space<vmem>>)
    %dma_start3A_64 = arith.constant 0 : i32
    %dma_start3A_65 = arith.constant 0 : i32
    %dma_start3A_66 = arith.constant 0 : i32
    %dma_start3A_67 = arith.constant 0 : i32
    %dma_start3A_68 = tpu.memref_slice %arg10[%dma_start3A_64, %dma_start3A_66, %dma_start3A_67] : memref<8x256x32xf32, #tpu.memory_space<vmem>> -> memref<1x256x32xf32, #tpu.memory_space<vmem>>
    %dma_start3A_69 = tpu.memref_squeeze %dma_start3A_68 : memref<1x256x32xf32, #tpu.memory_space<vmem>> -> memref<256x32xf32, #tpu.memory_space<vmem>>
    %dma_start3A_70 = arith.constant 0 : i32
    %dma_start3A_71 = tpu.memref_slice %arg9[%dma_start3A_65, %dma_start3A_70] : memref<40x256xi32, #tpu.memory_space<vmem>> -> memref<1x256xi32, #tpu.memory_space<vmem>>
    %dma_start3A_72 = tpu.memref_squeeze %dma_start3A_71 : memref<1x256xi32, #tpu.memory_space<vmem>> -> memref<256xi32, #tpu.memory_space<vmem>>
    %dma_start3A_73 = arith.constant 0 : i32
    %dma_start3A_74 = arith.constant 0 : i32
    %dma_start3A_75 = tpu.memref_slice %arg6[%dma_start3A_73, %dma_start3A_74] : memref<10112x32xf32, #tpu.memory_space<vmem_shared>> -> memref<10112x32xf32, #tpu.memory_space<vmem_shared>>
    tpu.enqueue_indirect_dma source(%dma_start3A_69 : memref<256x32xf32, #tpu.memory_space<vmem>>) target(%dma_start3A_75 : memref<10112x32xf32, #tpu.memory_space<vmem_shared>>) offsets(%dma_start3A_72 : memref<256xi32, #tpu.memory_space<vmem>>) semaphore(%arg19 : memref<!tpu.dma_semaphore, #tpu.memory_space<semaphore_mem>>) {add = true}
    %dma_start3A_76 = arith.constant 4 : i32
    %dma_start3A_77 = arith.constant 4 : i32
    %dma_start3A_78 = arith.constant 0 : i32
    %dma_start3A_79 = arith.constant 0 : i32
    %dma_start3A_80 = tpu.memref_slice %arg10[%dma_start3A_77, %dma_start3A_78, %dma_start3A_79] : memref<8x256x32xf32, #tpu.memory_space<vmem>> -> memref<1x256x32xf32, #tpu.memory_space<vmem>>
    %dma_start3A_81 = tpu.memref_squeeze %dma_start3A_80 : memref<1x256x32xf32, #tpu.memory_space<vmem>> -> memref<256x32xf32, #tpu.memory_space<vmem>>
    %dma_start3A_82 = arith.constant 0 : i32
    %dma_start3A_83 = tpu.memref_slice %arg8[%dma_start3A_76, %dma_start3A_82] : memref<40x256xi32, #tpu.memory_space<vmem>> -> memref<1x256xi32, #tpu.memory_space<vmem>>
    %dma_start3A_84 = tpu.memref_squeeze %dma_start3A_83 : memref<1x256xi32, #tpu.memory_space<vmem>> -> memref<256xi32, #tpu.memory_space<vmem>>
    %dma_start3A_85 = arith.constant 0 : i32
    %dma_start3A_86 = arith.constant 0 : i32
    %dma_start3A_87 = tpu.memref_slice %arg7[%dma_start3A_85, %dma_start3A_86] : memref<10112x32xf32, #tpu.memory_space<vmem_shared>> -> memref<10112x32xf32, #tpu.memory_space<vmem_shared>>
    tpu.enqueue_indirect_dma source(%dma_start3A_87 : memref<10112x32xf32, #tpu.memory_space<vmem_shared>>) target(%dma_start3A_81 : memref<256x32xf32, #tpu.memory_space<vmem>>) offsets(%dma_start3A_84 : memref<256xi32, #tpu.memory_space<vmem>>) semaphore(%arg15 : memref<!tpu.dma_semaphore, #tpu.memory_space<semaphore_mem>>)
    %dma_wait3A_88 = arith.constant 1 : i32
    %dma_wait3A_89 = arith.constant 1 : i32
    %dma_wait3A_90 = arith.constant 0 : i32
    %dma_wait3A_91 = arith.constant 0 : i32
    %dma_wait3A_92 = tpu.memref_slice %arg10[%dma_wait3A_89, %dma_wait3A_90, %dma_wait3A_91] : memref<8x256x32xf32, #tpu.memory_space<vmem>> -> memref<1x256x32xf32, #tpu.memory_space<vmem>>
    %dma_wait3A_93 = tpu.memref_squeeze %dma_wait3A_92 : memref<1x256x32xf32, #tpu.memory_space<vmem>> -> memref<256x32xf32, #tpu.memory_space<vmem>>
    %dma_wait3A_94 = arith.constant 0 : i32
    %dma_wait3A_95 = tpu.memref_slice %arg8[%dma_wait3A_88, %dma_wait3A_94] : memref<40x256xi32, #tpu.memory_space<vmem>> -> memref<1x256xi32, #tpu.memory_space<vmem>>
    %dma_wait3A_96 = tpu.memref_squeeze %dma_wait3A_95 : memref<1x256xi32, #tpu.memory_space<vmem>> -> memref<256xi32, #tpu.memory_space<vmem>>
    %dma_wait3A_97 = arith.constant 0 : i32
    %dma_wait3A_98 = arith.constant 0 : i32
    %dma_wait3A_99 = tpu.memref_slice %arg7[%dma_wait3A_97, %dma_wait3A_98] : memref<10112x32xf32, #tpu.memory_space<vmem_shared>> -> memref<10112x32xf32, #tpu.memory_space<vmem_shared>>
    tpu.wait_indirect_dma semaphore(%arg12 : memref<!tpu.dma_semaphore, #tpu.memory_space<semaphore_mem>>) src(%dma_wait3A_99 : memref<10112x32xf32, #tpu.memory_space<vmem_shared>>) dst(%dma_wait3A_93 : memref<256x32xf32, #tpu.memory_space<vmem>>)
    %dma_start3A_100 = arith.constant 1 : i32
    %dma_start3A_101 = arith.constant 1 : i32
    %dma_start3A_102 = arith.constant 0 : i32
    %dma_start3A_103 = arith.constant 0 : i32
    %dma_start3A_104 = tpu.memref_slice %arg10[%dma_start3A_100, %dma_start3A_102, %dma_start3A_103] : memref<8x256x32xf32, #tpu.memory_space<vmem>> -> memref<1x256x32xf32, #tpu.memory_space<vmem>>
    %dma_start3A_105 = tpu.memref_squeeze %dma_start3A_104 : memref<1x256x32xf32, #tpu.memory_space<vmem>> -> memref<256x32xf32, #tpu.memory_space<vmem>>
    %dma_start3A_106 = arith.constant 0 : i32
    %dma_start3A_107 = tpu.memref_slice %arg9[%dma_start3A_101, %dma_start3A_106] : memref<40x256xi32, #tpu.memory_space<vmem>> -> memref<1x256xi32, #tpu.memory_space<vmem>>
    %dma_start3A_108 = tpu.memref_squeeze %dma_start3A_107 : memref<1x256xi32, #tpu.memory_space<vmem>> -> memref<256xi32, #tpu.memory_space<vmem>>
    %dma_start3A_109 = arith.constant 0 : i32
    %dma_start3A_110 = arith.constant 0 : i32
    %dma_start3A_111 = tpu.memref_slice %arg6[%dma_start3A_109, %dma_start3A_110] : memref<10112x32xf32, #tpu.memory_space<vmem_shared>> -> memref<10112x32xf32, #tpu.memory_space<vmem_shared>>
    tpu.enqueue_indirect_dma source(%dma_start3A_105 : memref<256x32xf32, #tpu.memory_space<vmem>>) target(%dma_start3A_111 : memref<10112x32xf32, #tpu.memory_space<vmem_shared>>) offsets(%dma_start3A_108 : memref<256xi32, #tpu.memory_space<vmem>>) semaphore(%arg20 : memref<!tpu.dma_semaphore, #tpu.memory_space<semaphore_mem>>) {add = true}
    %dma_start3A_112 = arith.constant 5 : i32
    %dma_start3A_113 = arith.constant 5 : i32
    %dma_start3A_114 = arith.constant 0 : i32
    %dma_start3A_115 = arith.constant 0 : i32
    %dma_start3A_116 = tpu.memref_slice %arg10[%dma_start3A_113, %dma_start3A_114, %dma_start3A_115] : memref<8x256x32xf32, #tpu.memory_space<vmem>> -> memref<1x256x32xf32, #tpu.memory_space<vmem>>
    %dma_start3A_117 = tpu.memref_squeeze %dma_start3A_116 : memref<1x256x32xf32, #tpu.memory_space<vmem>> -> memref<256x32xf32, #tpu.memory_space<vmem>>
    %dma_start3A_118 = arith.constant 0 : i32
    %dma_start3A_119 = tpu.memref_slice %arg8[%dma_start3A_112, %dma_start3A_118] : memref<40x256xi32, #tpu.memory_space<vmem>> -> memref<1x256xi32, #tpu.memory_space<vmem>>
    %dma_start3A_120 = tpu.memref_squeeze %dma_start3A_119 : memref<1x256xi32, #tpu.memory_space<vmem>> -> memref<256xi32, #tpu.memory_space<vmem>>
    %dma_start3A_121 = arith.constant 0 : i32
    %dma_start3A_122 = arith.constant 0 : i32
    %dma_start3A_123 = tpu.memref_slice %arg7[%dma_start3A_121, %dma_start3A_122] : memref<10112x32xf32, #tpu.memory_space<vmem_shared>> -> memref<10112x32xf32, #tpu.memory_space<vmem_shared>>
    tpu.enqueue_indirect_dma source(%dma_start3A_123 : memref<10112x32xf32, #tpu.memory_space<vmem_shared>>) target(%dma_start3A_117 : memref<256x32xf32, #tpu.memory_space<vmem>>) offsets(%dma_start3A_120 : memref<256xi32, #tpu.memory_space<vmem>>) semaphore(%arg16 : memref<!tpu.dma_semaphore, #tpu.memory_space<semaphore_mem>>)
    %dma_wait3A_124 = arith.constant 2 : i32
    %dma_wait3A_125 = arith.constant 2 : i32
    %dma_wait3A_126 = arith.constant 0 : i32
    %dma_wait3A_127 = arith.constant 0 : i32
    %dma_wait3A_128 = tpu.memref_slice %arg10[%dma_wait3A_125, %dma_wait3A_126, %dma_wait3A_127] : memref<8x256x32xf32, #tpu.memory_space<vmem>> -> memref<1x256x32xf32, #tpu.memory_space<vmem>>
    %dma_wait3A_129 = tpu.memref_squeeze %dma_wait3A_128 : memref<1x256x32xf32, #tpu.memory_space<vmem>> -> memref<256x32xf32, #tpu.memory_space<vmem>>
    %dma_wait3A_130 = arith.constant 0 : i32
    %dma_wait3A_131 = tpu.memref_slice %arg8[%dma_wait3A_124, %dma_wait3A_130] : memref<40x256xi32, #tpu.memory_space<vmem>> -> memref<1x256xi32, #tpu.memory_space<vmem>>
    %dma_wait3A_132 = tpu.memref_squeeze %dma_wait3A_131 : memref<1x256xi32, #tpu.memory_space<vmem>> -> memref<256xi32, #tpu.memory_space<vmem>>
    %dma_wait3A_133 = arith.constant 0 : i32
    %dma_wait3A_134 = arith.constant 0 : i32
    %dma_wait3A_135 = tpu.memref_slice %arg7[%dma_wait3A_133, %dma_wait3A_134] : memref<10112x32xf32, #tpu.memory_space<vmem_shared>> -> memref<10112x32xf32, #tpu.memory_space<vmem_shared>>
    tpu.wait_indirect_dma semaphore(%arg13 : memref<!tpu.dma_semaphore, #tpu.memory_space<semaphore_mem>>) src(%dma_wait3A_135 : memref<10112x32xf32, #tpu.memory_space<vmem_shared>>) dst(%dma_wait3A_129 : memref<256x32xf32, #tpu.memory_space<vmem>>)
    %dma_start3A_136 = arith.constant 2 : i32
    %dma_start3A_137 = arith.constant 2 : i32
    %dma_start3A_138 = arith.constant 0 : i32
    %dma_start3A_139 = arith.constant 0 : i32
    %dma_start3A_140 = tpu.memref_slice %arg10[%dma_start3A_136, %dma_start3A_138, %dma_start3A_139] : memref<8x256x32xf32, #tpu.memory_space<vmem>> -> memref<1x256x32xf32, #tpu.memory_space<vmem>>
    %dma_start3A_141 = tpu.memref_squeeze %dma_start3A_140 : memref<1x256x32xf32, #tpu.memory_space<vmem>> -> memref<256x32xf32, #tpu.memory_space<vmem>>
    %dma_start3A_142 = arith.constant 0 : i32
    %dma_start3A_143 = tpu.memref_slice %arg9[%dma_start3A_137, %dma_start3A_142] : memref<40x256xi32, #tpu.memory_space<vmem>> -> memref<1x256xi32, #tpu.memory_space<vmem>>
    %dma_start3A_144 = tpu.memref_squeeze %dma_start3A_143 : memref<1x256xi32, #tpu.memory_space<vmem>> -> memref<256xi32, #tpu.memory_space<vmem>>
    %dma_start3A_145 = arith.constant 0 : i32
    %dma_start3A_146 = arith.constant 0 : i32
    %dma_start3A_147 = tpu.memref_slice %arg6[%dma_start3A_145, %dma_start3A_146] : memref<10112x32xf32, #tpu.memory_space<vmem_shared>> -> memref<10112x32xf32, #tpu.memory_space<vmem_shared>>
    tpu.enqueue_indirect_dma source(%dma_start3A_141 : memref<256x32xf32, #tpu.memory_space<vmem>>) target(%dma_start3A_147 : memref<10112x32xf32, #tpu.memory_space<vmem_shared>>) offsets(%dma_start3A_144 : memref<256xi32, #tpu.memory_space<vmem>>) semaphore(%arg21 : memref<!tpu.dma_semaphore, #tpu.memory_space<semaphore_mem>>) {add = true}
    %dma_start3A_148 = arith.constant 6 : i32
    %dma_start3A_149 = arith.constant 6 : i32
    %dma_start3A_150 = arith.constant 0 : i32
    %dma_start3A_151 = arith.constant 0 : i32
    %dma_start3A_152 = tpu.memref_slice %arg10[%dma_start3A_149, %dma_start3A_150, %dma_start3A_151] : memref<8x256x32xf32, #tpu.memory_space<vmem>> -> memref<1x256x32xf32, #tpu.memory_space<vmem>>
    %dma_start3A_153 = tpu.memref_squeeze %dma_start3A_152 : memref<1x256x32xf32, #tpu.memory_space<vmem>> -> memref<256x32xf32, #tpu.memory_space<vmem>>
    %dma_start3A_154 = arith.constant 0 : i32
    %dma_start3A_155 = tpu.memref_slice %arg8[%dma_start3A_148, %dma_start3A_154] : memref<40x256xi32, #tpu.memory_space<vmem>> -> memref<1x256xi32, #tpu.memory_space<vmem>>
    %dma_start3A_156 = tpu.memref_squeeze %dma_start3A_155 : memref<1x256xi32, #tpu.memory_space<vmem>> -> memref<256xi32, #tpu.memory_space<vmem>>
    %dma_start3A_157 = arith.constant 0 : i32
    %dma_start3A_158 = arith.constant 0 : i32
    %dma_start3A_159 = tpu.memref_slice %arg7[%dma_start3A_157, %dma_start3A_158] : memref<10112x32xf32, #tpu.memory_space<vmem_shared>> -> memref<10112x32xf32, #tpu.memory_space<vmem_shared>>
    tpu.enqueue_indirect_dma source(%dma_start3A_159 : memref<10112x32xf32, #tpu.memory_space<vmem_shared>>) target(%dma_start3A_153 : memref<256x32xf32, #tpu.memory_space<vmem>>) offsets(%dma_start3A_156 : memref<256xi32, #tpu.memory_space<vmem>>) semaphore(%arg17 : memref<!tpu.dma_semaphore, #tpu.memory_space<semaphore_mem>>)
    %dma_wait3A_160 = arith.constant 3 : i32
    %dma_wait3A_161 = arith.constant 3 : i32
    %dma_wait3A_162 = arith.constant 0 : i32
    %dma_wait3A_163 = arith.constant 0 : i32
    %dma_wait3A_164 = tpu.memref_slice %arg10[%dma_wait3A_161, %dma_wait3A_162, %dma_wait3A_163] : memref<8x256x32xf32, #tpu.memory_space<vmem>> -> memref<1x256x32xf32, #tpu.memory_space<vmem>>
    %dma_wait3A_165 = tpu.memref_squeeze %dma_wait3A_164 : memref<1x256x32xf32, #tpu.memory_space<vmem>> -> memref<256x32xf32, #tpu.memory_space<vmem>>
    %dma_wait3A_166 = arith.constant 0 : i32
    %dma_wait3A_167 = tpu.memref_slice %arg8[%dma_wait3A_160, %dma_wait3A_166] : memref<40x256xi32, #tpu.memory_space<vmem>> -> memref<1x256xi32, #tpu.memory_space<vmem>>
    %dma_wait3A_168 = tpu.memref_squeeze %dma_wait3A_167 : memref<1x256xi32, #tpu.memory_space<vmem>> -> memref<256xi32, #tpu.memory_space<vmem>>
    %dma_wait3A_169 = arith.constant 0 : i32
    %dma_wait3A_170 = arith.constant 0 : i32
    %dma_wait3A_171 = tpu.memref_slice %arg7[%dma_wait3A_169, %dma_wait3A_170] : memref<10112x32xf32, #tpu.memory_space<vmem_shared>> -> memref<10112x32xf32, #tpu.memory_space<vmem_shared>>
    tpu.wait_indirect_dma semaphore(%arg14 : memref<!tpu.dma_semaphore, #tpu.memory_space<semaphore_mem>>) src(%dma_wait3A_171 : memref<10112x32xf32, #tpu.memory_space<vmem_shared>>) dst(%dma_wait3A_165 : memref<256x32xf32, #tpu.memory_space<vmem>>)
    %dma_start3A_172 = arith.constant 3 : i32
    %dma_start3A_173 = arith.constant 3 : i32
    %dma_start3A_174 = arith.constant 0 : i32
    %dma_start3A_175 = arith.constant 0 : i32
    %dma_start3A_176 = tpu.memref_slice %arg10[%dma_start3A_172, %dma_start3A_174, %dma_start3A_175] : memref<8x256x32xf32, #tpu.memory_space<vmem>> -> memref<1x256x32xf32, #tpu.memory_space<vmem>>
    %dma_start3A_177 = tpu.memref_squeeze %dma_start3A_176 : memref<1x256x32xf32, #tpu.memory_space<vmem>> -> memref<256x32xf32, #tpu.memory_space<vmem>>
    %dma_start3A_178 = arith.constant 0 : i32
    %dma_start3A_179 = tpu.memref_slice %arg9[%dma_start3A_173, %dma_start3A_178] : memref<40x256xi32, #tpu.memory_space<vmem>> -> memref<1x256xi32, #tpu.memory_space<vmem>>
    %dma_start3A_180 = tpu.memref_squeeze %dma_start3A_179 : memref<1x256xi32, #tpu.memory_space<vmem>> -> memref<256xi32, #tpu.memory_space<vmem>>
    %dma_start3A_181 = arith.constant 0 : i32
    %dma_start3A_182 = arith.constant 0 : i32
    %dma_start3A_183 = tpu.memref_slice %arg6[%dma_start3A_181, %dma_start3A_182] : memref<10112x32xf32, #tpu.memory_space<vmem_shared>> -> memref<10112x32xf32, #tpu.memory_space<vmem_shared>>
    tpu.enqueue_indirect_dma source(%dma_start3A_177 : memref<256x32xf32, #tpu.memory_space<vmem>>) target(%dma_start3A_183 : memref<10112x32xf32, #tpu.memory_space<vmem_shared>>) offsets(%dma_start3A_180 : memref<256xi32, #tpu.memory_space<vmem>>) semaphore(%arg22 : memref<!tpu.dma_semaphore, #tpu.memory_space<semaphore_mem>>) {add = true}
    %dma_start3A_184 = arith.constant 7 : i32
    %dma_start3A_185 = arith.constant 7 : i32
    %dma_start3A_186 = arith.constant 0 : i32
    %dma_start3A_187 = arith.constant 0 : i32
    %dma_start3A_188 = tpu.memref_slice %arg10[%dma_start3A_185, %dma_start3A_186, %dma_start3A_187] : memref<8x256x32xf32, #tpu.memory_space<vmem>> -> memref<1x256x32xf32, #tpu.memory_space<vmem>>
    %dma_start3A_189 = tpu.memref_squeeze %dma_start3A_188 : memref<1x256x32xf32, #tpu.memory_space<vmem>> -> memref<256x32xf32, #tpu.memory_space<vmem>>
    %dma_start3A_190 = arith.constant 0 : i32
    %dma_start3A_191 = tpu.memref_slice %arg8[%dma_start3A_184, %dma_start3A_190] : memref<40x256xi32, #tpu.memory_space<vmem>> -> memref<1x256xi32, #tpu.memory_space<vmem>>
    %dma_start3A_192 = tpu.memref_squeeze %dma_start3A_191 : memref<1x256xi32, #tpu.memory_space<vmem>> -> memref<256xi32, #tpu.memory_space<vmem>>
    %dma_start3A_193 = arith.constant 0 : i32
    %dma_start3A_194 = arith.constant 0 : i32
    %dma_start3A_195 = tpu.memref_slice %arg7[%dma_start3A_193, %dma_start3A_194] : memref<10112x32xf32, #tpu.memory_space<vmem_shared>> -> memref<10112x32xf32, #tpu.memory_space<vmem_shared>>
    tpu.enqueue_indirect_dma source(%dma_start3A_195 : memref<10112x32xf32, #tpu.memory_space<vmem_shared>>) target(%dma_start3A_189 : memref<256x32xf32, #tpu.memory_space<vmem>>) offsets(%dma_start3A_192 : memref<256xi32, #tpu.memory_space<vmem>>) semaphore(%arg18 : memref<!tpu.dma_semaphore, #tpu.memory_space<semaphore_mem>>)
    %scan3A = arith.constant 0 : i32
    %scan3A_196 = arith.constant 0 : i32
    %scan3A_197 = arith.constant 4 : i32
    %scan3A_198 = arith.addi %scan3A_196, %scan3A_197 : i32
    %scan3A_199 = arith.constant 1 : i32
    scf.for %scan3A_394 = %scan3A_196 to %scan3A_198 step %scan3A_199  : i32 {
      %mul3A_395 = arith.constant 8 : i32
      %mul3A_396 = arith.muli %scan3A_394, %mul3A_395 : i32
      %add3A_397 = arith.constant 4 : i32
      %add3A_398 = arith.addi %add3A_397, %mul3A_396 : i32
      %add3A_399 = arith.constant 0 : i32
      %add3A_400 = arith.addi %add3A_398, %add3A_399 : i32
      %dma_wait3A_401 = arith.constant 4 : i32
      %dma_wait3A_402 = arith.constant 0 : i32
      %dma_wait3A_403 = arith.constant 0 : i32
      %dma_wait3A_404 = tpu.memref_slice %arg10[%dma_wait3A_401, %dma_wait3A_402, %dma_wait3A_403] : memref<8x256x32xf32, #tpu.memory_space<vmem>> -> memref<1x256x32xf32, #tpu.memory_space<vmem>>
      %dma_wait3A_405 = tpu.memref_squeeze %dma_wait3A_404 : memref<1x256x32xf32, #tpu.memory_space<vmem>> -> memref<256x32xf32, #tpu.memory_space<vmem>>
      %dma_wait3A_406 = arith.constant 0 : i32
      %dma_wait3A_407 = tpu.memref_slice %arg8[%add3A_400, %dma_wait3A_406] : memref<40x256xi32, #tpu.memory_space<vmem>> -> memref<1x256xi32, #tpu.memory_space<vmem>>
      %dma_wait3A_408 = tpu.memref_squeeze %dma_wait3A_407 : memref<1x256xi32, #tpu.memory_space<vmem>> -> memref<256xi32, #tpu.memory_space<vmem>>
      %dma_wait3A_409 = arith.constant 0 : i32
      %dma_wait3A_410 = arith.constant 0 : i32
      %dma_wait3A_411 = tpu.memref_slice %arg7[%dma_wait3A_409, %dma_wait3A_410] : memref<10112x32xf32, #tpu.memory_space<vmem_shared>> -> memref<10112x32xf32, #tpu.memory_space<vmem_shared>>
      tpu.wait_indirect_dma semaphore(%arg15 : memref<!tpu.dma_semaphore, #tpu.memory_space<semaphore_mem>>) src(%dma_wait3A_411 : memref<10112x32xf32, #tpu.memory_space<vmem_shared>>) dst(%dma_wait3A_405 : memref<256x32xf32, #tpu.memory_space<vmem>>)
      %dma_start3A_412 = arith.constant 4 : i32
      %dma_start3A_413 = arith.constant 0 : i32
      %dma_start3A_414 = arith.constant 0 : i32
      %dma_start3A_415 = tpu.memref_slice %arg10[%dma_start3A_412, %dma_start3A_413, %dma_start3A_414] : memref<8x256x32xf32, #tpu.memory_space<vmem>> -> memref<1x256x32xf32, #tpu.memory_space<vmem>>
      %dma_start3A_416 = tpu.memref_squeeze %dma_start3A_415 : memref<1x256x32xf32, #tpu.memory_space<vmem>> -> memref<256x32xf32, #tpu.memory_space<vmem>>
      %dma_start3A_417 = arith.constant 0 : i32
      %dma_start3A_418 = tpu.memref_slice %arg9[%add3A_400, %dma_start3A_417] : memref<40x256xi32, #tpu.memory_space<vmem>> -> memref<1x256xi32, #tpu.memory_space<vmem>>
      %dma_start3A_419 = tpu.memref_squeeze %dma_start3A_418 : memref<1x256xi32, #tpu.memory_space<vmem>> -> memref<256xi32, #tpu.memory_space<vmem>>
      %dma_start3A_420 = arith.constant 0 : i32
      %dma_start3A_421 = arith.constant 0 : i32
      %dma_start3A_422 = tpu.memref_slice %arg6[%dma_start3A_420, %dma_start3A_421] : memref<10112x32xf32, #tpu.memory_space<vmem_shared>> -> memref<10112x32xf32, #tpu.memory_space<vmem_shared>>
      tpu.enqueue_indirect_dma source(%dma_start3A_416 : memref<256x32xf32, #tpu.memory_space<vmem>>) target(%dma_start3A_422 : memref<10112x32xf32, #tpu.memory_space<vmem_shared>>) offsets(%dma_start3A_419 : memref<256xi32, #tpu.memory_space<vmem>>) semaphore(%arg23 : memref<!tpu.dma_semaphore, #tpu.memory_space<semaphore_mem>>) {add = true}
      %add3A_423 = arith.constant 4 : i32
      %add3A_424 = arith.addi %add3A_400, %add3A_423 : i32
      %sub3A = arith.constant 8 : i32
      %sub3A_425 = arith.subi %add3A_424, %sub3A : i32
      %dma_wait3A_426 = arith.constant 0 : i32
      %dma_wait3A_427 = arith.constant 0 : i32
      %dma_wait3A_428 = arith.constant 0 : i32
      %dma_wait3A_429 = tpu.memref_slice %arg10[%dma_wait3A_426, %dma_wait3A_427, %dma_wait3A_428] : memref<8x256x32xf32, #tpu.memory_space<vmem>> -> memref<1x256x32xf32, #tpu.memory_space<vmem>>
      %dma_wait3A_430 = tpu.memref_squeeze %dma_wait3A_429 : memref<1x256x32xf32, #tpu.memory_space<vmem>> -> memref<256x32xf32, #tpu.memory_space<vmem>>
      %dma_wait3A_431 = arith.constant 0 : i32
      %dma_wait3A_432 = tpu.memref_slice %arg9[%sub3A_425, %dma_wait3A_431] : memref<40x256xi32, #tpu.memory_space<vmem>> -> memref<1x256xi32, #tpu.memory_space<vmem>>
      %dma_wait3A_433 = tpu.memref_squeeze %dma_wait3A_432 : memref<1x256xi32, #tpu.memory_space<vmem>> -> memref<256xi32, #tpu.memory_space<vmem>>
      %dma_wait3A_434 = arith.constant 0 : i32
      %dma_wait3A_435 = arith.constant 0 : i32
      %dma_wait3A_436 = tpu.memref_slice %arg6[%dma_wait3A_434, %dma_wait3A_435] : memref<10112x32xf32, #tpu.memory_space<vmem_shared>> -> memref<10112x32xf32, #tpu.memory_space<vmem_shared>>
      tpu.wait_indirect_dma semaphore(%arg19 : memref<!tpu.dma_semaphore, #tpu.memory_space<semaphore_mem>>) src(%dma_wait3A_430 : memref<256x32xf32, #tpu.memory_space<vmem>>) dst(%dma_wait3A_436 : memref<10112x32xf32, #tpu.memory_space<vmem_shared>>)
      %dma_start3A_437 = arith.constant 0 : i32
      %dma_start3A_438 = arith.constant 0 : i32
      %dma_start3A_439 = arith.constant 0 : i32
      %dma_start3A_440 = tpu.memref_slice %arg10[%dma_start3A_437, %dma_start3A_438, %dma_start3A_439] : memref<8x256x32xf32, #tpu.memory_space<vmem>> -> memref<1x256x32xf32, #tpu.memory_space<vmem>>
      %dma_start3A_441 = tpu.memref_squeeze %dma_start3A_440 : memref<1x256x32xf32, #tpu.memory_space<vmem>> -> memref<256x32xf32, #tpu.memory_space<vmem>>
      %dma_start3A_442 = arith.constant 0 : i32
      %dma_start3A_443 = tpu.memref_slice %arg8[%add3A_424, %dma_start3A_442] : memref<40x256xi32, #tpu.memory_space<vmem>> -> memref<1x256xi32, #tpu.memory_space<vmem>>
      %dma_start3A_444 = tpu.memref_squeeze %dma_start3A_443 : memref<1x256xi32, #tpu.memory_space<vmem>> -> memref<256xi32, #tpu.memory_space<vmem>>
      %dma_start3A_445 = arith.constant 0 : i32
      %dma_start3A_446 = arith.constant 0 : i32
      %dma_start3A_447 = tpu.memref_slice %arg7[%dma_start3A_445, %dma_start3A_446] : memref<10112x32xf32, #tpu.memory_space<vmem_shared>> -> memref<10112x32xf32, #tpu.memory_space<vmem_shared>>
      tpu.enqueue_indirect_dma source(%dma_start3A_447 : memref<10112x32xf32, #tpu.memory_space<vmem_shared>>) target(%dma_start3A_441 : memref<256x32xf32, #tpu.memory_space<vmem>>) offsets(%dma_start3A_444 : memref<256xi32, #tpu.memory_space<vmem>>) semaphore(%arg11 : memref<!tpu.dma_semaphore, #tpu.memory_space<semaphore_mem>>)
      %mul3A_448 = arith.constant 8 : i32
      %mul3A_449 = arith.muli %scan3A_394, %mul3A_448 : i32
      %add3A_450 = arith.constant 4 : i32
      %add3A_451 = arith.addi %add3A_450, %mul3A_449 : i32
      %add3A_452 = arith.constant 1 : i32
      %add3A_453 = arith.addi %add3A_451, %add3A_452 : i32
      %dma_wait3A_454 = arith.constant 5 : i32
      %dma_wait3A_455 = arith.constant 0 : i32
      %dma_wait3A_456 = arith.constant 0 : i32
      %dma_wait3A_457 = tpu.memref_slice %arg10[%dma_wait3A_454, %dma_wait3A_455, %dma_wait3A_456] : memref<8x256x32xf32, #tpu.memory_space<vmem>> -> memref<1x256x32xf32, #tpu.memory_space<vmem>>
      %dma_wait3A_458 = tpu.memref_squeeze %dma_wait3A_457 : memref<1x256x32xf32, #tpu.memory_space<vmem>> -> memref<256x32xf32, #tpu.memory_space<vmem>>
      %dma_wait3A_459 = arith.constant 0 : i32
      %dma_wait3A_460 = tpu.memref_slice %arg8[%add3A_453, %dma_wait3A_459] : memref<40x256xi32, #tpu.memory_space<vmem>> -> memref<1x256xi32, #tpu.memory_space<vmem>>
      %dma_wait3A_461 = tpu.memref_squeeze %dma_wait3A_460 : memref<1x256xi32, #tpu.memory_space<vmem>> -> memref<256xi32, #tpu.memory_space<vmem>>
      %dma_wait3A_462 = arith.constant 0 : i32
      %dma_wait3A_463 = arith.constant 0 : i32
      %dma_wait3A_464 = tpu.memref_slice %arg7[%dma_wait3A_462, %dma_wait3A_463] : memref<10112x32xf32, #tpu.memory_space<vmem_shared>> -> memref<10112x32xf32, #tpu.memory_space<vmem_shared>>
      tpu.wait_indirect_dma semaphore(%arg16 : memref<!tpu.dma_semaphore, #tpu.memory_space<semaphore_mem>>) src(%dma_wait3A_464 : memref<10112x32xf32, #tpu.memory_space<vmem_shared>>) dst(%dma_wait3A_458 : memref<256x32xf32, #tpu.memory_space<vmem>>)
      %dma_start3A_465 = arith.constant 5 : i32
      %dma_start3A_466 = arith.constant 0 : i32
      %dma_start3A_467 = arith.constant 0 : i32
      %dma_start3A_468 = tpu.memref_slice %arg10[%dma_start3A_465, %dma_start3A_466, %dma_start3A_467] : memref<8x256x32xf32, #tpu.memory_space<vmem>> -> memref<1x256x32xf32, #tpu.memory_space<vmem>>
      %dma_start3A_469 = tpu.memref_squeeze %dma_start3A_468 : memref<1x256x32xf32, #tpu.memory_space<vmem>> -> memref<256x32xf32, #tpu.memory_space<vmem>>
      %dma_start3A_470 = arith.constant 0 : i32
      %dma_start3A_471 = tpu.memref_slice %arg9[%add3A_453, %dma_start3A_470] : memref<40x256xi32, #tpu.memory_space<vmem>> -> memref<1x256xi32, #tpu.memory_space<vmem>>
      %dma_start3A_472 = tpu.memref_squeeze %dma_start3A_471 : memref<1x256xi32, #tpu.memory_space<vmem>> -> memref<256xi32, #tpu.memory_space<vmem>>
      %dma_start3A_473 = arith.constant 0 : i32
      %dma_start3A_474 = arith.constant 0 : i32
      %dma_start3A_475 = tpu.memref_slice %arg6[%dma_start3A_473, %dma_start3A_474] : memref<10112x32xf32, #tpu.memory_space<vmem_shared>> -> memref<10112x32xf32, #tpu.memory_space<vmem_shared>>
      tpu.enqueue_indirect_dma source(%dma_start3A_469 : memref<256x32xf32, #tpu.memory_space<vmem>>) target(%dma_start3A_475 : memref<10112x32xf32, #tpu.memory_space<vmem_shared>>) offsets(%dma_start3A_472 : memref<256xi32, #tpu.memory_space<vmem>>) semaphore(%arg24 : memref<!tpu.dma_semaphore, #tpu.memory_space<semaphore_mem>>) {add = true}
      %add3A_476 = arith.constant 4 : i32
      %add3A_477 = arith.addi %add3A_453, %add3A_476 : i32
      %sub3A_478 = arith.constant 8 : i32
      %sub3A_479 = arith.subi %add3A_477, %sub3A_478 : i32
      %dma_wait3A_480 = arith.constant 1 : i32
      %dma_wait3A_481 = arith.constant 0 : i32
      %dma_wait3A_482 = arith.constant 0 : i32
      %dma_wait3A_483 = tpu.memref_slice %arg10[%dma_wait3A_480, %dma_wait3A_481, %dma_wait3A_482] : memref<8x256x32xf32, #tpu.memory_space<vmem>> -> memref<1x256x32xf32, #tpu.memory_space<vmem>>
      %dma_wait3A_484 = tpu.memref_squeeze %dma_wait3A_483 : memref<1x256x32xf32, #tpu.memory_space<vmem>> -> memref<256x32xf32, #tpu.memory_space<vmem>>
      %dma_wait3A_485 = arith.constant 0 : i32
      %dma_wait3A_486 = tpu.memref_slice %arg9[%sub3A_479, %dma_wait3A_485] : memref<40x256xi32, #tpu.memory_space<vmem>> -> memref<1x256xi32, #tpu.memory_space<vmem>>
      %dma_wait3A_487 = tpu.memref_squeeze %dma_wait3A_486 : memref<1x256xi32, #tpu.memory_space<vmem>> -> memref<256xi32, #tpu.memory_space<vmem>>
      %dma_wait3A_488 = arith.constant 0 : i32
      %dma_wait3A_489 = arith.constant 0 : i32
      %dma_wait3A_490 = tpu.memref_slice %arg6[%dma_wait3A_488, %dma_wait3A_489] : memref<10112x32xf32, #tpu.memory_space<vmem_shared>> -> memref<10112x32xf32, #tpu.memory_space<vmem_shared>>
      tpu.wait_indirect_dma semaphore(%arg20 : memref<!tpu.dma_semaphore, #tpu.memory_space<semaphore_mem>>) src(%dma_wait3A_484 : memref<256x32xf32, #tpu.memory_space<vmem>>) dst(%dma_wait3A_490 : memref<10112x32xf32, #tpu.memory_space<vmem_shared>>)
      %dma_start3A_491 = arith.constant 1 : i32
      %dma_start3A_492 = arith.constant 0 : i32
      %dma_start3A_493 = arith.constant 0 : i32
      %dma_start3A_494 = tpu.memref_slice %arg10[%dma_start3A_491, %dma_start3A_492, %dma_start3A_493] : memref<8x256x32xf32, #tpu.memory_space<vmem>> -> memref<1x256x32xf32, #tpu.memory_space<vmem>>
      %dma_start3A_495 = tpu.memref_squeeze %dma_start3A_494 : memref<1x256x32xf32, #tpu.memory_space<vmem>> -> memref<256x32xf32, #tpu.memory_space<vmem>>
      %dma_start3A_496 = arith.constant 0 : i32
      %dma_start3A_497 = tpu.memref_slice %arg8[%add3A_477, %dma_start3A_496] : memref<40x256xi32, #tpu.memory_space<vmem>> -> memref<1x256xi32, #tpu.memory_space<vmem>>
      %dma_start3A_498 = tpu.memref_squeeze %dma_start3A_497 : memref<1x256xi32, #tpu.memory_space<vmem>> -> memref<256xi32, #tpu.memory_space<vmem>>
      %dma_start3A_499 = arith.constant 0 : i32
      %dma_start3A_500 = arith.constant 0 : i32
      %dma_start3A_501 = tpu.memref_slice %arg7[%dma_start3A_499, %dma_start3A_500] : memref<10112x32xf32, #tpu.memory_space<vmem_shared>> -> memref<10112x32xf32, #tpu.memory_space<vmem_shared>>
      tpu.enqueue_indirect_dma source(%dma_start3A_501 : memref<10112x32xf32, #tpu.memory_space<vmem_shared>>) target(%dma_start3A_495 : memref<256x32xf32, #tpu.memory_space<vmem>>) offsets(%dma_start3A_498 : memref<256xi32, #tpu.memory_space<vmem>>) semaphore(%arg12 : memref<!tpu.dma_semaphore, #tpu.memory_space<semaphore_mem>>)
      %mul3A_502 = arith.constant 8 : i32
      %mul3A_503 = arith.muli %scan3A_394, %mul3A_502 : i32
      %add3A_504 = arith.constant 4 : i32
      %add3A_505 = arith.addi %add3A_504, %mul3A_503 : i32
      %add3A_506 = arith.constant 2 : i32
      %add3A_507 = arith.addi %add3A_505, %add3A_506 : i32
      %dma_wait3A_508 = arith.constant 6 : i32
      %dma_wait3A_509 = arith.constant 0 : i32
      %dma_wait3A_510 = arith.constant 0 : i32
      %dma_wait3A_511 = tpu.memref_slice %arg10[%dma_wait3A_508, %dma_wait3A_509, %dma_wait3A_510] : memref<8x256x32xf32, #tpu.memory_space<vmem>> -> memref<1x256x32xf32, #tpu.memory_space<vmem>>
      %dma_wait3A_512 = tpu.memref_squeeze %dma_wait3A_511 : memref<1x256x32xf32, #tpu.memory_space<vmem>> -> memref<256x32xf32, #tpu.memory_space<vmem>>
      %dma_wait3A_513 = arith.constant 0 : i32
      %dma_wait3A_514 = tpu.memref_slice %arg8[%add3A_507, %dma_wait3A_513] : memref<40x256xi32, #tpu.memory_space<vmem>> -> memref<1x256xi32, #tpu.memory_space<vmem>>
      %dma_wait3A_515 = tpu.memref_squeeze %dma_wait3A_514 : memref<1x256xi32, #tpu.memory_space<vmem>> -> memref<256xi32, #tpu.memory_space<vmem>>
      %dma_wait3A_516 = arith.constant 0 : i32
      %dma_wait3A_517 = arith.constant 0 : i32
      %dma_wait3A_518 = tpu.memref_slice %arg7[%dma_wait3A_516, %dma_wait3A_517] : memref<10112x32xf32, #tpu.memory_space<vmem_shared>> -> memref<10112x32xf32, #tpu.memory_space<vmem_shared>>
      tpu.wait_indirect_dma semaphore(%arg17 : memref<!tpu.dma_semaphore, #tpu.memory_space<semaphore_mem>>) src(%dma_wait3A_518 : memref<10112x32xf32, #tpu.memory_space<vmem_shared>>) dst(%dma_wait3A_512 : memref<256x32xf32, #tpu.memory_space<vmem>>)
      %dma_start3A_519 = arith.constant 6 : i32
      %dma_start3A_520 = arith.constant 0 : i32
      %dma_start3A_521 = arith.constant 0 : i32
      %dma_start3A_522 = tpu.memref_slice %arg10[%dma_start3A_519, %dma_start3A_520, %dma_start3A_521] : memref<8x256x32xf32, #tpu.memory_space<vmem>> -> memref<1x256x32xf32, #tpu.memory_space<vmem>>
      %dma_start3A_523 = tpu.memref_squeeze %dma_start3A_522 : memref<1x256x32xf32, #tpu.memory_space<vmem>> -> memref<256x32xf32, #tpu.memory_space<vmem>>
      %dma_start3A_524 = arith.constant 0 : i32
      %dma_start3A_525 = tpu.memref_slice %arg9[%add3A_507, %dma_start3A_524] : memref<40x256xi32, #tpu.memory_space<vmem>> -> memref<1x256xi32, #tpu.memory_space<vmem>>
      %dma_start3A_526 = tpu.memref_squeeze %dma_start3A_525 : memref<1x256xi32, #tpu.memory_space<vmem>> -> memref<256xi32, #tpu.memory_space<vmem>>
      %dma_start3A_527 = arith.constant 0 : i32
      %dma_start3A_528 = arith.constant 0 : i32
      %dma_start3A_529 = tpu.memref_slice %arg6[%dma_start3A_527, %dma_start3A_528] : memref<10112x32xf32, #tpu.memory_space<vmem_shared>> -> memref<10112x32xf32, #tpu.memory_space<vmem_shared>>
      tpu.enqueue_indirect_dma source(%dma_start3A_523 : memref<256x32xf32, #tpu.memory_space<vmem>>) target(%dma_start3A_529 : memref<10112x32xf32, #tpu.memory_space<vmem_shared>>) offsets(%dma_start3A_526 : memref<256xi32, #tpu.memory_space<vmem>>) semaphore(%arg25 : memref<!tpu.dma_semaphore, #tpu.memory_space<semaphore_mem>>) {add = true}
      %add3A_530 = arith.constant 4 : i32
      %add3A_531 = arith.addi %add3A_507, %add3A_530 : i32
      %sub3A_532 = arith.constant 8 : i32
      %sub3A_533 = arith.subi %add3A_531, %sub3A_532 : i32
      %dma_wait3A_534 = arith.constant 2 : i32
      %dma_wait3A_535 = arith.constant 0 : i32
      %dma_wait3A_536 = arith.constant 0 : i32
      %dma_wait3A_537 = tpu.memref_slice %arg10[%dma_wait3A_534, %dma_wait3A_535, %dma_wait3A_536] : memref<8x256x32xf32, #tpu.memory_space<vmem>> -> memref<1x256x32xf32, #tpu.memory_space<vmem>>
      %dma_wait3A_538 = tpu.memref_squeeze %dma_wait3A_537 : memref<1x256x32xf32, #tpu.memory_space<vmem>> -> memref<256x32xf32, #tpu.memory_space<vmem>>
      %dma_wait3A_539 = arith.constant 0 : i32
      %dma_wait3A_540 = tpu.memref_slice %arg9[%sub3A_533, %dma_wait3A_539] : memref<40x256xi32, #tpu.memory_space<vmem>> -> memref<1x256xi32, #tpu.memory_space<vmem>>
      %dma_wait3A_541 = tpu.memref_squeeze %dma_wait3A_540 : memref<1x256xi32, #tpu.memory_space<vmem>> -> memref<256xi32, #tpu.memory_space<vmem>>
      %dma_wait3A_542 = arith.constant 0 : i32
      %dma_wait3A_543 = arith.constant 0 : i32
      %dma_wait3A_544 = tpu.memref_slice %arg6[%dma_wait3A_542, %dma_wait3A_543] : memref<10112x32xf32, #tpu.memory_space<vmem_shared>> -> memref<10112x32xf32, #tpu.memory_space<vmem_shared>>
      tpu.wait_indirect_dma semaphore(%arg21 : memref<!tpu.dma_semaphore, #tpu.memory_space<semaphore_mem>>) src(%dma_wait3A_538 : memref<256x32xf32, #tpu.memory_space<vmem>>) dst(%dma_wait3A_544 : memref<10112x32xf32, #tpu.memory_space<vmem_shared>>)
      %dma_start3A_545 = arith.constant 2 : i32
      %dma_start3A_546 = arith.constant 0 : i32
      %dma_start3A_547 = arith.constant 0 : i32
      %dma_start3A_548 = tpu.memref_slice %arg10[%dma_start3A_545, %dma_start3A_546, %dma_start3A_547] : memref<8x256x32xf32, #tpu.memory_space<vmem>> -> memref<1x256x32xf32, #tpu.memory_space<vmem>>
      %dma_start3A_549 = tpu.memref_squeeze %dma_start3A_548 : memref<1x256x32xf32, #tpu.memory_space<vmem>> -> memref<256x32xf32, #tpu.memory_space<vmem>>
      %dma_start3A_550 = arith.constant 0 : i32
      %dma_start3A_551 = tpu.memref_slice %arg8[%add3A_531, %dma_start3A_550] : memref<40x256xi32, #tpu.memory_space<vmem>> -> memref<1x256xi32, #tpu.memory_space<vmem>>
      %dma_start3A_552 = tpu.memref_squeeze %dma_start3A_551 : memref<1x256xi32, #tpu.memory_space<vmem>> -> memref<256xi32, #tpu.memory_space<vmem>>
      %dma_start3A_553 = arith.constant 0 : i32
      %dma_start3A_554 = arith.constant 0 : i32
      %dma_start3A_555 = tpu.memref_slice %arg7[%dma_start3A_553, %dma_start3A_554] : memref<10112x32xf32, #tpu.memory_space<vmem_shared>> -> memref<10112x32xf32, #tpu.memory_space<vmem_shared>>
      tpu.enqueue_indirect_dma source(%dma_start3A_555 : memref<10112x32xf32, #tpu.memory_space<vmem_shared>>) target(%dma_start3A_549 : memref<256x32xf32, #tpu.memory_space<vmem>>) offsets(%dma_start3A_552 : memref<256xi32, #tpu.memory_space<vmem>>) semaphore(%arg13 : memref<!tpu.dma_semaphore, #tpu.memory_space<semaphore_mem>>)
      %mul3A_556 = arith.constant 8 : i32
      %mul3A_557 = arith.muli %scan3A_394, %mul3A_556 : i32
      %add3A_558 = arith.constant 4 : i32
      %add3A_559 = arith.addi %add3A_558, %mul3A_557 : i32
      %add3A_560 = arith.constant 3 : i32
      %add3A_561 = arith.addi %add3A_559, %add3A_560 : i32
      %dma_wait3A_562 = arith.constant 7 : i32
      %dma_wait3A_563 = arith.constant 0 : i32
      %dma_wait3A_564 = arith.constant 0 : i32
      %dma_wait3A_565 = tpu.memref_slice %arg10[%dma_wait3A_562, %dma_wait3A_563, %dma_wait3A_564] : memref<8x256x32xf32, #tpu.memory_space<vmem>> -> memref<1x256x32xf32, #tpu.memory_space<vmem>>
      %dma_wait3A_566 = tpu.memref_squeeze %dma_wait3A_565 : memref<1x256x32xf32, #tpu.memory_space<vmem>> -> memref<256x32xf32, #tpu.memory_space<vmem>>
      %dma_wait3A_567 = arith.constant 0 : i32
      %dma_wait3A_568 = tpu.memref_slice %arg8[%add3A_561, %dma_wait3A_567] : memref<40x256xi32, #tpu.memory_space<vmem>> -> memref<1x256xi32, #tpu.memory_space<vmem>>
      %dma_wait3A_569 = tpu.memref_squeeze %dma_wait3A_568 : memref<1x256xi32, #tpu.memory_space<vmem>> -> memref<256xi32, #tpu.memory_space<vmem>>
      %dma_wait3A_570 = arith.constant 0 : i32
      %dma_wait3A_571 = arith.constant 0 : i32
      %dma_wait3A_572 = tpu.memref_slice %arg7[%dma_wait3A_570, %dma_wait3A_571] : memref<10112x32xf32, #tpu.memory_space<vmem_shared>> -> memref<10112x32xf32, #tpu.memory_space<vmem_shared>>
      tpu.wait_indirect_dma semaphore(%arg18 : memref<!tpu.dma_semaphore, #tpu.memory_space<semaphore_mem>>) src(%dma_wait3A_572 : memref<10112x32xf32, #tpu.memory_space<vmem_shared>>) dst(%dma_wait3A_566 : memref<256x32xf32, #tpu.memory_space<vmem>>)
      %dma_start3A_573 = arith.constant 7 : i32
      %dma_start3A_574 = arith.constant 0 : i32
      %dma_start3A_575 = arith.constant 0 : i32
      %dma_start3A_576 = tpu.memref_slice %arg10[%dma_start3A_573, %dma_start3A_574, %dma_start3A_575] : memref<8x256x32xf32, #tpu.memory_space<vmem>> -> memref<1x256x32xf32, #tpu.memory_space<vmem>>
      %dma_start3A_577 = tpu.memref_squeeze %dma_start3A_576 : memref<1x256x32xf32, #tpu.memory_space<vmem>> -> memref<256x32xf32, #tpu.memory_space<vmem>>
      %dma_start3A_578 = arith.constant 0 : i32
      %dma_start3A_579 = tpu.memref_slice %arg9[%add3A_561, %dma_start3A_578] : memref<40x256xi32, #tpu.memory_space<vmem>> -> memref<1x256xi32, #tpu.memory_space<vmem>>
      %dma_start3A_580 = tpu.memref_squeeze %dma_start3A_579 : memref<1x256xi32, #tpu.memory_space<vmem>> -> memref<256xi32, #tpu.memory_space<vmem>>
      %dma_start3A_581 = arith.constant 0 : i32
      %dma_start3A_582 = arith.constant 0 : i32
      %dma_start3A_583 = tpu.memref_slice %arg6[%dma_start3A_581, %dma_start3A_582] : memref<10112x32xf32, #tpu.memory_space<vmem_shared>> -> memref<10112x32xf32, #tpu.memory_space<vmem_shared>>
      tpu.enqueue_indirect_dma source(%dma_start3A_577 : memref<256x32xf32, #tpu.memory_space<vmem>>) target(%dma_start3A_583 : memref<10112x32xf32, #tpu.memory_space<vmem_shared>>) offsets(%dma_start3A_580 : memref<256xi32, #tpu.memory_space<vmem>>) semaphore(%arg26 : memref<!tpu.dma_semaphore, #tpu.memory_space<semaphore_mem>>) {add = true}
      %add3A_584 = arith.constant 4 : i32
      %add3A_585 = arith.addi %add3A_561, %add3A_584 : i32
      %sub3A_586 = arith.constant 8 : i32
      %sub3A_587 = arith.subi %add3A_585, %sub3A_586 : i32
      %dma_wait3A_588 = arith.constant 3 : i32
      %dma_wait3A_589 = arith.constant 0 : i32
      %dma_wait3A_590 = arith.constant 0 : i32
      %dma_wait3A_591 = tpu.memref_slice %arg10[%dma_wait3A_588, %dma_wait3A_589, %dma_wait3A_590] : memref<8x256x32xf32, #tpu.memory_space<vmem>> -> memref<1x256x32xf32, #tpu.memory_space<vmem>>
      %dma_wait3A_592 = tpu.memref_squeeze %dma_wait3A_591 : memref<1x256x32xf32, #tpu.memory_space<vmem>> -> memref<256x32xf32, #tpu.memory_space<vmem>>
      %dma_wait3A_593 = arith.constant 0 : i32
      %dma_wait3A_594 = tpu.memref_slice %arg9[%sub3A_587, %dma_wait3A_593] : memref<40x256xi32, #tpu.memory_space<vmem>> -> memref<1x256xi32, #tpu.memory_space<vmem>>
      %dma_wait3A_595 = tpu.memref_squeeze %dma_wait3A_594 : memref<1x256xi32, #tpu.memory_space<vmem>> -> memref<256xi32, #tpu.memory_space<vmem>>
      %dma_wait3A_596 = arith.constant 0 : i32
      %dma_wait3A_597 = arith.constant 0 : i32
      %dma_wait3A_598 = tpu.memref_slice %arg6[%dma_wait3A_596, %dma_wait3A_597] : memref<10112x32xf32, #tpu.memory_space<vmem_shared>> -> memref<10112x32xf32, #tpu.memory_space<vmem_shared>>
      tpu.wait_indirect_dma semaphore(%arg22 : memref<!tpu.dma_semaphore, #tpu.memory_space<semaphore_mem>>) src(%dma_wait3A_592 : memref<256x32xf32, #tpu.memory_space<vmem>>) dst(%dma_wait3A_598 : memref<10112x32xf32, #tpu.memory_space<vmem_shared>>)
      %dma_start3A_599 = arith.constant 3 : i32
      %dma_start3A_600 = arith.constant 0 : i32
      %dma_start3A_601 = arith.constant 0 : i32
      %dma_start3A_602 = tpu.memref_slice %arg10[%dma_start3A_599, %dma_start3A_600, %dma_start3A_601] : memref<8x256x32xf32, #tpu.memory_space<vmem>> -> memref<1x256x32xf32, #tpu.memory_space<vmem>>
      %dma_start3A_603 = tpu.memref_squeeze %dma_start3A_602 : memref<1x256x32xf32, #tpu.memory_space<vmem>> -> memref<256x32xf32, #tpu.memory_space<vmem>>
      %dma_start3A_604 = arith.constant 0 : i32
      %dma_start3A_605 = tpu.memref_slice %arg8[%add3A_585, %dma_start3A_604] : memref<40x256xi32, #tpu.memory_space<vmem>> -> memref<1x256xi32, #tpu.memory_space<vmem>>
      %dma_start3A_606 = tpu.memref_squeeze %dma_start3A_605 : memref<1x256xi32, #tpu.memory_space<vmem>> -> memref<256xi32, #tpu.memory_space<vmem>>
      %dma_start3A_607 = arith.constant 0 : i32
      %dma_start3A_608 = arith.constant 0 : i32
      %dma_start3A_609 = tpu.memref_slice %arg7[%dma_start3A_607, %dma_start3A_608] : memref<10112x32xf32, #tpu.memory_space<vmem_shared>> -> memref<10112x32xf32, #tpu.memory_space<vmem_shared>>
      tpu.enqueue_indirect_dma source(%dma_start3A_609 : memref<10112x32xf32, #tpu.memory_space<vmem_shared>>) target(%dma_start3A_603 : memref<256x32xf32, #tpu.memory_space<vmem>>) offsets(%dma_start3A_606 : memref<256xi32, #tpu.memory_space<vmem>>) semaphore(%arg14 : memref<!tpu.dma_semaphore, #tpu.memory_space<semaphore_mem>>)
      %mul3A_610 = arith.constant 8 : i32
      %mul3A_611 = arith.muli %scan3A_394, %mul3A_610 : i32
      %add3A_612 = arith.constant 4 : i32
      %add3A_613 = arith.addi %add3A_612, %mul3A_611 : i32
      %add3A_614 = arith.constant 4 : i32
      %add3A_615 = arith.addi %add3A_613, %add3A_614 : i32
      %dma_wait3A_616 = arith.constant 0 : i32
      %dma_wait3A_617 = arith.constant 0 : i32
      %dma_wait3A_618 = arith.constant 0 : i32
      %dma_wait3A_619 = tpu.memref_slice %arg10[%dma_wait3A_616, %dma_wait3A_617, %dma_wait3A_618] : memref<8x256x32xf32, #tpu.memory_space<vmem>> -> memref<1x256x32xf32, #tpu.memory_space<vmem>>
      %dma_wait3A_620 = tpu.memref_squeeze %dma_wait3A_619 : memref<1x256x32xf32, #tpu.memory_space<vmem>> -> memref<256x32xf32, #tpu.memory_space<vmem>>
      %dma_wait3A_621 = arith.constant 0 : i32
      %dma_wait3A_622 = tpu.memref_slice %arg8[%add3A_615, %dma_wait3A_621] : memref<40x256xi32, #tpu.memory_space<vmem>> -> memref<1x256xi32, #tpu.memory_space<vmem>>
      %dma_wait3A_623 = tpu.memref_squeeze %dma_wait3A_622 : memref<1x256xi32, #tpu.memory_space<vmem>> -> memref<256xi32, #tpu.memory_space<vmem>>
      %dma_wait3A_624 = arith.constant 0 : i32
      %dma_wait3A_625 = arith.constant 0 : i32
      %dma_wait3A_626 = tpu.memref_slice %arg7[%dma_wait3A_624, %dma_wait3A_625] : memref<10112x32xf32, #tpu.memory_space<vmem_shared>> -> memref<10112x32xf32, #tpu.memory_space<vmem_shared>>
      tpu.wait_indirect_dma semaphore(%arg11 : memref<!tpu.dma_semaphore, #tpu.memory_space<semaphore_mem>>) src(%dma_wait3A_626 : memref<10112x32xf32, #tpu.memory_space<vmem_shared>>) dst(%dma_wait3A_620 : memref<256x32xf32, #tpu.memory_space<vmem>>)
      %dma_start3A_627 = arith.constant 0 : i32
      %dma_start3A_628 = arith.constant 0 : i32
      %dma_start3A_629 = arith.constant 0 : i32
      %dma_start3A_630 = tpu.memref_slice %arg10[%dma_start3A_627, %dma_start3A_628, %dma_start3A_629] : memref<8x256x32xf32, #tpu.memory_space<vmem>> -> memref<1x256x32xf32, #tpu.memory_space<vmem>>
      %dma_start3A_631 = tpu.memref_squeeze %dma_start3A_630 : memref<1x256x32xf32, #tpu.memory_space<vmem>> -> memref<256x32xf32, #tpu.memory_space<vmem>>
      %dma_start3A_632 = arith.constant 0 : i32
      %dma_start3A_633 = tpu.memref_slice %arg9[%add3A_615, %dma_start3A_632] : memref<40x256xi32, #tpu.memory_space<vmem>> -> memref<1x256xi32, #tpu.memory_space<vmem>>
      %dma_start3A_634 = tpu.memref_squeeze %dma_start3A_633 : memref<1x256xi32, #tpu.memory_space<vmem>> -> memref<256xi32, #tpu.memory_space<vmem>>
      %dma_start3A_635 = arith.constant 0 : i32
      %dma_start3A_636 = arith.constant 0 : i32
      %dma_start3A_637 = tpu.memref_slice %arg6[%dma_start3A_635, %dma_start3A_636] : memref<10112x32xf32, #tpu.memory_space<vmem_shared>> -> memref<10112x32xf32, #tpu.memory_space<vmem_shared>>
      tpu.enqueue_indirect_dma source(%dma_start3A_631 : memref<256x32xf32, #tpu.memory_space<vmem>>) target(%dma_start3A_637 : memref<10112x32xf32, #tpu.memory_space<vmem_shared>>) offsets(%dma_start3A_634 : memref<256xi32, #tpu.memory_space<vmem>>) semaphore(%arg19 : memref<!tpu.dma_semaphore, #tpu.memory_space<semaphore_mem>>) {add = true}
      %add3A_638 = arith.constant 4 : i32
      %add3A_639 = arith.addi %add3A_615, %add3A_638 : i32
      %sub3A_640 = arith.constant 8 : i32
      %sub3A_641 = arith.subi %add3A_639, %sub3A_640 : i32
      %dma_wait3A_642 = arith.constant 4 : i32
      %dma_wait3A_643 = arith.constant 0 : i32
      %dma_wait3A_644 = arith.constant 0 : i32
      %dma_wait3A_645 = tpu.memref_slice %arg10[%dma_wait3A_642, %dma_wait3A_643, %dma_wait3A_644] : memref<8x256x32xf32, #tpu.memory_space<vmem>> -> memref<1x256x32xf32, #tpu.memory_space<vmem>>
      %dma_wait3A_646 = tpu.memref_squeeze %dma_wait3A_645 : memref<1x256x32xf32, #tpu.memory_space<vmem>> -> memref<256x32xf32, #tpu.memory_space<vmem>>
      %dma_wait3A_647 = arith.constant 0 : i32
      %dma_wait3A_648 = tpu.memref_slice %arg9[%sub3A_641, %dma_wait3A_647] : memref<40x256xi32, #tpu.memory_space<vmem>> -> memref<1x256xi32, #tpu.memory_space<vmem>>
      %dma_wait3A_649 = tpu.memref_squeeze %dma_wait3A_648 : memref<1x256xi32, #tpu.memory_space<vmem>> -> memref<256xi32, #tpu.memory_space<vmem>>
      %dma_wait3A_650 = arith.constant 0 : i32
      %dma_wait3A_651 = arith.constant 0 : i32
      %dma_wait3A_652 = tpu.memref_slice %arg6[%dma_wait3A_650, %dma_wait3A_651] : memref<10112x32xf32, #tpu.memory_space<vmem_shared>> -> memref<10112x32xf32, #tpu.memory_space<vmem_shared>>
      tpu.wait_indirect_dma semaphore(%arg23 : memref<!tpu.dma_semaphore, #tpu.memory_space<semaphore_mem>>) src(%dma_wait3A_646 : memref<256x32xf32, #tpu.memory_space<vmem>>) dst(%dma_wait3A_652 : memref<10112x32xf32, #tpu.memory_space<vmem_shared>>)
      %dma_start3A_653 = arith.constant 4 : i32
      %dma_start3A_654 = arith.constant 0 : i32
      %dma_start3A_655 = arith.constant 0 : i32
      %dma_start3A_656 = tpu.memref_slice %arg10[%dma_start3A_653, %dma_start3A_654, %dma_start3A_655] : memref<8x256x32xf32, #tpu.memory_space<vmem>> -> memref<1x256x32xf32, #tpu.memory_space<vmem>>
      %dma_start3A_657 = tpu.memref_squeeze %dma_start3A_656 : memref<1x256x32xf32, #tpu.memory_space<vmem>> -> memref<256x32xf32, #tpu.memory_space<vmem>>
      %dma_start3A_658 = arith.constant 0 : i32
      %dma_start3A_659 = tpu.memref_slice %arg8[%add3A_639, %dma_start3A_658] : memref<40x256xi32, #tpu.memory_space<vmem>> -> memref<1x256xi32, #tpu.memory_space<vmem>>
      %dma_start3A_660 = tpu.memref_squeeze %dma_start3A_659 : memref<1x256xi32, #tpu.memory_space<vmem>> -> memref<256xi32, #tpu.memory_space<vmem>>
      %dma_start3A_661 = arith.constant 0 : i32
      %dma_start3A_662 = arith.constant 0 : i32
      %dma_start3A_663 = tpu.memref_slice %arg7[%dma_start3A_661, %dma_start3A_662] : memref<10112x32xf32, #tpu.memory_space<vmem_shared>> -> memref<10112x32xf32, #tpu.memory_space<vmem_shared>>
      tpu.enqueue_indirect_dma source(%dma_start3A_663 : memref<10112x32xf32, #tpu.memory_space<vmem_shared>>) target(%dma_start3A_657 : memref<256x32xf32, #tpu.memory_space<vmem>>) offsets(%dma_start3A_660 : memref<256xi32, #tpu.memory_space<vmem>>) semaphore(%arg15 : memref<!tpu.dma_semaphore, #tpu.memory_space<semaphore_mem>>)
      %mul3A_664 = arith.constant 8 : i32
      %mul3A_665 = arith.muli %scan3A_394, %mul3A_664 : i32
      %add3A_666 = arith.constant 4 : i32
      %add3A_667 = arith.addi %add3A_666, %mul3A_665 : i32
      %add3A_668 = arith.constant 5 : i32
      %add3A_669 = arith.addi %add3A_667, %add3A_668 : i32
      %dma_wait3A_670 = arith.constant 1 : i32
      %dma_wait3A_671 = arith.constant 0 : i32
      %dma_wait3A_672 = arith.constant 0 : i32
      %dma_wait3A_673 = tpu.memref_slice %arg10[%dma_wait3A_670, %dma_wait3A_671, %dma_wait3A_672] : memref<8x256x32xf32, #tpu.memory_space<vmem>> -> memref<1x256x32xf32, #tpu.memory_space<vmem>>
      %dma_wait3A_674 = tpu.memref_squeeze %dma_wait3A_673 : memref<1x256x32xf32, #tpu.memory_space<vmem>> -> memref<256x32xf32, #tpu.memory_space<vmem>>
      %dma_wait3A_675 = arith.constant 0 : i32
      %dma_wait3A_676 = tpu.memref_slice %arg8[%add3A_669, %dma_wait3A_675] : memref<40x256xi32, #tpu.memory_space<vmem>> -> memref<1x256xi32, #tpu.memory_space<vmem>>
      %dma_wait3A_677 = tpu.memref_squeeze %dma_wait3A_676 : memref<1x256xi32, #tpu.memory_space<vmem>> -> memref<256xi32, #tpu.memory_space<vmem>>
      %dma_wait3A_678 = arith.constant 0 : i32
      %dma_wait3A_679 = arith.constant 0 : i32
      %dma_wait3A_680 = tpu.memref_slice %arg7[%dma_wait3A_678, %dma_wait3A_679] : memref<10112x32xf32, #tpu.memory_space<vmem_shared>> -> memref<10112x32xf32, #tpu.memory_space<vmem_shared>>
      tpu.wait_indirect_dma semaphore(%arg12 : memref<!tpu.dma_semaphore, #tpu.memory_space<semaphore_mem>>) src(%dma_wait3A_680 : memref<10112x32xf32, #tpu.memory_space<vmem_shared>>) dst(%dma_wait3A_674 : memref<256x32xf32, #tpu.memory_space<vmem>>)
      %dma_start3A_681 = arith.constant 1 : i32
      %dma_start3A_682 = arith.constant 0 : i32
      %dma_start3A_683 = arith.constant 0 : i32
      %dma_start3A_684 = tpu.memref_slice %arg10[%dma_start3A_681, %dma_start3A_682, %dma_start3A_683] : memref<8x256x32xf32, #tpu.memory_space<vmem>> -> memref<1x256x32xf32, #tpu.memory_space<vmem>>
      %dma_start3A_685 = tpu.memref_squeeze %dma_start3A_684 : memref<1x256x32xf32, #tpu.memory_space<vmem>> -> memref<256x32xf32, #tpu.memory_space<vmem>>
      %dma_start3A_686 = arith.constant 0 : i32
      %dma_start3A_687 = tpu.memref_slice %arg9[%add3A_669, %dma_start3A_686] : memref<40x256xi32, #tpu.memory_space<vmem>> -> memref<1x256xi32, #tpu.memory_space<vmem>>
      %dma_start3A_688 = tpu.memref_squeeze %dma_start3A_687 : memref<1x256xi32, #tpu.memory_space<vmem>> -> memref<256xi32, #tpu.memory_space<vmem>>
      %dma_start3A_689 = arith.constant 0 : i32
      %dma_start3A_690 = arith.constant 0 : i32
      %dma_start3A_691 = tpu.memref_slice %arg6[%dma_start3A_689, %dma_start3A_690] : memref<10112x32xf32, #tpu.memory_space<vmem_shared>> -> memref<10112x32xf32, #tpu.memory_space<vmem_shared>>
      tpu.enqueue_indirect_dma source(%dma_start3A_685 : memref<256x32xf32, #tpu.memory_space<vmem>>) target(%dma_start3A_691 : memref<10112x32xf32, #tpu.memory_space<vmem_shared>>) offsets(%dma_start3A_688 : memref<256xi32, #tpu.memory_space<vmem>>) semaphore(%arg20 : memref<!tpu.dma_semaphore, #tpu.memory_space<semaphore_mem>>) {add = true}
      %add3A_692 = arith.constant 4 : i32
      %add3A_693 = arith.addi %add3A_669, %add3A_692 : i32
      %sub3A_694 = arith.constant 8 : i32
      %sub3A_695 = arith.subi %add3A_693, %sub3A_694 : i32
      %dma_wait3A_696 = arith.constant 5 : i32
      %dma_wait3A_697 = arith.constant 0 : i32
      %dma_wait3A_698 = arith.constant 0 : i32
      %dma_wait3A_699 = tpu.memref_slice %arg10[%dma_wait3A_696, %dma_wait3A_697, %dma_wait3A_698] : memref<8x256x32xf32, #tpu.memory_space<vmem>> -> memref<1x256x32xf32, #tpu.memory_space<vmem>>
      %dma_wait3A_700 = tpu.memref_squeeze %dma_wait3A_699 : memref<1x256x32xf32, #tpu.memory_space<vmem>> -> memref<256x32xf32, #tpu.memory_space<vmem>>
      %dma_wait3A_701 = arith.constant 0 : i32
      %dma_wait3A_702 = tpu.memref_slice %arg9[%sub3A_695, %dma_wait3A_701] : memref<40x256xi32, #tpu.memory_space<vmem>> -> memref<1x256xi32, #tpu.memory_space<vmem>>
      %dma_wait3A_703 = tpu.memref_squeeze %dma_wait3A_702 : memref<1x256xi32, #tpu.memory_space<vmem>> -> memref<256xi32, #tpu.memory_space<vmem>>
      %dma_wait3A_704 = arith.constant 0 : i32
      %dma_wait3A_705 = arith.constant 0 : i32
      %dma_wait3A_706 = tpu.memref_slice %arg6[%dma_wait3A_704, %dma_wait3A_705] : memref<10112x32xf32, #tpu.memory_space<vmem_shared>> -> memref<10112x32xf32, #tpu.memory_space<vmem_shared>>
      tpu.wait_indirect_dma semaphore(%arg24 : memref<!tpu.dma_semaphore, #tpu.memory_space<semaphore_mem>>) src(%dma_wait3A_700 : memref<256x32xf32, #tpu.memory_space<vmem>>) dst(%dma_wait3A_706 : memref<10112x32xf32, #tpu.memory_space<vmem_shared>>)
      %dma_start3A_707 = arith.constant 5 : i32
      %dma_start3A_708 = arith.constant 0 : i32
      %dma_start3A_709 = arith.constant 0 : i32
      %dma_start3A_710 = tpu.memref_slice %arg10[%dma_start3A_707, %dma_start3A_708, %dma_start3A_709] : memref<8x256x32xf32, #tpu.memory_space<vmem>> -> memref<1x256x32xf32, #tpu.memory_space<vmem>>
      %dma_start3A_711 = tpu.memref_squeeze %dma_start3A_710 : memref<1x256x32xf32, #tpu.memory_space<vmem>> -> memref<256x32xf32, #tpu.memory_space<vmem>>
      %dma_start3A_712 = arith.constant 0 : i32
      %dma_start3A_713 = tpu.memref_slice %arg8[%add3A_693, %dma_start3A_712] : memref<40x256xi32, #tpu.memory_space<vmem>> -> memref<1x256xi32, #tpu.memory_space<vmem>>
      %dma_start3A_714 = tpu.memref_squeeze %dma_start3A_713 : memref<1x256xi32, #tpu.memory_space<vmem>> -> memref<256xi32, #tpu.memory_space<vmem>>
      %dma_start3A_715 = arith.constant 0 : i32
      %dma_start3A_716 = arith.constant 0 : i32
      %dma_start3A_717 = tpu.memref_slice %arg7[%dma_start3A_715, %dma_start3A_716] : memref<10112x32xf32, #tpu.memory_space<vmem_shared>> -> memref<10112x32xf32, #tpu.memory_space<vmem_shared>>
      tpu.enqueue_indirect_dma source(%dma_start3A_717 : memref<10112x32xf32, #tpu.memory_space<vmem_shared>>) target(%dma_start3A_711 : memref<256x32xf32, #tpu.memory_space<vmem>>) offsets(%dma_start3A_714 : memref<256xi32, #tpu.memory_space<vmem>>) semaphore(%arg16 : memref<!tpu.dma_semaphore, #tpu.memory_space<semaphore_mem>>)
      %mul3A_718 = arith.constant 8 : i32
      %mul3A_719 = arith.muli %scan3A_394, %mul3A_718 : i32
      %add3A_720 = arith.constant 4 : i32
      %add3A_721 = arith.addi %add3A_720, %mul3A_719 : i32
      %add3A_722 = arith.constant 6 : i32
      %add3A_723 = arith.addi %add3A_721, %add3A_722 : i32
      %dma_wait3A_724 = arith.constant 2 : i32
      %dma_wait3A_725 = arith.constant 0 : i32
      %dma_wait3A_726 = arith.constant 0 : i32
      %dma_wait3A_727 = tpu.memref_slice %arg10[%dma_wait3A_724, %dma_wait3A_725, %dma_wait3A_726] : memref<8x256x32xf32, #tpu.memory_space<vmem>> -> memref<1x256x32xf32, #tpu.memory_space<vmem>>
      %dma_wait3A_728 = tpu.memref_squeeze %dma_wait3A_727 : memref<1x256x32xf32, #tpu.memory_space<vmem>> -> memref<256x32xf32, #tpu.memory_space<vmem>>
      %dma_wait3A_729 = arith.constant 0 : i32
      %dma_wait3A_730 = tpu.memref_slice %arg8[%add3A_723, %dma_wait3A_729] : memref<40x256xi32, #tpu.memory_space<vmem>> -> memref<1x256xi32, #tpu.memory_space<vmem>>
      %dma_wait3A_731 = tpu.memref_squeeze %dma_wait3A_730 : memref<1x256xi32, #tpu.memory_space<vmem>> -> memref<256xi32, #tpu.memory_space<vmem>>
      %dma_wait3A_732 = arith.constant 0 : i32
      %dma_wait3A_733 = arith.constant 0 : i32
      %dma_wait3A_734 = tpu.memref_slice %arg7[%dma_wait3A_732, %dma_wait3A_733] : memref<10112x32xf32, #tpu.memory_space<vmem_shared>> -> memref<10112x32xf32, #tpu.memory_space<vmem_shared>>
      tpu.wait_indirect_dma semaphore(%arg13 : memref<!tpu.dma_semaphore, #tpu.memory_space<semaphore_mem>>) src(%dma_wait3A_734 : memref<10112x32xf32, #tpu.memory_space<vmem_shared>>) dst(%dma_wait3A_728 : memref<256x32xf32, #tpu.memory_space<vmem>>)
      %dma_start3A_735 = arith.constant 2 : i32
      %dma_start3A_736 = arith.constant 0 : i32
      %dma_start3A_737 = arith.constant 0 : i32
      %dma_start3A_738 = tpu.memref_slice %arg10[%dma_start3A_735, %dma_start3A_736, %dma_start3A_737] : memref<8x256x32xf32, #tpu.memory_space<vmem>> -> memref<1x256x32xf32, #tpu.memory_space<vmem>>
      %dma_start3A_739 = tpu.memref_squeeze %dma_start3A_738 : memref<1x256x32xf32, #tpu.memory_space<vmem>> -> memref<256x32xf32, #tpu.memory_space<vmem>>
      %dma_start3A_740 = arith.constant 0 : i32
      %dma_start3A_741 = tpu.memref_slice %arg9[%add3A_723, %dma_start3A_740] : memref<40x256xi32, #tpu.memory_space<vmem>> -> memref<1x256xi32, #tpu.memory_space<vmem>>
      %dma_start3A_742 = tpu.memref_squeeze %dma_start3A_741 : memref<1x256xi32, #tpu.memory_space<vmem>> -> memref<256xi32, #tpu.memory_space<vmem>>
      %dma_start3A_743 = arith.constant 0 : i32
      %dma_start3A_744 = arith.constant 0 : i32
      %dma_start3A_745 = tpu.memref_slice %arg6[%dma_start3A_743, %dma_start3A_744] : memref<10112x32xf32, #tpu.memory_space<vmem_shared>> -> memref<10112x32xf32, #tpu.memory_space<vmem_shared>>
      tpu.enqueue_indirect_dma source(%dma_start3A_739 : memref<256x32xf32, #tpu.memory_space<vmem>>) target(%dma_start3A_745 : memref<10112x32xf32, #tpu.memory_space<vmem_shared>>) offsets(%dma_start3A_742 : memref<256xi32, #tpu.memory_space<vmem>>) semaphore(%arg21 : memref<!tpu.dma_semaphore, #tpu.memory_space<semaphore_mem>>) {add = true}
      %add3A_746 = arith.constant 4 : i32
      %add3A_747 = arith.addi %add3A_723, %add3A_746 : i32
      %sub3A_748 = arith.constant 8 : i32
      %sub3A_749 = arith.subi %add3A_747, %sub3A_748 : i32
      %dma_wait3A_750 = arith.constant 6 : i32
      %dma_wait3A_751 = arith.constant 0 : i32
      %dma_wait3A_752 = arith.constant 0 : i32
      %dma_wait3A_753 = tpu.memref_slice %arg10[%dma_wait3A_750, %dma_wait3A_751, %dma_wait3A_752] : memref<8x256x32xf32, #tpu.memory_space<vmem>> -> memref<1x256x32xf32, #tpu.memory_space<vmem>>
      %dma_wait3A_754 = tpu.memref_squeeze %dma_wait3A_753 : memref<1x256x32xf32, #tpu.memory_space<vmem>> -> memref<256x32xf32, #tpu.memory_space<vmem>>
      %dma_wait3A_755 = arith.constant 0 : i32
      %dma_wait3A_756 = tpu.memref_slice %arg9[%sub3A_749, %dma_wait3A_755] : memref<40x256xi32, #tpu.memory_space<vmem>> -> memref<1x256xi32, #tpu.memory_space<vmem>>
      %dma_wait3A_757 = tpu.memref_squeeze %dma_wait3A_756 : memref<1x256xi32, #tpu.memory_space<vmem>> -> memref<256xi32, #tpu.memory_space<vmem>>
      %dma_wait3A_758 = arith.constant 0 : i32
      %dma_wait3A_759 = arith.constant 0 : i32
      %dma_wait3A_760 = tpu.memref_slice %arg6[%dma_wait3A_758, %dma_wait3A_759] : memref<10112x32xf32, #tpu.memory_space<vmem_shared>> -> memref<10112x32xf32, #tpu.memory_space<vmem_shared>>
      tpu.wait_indirect_dma semaphore(%arg25 : memref<!tpu.dma_semaphore, #tpu.memory_space<semaphore_mem>>) src(%dma_wait3A_754 : memref<256x32xf32, #tpu.memory_space<vmem>>) dst(%dma_wait3A_760 : memref<10112x32xf32, #tpu.memory_space<vmem_shared>>)
      %dma_start3A_761 = arith.constant 6 : i32
      %dma_start3A_762 = arith.constant 0 : i32
      %dma_start3A_763 = arith.constant 0 : i32
      %dma_start3A_764 = tpu.memref_slice %arg10[%dma_start3A_761, %dma_start3A_762, %dma_start3A_763] : memref<8x256x32xf32, #tpu.memory_space<vmem>> -> memref<1x256x32xf32, #tpu.memory_space<vmem>>
      %dma_start3A_765 = tpu.memref_squeeze %dma_start3A_764 : memref<1x256x32xf32, #tpu.memory_space<vmem>> -> memref<256x32xf32, #tpu.memory_space<vmem>>
      %dma_start3A_766 = arith.constant 0 : i32
      %dma_start3A_767 = tpu.memref_slice %arg8[%add3A_747, %dma_start3A_766] : memref<40x256xi32, #tpu.memory_space<vmem>> -> memref<1x256xi32, #tpu.memory_space<vmem>>
      %dma_start3A_768 = tpu.memref_squeeze %dma_start3A_767 : memref<1x256xi32, #tpu.memory_space<vmem>> -> memref<256xi32, #tpu.memory_space<vmem>>
      %dma_start3A_769 = arith.constant 0 : i32
      %dma_start3A_770 = arith.constant 0 : i32
      %dma_start3A_771 = tpu.memref_slice %arg7[%dma_start3A_769, %dma_start3A_770] : memref<10112x32xf32, #tpu.memory_space<vmem_shared>> -> memref<10112x32xf32, #tpu.memory_space<vmem_shared>>
      tpu.enqueue_indirect_dma source(%dma_start3A_771 : memref<10112x32xf32, #tpu.memory_space<vmem_shared>>) target(%dma_start3A_765 : memref<256x32xf32, #tpu.memory_space<vmem>>) offsets(%dma_start3A_768 : memref<256xi32, #tpu.memory_space<vmem>>) semaphore(%arg17 : memref<!tpu.dma_semaphore, #tpu.memory_space<semaphore_mem>>)
      %mul3A_772 = arith.constant 8 : i32
      %mul3A_773 = arith.muli %scan3A_394, %mul3A_772 : i32
      %add3A_774 = arith.constant 4 : i32
      %add3A_775 = arith.addi %add3A_774, %mul3A_773 : i32
      %add3A_776 = arith.constant 7 : i32
      %add3A_777 = arith.addi %add3A_775, %add3A_776 : i32
      %dma_wait3A_778 = arith.constant 3 : i32
      %dma_wait3A_779 = arith.constant 0 : i32
      %dma_wait3A_780 = arith.constant 0 : i32
      %dma_wait3A_781 = tpu.memref_slice %arg10[%dma_wait3A_778, %dma_wait3A_779, %dma_wait3A_780] : memref<8x256x32xf32, #tpu.memory_space<vmem>> -> memref<1x256x32xf32, #tpu.memory_space<vmem>>
      %dma_wait3A_782 = tpu.memref_squeeze %dma_wait3A_781 : memref<1x256x32xf32, #tpu.memory_space<vmem>> -> memref<256x32xf32, #tpu.memory_space<vmem>>
      %dma_wait3A_783 = arith.constant 0 : i32
      %dma_wait3A_784 = tpu.memref_slice %arg8[%add3A_777, %dma_wait3A_783] : memref<40x256xi32, #tpu.memory_space<vmem>> -> memref<1x256xi32, #tpu.memory_space<vmem>>
      %dma_wait3A_785 = tpu.memref_squeeze %dma_wait3A_784 : memref<1x256xi32, #tpu.memory_space<vmem>> -> memref<256xi32, #tpu.memory_space<vmem>>
      %dma_wait3A_786 = arith.constant 0 : i32
      %dma_wait3A_787 = arith.constant 0 : i32
      %dma_wait3A_788 = tpu.memref_slice %arg7[%dma_wait3A_786, %dma_wait3A_787] : memref<10112x32xf32, #tpu.memory_space<vmem_shared>> -> memref<10112x32xf32, #tpu.memory_space<vmem_shared>>
      tpu.wait_indirect_dma semaphore(%arg14 : memref<!tpu.dma_semaphore, #tpu.memory_space<semaphore_mem>>) src(%dma_wait3A_788 : memref<10112x32xf32, #tpu.memory_space<vmem_shared>>) dst(%dma_wait3A_782 : memref<256x32xf32, #tpu.memory_space<vmem>>)
      %dma_start3A_789 = arith.constant 3 : i32
      %dma_start3A_790 = arith.constant 0 : i32
      %dma_start3A_791 = arith.constant 0 : i32
      %dma_start3A_792 = tpu.memref_slice %arg10[%dma_start3A_789, %dma_start3A_790, %dma_start3A_791] : memref<8x256x32xf32, #tpu.memory_space<vmem>> -> memref<1x256x32xf32, #tpu.memory_space<vmem>>
      %dma_start3A_793 = tpu.memref_squeeze %dma_start3A_792 : memref<1x256x32xf32, #tpu.memory_space<vmem>> -> memref<256x32xf32, #tpu.memory_space<vmem>>
      %dma_start3A_794 = arith.constant 0 : i32
      %dma_start3A_795 = tpu.memref_slice %arg9[%add3A_777, %dma_start3A_794] : memref<40x256xi32, #tpu.memory_space<vmem>> -> memref<1x256xi32, #tpu.memory_space<vmem>>
      %dma_start3A_796 = tpu.memref_squeeze %dma_start3A_795 : memref<1x256xi32, #tpu.memory_space<vmem>> -> memref<256xi32, #tpu.memory_space<vmem>>
      %dma_start3A_797 = arith.constant 0 : i32
      %dma_start3A_798 = arith.constant 0 : i32
      %dma_start3A_799 = tpu.memref_slice %arg6[%dma_start3A_797, %dma_start3A_798] : memref<10112x32xf32, #tpu.memory_space<vmem_shared>> -> memref<10112x32xf32, #tpu.memory_space<vmem_shared>>
      tpu.enqueue_indirect_dma source(%dma_start3A_793 : memref<256x32xf32, #tpu.memory_space<vmem>>) target(%dma_start3A_799 : memref<10112x32xf32, #tpu.memory_space<vmem_shared>>) offsets(%dma_start3A_796 : memref<256xi32, #tpu.memory_space<vmem>>) semaphore(%arg22 : memref<!tpu.dma_semaphore, #tpu.memory_space<semaphore_mem>>) {add = true}
      %add3A_800 = arith.constant 4 : i32
      %add3A_801 = arith.addi %add3A_777, %add3A_800 : i32
      %sub3A_802 = arith.constant 8 : i32
      %sub3A_803 = arith.subi %add3A_801, %sub3A_802 : i32
      %dma_wait3A_804 = arith.constant 7 : i32
      %dma_wait3A_805 = arith.constant 0 : i32
      %dma_wait3A_806 = arith.constant 0 : i32
      %dma_wait3A_807 = tpu.memref_slice %arg10[%dma_wait3A_804, %dma_wait3A_805, %dma_wait3A_806] : memref<8x256x32xf32, #tpu.memory_space<vmem>> -> memref<1x256x32xf32, #tpu.memory_space<vmem>>
      %dma_wait3A_808 = tpu.memref_squeeze %dma_wait3A_807 : memref<1x256x32xf32, #tpu.memory_space<vmem>> -> memref<256x32xf32, #tpu.memory_space<vmem>>
      %dma_wait3A_809 = arith.constant 0 : i32
      %dma_wait3A_810 = tpu.memref_slice %arg9[%sub3A_803, %dma_wait3A_809] : memref<40x256xi32, #tpu.memory_space<vmem>> -> memref<1x256xi32, #tpu.memory_space<vmem>>
      %dma_wait3A_811 = tpu.memref_squeeze %dma_wait3A_810 : memref<1x256xi32, #tpu.memory_space<vmem>> -> memref<256xi32, #tpu.memory_space<vmem>>
      %dma_wait3A_812 = arith.constant 0 : i32
      %dma_wait3A_813 = arith.constant 0 : i32
      %dma_wait3A_814 = tpu.memref_slice %arg6[%dma_wait3A_812, %dma_wait3A_813] : memref<10112x32xf32, #tpu.memory_space<vmem_shared>> -> memref<10112x32xf32, #tpu.memory_space<vmem_shared>>
      tpu.wait_indirect_dma semaphore(%arg26 : memref<!tpu.dma_semaphore, #tpu.memory_space<semaphore_mem>>) src(%dma_wait3A_808 : memref<256x32xf32, #tpu.memory_space<vmem>>) dst(%dma_wait3A_814 : memref<10112x32xf32, #tpu.memory_space<vmem_shared>>)
      %dma_start3A_815 = arith.constant 7 : i32
      %dma_start3A_816 = arith.constant 0 : i32
      %dma_start3A_817 = arith.constant 0 : i32
      %dma_start3A_818 = tpu.memref_slice %arg10[%dma_start3A_815, %dma_start3A_816, %dma_start3A_817] : memref<8x256x32xf32, #tpu.memory_space<vmem>> -> memref<1x256x32xf32, #tpu.memory_space<vmem>>
      %dma_start3A_819 = tpu.memref_squeeze %dma_start3A_818 : memref<1x256x32xf32, #tpu.memory_space<vmem>> -> memref<256x32xf32, #tpu.memory_space<vmem>>
      %dma_start3A_820 = arith.constant 0 : i32
      %dma_start3A_821 = tpu.memref_slice %arg8[%add3A_801, %dma_start3A_820] : memref<40x256xi32, #tpu.memory_space<vmem>> -> memref<1x256xi32, #tpu.memory_space<vmem>>
      %dma_start3A_822 = tpu.memref_squeeze %dma_start3A_821 : memref<1x256xi32, #tpu.memory_space<vmem>> -> memref<256xi32, #tpu.memory_space<vmem>>
      %dma_start3A_823 = arith.constant 0 : i32
      %dma_start3A_824 = arith.constant 0 : i32
      %dma_start3A_825 = tpu.memref_slice %arg7[%dma_start3A_823, %dma_start3A_824] : memref<10112x32xf32, #tpu.memory_space<vmem_shared>> -> memref<10112x32xf32, #tpu.memory_space<vmem_shared>>
      tpu.enqueue_indirect_dma source(%dma_start3A_825 : memref<10112x32xf32, #tpu.memory_space<vmem_shared>>) target(%dma_start3A_819 : memref<256x32xf32, #tpu.memory_space<vmem>>) offsets(%dma_start3A_822 : memref<256xi32, #tpu.memory_space<vmem>>) semaphore(%arg18 : memref<!tpu.dma_semaphore, #tpu.memory_space<semaphore_mem>>)
    }
    %scan3A_200 = arith.constant 4 : i32
    %dma_wait3A_201 = arith.constant 36 : i32
    %dma_wait3A_202 = arith.constant 4 : i32
    %dma_wait3A_203 = arith.constant 0 : i32
    %dma_wait3A_204 = arith.constant 0 : i32
    %dma_wait3A_205 = tpu.memref_slice %arg10[%dma_wait3A_202, %dma_wait3A_203, %dma_wait3A_204] : memref<8x256x32xf32, #tpu.memory_space<vmem>> -> memref<1x256x32xf32, #tpu.memory_space<vmem>>
    %dma_wait3A_206 = tpu.memref_squeeze %dma_wait3A_205 : memref<1x256x32xf32, #tpu.memory_space<vmem>> -> memref<256x32xf32, #tpu.memory_space<vmem>>
    %dma_wait3A_207 = arith.constant 0 : i32
    %dma_wait3A_208 = tpu.memref_slice %arg8[%dma_wait3A_201, %dma_wait3A_207] : memref<40x256xi32, #tpu.memory_space<vmem>> -> memref<1x256xi32, #tpu.memory_space<vmem>>
    %dma_wait3A_209 = tpu.memref_squeeze %dma_wait3A_208 : memref<1x256xi32, #tpu.memory_space<vmem>> -> memref<256xi32, #tpu.memory_space<vmem>>
    %dma_wait3A_210 = arith.constant 0 : i32
    %dma_wait3A_211 = arith.constant 0 : i32
    %dma_wait3A_212 = tpu.memref_slice %arg7[%dma_wait3A_210, %dma_wait3A_211] : memref<10112x32xf32, #tpu.memory_space<vmem_shared>> -> memref<10112x32xf32, #tpu.memory_space<vmem_shared>>
    tpu.wait_indirect_dma semaphore(%arg15 : memref<!tpu.dma_semaphore, #tpu.memory_space<semaphore_mem>>) src(%dma_wait3A_212 : memref<10112x32xf32, #tpu.memory_space<vmem_shared>>) dst(%dma_wait3A_206 : memref<256x32xf32, #tpu.memory_space<vmem>>)
    %dma_start3A_213 = arith.constant 4 : i32
    %dma_start3A_214 = arith.constant 36 : i32
    %dma_start3A_215 = arith.constant 0 : i32
    %dma_start3A_216 = arith.constant 0 : i32
    %dma_start3A_217 = tpu.memref_slice %arg10[%dma_start3A_213, %dma_start3A_215, %dma_start3A_216] : memref<8x256x32xf32, #tpu.memory_space<vmem>> -> memref<1x256x32xf32, #tpu.memory_space<vmem>>
    %dma_start3A_218 = tpu.memref_squeeze %dma_start3A_217 : memref<1x256x32xf32, #tpu.memory_space<vmem>> -> memref<256x32xf32, #tpu.memory_space<vmem>>
    %dma_start3A_219 = arith.constant 0 : i32
    %dma_start3A_220 = tpu.memref_slice %arg9[%dma_start3A_214, %dma_start3A_219] : memref<40x256xi32, #tpu.memory_space<vmem>> -> memref<1x256xi32, #tpu.memory_space<vmem>>
    %dma_start3A_221 = tpu.memref_squeeze %dma_start3A_220 : memref<1x256xi32, #tpu.memory_space<vmem>> -> memref<256xi32, #tpu.memory_space<vmem>>
    %dma_start3A_222 = arith.constant 0 : i32
    %dma_start3A_223 = arith.constant 0 : i32
    %dma_start3A_224 = tpu.memref_slice %arg6[%dma_start3A_222, %dma_start3A_223] : memref<10112x32xf32, #tpu.memory_space<vmem_shared>> -> memref<10112x32xf32, #tpu.memory_space<vmem_shared>>
    tpu.enqueue_indirect_dma source(%dma_start3A_218 : memref<256x32xf32, #tpu.memory_space<vmem>>) target(%dma_start3A_224 : memref<10112x32xf32, #tpu.memory_space<vmem_shared>>) offsets(%dma_start3A_221 : memref<256xi32, #tpu.memory_space<vmem>>) semaphore(%arg23 : memref<!tpu.dma_semaphore, #tpu.memory_space<semaphore_mem>>) {add = true}
    %dma_wait3A_225 = arith.constant 37 : i32
    %dma_wait3A_226 = arith.constant 5 : i32
    %dma_wait3A_227 = arith.constant 0 : i32
    %dma_wait3A_228 = arith.constant 0 : i32
    %dma_wait3A_229 = tpu.memref_slice %arg10[%dma_wait3A_226, %dma_wait3A_227, %dma_wait3A_228] : memref<8x256x32xf32, #tpu.memory_space<vmem>> -> memref<1x256x32xf32, #tpu.memory_space<vmem>>
    %dma_wait3A_230 = tpu.memref_squeeze %dma_wait3A_229 : memref<1x256x32xf32, #tpu.memory_space<vmem>> -> memref<256x32xf32, #tpu.memory_space<vmem>>
    %dma_wait3A_231 = arith.constant 0 : i32
    %dma_wait3A_232 = tpu.memref_slice %arg8[%dma_wait3A_225, %dma_wait3A_231] : memref<40x256xi32, #tpu.memory_space<vmem>> -> memref<1x256xi32, #tpu.memory_space<vmem>>
    %dma_wait3A_233 = tpu.memref_squeeze %dma_wait3A_232 : memref<1x256xi32, #tpu.memory_space<vmem>> -> memref<256xi32, #tpu.memory_space<vmem>>
    %dma_wait3A_234 = arith.constant 0 : i32
    %dma_wait3A_235 = arith.constant 0 : i32
    %dma_wait3A_236 = tpu.memref_slice %arg7[%dma_wait3A_234, %dma_wait3A_235] : memref<10112x32xf32, #tpu.memory_space<vmem_shared>> -> memref<10112x32xf32, #tpu.memory_space<vmem_shared>>
    tpu.wait_indirect_dma semaphore(%arg16 : memref<!tpu.dma_semaphore, #tpu.memory_space<semaphore_mem>>) src(%dma_wait3A_236 : memref<10112x32xf32, #tpu.memory_space<vmem_shared>>) dst(%dma_wait3A_230 : memref<256x32xf32, #tpu.memory_space<vmem>>)
    %dma_start3A_237 = arith.constant 5 : i32
    %dma_start3A_238 = arith.constant 37 : i32
    %dma_start3A_239 = arith.constant 0 : i32
    %dma_start3A_240 = arith.constant 0 : i32
    %dma_start3A_241 = tpu.memref_slice %arg10[%dma_start3A_237, %dma_start3A_239, %dma_start3A_240] : memref<8x256x32xf32, #tpu.memory_space<vmem>> -> memref<1x256x32xf32, #tpu.memory_space<vmem>>
    %dma_start3A_242 = tpu.memref_squeeze %dma_start3A_241 : memref<1x256x32xf32, #tpu.memory_space<vmem>> -> memref<256x32xf32, #tpu.memory_space<vmem>>
    %dma_start3A_243 = arith.constant 0 : i32
    %dma_start3A_244 = tpu.memref_slice %arg9[%dma_start3A_238, %dma_start3A_243] : memref<40x256xi32, #tpu.memory_space<vmem>> -> memref<1x256xi32, #tpu.memory_space<vmem>>
    %dma_start3A_245 = tpu.memref_squeeze %dma_start3A_244 : memref<1x256xi32, #tpu.memory_space<vmem>> -> memref<256xi32, #tpu.memory_space<vmem>>
    %dma_start3A_246 = arith.constant 0 : i32
    %dma_start3A_247 = arith.constant 0 : i32
    %dma_start3A_248 = tpu.memref_slice %arg6[%dma_start3A_246, %dma_start3A_247] : memref<10112x32xf32, #tpu.memory_space<vmem_shared>> -> memref<10112x32xf32, #tpu.memory_space<vmem_shared>>
    tpu.enqueue_indirect_dma source(%dma_start3A_242 : memref<256x32xf32, #tpu.memory_space<vmem>>) target(%dma_start3A_248 : memref<10112x32xf32, #tpu.memory_space<vmem_shared>>) offsets(%dma_start3A_245 : memref<256xi32, #tpu.memory_space<vmem>>) semaphore(%arg24 : memref<!tpu.dma_semaphore, #tpu.memory_space<semaphore_mem>>) {add = true}
    %dma_wait3A_249 = arith.constant 38 : i32
    %dma_wait3A_250 = arith.constant 6 : i32
    %dma_wait3A_251 = arith.constant 0 : i32
    %dma_wait3A_252 = arith.constant 0 : i32
    %dma_wait3A_253 = tpu.memref_slice %arg10[%dma_wait3A_250, %dma_wait3A_251, %dma_wait3A_252] : memref<8x256x32xf32, #tpu.memory_space<vmem>> -> memref<1x256x32xf32, #tpu.memory_space<vmem>>
    %dma_wait3A_254 = tpu.memref_squeeze %dma_wait3A_253 : memref<1x256x32xf32, #tpu.memory_space<vmem>> -> memref<256x32xf32, #tpu.memory_space<vmem>>
    %dma_wait3A_255 = arith.constant 0 : i32
    %dma_wait3A_256 = tpu.memref_slice %arg8[%dma_wait3A_249, %dma_wait3A_255] : memref<40x256xi32, #tpu.memory_space<vmem>> -> memref<1x256xi32, #tpu.memory_space<vmem>>
    %dma_wait3A_257 = tpu.memref_squeeze %dma_wait3A_256 : memref<1x256xi32, #tpu.memory_space<vmem>> -> memref<256xi32, #tpu.memory_space<vmem>>
    %dma_wait3A_258 = arith.constant 0 : i32
    %dma_wait3A_259 = arith.constant 0 : i32
    %dma_wait3A_260 = tpu.memref_slice %arg7[%dma_wait3A_258, %dma_wait3A_259] : memref<10112x32xf32, #tpu.memory_space<vmem_shared>> -> memref<10112x32xf32, #tpu.memory_space<vmem_shared>>
    tpu.wait_indirect_dma semaphore(%arg17 : memref<!tpu.dma_semaphore, #tpu.memory_space<semaphore_mem>>) src(%dma_wait3A_260 : memref<10112x32xf32, #tpu.memory_space<vmem_shared>>) dst(%dma_wait3A_254 : memref<256x32xf32, #tpu.memory_space<vmem>>)
    %dma_start3A_261 = arith.constant 6 : i32
    %dma_start3A_262 = arith.constant 38 : i32
    %dma_start3A_263 = arith.constant 0 : i32
    %dma_start3A_264 = arith.constant 0 : i32
    %dma_start3A_265 = tpu.memref_slice %arg10[%dma_start3A_261, %dma_start3A_263, %dma_start3A_264] : memref<8x256x32xf32, #tpu.memory_space<vmem>> -> memref<1x256x32xf32, #tpu.memory_space<vmem>>
    %dma_start3A_266 = tpu.memref_squeeze %dma_start3A_265 : memref<1x256x32xf32, #tpu.memory_space<vmem>> -> memref<256x32xf32, #tpu.memory_space<vmem>>
    %dma_start3A_267 = arith.constant 0 : i32
    %dma_start3A_268 = tpu.memref_slice %arg9[%dma_start3A_262, %dma_start3A_267] : memref<40x256xi32, #tpu.memory_space<vmem>> -> memref<1x256xi32, #tpu.memory_space<vmem>>
    %dma_start3A_269 = tpu.memref_squeeze %dma_start3A_268 : memref<1x256xi32, #tpu.memory_space<vmem>> -> memref<256xi32, #tpu.memory_space<vmem>>
    %dma_start3A_270 = arith.constant 0 : i32
    %dma_start3A_271 = arith.constant 0 : i32
    %dma_start3A_272 = tpu.memref_slice %arg6[%dma_start3A_270, %dma_start3A_271] : memref<10112x32xf32, #tpu.memory_space<vmem_shared>> -> memref<10112x32xf32, #tpu.memory_space<vmem_shared>>
    tpu.enqueue_indirect_dma source(%dma_start3A_266 : memref<256x32xf32, #tpu.memory_space<vmem>>) target(%dma_start3A_272 : memref<10112x32xf32, #tpu.memory_space<vmem_shared>>) offsets(%dma_start3A_269 : memref<256xi32, #tpu.memory_space<vmem>>) semaphore(%arg25 : memref<!tpu.dma_semaphore, #tpu.memory_space<semaphore_mem>>) {add = true}
    %dma_wait3A_273 = arith.constant 39 : i32
    %dma_wait3A_274 = arith.constant 7 : i32
    %dma_wait3A_275 = arith.constant 0 : i32
    %dma_wait3A_276 = arith.constant 0 : i32
    %dma_wait3A_277 = tpu.memref_slice %arg10[%dma_wait3A_274, %dma_wait3A_275, %dma_wait3A_276] : memref<8x256x32xf32, #tpu.memory_space<vmem>> -> memref<1x256x32xf32, #tpu.memory_space<vmem>>
    %dma_wait3A_278 = tpu.memref_squeeze %dma_wait3A_277 : memref<1x256x32xf32, #tpu.memory_space<vmem>> -> memref<256x32xf32, #tpu.memory_space<vmem>>
    %dma_wait3A_279 = arith.constant 0 : i32
    %dma_wait3A_280 = tpu.memref_slice %arg8[%dma_wait3A_273, %dma_wait3A_279] : memref<40x256xi32, #tpu.memory_space<vmem>> -> memref<1x256xi32, #tpu.memory_space<vmem>>
    %dma_wait3A_281 = tpu.memref_squeeze %dma_wait3A_280 : memref<1x256xi32, #tpu.memory_space<vmem>> -> memref<256xi32, #tpu.memory_space<vmem>>
    %dma_wait3A_282 = arith.constant 0 : i32
    %dma_wait3A_283 = arith.constant 0 : i32
    %dma_wait3A_284 = tpu.memref_slice %arg7[%dma_wait3A_282, %dma_wait3A_283] : memref<10112x32xf32, #tpu.memory_space<vmem_shared>> -> memref<10112x32xf32, #tpu.memory_space<vmem_shared>>
    tpu.wait_indirect_dma semaphore(%arg18 : memref<!tpu.dma_semaphore, #tpu.memory_space<semaphore_mem>>) src(%dma_wait3A_284 : memref<10112x32xf32, #tpu.memory_space<vmem_shared>>) dst(%dma_wait3A_278 : memref<256x32xf32, #tpu.memory_space<vmem>>)
    %dma_start3A_285 = arith.constant 7 : i32
    %dma_start3A_286 = arith.constant 39 : i32
    %dma_start3A_287 = arith.constant 0 : i32
    %dma_start3A_288 = arith.constant 0 : i32
    %dma_start3A_289 = tpu.memref_slice %arg10[%dma_start3A_285, %dma_start3A_287, %dma_start3A_288] : memref<8x256x32xf32, #tpu.memory_space<vmem>> -> memref<1x256x32xf32, #tpu.memory_space<vmem>>
    %dma_start3A_290 = tpu.memref_squeeze %dma_start3A_289 : memref<1x256x32xf32, #tpu.memory_space<vmem>> -> memref<256x32xf32, #tpu.memory_space<vmem>>
    %dma_start3A_291 = arith.constant 0 : i32
    %dma_start3A_292 = tpu.memref_slice %arg9[%dma_start3A_286, %dma_start3A_291] : memref<40x256xi32, #tpu.memory_space<vmem>> -> memref<1x256xi32, #tpu.memory_space<vmem>>
    %dma_start3A_293 = tpu.memref_squeeze %dma_start3A_292 : memref<1x256xi32, #tpu.memory_space<vmem>> -> memref<256xi32, #tpu.memory_space<vmem>>
    %dma_start3A_294 = arith.constant 0 : i32
    %dma_start3A_295 = arith.constant 0 : i32
    %dma_start3A_296 = tpu.memref_slice %arg6[%dma_start3A_294, %dma_start3A_295] : memref<10112x32xf32, #tpu.memory_space<vmem_shared>> -> memref<10112x32xf32, #tpu.memory_space<vmem_shared>>
    tpu.enqueue_indirect_dma source(%dma_start3A_290 : memref<256x32xf32, #tpu.memory_space<vmem>>) target(%dma_start3A_296 : memref<10112x32xf32, #tpu.memory_space<vmem_shared>>) offsets(%dma_start3A_293 : memref<256xi32, #tpu.memory_space<vmem>>) semaphore(%arg26 : memref<!tpu.dma_semaphore, #tpu.memory_space<semaphore_mem>>) {add = true}
    %dma_wait3A_297 = arith.constant 0 : i32
    %dma_wait3A_298 = arith.constant 32 : i32
    %dma_wait3A_299 = arith.constant 0 : i32
    %dma_wait3A_300 = arith.constant 0 : i32
    %dma_wait3A_301 = tpu.memref_slice %arg10[%dma_wait3A_297, %dma_wait3A_299, %dma_wait3A_300] : memref<8x256x32xf32, #tpu.memory_space<vmem>> -> memref<1x256x32xf32, #tpu.memory_space<vmem>>
    %dma_wait3A_302 = tpu.memref_squeeze %dma_wait3A_301 : memref<1x256x32xf32, #tpu.memory_space<vmem>> -> memref<256x32xf32, #tpu.memory_space<vmem>>
    %dma_wait3A_303 = arith.constant 0 : i32
    %dma_wait3A_304 = tpu.memref_slice %arg9[%dma_wait3A_298, %dma_wait3A_303] : memref<40x256xi32, #tpu.memory_space<vmem>> -> memref<1x256xi32, #tpu.memory_space<vmem>>
    %dma_wait3A_305 = tpu.memref_squeeze %dma_wait3A_304 : memref<1x256xi32, #tpu.memory_space<vmem>> -> memref<256xi32, #tpu.memory_space<vmem>>
    %dma_wait3A_306 = arith.constant 0 : i32
    %dma_wait3A_307 = arith.constant 0 : i32
    %dma_wait3A_308 = tpu.memref_slice %arg6[%dma_wait3A_306, %dma_wait3A_307] : memref<10112x32xf32, #tpu.memory_space<vmem_shared>> -> memref<10112x32xf32, #tpu.memory_space<vmem_shared>>
    tpu.wait_indirect_dma semaphore(%arg19 : memref<!tpu.dma_semaphore, #tpu.memory_space<semaphore_mem>>) src(%dma_wait3A_302 : memref<256x32xf32, #tpu.memory_space<vmem>>) dst(%dma_wait3A_308 : memref<10112x32xf32, #tpu.memory_space<vmem_shared>>)
    %dma_wait3A_309 = arith.constant 1 : i32
    %dma_wait3A_310 = arith.constant 33 : i32
    %dma_wait3A_311 = arith.constant 0 : i32
    %dma_wait3A_312 = arith.constant 0 : i32
    %dma_wait3A_313 = tpu.memref_slice %arg10[%dma_wait3A_309, %dma_wait3A_311, %dma_wait3A_312] : memref<8x256x32xf32, #tpu.memory_space<vmem>> -> memref<1x256x32xf32, #tpu.memory_space<vmem>>
    %dma_wait3A_314 = tpu.memref_squeeze %dma_wait3A_313 : memref<1x256x32xf32, #tpu.memory_space<vmem>> -> memref<256x32xf32, #tpu.memory_space<vmem>>
    %dma_wait3A_315 = arith.constant 0 : i32
    %dma_wait3A_316 = tpu.memref_slice %arg9[%dma_wait3A_310, %dma_wait3A_315] : memref<40x256xi32, #tpu.memory_space<vmem>> -> memref<1x256xi32, #tpu.memory_space<vmem>>
    %dma_wait3A_317 = tpu.memref_squeeze %dma_wait3A_316 : memref<1x256xi32, #tpu.memory_space<vmem>> -> memref<256xi32, #tpu.memory_space<vmem>>
    %dma_wait3A_318 = arith.constant 0 : i32
    %dma_wait3A_319 = arith.constant 0 : i32
    %dma_wait3A_320 = tpu.memref_slice %arg6[%dma_wait3A_318, %dma_wait3A_319] : memref<10112x32xf32, #tpu.memory_space<vmem_shared>> -> memref<10112x32xf32, #tpu.memory_space<vmem_shared>>
    tpu.wait_indirect_dma semaphore(%arg20 : memref<!tpu.dma_semaphore, #tpu.memory_space<semaphore_mem>>) src(%dma_wait3A_314 : memref<256x32xf32, #tpu.memory_space<vmem>>) dst(%dma_wait3A_320 : memref<10112x32xf32, #tpu.memory_space<vmem_shared>>)
    %dma_wait3A_321 = arith.constant 2 : i32
    %dma_wait3A_322 = arith.constant 34 : i32
    %dma_wait3A_323 = arith.constant 0 : i32
    %dma_wait3A_324 = arith.constant 0 : i32
    %dma_wait3A_325 = tpu.memref_slice %arg10[%dma_wait3A_321, %dma_wait3A_323, %dma_wait3A_324] : memref<8x256x32xf32, #tpu.memory_space<vmem>> -> memref<1x256x32xf32, #tpu.memory_space<vmem>>
    %dma_wait3A_326 = tpu.memref_squeeze %dma_wait3A_325 : memref<1x256x32xf32, #tpu.memory_space<vmem>> -> memref<256x32xf32, #tpu.memory_space<vmem>>
    %dma_wait3A_327 = arith.constant 0 : i32
    %dma_wait3A_328 = tpu.memref_slice %arg9[%dma_wait3A_322, %dma_wait3A_327] : memref<40x256xi32, #tpu.memory_space<vmem>> -> memref<1x256xi32, #tpu.memory_space<vmem>>
    %dma_wait3A_329 = tpu.memref_squeeze %dma_wait3A_328 : memref<1x256xi32, #tpu.memory_space<vmem>> -> memref<256xi32, #tpu.memory_space<vmem>>
    %dma_wait3A_330 = arith.constant 0 : i32
    %dma_wait3A_331 = arith.constant 0 : i32
    %dma_wait3A_332 = tpu.memref_slice %arg6[%dma_wait3A_330, %dma_wait3A_331] : memref<10112x32xf32, #tpu.memory_space<vmem_shared>> -> memref<10112x32xf32, #tpu.memory_space<vmem_shared>>
    tpu.wait_indirect_dma semaphore(%arg21 : memref<!tpu.dma_semaphore, #tpu.memory_space<semaphore_mem>>) src(%dma_wait3A_326 : memref<256x32xf32, #tpu.memory_space<vmem>>) dst(%dma_wait3A_332 : memref<10112x32xf32, #tpu.memory_space<vmem_shared>>)
    %dma_wait3A_333 = arith.constant 3 : i32
    %dma_wait3A_334 = arith.constant 35 : i32
    %dma_wait3A_335 = arith.constant 0 : i32
    %dma_wait3A_336 = arith.constant 0 : i32
    %dma_wait3A_337 = tpu.memref_slice %arg10[%dma_wait3A_333, %dma_wait3A_335, %dma_wait3A_336] : memref<8x256x32xf32, #tpu.memory_space<vmem>> -> memref<1x256x32xf32, #tpu.memory_space<vmem>>
    %dma_wait3A_338 = tpu.memref_squeeze %dma_wait3A_337 : memref<1x256x32xf32, #tpu.memory_space<vmem>> -> memref<256x32xf32, #tpu.memory_space<vmem>>
    %dma_wait3A_339 = arith.constant 0 : i32
    %dma_wait3A_340 = tpu.memref_slice %arg9[%dma_wait3A_334, %dma_wait3A_339] : memref<40x256xi32, #tpu.memory_space<vmem>> -> memref<1x256xi32, #tpu.memory_space<vmem>>
    %dma_wait3A_341 = tpu.memref_squeeze %dma_wait3A_340 : memref<1x256xi32, #tpu.memory_space<vmem>> -> memref<256xi32, #tpu.memory_space<vmem>>
    %dma_wait3A_342 = arith.constant 0 : i32
    %dma_wait3A_343 = arith.constant 0 : i32
    %dma_wait3A_344 = tpu.memref_slice %arg6[%dma_wait3A_342, %dma_wait3A_343] : memref<10112x32xf32, #tpu.memory_space<vmem_shared>> -> memref<10112x32xf32, #tpu.memory_space<vmem_shared>>
    tpu.wait_indirect_dma semaphore(%arg22 : memref<!tpu.dma_semaphore, #tpu.memory_space<semaphore_mem>>) src(%dma_wait3A_338 : memref<256x32xf32, #tpu.memory_space<vmem>>) dst(%dma_wait3A_344 : memref<10112x32xf32, #tpu.memory_space<vmem_shared>>)
    %dma_wait3A_345 = arith.constant 4 : i32
    %dma_wait3A_346 = arith.constant 36 : i32
    %dma_wait3A_347 = arith.constant 0 : i32
    %dma_wait3A_348 = arith.constant 0 : i32
    %dma_wait3A_349 = tpu.memref_slice %arg10[%dma_wait3A_345, %dma_wait3A_347, %dma_wait3A_348] : memref<8x256x32xf32, #tpu.memory_space<vmem>> -> memref<1x256x32xf32, #tpu.memory_space<vmem>>
    %dma_wait3A_350 = tpu.memref_squeeze %dma_wait3A_349 : memref<1x256x32xf32, #tpu.memory_space<vmem>> -> memref<256x32xf32, #tpu.memory_space<vmem>>
    %dma_wait3A_351 = arith.constant 0 : i32
    %dma_wait3A_352 = tpu.memref_slice %arg9[%dma_wait3A_346, %dma_wait3A_351] : memref<40x256xi32, #tpu.memory_space<vmem>> -> memref<1x256xi32, #tpu.memory_space<vmem>>
    %dma_wait3A_353 = tpu.memref_squeeze %dma_wait3A_352 : memref<1x256xi32, #tpu.memory_space<vmem>> -> memref<256xi32, #tpu.memory_space<vmem>>
    %dma_wait3A_354 = arith.constant 0 : i32
    %dma_wait3A_355 = arith.constant 0 : i32
    %dma_wait3A_356 = tpu.memref_slice %arg6[%dma_wait3A_354, %dma_wait3A_355] : memref<10112x32xf32, #tpu.memory_space<vmem_shared>> -> memref<10112x32xf32, #tpu.memory_space<vmem_shared>>
    tpu.wait_indirect_dma semaphore(%arg23 : memref<!tpu.dma_semaphore, #tpu.memory_space<semaphore_mem>>) src(%dma_wait3A_350 : memref<256x32xf32, #tpu.memory_space<vmem>>) dst(%dma_wait3A_356 : memref<10112x32xf32, #tpu.memory_space<vmem_shared>>)
    %dma_wait3A_357 = arith.constant 5 : i32
    %dma_wait3A_358 = arith.constant 37 : i32
    %dma_wait3A_359 = arith.constant 0 : i32
    %dma_wait3A_360 = arith.constant 0 : i32
    %dma_wait3A_361 = tpu.memref_slice %arg10[%dma_wait3A_357, %dma_wait3A_359, %dma_wait3A_360] : memref<8x256x32xf32, #tpu.memory_space<vmem>> -> memref<1x256x32xf32, #tpu.memory_space<vmem>>
    %dma_wait3A_362 = tpu.memref_squeeze %dma_wait3A_361 : memref<1x256x32xf32, #tpu.memory_space<vmem>> -> memref<256x32xf32, #tpu.memory_space<vmem>>
    %dma_wait3A_363 = arith.constant 0 : i32
    %dma_wait3A_364 = tpu.memref_slice %arg9[%dma_wait3A_358, %dma_wait3A_363] : memref<40x256xi32, #tpu.memory_space<vmem>> -> memref<1x256xi32, #tpu.memory_space<vmem>>
    %dma_wait3A_365 = tpu.memref_squeeze %dma_wait3A_364 : memref<1x256xi32, #tpu.memory_space<vmem>> -> memref<256xi32, #tpu.memory_space<vmem>>
    %dma_wait3A_366 = arith.constant 0 : i32
    %dma_wait3A_367 = arith.constant 0 : i32
    %dma_wait3A_368 = tpu.memref_slice %arg6[%dma_wait3A_366, %dma_wait3A_367] : memref<10112x32xf32, #tpu.memory_space<vmem_shared>> -> memref<10112x32xf32, #tpu.memory_space<vmem_shared>>
    tpu.wait_indirect_dma semaphore(%arg24 : memref<!tpu.dma_semaphore, #tpu.memory_space<semaphore_mem>>) src(%dma_wait3A_362 : memref<256x32xf32, #tpu.memory_space<vmem>>) dst(%dma_wait3A_368 : memref<10112x32xf32, #tpu.memory_space<vmem_shared>>)
    %dma_wait3A_369 = arith.constant 6 : i32
    %dma_wait3A_370 = arith.constant 38 : i32
    %dma_wait3A_371 = arith.constant 0 : i32
    %dma_wait3A_372 = arith.constant 0 : i32
    %dma_wait3A_373 = tpu.memref_slice %arg10[%dma_wait3A_369, %dma_wait3A_371, %dma_wait3A_372] : memref<8x256x32xf32, #tpu.memory_space<vmem>> -> memref<1x256x32xf32, #tpu.memory_space<vmem>>
    %dma_wait3A_374 = tpu.memref_squeeze %dma_wait3A_373 : memref<1x256x32xf32, #tpu.memory_space<vmem>> -> memref<256x32xf32, #tpu.memory_space<vmem>>
    %dma_wait3A_375 = arith.constant 0 : i32
    %dma_wait3A_376 = tpu.memref_slice %arg9[%dma_wait3A_370, %dma_wait3A_375] : memref<40x256xi32, #tpu.memory_space<vmem>> -> memref<1x256xi32, #tpu.memory_space<vmem>>
    %dma_wait3A_377 = tpu.memref_squeeze %dma_wait3A_376 : memref<1x256xi32, #tpu.memory_space<vmem>> -> memref<256xi32, #tpu.memory_space<vmem>>
    %dma_wait3A_378 = arith.constant 0 : i32
    %dma_wait3A_379 = arith.constant 0 : i32
    %dma_wait3A_380 = tpu.memref_slice %arg6[%dma_wait3A_378, %dma_wait3A_379] : memref<10112x32xf32, #tpu.memory_space<vmem_shared>> -> memref<10112x32xf32, #tpu.memory_space<vmem_shared>>
    tpu.wait_indirect_dma semaphore(%arg25 : memref<!tpu.dma_semaphore, #tpu.memory_space<semaphore_mem>>) src(%dma_wait3A_374 : memref<256x32xf32, #tpu.memory_space<vmem>>) dst(%dma_wait3A_380 : memref<10112x32xf32, #tpu.memory_space<vmem_shared>>)
    %dma_wait3A_381 = arith.constant 7 : i32
    %dma_wait3A_382 = arith.constant 39 : i32
    %dma_wait3A_383 = arith.constant 0 : i32
    %dma_wait3A_384 = arith.constant 0 : i32
    %dma_wait3A_385 = tpu.memref_slice %arg10[%dma_wait3A_381, %dma_wait3A_383, %dma_wait3A_384] : memref<8x256x32xf32, #tpu.memory_space<vmem>> -> memref<1x256x32xf32, #tpu.memory_space<vmem>>
    %dma_wait3A_386 = tpu.memref_squeeze %dma_wait3A_385 : memref<1x256x32xf32, #tpu.memory_space<vmem>> -> memref<256x32xf32, #tpu.memory_space<vmem>>
    %dma_wait3A_387 = arith.constant 0 : i32
    %dma_wait3A_388 = tpu.memref_slice %arg9[%dma_wait3A_382, %dma_wait3A_387] : memref<40x256xi32, #tpu.memory_space<vmem>> -> memref<1x256xi32, #tpu.memory_space<vmem>>
    %dma_wait3A_389 = tpu.memref_squeeze %dma_wait3A_388 : memref<1x256xi32, #tpu.memory_space<vmem>> -> memref<256xi32, #tpu.memory_space<vmem>>
    %dma_wait3A_390 = arith.constant 0 : i32
    %dma_wait3A_391 = arith.constant 0 : i32
    %dma_wait3A_392 = tpu.memref_slice %arg6[%dma_wait3A_390, %dma_wait3A_391] : memref<10112x32xf32, #tpu.memory_space<vmem_shared>> -> memref<10112x32xf32, #tpu.memory_space<vmem_shared>>
    tpu.wait_indirect_dma semaphore(%arg26 : memref<!tpu.dma_semaphore, #tpu.memory_space<semaphore_mem>>) src(%dma_wait3A_386 : memref<256x32xf32, #tpu.memory_space<vmem>>) dst(%dma_wait3A_392 : memref<10112x32xf32, #tpu.memory_space<vmem_shared>>)
    %barrier3A_393 = arith.constant 0 : index
    tpu.barrier barrier_id(%barrier3A_393)
    "tpu.region"() ({
      %run_scoped3A = tpu.sem_alloc : memref<!tpu.dma_semaphore, #tpu.memory_space<semaphore_mem>>
      %dma_start3A_394 = arith.constant 0 : i32
      %dma_start3A_395 = tpu.memref_slice %arg5[%arg0, %mul3A_2, %dma_start3A_394] : memref<2x10112x32xf32, #tpu.memory_space<hbm>> -> memref<1x632x32xf32, #tpu.memory_space<hbm>>
      %dma_start3A_396 = tpu.memref_squeeze %dma_start3A_395 : memref<1x632x32xf32, #tpu.memory_space<hbm>> -> memref<632x32xf32, #tpu.memory_space<hbm>>
      %dma_start3A_397 = arith.constant 0 : i32
      %dma_start3A_398 = tpu.memref_slice %arg6[%mul3A_2, %dma_start3A_397] : memref<10112x32xf32, #tpu.memory_space<vmem_shared>> -> memref<632x32xf32, #tpu.memory_space<vmem_shared>>
      tpu.enqueue_dma source(%dma_start3A_398 : memref<632x32xf32, #tpu.memory_space<vmem_shared>>) target(%dma_start3A_396 : memref<632x32xf32, #tpu.memory_space<hbm>>) target_semaphore(%run_scoped3A : memref<!tpu.dma_semaphore, #tpu.memory_space<semaphore_mem>>)
      %dma_wait3A_399 = arith.constant 0 : i32
      %dma_wait3A_400 = tpu.memref_slice %arg5[%arg0, %mul3A_2, %dma_wait3A_399] : memref<2x10112x32xf32, #tpu.memory_space<hbm>> -> memref<1x632x32xf32, #tpu.memory_space<hbm>>
      %dma_wait3A_401 = tpu.memref_squeeze %dma_wait3A_400 : memref<1x632x32xf32, #tpu.memory_space<hbm>> -> memref<632x32xf32, #tpu.memory_space<hbm>>
      %dma_wait3A_402 = arith.constant 0 : i32
      %dma_wait3A_403 = tpu.memref_slice %arg6[%mul3A_2, %dma_wait3A_402] : memref<10112x32xf32, #tpu.memory_space<vmem_shared>> -> memref<632x32xf32, #tpu.memory_space<vmem_shared>>
      tpu.wait_dma2 semaphore(%run_scoped3A : memref<!tpu.dma_semaphore, #tpu.memory_space<semaphore_mem>>) src(%dma_wait3A_403 : memref<632x32xf32, #tpu.memory_space<vmem_shared>>) dst(%dma_wait3A_401 : memref<632x32xf32, #tpu.memory_space<hbm>>)
      tpu.yield
    }) : () -> ()
    return
  }
}

#map = affine_map<(d0, d1) -> (0, 0)>
#map1 = affine_map<(d0, d1) -> (0, 0, 0)>
module attributes {stable_mosaic.version = 14 : i64} {
  func.func @kern(%arg0: i32, %arg1: i32, %arg2: memref<20224x32xf32, #tpu.memory_space<hbm>>, %arg3: memref<32x40x256xi32, #tpu.memory_space<hbm>>, %arg4: memref<32x40x256xi32, #tpu.memory_space<hbm>>, %arg5: memref<2x10112x32xf32, #tpu.memory_space<hbm>>, %arg6: memref<10112x32xf32, #tpu.memory_space<vmem_shared>>, %arg7: memref<10112x32xf32, #tpu.memory_space<vmem_shared>>, %arg8: memref<40x256xi32, #tpu.memory_space<vmem>>, %arg9: memref<40x256xi32, #tpu.memory_space<vmem>>, %arg10: memref<8x256x32xf32, #tpu.memory_space<vmem>>, %arg11: memref<!tpu.dma_semaphore, #tpu.memory_space<semaphore_mem>>, %arg12: memref<!tpu.dma_semaphore, #tpu.memory_space<semaphore_mem>>, %arg13: memref<!tpu.dma_semaphore, #tpu.memory_space<semaphore_mem>>, %arg14: memref<!tpu.dma_semaphore, #tpu.memory_space<semaphore_mem>>, %arg15: memref<!tpu.dma_semaphore, #tpu.memory_space<semaphore_mem>>, %arg16: memref<!tpu.dma_semaphore, #tpu.memory_space<semaphore_mem>>, %arg17: memref<!tpu.dma_semaphore, #tpu.memory_space<semaphore_mem>>, %arg18: memref<!tpu.dma_semaphore, #tpu.memory_space<semaphore_mem>>, %arg19: memref<!tpu.dma_semaphore, #tpu.memory_space<semaphore_mem>>, %arg20: memref<!tpu.dma_semaphore, #tpu.memory_space<semaphore_mem>>, %arg21: memref<!tpu.dma_semaphore, #tpu.memory_space<semaphore_mem>>, %arg22: memref<!tpu.dma_semaphore, #tpu.memory_space<semaphore_mem>>, %arg23: memref<!tpu.dma_semaphore, #tpu.memory_space<semaphore_mem>>, %arg24: memref<!tpu.dma_semaphore, #tpu.memory_space<semaphore_mem>>, %arg25: memref<!tpu.dma_semaphore, #tpu.memory_space<semaphore_mem>>, %arg26: memref<!tpu.dma_semaphore, #tpu.memory_space<semaphore_mem>>) attributes {dimension_semantics = [#tpu.dimension_semantics<core_parallel>, #tpu.dimension_semantics<subcore_parallel>], iteration_bounds = array<i64: 2, 16>, scalar_prefetch = 0 : i64, scratch_operands = 21 : i64, tpu.core_type = #tpu.core_type<sc_vector_subcore>, window_params = [{transform_indices = #map}, {transform_indices = #map1}, {transform_indices = #map1}, {transform_indices = #map1}]} {
    %mul3A = arith.constant 2 : i32
    %mul3A_0 = arith.muli %arg1, %mul3A : i32
    %add3A = arith.addi %mul3A_0, %arg0 : i32
    %mul3A_1 = arith.constant 632 : i32
    %mul3A_2 = arith.muli %arg1, %mul3A_1 : i32
    %mul3A_3 = arith.constant 10112 : i32
    %mul3A_4 = arith.muli %arg0, %mul3A_3 : i32
    %add3A_5 = arith.addi %mul3A_4, %mul3A_2 : i32
    "tpu.region"() ({
      %run_scoped3A = tpu.sem_alloc : memref<!tpu.dma_semaphore, #tpu.memory_space<semaphore_mem>>
      %dma_start3A_394 = arith.constant 0 : i32
      %dma_start3A_395 = tpu.memref_slice %arg6[%mul3A_2, %dma_start3A_394] : memref<10112x32xf32, #tpu.memory_space<vmem_shared>> -> memref<632x32xf32, #tpu.memory_space<vmem_shared>>
      %dma_start3A_396 = arith.constant 0 : i32
      %dma_start3A_397 = tpu.memref_slice %arg2[%add3A_5, %dma_start3A_396] : memref<20224x32xf32, #tpu.memory_space<hbm>> -> memref<632x32xf32, #tpu.memory_space<hbm>>
      tpu.enqueue_dma source(%dma_start3A_397 : memref<632x32xf32, #tpu.memory_space<hbm>>) target(%dma_start3A_395 : memref<632x32xf32, #tpu.memory_space<vmem_shared>>) target_semaphore(%run_scoped3A : memref<!tpu.dma_semaphore, #tpu.memory_space<semaphore_mem>>)
      %dma_wait3A_398 = arith.constant 0 : i32
      %dma_wait3A_399 = tpu.memref_slice %arg6[%mul3A_2, %dma_wait3A_398] : memref<10112x32xf32, #tpu.memory_space<vmem_shared>> -> memref<632x32xf32, #tpu.memory_space<vmem_shared>>
      %dma_wait3A_400 = arith.constant 0 : i32
      %dma_wait3A_401 = tpu.memref_slice %arg2[%add3A_5, %dma_wait3A_400] : memref<20224x32xf32, #tpu.memory_space<hbm>> -> memref<632x32xf32, #tpu.memory_space<hbm>>
      tpu.wait_dma2 semaphore(%run_scoped3A : memref<!tpu.dma_semaphore, #tpu.memory_space<semaphore_mem>>) src(%dma_wait3A_401 : memref<632x32xf32, #tpu.memory_space<hbm>>) dst(%dma_wait3A_399 : memref<632x32xf32, #tpu.memory_space<vmem_shared>>)
      tpu.yield
    }) : () -> ()
    "tpu.region"() ({
      %run_scoped3A = tpu.sem_alloc : memref<!tpu.dma_semaphore, #tpu.memory_space<semaphore_mem>>
      %dma_start3A_394 = arith.constant 0 : i32
      %dma_start3A_395 = tpu.memref_slice %arg7[%mul3A_2, %dma_start3A_394] : memref<10112x32xf32, #tpu.memory_space<vmem_shared>> -> memref<632x32xf32, #tpu.memory_space<vmem_shared>>
      %dma_start3A_396 = arith.constant 0 : i32
      %dma_start3A_397 = tpu.memref_slice %arg2[%mul3A_2, %dma_start3A_396] : memref<20224x32xf32, #tpu.memory_space<hbm>> -> memref<632x32xf32, #tpu.memory_space<hbm>>
      tpu.enqueue_dma source(%dma_start3A_397 : memref<632x32xf32, #tpu.memory_space<hbm>>) target(%dma_start3A_395 : memref<632x32xf32, #tpu.memory_space<vmem_shared>>) target_semaphore(%run_scoped3A : memref<!tpu.dma_semaphore, #tpu.memory_space<semaphore_mem>>)
      %dma_wait3A_398 = arith.constant 0 : i32
      %dma_wait3A_399 = tpu.memref_slice %arg7[%mul3A_2, %dma_wait3A_398] : memref<10112x32xf32, #tpu.memory_space<vmem_shared>> -> memref<632x32xf32, #tpu.memory_space<vmem_shared>>
      %dma_wait3A_400 = arith.constant 0 : i32
      %dma_wait3A_401 = tpu.memref_slice %arg2[%mul3A_2, %dma_wait3A_400] : memref<20224x32xf32, #tpu.memory_space<hbm>> -> memref<632x32xf32, #tpu.memory_space<hbm>>
      tpu.wait_dma2 semaphore(%run_scoped3A : memref<!tpu.dma_semaphore, #tpu.memory_space<semaphore_mem>>) src(%dma_wait3A_401 : memref<632x32xf32, #tpu.memory_space<hbm>>) dst(%dma_wait3A_399 : memref<632x32xf32, #tpu.memory_space<vmem_shared>>)
      tpu.yield
    }) : () -> ()
    "tpu.region"() ({
      %run_scoped3A = tpu.sem_alloc : memref<!tpu.dma_semaphore, #tpu.memory_space<semaphore_mem>>
      %dma_start3A_394 = arith.constant 0 : i32
      %dma_start3A_395 = arith.constant 0 : i32
      %dma_start3A_396 = tpu.memref_slice %arg3[%add3A, %dma_start3A_394, %dma_start3A_395] : memref<32x40x256xi32, #tpu.memory_space<hbm>> -> memref<1x40x256xi32, #tpu.memory_space<hbm>>
      %dma_start3A_397 = tpu.memref_squeeze %dma_start3A_396 : memref<1x40x256xi32, #tpu.memory_space<hbm>> -> memref<40x256xi32, #tpu.memory_space<hbm>>
      %dma_start3A_398 = arith.constant 0 : i32
      %dma_start3A_399 = arith.constant 0 : i32
      %dma_start3A_400 = tpu.memref_slice %arg3[%add3A, %dma_start3A_398, %dma_start3A_399] : memref<32x40x256xi32, #tpu.memory_space<hbm>> -> memref<1x40x256xi32, #tpu.memory_space<hbm>>
      %dma_start3A_401 = tpu.memref_squeeze %dma_start3A_400 : memref<1x40x256xi32, #tpu.memory_space<hbm>> -> memref<40x256xi32, #tpu.memory_space<hbm>>
      tpu.enqueue_dma source(%dma_start3A_401 : memref<40x256xi32, #tpu.memory_space<hbm>>) target(%arg8 : memref<40x256xi32, #tpu.memory_space<vmem>>) target_semaphore(%run_scoped3A : memref<!tpu.dma_semaphore, #tpu.memory_space<semaphore_mem>>)
      %dma_wait3A_402 = arith.constant 0 : i32
      %dma_wait3A_403 = arith.constant 0 : i32
      %dma_wait3A_404 = tpu.memref_slice %arg3[%add3A, %dma_wait3A_402, %dma_wait3A_403] : memref<32x40x256xi32, #tpu.memory_space<hbm>> -> memref<1x40x256xi32, #tpu.memory_space<hbm>>
      %dma_wait3A_405 = tpu.memref_squeeze %dma_wait3A_404 : memref<1x40x256xi32, #tpu.memory_space<hbm>> -> memref<40x256xi32, #tpu.memory_space<hbm>>
      %dma_wait3A_406 = arith.constant 0 : i32
      %dma_wait3A_407 = arith.constant 0 : i32
      %dma_wait3A_408 = tpu.memref_slice %arg3[%add3A, %dma_wait3A_406, %dma_wait3A_407] : memref<32x40x256xi32, #tpu.memory_space<hbm>> -> memref<1x40x256xi32, #tpu.memory_space<hbm>>
      %dma_wait3A_409 = tpu.memref_squeeze %dma_wait3A_408 : memref<1x40x256xi32, #tpu.memory_space<hbm>> -> memref<40x256xi32, #tpu.memory_space<hbm>>
      tpu.wait_dma2 semaphore(%run_scoped3A : memref<!tpu.dma_semaphore, #tpu.memory_space<semaphore_mem>>) src(%dma_wait3A_409 : memref<40x256xi32, #tpu.memory_space<hbm>>) dst(%arg8 : memref<40x256xi32, #tpu.memory_space<vmem>>)
      tpu.yield
    }) : () -> ()
    "tpu.region"() ({
      %run_scoped3A = tpu.sem_alloc : memref<!tpu.dma_semaphore, #tpu.memory_space<semaphore_mem>>
      %dma_start3A_394 = arith.constant 0 : i32
      %dma_start3A_395 = arith.constant 0 : i32
      %dma_start3A_396 = tpu.memref_slice %arg4[%add3A, %dma_start3A_394, %dma_start3A_395] : memref<32x40x256xi32, #tpu.memory_space<hbm>> -> memref<1x40x256xi32, #tpu.memory_space<hbm>>
      %dma_start3A_397 = tpu.memref_squeeze %dma_start3A_396 : memref<1x40x256xi32, #tpu.memory_space<hbm>> -> memref<40x256xi32, #tpu.memory_space<hbm>>
      %dma_start3A_398 = arith.constant 0 : i32
      %dma_start3A_399 = arith.constant 0 : i32
      %dma_start3A_400 = tpu.memref_slice %arg4[%add3A, %dma_start3A_398, %dma_start3A_399] : memref<32x40x256xi32, #tpu.memory_space<hbm>> -> memref<1x40x256xi32, #tpu.memory_space<hbm>>
      %dma_start3A_401 = tpu.memref_squeeze %dma_start3A_400 : memref<1x40x256xi32, #tpu.memory_space<hbm>> -> memref<40x256xi32, #tpu.memory_space<hbm>>
      tpu.enqueue_dma source(%dma_start3A_401 : memref<40x256xi32, #tpu.memory_space<hbm>>) target(%arg9 : memref<40x256xi32, #tpu.memory_space<vmem>>) target_semaphore(%run_scoped3A : memref<!tpu.dma_semaphore, #tpu.memory_space<semaphore_mem>>)
      %dma_wait3A_402 = arith.constant 0 : i32
      %dma_wait3A_403 = arith.constant 0 : i32
      %dma_wait3A_404 = tpu.memref_slice %arg4[%add3A, %dma_wait3A_402, %dma_wait3A_403] : memref<32x40x256xi32, #tpu.memory_space<hbm>> -> memref<1x40x256xi32, #tpu.memory_space<hbm>>
      %dma_wait3A_405 = tpu.memref_squeeze %dma_wait3A_404 : memref<1x40x256xi32, #tpu.memory_space<hbm>> -> memref<40x256xi32, #tpu.memory_space<hbm>>
      %dma_wait3A_406 = arith.constant 0 : i32
      %dma_wait3A_407 = arith.constant 0 : i32
      %dma_wait3A_408 = tpu.memref_slice %arg4[%add3A, %dma_wait3A_406, %dma_wait3A_407] : memref<32x40x256xi32, #tpu.memory_space<hbm>> -> memref<1x40x256xi32, #tpu.memory_space<hbm>>
      %dma_wait3A_409 = tpu.memref_squeeze %dma_wait3A_408 : memref<1x40x256xi32, #tpu.memory_space<hbm>> -> memref<40x256xi32, #tpu.memory_space<hbm>>
      tpu.wait_dma2 semaphore(%run_scoped3A : memref<!tpu.dma_semaphore, #tpu.memory_space<semaphore_mem>>) src(%dma_wait3A_409 : memref<40x256xi32, #tpu.memory_space<hbm>>) dst(%arg9 : memref<40x256xi32, #tpu.memory_space<vmem>>)
      tpu.yield
    }) : () -> ()
    %barrier3A = arith.constant 0 : index
    tpu.barrier barrier_id(%barrier3A)
    %dma_start3A = arith.constant 0 : i32
    %dma_start3A_6 = arith.constant 0 : i32
    %dma_start3A_7 = arith.constant 0 : i32
    %dma_start3A_8 = arith.constant 0 : i32
    %dma_start3A_9 = tpu.memref_slice %arg10[%dma_start3A_6, %dma_start3A_7, %dma_start3A_8] : memref<8x256x32xf32, #tpu.memory_space<vmem>> -> memref<1x256x32xf32, #tpu.memory_space<vmem>>
    %dma_start3A_10 = tpu.memref_squeeze %dma_start3A_9 : memref<1x256x32xf32, #tpu.memory_space<vmem>> -> memref<256x32xf32, #tpu.memory_space<vmem>>
    %dma_start3A_11 = arith.constant 0 : i32
    %dma_start3A_12 = tpu.memref_slice %arg8[%dma_start3A, %dma_start3A_11] : memref<40x256xi32, #tpu.memory_space<vmem>> -> memref<1x256xi32, #tpu.memory_space<vmem>>
    %dma_start3A_13 = tpu.memref_squeeze %dma_start3A_12 : memref<1x256xi32, #tpu.memory_space<vmem>> -> memref<256xi32, #tpu.memory_space<vmem>>
    %dma_start3A_14 = arith.constant 0 : i32
    %dma_start3A_15 = arith.constant 0 : i32
    %dma_start3A_16 = tpu.memref_slice %arg7[%dma_start3A_14, %dma_start3A_15] : memref<10112x32xf32, #tpu.memory_space<vmem_shared>> -> memref<10112x32xf32, #tpu.memory_space<vmem_shared>>
    tpu.enqueue_indirect_dma source(%dma_start3A_16 : memref<10112x32xf32, #tpu.memory_space<vmem_shared>>) target(%dma_start3A_10 : memref<256x32xf32, #tpu.memory_space<vmem>>) offsets(%dma_start3A_13 : memref<256xi32, #tpu.memory_space<vmem>>) semaphore(%arg11 : memref<!tpu.dma_semaphore, #tpu.memory_space<semaphore_mem>>)
    %dma_start3A_17 = arith.constant 1 : i32
    %dma_start3A_18 = arith.constant 1 : i32
    %dma_start3A_19 = arith.constant 0 : i32
    %dma_start3A_20 = arith.constant 0 : i32
    %dma_start3A_21 = tpu.memref_slice %arg10[%dma_start3A_18, %dma_start3A_19, %dma_start3A_20] : memref<8x256x32xf32, #tpu.memory_space<vmem>> -> memref<1x256x32xf32, #tpu.memory_space<vmem>>
    %dma_start3A_22 = tpu.memref_squeeze %dma_start3A_21 : memref<1x256x32xf32, #tpu.memory_space<vmem>> -> memref<256x32xf32, #tpu.memory_space<vmem>>
    %dma_start3A_23 = arith.constant 0 : i32
    %dma_start3A_24 = tpu.memref_slice %arg8[%dma_start3A_17, %dma_start3A_23] : memref<40x256xi32, #tpu.memory_space<vmem>> -> memref<1x256xi32, #tpu.memory_space<vmem>>
    %dma_start3A_25 = tpu.memref_squeeze %dma_start3A_24 : memref<1x256xi32, #tpu.memory_space<vmem>> -> memref<256xi32, #tpu.memory_space<vmem>>
    %dma_start3A_26 = arith.constant 0 : i32
    %dma_start3A_27 = arith.constant 0 : i32
    %dma_start3A_28 = tpu.memref_slice %arg7[%dma_start3A_26, %dma_start3A_27] : memref<10112x32xf32, #tpu.memory_space<vmem_shared>> -> memref<10112x32xf32, #tpu.memory_space<vmem_shared>>
    tpu.enqueue_indirect_dma source(%dma_start3A_28 : memref<10112x32xf32, #tpu.memory_space<vmem_shared>>) target(%dma_start3A_22 : memref<256x32xf32, #tpu.memory_space<vmem>>) offsets(%dma_start3A_25 : memref<256xi32, #tpu.memory_space<vmem>>) semaphore(%arg12 : memref<!tpu.dma_semaphore, #tpu.memory_space<semaphore_mem>>)
    %dma_start3A_29 = arith.constant 2 : i32
    %dma_start3A_30 = arith.constant 2 : i32
    %dma_start3A_31 = arith.constant 0 : i32
    %dma_start3A_32 = arith.constant 0 : i32
    %dma_start3A_33 = tpu.memref_slice %arg10[%dma_start3A_30, %dma_start3A_31, %dma_start3A_32] : memref<8x256x32xf32, #tpu.memory_space<vmem>> -> memref<1x256x32xf32, #tpu.memory_space<vmem>>
    %dma_start3A_34 = tpu.memref_squeeze %dma_start3A_33 : memref<1x256x32xf32, #tpu.memory_space<vmem>> -> memref<256x32xf32, #tpu.memory_space<vmem>>
    %dma_start3A_35 = arith.constant 0 : i32
    %dma_start3A_36 = tpu.memref_slice %arg8[%dma_start3A_29, %dma_start3A_35] : memref<40x256xi32, #tpu.memory_space<vmem>> -> memref<1x256xi32, #tpu.memory_space<vmem>>
    %dma_start3A_37 = tpu.memref_squeeze %dma_start3A_36 : memref<1x256xi32, #tpu.memory_space<vmem>> -> memref<256xi32, #tpu.memory_space<vmem>>
    %dma_start3A_38 = arith.constant 0 : i32
    %dma_start3A_39 = arith.constant 0 : i32
    %dma_start3A_40 = tpu.memref_slice %arg7[%dma_start3A_38, %dma_start3A_39] : memref<10112x32xf32, #tpu.memory_space<vmem_shared>> -> memref<10112x32xf32, #tpu.memory_space<vmem_shared>>
    tpu.enqueue_indirect_dma source(%dma_start3A_40 : memref<10112x32xf32, #tpu.memory_space<vmem_shared>>) target(%dma_start3A_34 : memref<256x32xf32, #tpu.memory_space<vmem>>) offsets(%dma_start3A_37 : memref<256xi32, #tpu.memory_space<vmem>>) semaphore(%arg13 : memref<!tpu.dma_semaphore, #tpu.memory_space<semaphore_mem>>)
    %dma_start3A_41 = arith.constant 3 : i32
    %dma_start3A_42 = arith.constant 3 : i32
    %dma_start3A_43 = arith.constant 0 : i32
    %dma_start3A_44 = arith.constant 0 : i32
    %dma_start3A_45 = tpu.memref_slice %arg10[%dma_start3A_42, %dma_start3A_43, %dma_start3A_44] : memref<8x256x32xf32, #tpu.memory_space<vmem>> -> memref<1x256x32xf32, #tpu.memory_space<vmem>>
    %dma_start3A_46 = tpu.memref_squeeze %dma_start3A_45 : memref<1x256x32xf32, #tpu.memory_space<vmem>> -> memref<256x32xf32, #tpu.memory_space<vmem>>
    %dma_start3A_47 = arith.constant 0 : i32
    %dma_start3A_48 = tpu.memref_slice %arg8[%dma_start3A_41, %dma_start3A_47] : memref<40x256xi32, #tpu.memory_space<vmem>> -> memref<1x256xi32, #tpu.memory_space<vmem>>
    %dma_start3A_49 = tpu.memref_squeeze %dma_start3A_48 : memref<1x256xi32, #tpu.memory_space<vmem>> -> memref<256xi32, #tpu.memory_space<vmem>>
    %dma_start3A_50 = arith.constant 0 : i32
    %dma_start3A_51 = arith.constant 0 : i32
    %dma_start3A_52 = tpu.memref_slice %arg7[%dma_start3A_50, %dma_start3A_51] : memref<10112x32xf32, #tpu.memory_space<vmem_shared>> -> memref<10112x32xf32, #tpu.memory_space<vmem_shared>>
    tpu.enqueue_indirect_dma source(%dma_start3A_52 : memref<10112x32xf32, #tpu.memory_space<vmem_shared>>) target(%dma_start3A_46 : memref<256x32xf32, #tpu.memory_space<vmem>>) offsets(%dma_start3A_49 : memref<256xi32, #tpu.memory_space<vmem>>) semaphore(%arg14 : memref<!tpu.dma_semaphore, #tpu.memory_space<semaphore_mem>>)
    %dma_wait3A = arith.constant 0 : i32
    %dma_wait3A_53 = arith.constant 0 : i32
    %dma_wait3A_54 = arith.constant 0 : i32
    %dma_wait3A_55 = arith.constant 0 : i32
    %dma_wait3A_56 = tpu.memref_slice %arg10[%dma_wait3A_53, %dma_wait3A_54, %dma_wait3A_55] : memref<8x256x32xf32, #tpu.memory_space<vmem>> -> memref<1x256x32xf32, #tpu.memory_space<vmem>>
    %dma_wait3A_57 = tpu.memref_squeeze %dma_wait3A_56 : memref<1x256x32xf32, #tpu.memory_space<vmem>> -> memref<256x32xf32, #tpu.memory_space<vmem>>
    %dma_wait3A_58 = arith.constant 0 : i32
    %dma_wait3A_59 = tpu.memref_slice %arg8[%dma_wait3A, %dma_wait3A_58] : memref<40x256xi32, #tpu.memory_space<vmem>> -> memref<1x256xi32, #tpu.memory_space<vmem>>
    %dma_wait3A_60 = tpu.memref_squeeze %dma_wait3A_59 : memref<1x256xi32, #tpu.memory_space<vmem>> -> memref<256xi32, #tpu.memory_space<vmem>>
    %dma_wait3A_61 = arith.constant 0 : i32
    %dma_wait3A_62 = arith.constant 0 : i32
    %dma_wait3A_63 = tpu.memref_slice %arg7[%dma_wait3A_61, %dma_wait3A_62] : memref<10112x32xf32, #tpu.memory_space<vmem_shared>> -> memref<10112x32xf32, #tpu.memory_space<vmem_shared>>
    tpu.wait_indirect_dma semaphore(%arg11 : memref<!tpu.dma_semaphore, #tpu.memory_space<semaphore_mem>>) src(%dma_wait3A_63 : memref<10112x32xf32, #tpu.memory_space<vmem_shared>>) dst(%dma_wait3A_57 : memref<256x32xf32, #tpu.memory_space<vmem>>)
    %dma_start3A_64 = arith.constant 0 : i32
    %dma_start3A_65 = arith.constant 0 : i32
    %dma_start3A_66 = arith.constant 0 : i32
    %dma_start3A_67 = arith.constant 0 : i32
    %dma_start3A_68 = tpu.memref_slice %arg10[%dma_start3A_64, %dma_start3A_66, %dma_start3A_67] : memref<8x256x32xf32, #tpu.memory_space<vmem>> -> memref<1x256x32xf32, #tpu.memory_space<vmem>>
    %dma_start3A_69 = tpu.memref_squeeze %dma_start3A_68 : memref<1x256x32xf32, #tpu.memory_space<vmem>> -> memref<256x32xf32, #tpu.memory_space<vmem>>
    %dma_start3A_70 = arith.constant 0 : i32
    %dma_start3A_71 = tpu.memref_slice %arg9[%dma_start3A_65, %dma_start3A_70] : memref<40x256xi32, #tpu.memory_space<vmem>> -> memref<1x256xi32, #tpu.memory_space<vmem>>
    %dma_start3A_72 = tpu.memref_squeeze %dma_start3A_71 : memref<1x256xi32, #tpu.memory_space<vmem>> -> memref<256xi32, #tpu.memory_space<vmem>>
    %dma_start3A_73 = arith.constant 0 : i32
    %dma_start3A_74 = arith.constant 0 : i32
    %dma_start3A_75 = tpu.memref_slice %arg6[%dma_start3A_73, %dma_start3A_74] : memref<10112x32xf32, #tpu.memory_space<vmem_shared>> -> memref<10112x32xf32, #tpu.memory_space<vmem_shared>>
    tpu.enqueue_indirect_dma source(%dma_start3A_69 : memref<256x32xf32, #tpu.memory_space<vmem>>) target(%dma_start3A_75 : memref<10112x32xf32, #tpu.memory_space<vmem_shared>>) offsets(%dma_start3A_72 : memref<256xi32, #tpu.memory_space<vmem>>) semaphore(%arg19 : memref<!tpu.dma_semaphore, #tpu.memory_space<semaphore_mem>>) {add = true}
    %dma_start3A_76 = arith.constant 4 : i32
    %dma_start3A_77 = arith.constant 4 : i32
    %dma_start3A_78 = arith.constant 0 : i32
    %dma_start3A_79 = arith.constant 0 : i32
    %dma_start3A_80 = tpu.memref_slice %arg10[%dma_start3A_77, %dma_start3A_78, %dma_start3A_79] : memref<8x256x32xf32, #tpu.memory_space<vmem>> -> memref<1x256x32xf32, #tpu.memory_space<vmem>>
    %dma_start3A_81 = tpu.memref_squeeze %dma_start3A_80 : memref<1x256x32xf32, #tpu.memory_space<vmem>> -> memref<256x32xf32, #tpu.memory_space<vmem>>
    %dma_start3A_82 = arith.constant 0 : i32
    %dma_start3A_83 = tpu.memref_slice %arg8[%dma_start3A_76, %dma_start3A_82] : memref<40x256xi32, #tpu.memory_space<vmem>> -> memref<1x256xi32, #tpu.memory_space<vmem>>
    %dma_start3A_84 = tpu.memref_squeeze %dma_start3A_83 : memref<1x256xi32, #tpu.memory_space<vmem>> -> memref<256xi32, #tpu.memory_space<vmem>>
    %dma_start3A_85 = arith.constant 0 : i32
    %dma_start3A_86 = arith.constant 0 : i32
    %dma_start3A_87 = tpu.memref_slice %arg7[%dma_start3A_85, %dma_start3A_86] : memref<10112x32xf32, #tpu.memory_space<vmem_shared>> -> memref<10112x32xf32, #tpu.memory_space<vmem_shared>>
    tpu.enqueue_indirect_dma source(%dma_start3A_87 : memref<10112x32xf32, #tpu.memory_space<vmem_shared>>) target(%dma_start3A_81 : memref<256x32xf32, #tpu.memory_space<vmem>>) offsets(%dma_start3A_84 : memref<256xi32, #tpu.memory_space<vmem>>) semaphore(%arg15 : memref<!tpu.dma_semaphore, #tpu.memory_space<semaphore_mem>>)
    %dma_wait3A_88 = arith.constant 1 : i32
    %dma_wait3A_89 = arith.constant 1 : i32
    %dma_wait3A_90 = arith.constant 0 : i32
    %dma_wait3A_91 = arith.constant 0 : i32
    %dma_wait3A_92 = tpu.memref_slice %arg10[%dma_wait3A_89, %dma_wait3A_90, %dma_wait3A_91] : memref<8x256x32xf32, #tpu.memory_space<vmem>> -> memref<1x256x32xf32, #tpu.memory_space<vmem>>
    %dma_wait3A_93 = tpu.memref_squeeze %dma_wait3A_92 : memref<1x256x32xf32, #tpu.memory_space<vmem>> -> memref<256x32xf32, #tpu.memory_space<vmem>>
    %dma_wait3A_94 = arith.constant 0 : i32
    %dma_wait3A_95 = tpu.memref_slice %arg8[%dma_wait3A_88, %dma_wait3A_94] : memref<40x256xi32, #tpu.memory_space<vmem>> -> memref<1x256xi32, #tpu.memory_space<vmem>>
    %dma_wait3A_96 = tpu.memref_squeeze %dma_wait3A_95 : memref<1x256xi32, #tpu.memory_space<vmem>> -> memref<256xi32, #tpu.memory_space<vmem>>
    %dma_wait3A_97 = arith.constant 0 : i32
    %dma_wait3A_98 = arith.constant 0 : i32
    %dma_wait3A_99 = tpu.memref_slice %arg7[%dma_wait3A_97, %dma_wait3A_98] : memref<10112x32xf32, #tpu.memory_space<vmem_shared>> -> memref<10112x32xf32, #tpu.memory_space<vmem_shared>>
    tpu.wait_indirect_dma semaphore(%arg12 : memref<!tpu.dma_semaphore, #tpu.memory_space<semaphore_mem>>) src(%dma_wait3A_99 : memref<10112x32xf32, #tpu.memory_space<vmem_shared>>) dst(%dma_wait3A_93 : memref<256x32xf32, #tpu.memory_space<vmem>>)
    %dma_start3A_100 = arith.constant 1 : i32
    %dma_start3A_101 = arith.constant 1 : i32
    %dma_start3A_102 = arith.constant 0 : i32
    %dma_start3A_103 = arith.constant 0 : i32
    %dma_start3A_104 = tpu.memref_slice %arg10[%dma_start3A_100, %dma_start3A_102, %dma_start3A_103] : memref<8x256x32xf32, #tpu.memory_space<vmem>> -> memref<1x256x32xf32, #tpu.memory_space<vmem>>
    %dma_start3A_105 = tpu.memref_squeeze %dma_start3A_104 : memref<1x256x32xf32, #tpu.memory_space<vmem>> -> memref<256x32xf32, #tpu.memory_space<vmem>>
    %dma_start3A_106 = arith.constant 0 : i32
    %dma_start3A_107 = tpu.memref_slice %arg9[%dma_start3A_101, %dma_start3A_106] : memref<40x256xi32, #tpu.memory_space<vmem>> -> memref<1x256xi32, #tpu.memory_space<vmem>>
    %dma_start3A_108 = tpu.memref_squeeze %dma_start3A_107 : memref<1x256xi32, #tpu.memory_space<vmem>> -> memref<256xi32, #tpu.memory_space<vmem>>
    %dma_start3A_109 = arith.constant 0 : i32
    %dma_start3A_110 = arith.constant 0 : i32
    %dma_start3A_111 = tpu.memref_slice %arg6[%dma_start3A_109, %dma_start3A_110] : memref<10112x32xf32, #tpu.memory_space<vmem_shared>> -> memref<10112x32xf32, #tpu.memory_space<vmem_shared>>
    tpu.enqueue_indirect_dma source(%dma_start3A_105 : memref<256x32xf32, #tpu.memory_space<vmem>>) target(%dma_start3A_111 : memref<10112x32xf32, #tpu.memory_space<vmem_shared>>) offsets(%dma_start3A_108 : memref<256xi32, #tpu.memory_space<vmem>>) semaphore(%arg20 : memref<!tpu.dma_semaphore, #tpu.memory_space<semaphore_mem>>) {add = true}
    %dma_start3A_112 = arith.constant 5 : i32
    %dma_start3A_113 = arith.constant 5 : i32
    %dma_start3A_114 = arith.constant 0 : i32
    %dma_start3A_115 = arith.constant 0 : i32
    %dma_start3A_116 = tpu.memref_slice %arg10[%dma_start3A_113, %dma_start3A_114, %dma_start3A_115] : memref<8x256x32xf32, #tpu.memory_space<vmem>> -> memref<1x256x32xf32, #tpu.memory_space<vmem>>
    %dma_start3A_117 = tpu.memref_squeeze %dma_start3A_116 : memref<1x256x32xf32, #tpu.memory_space<vmem>> -> memref<256x32xf32, #tpu.memory_space<vmem>>
    %dma_start3A_118 = arith.constant 0 : i32
    %dma_start3A_119 = tpu.memref_slice %arg8[%dma_start3A_112, %dma_start3A_118] : memref<40x256xi32, #tpu.memory_space<vmem>> -> memref<1x256xi32, #tpu.memory_space<vmem>>
    %dma_start3A_120 = tpu.memref_squeeze %dma_start3A_119 : memref<1x256xi32, #tpu.memory_space<vmem>> -> memref<256xi32, #tpu.memory_space<vmem>>
    %dma_start3A_121 = arith.constant 0 : i32
    %dma_start3A_122 = arith.constant 0 : i32
    %dma_start3A_123 = tpu.memref_slice %arg7[%dma_start3A_121, %dma_start3A_122] : memref<10112x32xf32, #tpu.memory_space<vmem_shared>> -> memref<10112x32xf32, #tpu.memory_space<vmem_shared>>
    tpu.enqueue_indirect_dma source(%dma_start3A_123 : memref<10112x32xf32, #tpu.memory_space<vmem_shared>>) target(%dma_start3A_117 : memref<256x32xf32, #tpu.memory_space<vmem>>) offsets(%dma_start3A_120 : memref<256xi32, #tpu.memory_space<vmem>>) semaphore(%arg16 : memref<!tpu.dma_semaphore, #tpu.memory_space<semaphore_mem>>)
    %dma_wait3A_124 = arith.constant 2 : i32
    %dma_wait3A_125 = arith.constant 2 : i32
    %dma_wait3A_126 = arith.constant 0 : i32
    %dma_wait3A_127 = arith.constant 0 : i32
    %dma_wait3A_128 = tpu.memref_slice %arg10[%dma_wait3A_125, %dma_wait3A_126, %dma_wait3A_127] : memref<8x256x32xf32, #tpu.memory_space<vmem>> -> memref<1x256x32xf32, #tpu.memory_space<vmem>>
    %dma_wait3A_129 = tpu.memref_squeeze %dma_wait3A_128 : memref<1x256x32xf32, #tpu.memory_space<vmem>> -> memref<256x32xf32, #tpu.memory_space<vmem>>
    %dma_wait3A_130 = arith.constant 0 : i32
    %dma_wait3A_131 = tpu.memref_slice %arg8[%dma_wait3A_124, %dma_wait3A_130] : memref<40x256xi32, #tpu.memory_space<vmem>> -> memref<1x256xi32, #tpu.memory_space<vmem>>
    %dma_wait3A_132 = tpu.memref_squeeze %dma_wait3A_131 : memref<1x256xi32, #tpu.memory_space<vmem>> -> memref<256xi32, #tpu.memory_space<vmem>>
    %dma_wait3A_133 = arith.constant 0 : i32
    %dma_wait3A_134 = arith.constant 0 : i32
    %dma_wait3A_135 = tpu.memref_slice %arg7[%dma_wait3A_133, %dma_wait3A_134] : memref<10112x32xf32, #tpu.memory_space<vmem_shared>> -> memref<10112x32xf32, #tpu.memory_space<vmem_shared>>
    tpu.wait_indirect_dma semaphore(%arg13 : memref<!tpu.dma_semaphore, #tpu.memory_space<semaphore_mem>>) src(%dma_wait3A_135 : memref<10112x32xf32, #tpu.memory_space<vmem_shared>>) dst(%dma_wait3A_129 : memref<256x32xf32, #tpu.memory_space<vmem>>)
    %dma_start3A_136 = arith.constant 2 : i32
    %dma_start3A_137 = arith.constant 2 : i32
    %dma_start3A_138 = arith.constant 0 : i32
    %dma_start3A_139 = arith.constant 0 : i32
    %dma_start3A_140 = tpu.memref_slice %arg10[%dma_start3A_136, %dma_start3A_138, %dma_start3A_139] : memref<8x256x32xf32, #tpu.memory_space<vmem>> -> memref<1x256x32xf32, #tpu.memory_space<vmem>>
    %dma_start3A_141 = tpu.memref_squeeze %dma_start3A_140 : memref<1x256x32xf32, #tpu.memory_space<vmem>> -> memref<256x32xf32, #tpu.memory_space<vmem>>
    %dma_start3A_142 = arith.constant 0 : i32
    %dma_start3A_143 = tpu.memref_slice %arg9[%dma_start3A_137, %dma_start3A_142] : memref<40x256xi32, #tpu.memory_space<vmem>> -> memref<1x256xi32, #tpu.memory_space<vmem>>
    %dma_start3A_144 = tpu.memref_squeeze %dma_start3A_143 : memref<1x256xi32, #tpu.memory_space<vmem>> -> memref<256xi32, #tpu.memory_space<vmem>>
    %dma_start3A_145 = arith.constant 0 : i32
    %dma_start3A_146 = arith.constant 0 : i32
    %dma_start3A_147 = tpu.memref_slice %arg6[%dma_start3A_145, %dma_start3A_146] : memref<10112x32xf32, #tpu.memory_space<vmem_shared>> -> memref<10112x32xf32, #tpu.memory_space<vmem_shared>>
    tpu.enqueue_indirect_dma source(%dma_start3A_141 : memref<256x32xf32, #tpu.memory_space<vmem>>) target(%dma_start3A_147 : memref<10112x32xf32, #tpu.memory_space<vmem_shared>>) offsets(%dma_start3A_144 : memref<256xi32, #tpu.memory_space<vmem>>) semaphore(%arg21 : memref<!tpu.dma_semaphore, #tpu.memory_space<semaphore_mem>>) {add = true}
    %dma_start3A_148 = arith.constant 6 : i32
    %dma_start3A_149 = arith.constant 6 : i32
    %dma_start3A_150 = arith.constant 0 : i32
    %dma_start3A_151 = arith.constant 0 : i32
    %dma_start3A_152 = tpu.memref_slice %arg10[%dma_start3A_149, %dma_start3A_150, %dma_start3A_151] : memref<8x256x32xf32, #tpu.memory_space<vmem>> -> memref<1x256x32xf32, #tpu.memory_space<vmem>>
    %dma_start3A_153 = tpu.memref_squeeze %dma_start3A_152 : memref<1x256x32xf32, #tpu.memory_space<vmem>> -> memref<256x32xf32, #tpu.memory_space<vmem>>
    %dma_start3A_154 = arith.constant 0 : i32
    %dma_start3A_155 = tpu.memref_slice %arg8[%dma_start3A_148, %dma_start3A_154] : memref<40x256xi32, #tpu.memory_space<vmem>> -> memref<1x256xi32, #tpu.memory_space<vmem>>
    %dma_start3A_156 = tpu.memref_squeeze %dma_start3A_155 : memref<1x256xi32, #tpu.memory_space<vmem>> -> memref<256xi32, #tpu.memory_space<vmem>>
    %dma_start3A_157 = arith.constant 0 : i32
    %dma_start3A_158 = arith.constant 0 : i32
    %dma_start3A_159 = tpu.memref_slice %arg7[%dma_start3A_157, %dma_start3A_158] : memref<10112x32xf32, #tpu.memory_space<vmem_shared>> -> memref<10112x32xf32, #tpu.memory_space<vmem_shared>>
    tpu.enqueue_indirect_dma source(%dma_start3A_159 : memref<10112x32xf32, #tpu.memory_space<vmem_shared>>) target(%dma_start3A_153 : memref<256x32xf32, #tpu.memory_space<vmem>>) offsets(%dma_start3A_156 : memref<256xi32, #tpu.memory_space<vmem>>) semaphore(%arg17 : memref<!tpu.dma_semaphore, #tpu.memory_space<semaphore_mem>>)
    %dma_wait3A_160 = arith.constant 3 : i32
    %dma_wait3A_161 = arith.constant 3 : i32
    %dma_wait3A_162 = arith.constant 0 : i32
    %dma_wait3A_163 = arith.constant 0 : i32
    %dma_wait3A_164 = tpu.memref_slice %arg10[%dma_wait3A_161, %dma_wait3A_162, %dma_wait3A_163] : memref<8x256x32xf32, #tpu.memory_space<vmem>> -> memref<1x256x32xf32, #tpu.memory_space<vmem>>
    %dma_wait3A_165 = tpu.memref_squeeze %dma_wait3A_164 : memref<1x256x32xf32, #tpu.memory_space<vmem>> -> memref<256x32xf32, #tpu.memory_space<vmem>>
    %dma_wait3A_166 = arith.constant 0 : i32
    %dma_wait3A_167 = tpu.memref_slice %arg8[%dma_wait3A_160, %dma_wait3A_166] : memref<40x256xi32, #tpu.memory_space<vmem>> -> memref<1x256xi32, #tpu.memory_space<vmem>>
    %dma_wait3A_168 = tpu.memref_squeeze %dma_wait3A_167 : memref<1x256xi32, #tpu.memory_space<vmem>> -> memref<256xi32, #tpu.memory_space<vmem>>
    %dma_wait3A_169 = arith.constant 0 : i32
    %dma_wait3A_170 = arith.constant 0 : i32
    %dma_wait3A_171 = tpu.memref_slice %arg7[%dma_wait3A_169, %dma_wait3A_170] : memref<10112x32xf32, #tpu.memory_space<vmem_shared>> -> memref<10112x32xf32, #tpu.memory_space<vmem_shared>>
    tpu.wait_indirect_dma semaphore(%arg14 : memref<!tpu.dma_semaphore, #tpu.memory_space<semaphore_mem>>) src(%dma_wait3A_171 : memref<10112x32xf32, #tpu.memory_space<vmem_shared>>) dst(%dma_wait3A_165 : memref<256x32xf32, #tpu.memory_space<vmem>>)
    %dma_start3A_172 = arith.constant 3 : i32
    %dma_start3A_173 = arith.constant 3 : i32
    %dma_start3A_174 = arith.constant 0 : i32
    %dma_start3A_175 = arith.constant 0 : i32
    %dma_start3A_176 = tpu.memref_slice %arg10[%dma_start3A_172, %dma_start3A_174, %dma_start3A_175] : memref<8x256x32xf32, #tpu.memory_space<vmem>> -> memref<1x256x32xf32, #tpu.memory_space<vmem>>
    %dma_start3A_177 = tpu.memref_squeeze %dma_start3A_176 : memref<1x256x32xf32, #tpu.memory_space<vmem>> -> memref<256x32xf32, #tpu.memory_space<vmem>>
    %dma_start3A_178 = arith.constant 0 : i32
    %dma_start3A_179 = tpu.memref_slice %arg9[%dma_start3A_173, %dma_start3A_178] : memref<40x256xi32, #tpu.memory_space<vmem>> -> memref<1x256xi32, #tpu.memory_space<vmem>>
    %dma_start3A_180 = tpu.memref_squeeze %dma_start3A_179 : memref<1x256xi32, #tpu.memory_space<vmem>> -> memref<256xi32, #tpu.memory_space<vmem>>
    %dma_start3A_181 = arith.constant 0 : i32
    %dma_start3A_182 = arith.constant 0 : i32
    %dma_start3A_183 = tpu.memref_slice %arg6[%dma_start3A_181, %dma_start3A_182] : memref<10112x32xf32, #tpu.memory_space<vmem_shared>> -> memref<10112x32xf32, #tpu.memory_space<vmem_shared>>
    tpu.enqueue_indirect_dma source(%dma_start3A_177 : memref<256x32xf32, #tpu.memory_space<vmem>>) target(%dma_start3A_183 : memref<10112x32xf32, #tpu.memory_space<vmem_shared>>) offsets(%dma_start3A_180 : memref<256xi32, #tpu.memory_space<vmem>>) semaphore(%arg22 : memref<!tpu.dma_semaphore, #tpu.memory_space<semaphore_mem>>) {add = true}
    %dma_start3A_184 = arith.constant 7 : i32
    %dma_start3A_185 = arith.constant 7 : i32
    %dma_start3A_186 = arith.constant 0 : i32
    %dma_start3A_187 = arith.constant 0 : i32
    %dma_start3A_188 = tpu.memref_slice %arg10[%dma_start3A_185, %dma_start3A_186, %dma_start3A_187] : memref<8x256x32xf32, #tpu.memory_space<vmem>> -> memref<1x256x32xf32, #tpu.memory_space<vmem>>
    %dma_start3A_189 = tpu.memref_squeeze %dma_start3A_188 : memref<1x256x32xf32, #tpu.memory_space<vmem>> -> memref<256x32xf32, #tpu.memory_space<vmem>>
    %dma_start3A_190 = arith.constant 0 : i32
    %dma_start3A_191 = tpu.memref_slice %arg8[%dma_start3A_184, %dma_start3A_190] : memref<40x256xi32, #tpu.memory_space<vmem>> -> memref<1x256xi32, #tpu.memory_space<vmem>>
    %dma_start3A_192 = tpu.memref_squeeze %dma_start3A_191 : memref<1x256xi32, #tpu.memory_space<vmem>> -> memref<256xi32, #tpu.memory_space<vmem>>
    %dma_start3A_193 = arith.constant 0 : i32
    %dma_start3A_194 = arith.constant 0 : i32
    %dma_start3A_195 = tpu.memref_slice %arg7[%dma_start3A_193, %dma_start3A_194] : memref<10112x32xf32, #tpu.memory_space<vmem_shared>> -> memref<10112x32xf32, #tpu.memory_space<vmem_shared>>
    tpu.enqueue_indirect_dma source(%dma_start3A_195 : memref<10112x32xf32, #tpu.memory_space<vmem_shared>>) target(%dma_start3A_189 : memref<256x32xf32, #tpu.memory_space<vmem>>) offsets(%dma_start3A_192 : memref<256xi32, #tpu.memory_space<vmem>>) semaphore(%arg18 : memref<!tpu.dma_semaphore, #tpu.memory_space<semaphore_mem>>)
    %scan3A = arith.constant 0 : i32
    %scan3A_196 = arith.constant 0 : i32
    %scan3A_197 = arith.constant 4 : i32
    %scan3A_198 = arith.addi %scan3A_196, %scan3A_197 : i32
    %scan3A_199 = arith.constant 1 : i32
    scf.for %scan3A_394 = %scan3A_196 to %scan3A_198 step %scan3A_199  : i32 {
      %mul3A_395 = arith.constant 8 : i32
      %mul3A_396 = arith.muli %scan3A_394, %mul3A_395 : i32
      %add3A_397 = arith.constant 4 : i32
      %add3A_398 = arith.addi %add3A_397, %mul3A_396 : i32
      %add3A_399 = arith.constant 0 : i32
      %add3A_400 = arith.addi %add3A_398, %add3A_399 : i32
      %dma_wait3A_401 = arith.constant 4 : i32
      %dma_wait3A_402 = arith.constant 0 : i32
      %dma_wait3A_403 = arith.constant 0 : i32
      %dma_wait3A_404 = tpu.memref_slice %arg10[%dma_wait3A_401, %dma_wait3A_402, %dma_wait3A_403] : memref<8x256x32xf32, #tpu.memory_space<vmem>> -> memref<1x256x32xf32, #tpu.memory_space<vmem>>
      %dma_wait3A_405 = tpu.memref_squeeze %dma_wait3A_404 : memref<1x256x32xf32, #tpu.memory_space<vmem>> -> memref<256x32xf32, #tpu.memory_space<vmem>>
      %dma_wait3A_406 = arith.constant 0 : i32
      %dma_wait3A_407 = tpu.memref_slice %arg8[%add3A_400, %dma_wait3A_406] : memref<40x256xi32, #tpu.memory_space<vmem>> -> memref<1x256xi32, #tpu.memory_space<vmem>>
      %dma_wait3A_408 = tpu.memref_squeeze %dma_wait3A_407 : memref<1x256xi32, #tpu.memory_space<vmem>> -> memref<256xi32, #tpu.memory_space<vmem>>
      %dma_wait3A_409 = arith.constant 0 : i32
      %dma_wait3A_410 = arith.constant 0 : i32
      %dma_wait3A_411 = tpu.memref_slice %arg7[%dma_wait3A_409, %dma_wait3A_410] : memref<10112x32xf32, #tpu.memory_space<vmem_shared>> -> memref<10112x32xf32, #tpu.memory_space<vmem_shared>>
      tpu.wait_indirect_dma semaphore(%arg15 : memref<!tpu.dma_semaphore, #tpu.memory_space<semaphore_mem>>) src(%dma_wait3A_411 : memref<10112x32xf32, #tpu.memory_space<vmem_shared>>) dst(%dma_wait3A_405 : memref<256x32xf32, #tpu.memory_space<vmem>>)
      %dma_start3A_412 = arith.constant 4 : i32
      %dma_start3A_413 = arith.constant 0 : i32
      %dma_start3A_414 = arith.constant 0 : i32
      %dma_start3A_415 = tpu.memref_slice %arg10[%dma_start3A_412, %dma_start3A_413, %dma_start3A_414] : memref<8x256x32xf32, #tpu.memory_space<vmem>> -> memref<1x256x32xf32, #tpu.memory_space<vmem>>
      %dma_start3A_416 = tpu.memref_squeeze %dma_start3A_415 : memref<1x256x32xf32, #tpu.memory_space<vmem>> -> memref<256x32xf32, #tpu.memory_space<vmem>>
      %dma_start3A_417 = arith.constant 0 : i32
      %dma_start3A_418 = tpu.memref_slice %arg9[%add3A_400, %dma_start3A_417] : memref<40x256xi32, #tpu.memory_space<vmem>> -> memref<1x256xi32, #tpu.memory_space<vmem>>
      %dma_start3A_419 = tpu.memref_squeeze %dma_start3A_418 : memref<1x256xi32, #tpu.memory_space<vmem>> -> memref<256xi32, #tpu.memory_space<vmem>>
      %dma_start3A_420 = arith.constant 0 : i32
      %dma_start3A_421 = arith.constant 0 : i32
      %dma_start3A_422 = tpu.memref_slice %arg6[%dma_start3A_420, %dma_start3A_421] : memref<10112x32xf32, #tpu.memory_space<vmem_shared>> -> memref<10112x32xf32, #tpu.memory_space<vmem_shared>>
      tpu.enqueue_indirect_dma source(%dma_start3A_416 : memref<256x32xf32, #tpu.memory_space<vmem>>) target(%dma_start3A_422 : memref<10112x32xf32, #tpu.memory_space<vmem_shared>>) offsets(%dma_start3A_419 : memref<256xi32, #tpu.memory_space<vmem>>) semaphore(%arg23 : memref<!tpu.dma_semaphore, #tpu.memory_space<semaphore_mem>>) {add = true}
      %add3A_423 = arith.constant 4 : i32
      %add3A_424 = arith.addi %add3A_400, %add3A_423 : i32
      %sub3A = arith.constant 8 : i32
      %sub3A_425 = arith.subi %add3A_424, %sub3A : i32
      %dma_wait3A_426 = arith.constant 0 : i32
      %dma_wait3A_427 = arith.constant 0 : i32
      %dma_wait3A_428 = arith.constant 0 : i32
      %dma_wait3A_429 = tpu.memref_slice %arg10[%dma_wait3A_426, %dma_wait3A_427, %dma_wait3A_428] : memref<8x256x32xf32, #tpu.memory_space<vmem>> -> memref<1x256x32xf32, #tpu.memory_space<vmem>>
      %dma_wait3A_430 = tpu.memref_squeeze %dma_wait3A_429 : memref<1x256x32xf32, #tpu.memory_space<vmem>> -> memref<256x32xf32, #tpu.memory_space<vmem>>
      %dma_wait3A_431 = arith.constant 0 : i32
      %dma_wait3A_432 = tpu.memref_slice %arg9[%sub3A_425, %dma_wait3A_431] : memref<40x256xi32, #tpu.memory_space<vmem>> -> memref<1x256xi32, #tpu.memory_space<vmem>>
      %dma_wait3A_433 = tpu.memref_squeeze %dma_wait3A_432 : memref<1x256xi32, #tpu.memory_space<vmem>> -> memref<256xi32, #tpu.memory_space<vmem>>
      %dma_wait3A_434 = arith.constant 0 : i32
      %dma_wait3A_435 = arith.constant 0 : i32
      %dma_wait3A_436 = tpu.memref_slice %arg6[%dma_wait3A_434, %dma_wait3A_435] : memref<10112x32xf32, #tpu.memory_space<vmem_shared>> -> memref<10112x32xf32, #tpu.memory_space<vmem_shared>>
      tpu.wait_indirect_dma semaphore(%arg19 : memref<!tpu.dma_semaphore, #tpu.memory_space<semaphore_mem>>) src(%dma_wait3A_430 : memref<256x32xf32, #tpu.memory_space<vmem>>) dst(%dma_wait3A_436 : memref<10112x32xf32, #tpu.memory_space<vmem_shared>>)
      %dma_start3A_437 = arith.constant 0 : i32
      %dma_start3A_438 = arith.constant 0 : i32
      %dma_start3A_439 = arith.constant 0 : i32
      %dma_start3A_440 = tpu.memref_slice %arg10[%dma_start3A_437, %dma_start3A_438, %dma_start3A_439] : memref<8x256x32xf32, #tpu.memory_space<vmem>> -> memref<1x256x32xf32, #tpu.memory_space<vmem>>
      %dma_start3A_441 = tpu.memref_squeeze %dma_start3A_440 : memref<1x256x32xf32, #tpu.memory_space<vmem>> -> memref<256x32xf32, #tpu.memory_space<vmem>>
      %dma_start3A_442 = arith.constant 0 : i32
      %dma_start3A_443 = tpu.memref_slice %arg8[%add3A_424, %dma_start3A_442] : memref<40x256xi32, #tpu.memory_space<vmem>> -> memref<1x256xi32, #tpu.memory_space<vmem>>
      %dma_start3A_444 = tpu.memref_squeeze %dma_start3A_443 : memref<1x256xi32, #tpu.memory_space<vmem>> -> memref<256xi32, #tpu.memory_space<vmem>>
      %dma_start3A_445 = arith.constant 0 : i32
      %dma_start3A_446 = arith.constant 0 : i32
      %dma_start3A_447 = tpu.memref_slice %arg7[%dma_start3A_445, %dma_start3A_446] : memref<10112x32xf32, #tpu.memory_space<vmem_shared>> -> memref<10112x32xf32, #tpu.memory_space<vmem_shared>>
      tpu.enqueue_indirect_dma source(%dma_start3A_447 : memref<10112x32xf32, #tpu.memory_space<vmem_shared>>) target(%dma_start3A_441 : memref<256x32xf32, #tpu.memory_space<vmem>>) offsets(%dma_start3A_444 : memref<256xi32, #tpu.memory_space<vmem>>) semaphore(%arg11 : memref<!tpu.dma_semaphore, #tpu.memory_space<semaphore_mem>>)
      %mul3A_448 = arith.constant 8 : i32
      %mul3A_449 = arith.muli %scan3A_394, %mul3A_448 : i32
      %add3A_450 = arith.constant 4 : i32
      %add3A_451 = arith.addi %add3A_450, %mul3A_449 : i32
      %add3A_452 = arith.constant 1 : i32
      %add3A_453 = arith.addi %add3A_451, %add3A_452 : i32
      %dma_wait3A_454 = arith.constant 5 : i32
      %dma_wait3A_455 = arith.constant 0 : i32
      %dma_wait3A_456 = arith.constant 0 : i32
      %dma_wait3A_457 = tpu.memref_slice %arg10[%dma_wait3A_454, %dma_wait3A_455, %dma_wait3A_456] : memref<8x256x32xf32, #tpu.memory_space<vmem>> -> memref<1x256x32xf32, #tpu.memory_space<vmem>>
      %dma_wait3A_458 = tpu.memref_squeeze %dma_wait3A_457 : memref<1x256x32xf32, #tpu.memory_space<vmem>> -> memref<256x32xf32, #tpu.memory_space<vmem>>
      %dma_wait3A_459 = arith.constant 0 : i32
      %dma_wait3A_460 = tpu.memref_slice %arg8[%add3A_453, %dma_wait3A_459] : memref<40x256xi32, #tpu.memory_space<vmem>> -> memref<1x256xi32, #tpu.memory_space<vmem>>
      %dma_wait3A_461 = tpu.memref_squeeze %dma_wait3A_460 : memref<1x256xi32, #tpu.memory_space<vmem>> -> memref<256xi32, #tpu.memory_space<vmem>>
      %dma_wait3A_462 = arith.constant 0 : i32
      %dma_wait3A_463 = arith.constant 0 : i32
      %dma_wait3A_464 = tpu.memref_slice %arg7[%dma_wait3A_462, %dma_wait3A_463] : memref<10112x32xf32, #tpu.memory_space<vmem_shared>> -> memref<10112x32xf32, #tpu.memory_space<vmem_shared>>
      tpu.wait_indirect_dma semaphore(%arg16 : memref<!tpu.dma_semaphore, #tpu.memory_space<semaphore_mem>>) src(%dma_wait3A_464 : memref<10112x32xf32, #tpu.memory_space<vmem_shared>>) dst(%dma_wait3A_458 : memref<256x32xf32, #tpu.memory_space<vmem>>)
      %dma_start3A_465 = arith.constant 5 : i32
      %dma_start3A_466 = arith.constant 0 : i32
      %dma_start3A_467 = arith.constant 0 : i32
      %dma_start3A_468 = tpu.memref_slice %arg10[%dma_start3A_465, %dma_start3A_466, %dma_start3A_467] : memref<8x256x32xf32, #tpu.memory_space<vmem>> -> memref<1x256x32xf32, #tpu.memory_space<vmem>>
      %dma_start3A_469 = tpu.memref_squeeze %dma_start3A_468 : memref<1x256x32xf32, #tpu.memory_space<vmem>> -> memref<256x32xf32, #tpu.memory_space<vmem>>
      %dma_start3A_470 = arith.constant 0 : i32
      %dma_start3A_471 = tpu.memref_slice %arg9[%add3A_453, %dma_start3A_470] : memref<40x256xi32, #tpu.memory_space<vmem>> -> memref<1x256xi32, #tpu.memory_space<vmem>>
      %dma_start3A_472 = tpu.memref_squeeze %dma_start3A_471 : memref<1x256xi32, #tpu.memory_space<vmem>> -> memref<256xi32, #tpu.memory_space<vmem>>
      %dma_start3A_473 = arith.constant 0 : i32
      %dma_start3A_474 = arith.constant 0 : i32
      %dma_start3A_475 = tpu.memref_slice %arg6[%dma_start3A_473, %dma_start3A_474] : memref<10112x32xf32, #tpu.memory_space<vmem_shared>> -> memref<10112x32xf32, #tpu.memory_space<vmem_shared>>
      tpu.enqueue_indirect_dma source(%dma_start3A_469 : memref<256x32xf32, #tpu.memory_space<vmem>>) target(%dma_start3A_475 : memref<10112x32xf32, #tpu.memory_space<vmem_shared>>) offsets(%dma_start3A_472 : memref<256xi32, #tpu.memory_space<vmem>>) semaphore(%arg24 : memref<!tpu.dma_semaphore, #tpu.memory_space<semaphore_mem>>) {add = true}
      %add3A_476 = arith.constant 4 : i32
      %add3A_477 = arith.addi %add3A_453, %add3A_476 : i32
      %sub3A_478 = arith.constant 8 : i32
      %sub3A_479 = arith.subi %add3A_477, %sub3A_478 : i32
      %dma_wait3A_480 = arith.constant 1 : i32
      %dma_wait3A_481 = arith.constant 0 : i32
      %dma_wait3A_482 = arith.constant 0 : i32
      %dma_wait3A_483 = tpu.memref_slice %arg10[%dma_wait3A_480, %dma_wait3A_481, %dma_wait3A_482] : memref<8x256x32xf32, #tpu.memory_space<vmem>> -> memref<1x256x32xf32, #tpu.memory_space<vmem>>
      %dma_wait3A_484 = tpu.memref_squeeze %dma_wait3A_483 : memref<1x256x32xf32, #tpu.memory_space<vmem>> -> memref<256x32xf32, #tpu.memory_space<vmem>>
      %dma_wait3A_485 = arith.constant 0 : i32
      %dma_wait3A_486 = tpu.memref_slice %arg9[%sub3A_479, %dma_wait3A_485] : memref<40x256xi32, #tpu.memory_space<vmem>> -> memref<1x256xi32, #tpu.memory_space<vmem>>
      %dma_wait3A_487 = tpu.memref_squeeze %dma_wait3A_486 : memref<1x256xi32, #tpu.memory_space<vmem>> -> memref<256xi32, #tpu.memory_space<vmem>>
      %dma_wait3A_488 = arith.constant 0 : i32
      %dma_wait3A_489 = arith.constant 0 : i32
      %dma_wait3A_490 = tpu.memref_slice %arg6[%dma_wait3A_488, %dma_wait3A_489] : memref<10112x32xf32, #tpu.memory_space<vmem_shared>> -> memref<10112x32xf32, #tpu.memory_space<vmem_shared>>
      tpu.wait_indirect_dma semaphore(%arg20 : memref<!tpu.dma_semaphore, #tpu.memory_space<semaphore_mem>>) src(%dma_wait3A_484 : memref<256x32xf32, #tpu.memory_space<vmem>>) dst(%dma_wait3A_490 : memref<10112x32xf32, #tpu.memory_space<vmem_shared>>)
      %dma_start3A_491 = arith.constant 1 : i32
      %dma_start3A_492 = arith.constant 0 : i32
      %dma_start3A_493 = arith.constant 0 : i32
      %dma_start3A_494 = tpu.memref_slice %arg10[%dma_start3A_491, %dma_start3A_492, %dma_start3A_493] : memref<8x256x32xf32, #tpu.memory_space<vmem>> -> memref<1x256x32xf32, #tpu.memory_space<vmem>>
      %dma_start3A_495 = tpu.memref_squeeze %dma_start3A_494 : memref<1x256x32xf32, #tpu.memory_space<vmem>> -> memref<256x32xf32, #tpu.memory_space<vmem>>
      %dma_start3A_496 = arith.constant 0 : i32
      %dma_start3A_497 = tpu.memref_slice %arg8[%add3A_477, %dma_start3A_496] : memref<40x256xi32, #tpu.memory_space<vmem>> -> memref<1x256xi32, #tpu.memory_space<vmem>>
      %dma_start3A_498 = tpu.memref_squeeze %dma_start3A_497 : memref<1x256xi32, #tpu.memory_space<vmem>> -> memref<256xi32, #tpu.memory_space<vmem>>
      %dma_start3A_499 = arith.constant 0 : i32
      %dma_start3A_500 = arith.constant 0 : i32
      %dma_start3A_501 = tpu.memref_slice %arg7[%dma_start3A_499, %dma_start3A_500] : memref<10112x32xf32, #tpu.memory_space<vmem_shared>> -> memref<10112x32xf32, #tpu.memory_space<vmem_shared>>
      tpu.enqueue_indirect_dma source(%dma_start3A_501 : memref<10112x32xf32, #tpu.memory_space<vmem_shared>>) target(%dma_start3A_495 : memref<256x32xf32, #tpu.memory_space<vmem>>) offsets(%dma_start3A_498 : memref<256xi32, #tpu.memory_space<vmem>>) semaphore(%arg12 : memref<!tpu.dma_semaphore, #tpu.memory_space<semaphore_mem>>)
      %mul3A_502 = arith.constant 8 : i32
      %mul3A_503 = arith.muli %scan3A_394, %mul3A_502 : i32
      %add3A_504 = arith.constant 4 : i32
      %add3A_505 = arith.addi %add3A_504, %mul3A_503 : i32
      %add3A_506 = arith.constant 2 : i32
      %add3A_507 = arith.addi %add3A_505, %add3A_506 : i32
      %dma_wait3A_508 = arith.constant 6 : i32
      %dma_wait3A_509 = arith.constant 0 : i32
      %dma_wait3A_510 = arith.constant 0 : i32
      %dma_wait3A_511 = tpu.memref_slice %arg10[%dma_wait3A_508, %dma_wait3A_509, %dma_wait3A_510] : memref<8x256x32xf32, #tpu.memory_space<vmem>> -> memref<1x256x32xf32, #tpu.memory_space<vmem>>
      %dma_wait3A_512 = tpu.memref_squeeze %dma_wait3A_511 : memref<1x256x32xf32, #tpu.memory_space<vmem>> -> memref<256x32xf32, #tpu.memory_space<vmem>>
      %dma_wait3A_513 = arith.constant 0 : i32
      %dma_wait3A_514 = tpu.memref_slice %arg8[%add3A_507, %dma_wait3A_513] : memref<40x256xi32, #tpu.memory_space<vmem>> -> memref<1x256xi32, #tpu.memory_space<vmem>>
      %dma_wait3A_515 = tpu.memref_squeeze %dma_wait3A_514 : memref<1x256xi32, #tpu.memory_space<vmem>> -> memref<256xi32, #tpu.memory_space<vmem>>
      %dma_wait3A_516 = arith.constant 0 : i32
      %dma_wait3A_517 = arith.constant 0 : i32
      %dma_wait3A_518 = tpu.memref_slice %arg7[%dma_wait3A_516, %dma_wait3A_517] : memref<10112x32xf32, #tpu.memory_space<vmem_shared>> -> memref<10112x32xf32, #tpu.memory_space<vmem_shared>>
      tpu.wait_indirect_dma semaphore(%arg17 : memref<!tpu.dma_semaphore, #tpu.memory_space<semaphore_mem>>) src(%dma_wait3A_518 : memref<10112x32xf32, #tpu.memory_space<vmem_shared>>) dst(%dma_wait3A_512 : memref<256x32xf32, #tpu.memory_space<vmem>>)
      %dma_start3A_519 = arith.constant 6 : i32
      %dma_start3A_520 = arith.constant 0 : i32
      %dma_start3A_521 = arith.constant 0 : i32
      %dma_start3A_522 = tpu.memref_slice %arg10[%dma_start3A_519, %dma_start3A_520, %dma_start3A_521] : memref<8x256x32xf32, #tpu.memory_space<vmem>> -> memref<1x256x32xf32, #tpu.memory_space<vmem>>
      %dma_start3A_523 = tpu.memref_squeeze %dma_start3A_522 : memref<1x256x32xf32, #tpu.memory_space<vmem>> -> memref<256x32xf32, #tpu.memory_space<vmem>>
      %dma_start3A_524 = arith.constant 0 : i32
      %dma_start3A_525 = tpu.memref_slice %arg9[%add3A_507, %dma_start3A_524] : memref<40x256xi32, #tpu.memory_space<vmem>> -> memref<1x256xi32, #tpu.memory_space<vmem>>
      %dma_start3A_526 = tpu.memref_squeeze %dma_start3A_525 : memref<1x256xi32, #tpu.memory_space<vmem>> -> memref<256xi32, #tpu.memory_space<vmem>>
      %dma_start3A_527 = arith.constant 0 : i32
      %dma_start3A_528 = arith.constant 0 : i32
      %dma_start3A_529 = tpu.memref_slice %arg6[%dma_start3A_527, %dma_start3A_528] : memref<10112x32xf32, #tpu.memory_space<vmem_shared>> -> memref<10112x32xf32, #tpu.memory_space<vmem_shared>>
      tpu.enqueue_indirect_dma source(%dma_start3A_523 : memref<256x32xf32, #tpu.memory_space<vmem>>) target(%dma_start3A_529 : memref<10112x32xf32, #tpu.memory_space<vmem_shared>>) offsets(%dma_start3A_526 : memref<256xi32, #tpu.memory_space<vmem>>) semaphore(%arg25 : memref<!tpu.dma_semaphore, #tpu.memory_space<semaphore_mem>>) {add = true}
      %add3A_530 = arith.constant 4 : i32
      %add3A_531 = arith.addi %add3A_507, %add3A_530 : i32
      %sub3A_532 = arith.constant 8 : i32
      %sub3A_533 = arith.subi %add3A_531, %sub3A_532 : i32
      %dma_wait3A_534 = arith.constant 2 : i32
      %dma_wait3A_535 = arith.constant 0 : i32
      %dma_wait3A_536 = arith.constant 0 : i32
      %dma_wait3A_537 = tpu.memref_slice %arg10[%dma_wait3A_534, %dma_wait3A_535, %dma_wait3A_536] : memref<8x256x32xf32, #tpu.memory_space<vmem>> -> memref<1x256x32xf32, #tpu.memory_space<vmem>>
      %dma_wait3A_538 = tpu.memref_squeeze %dma_wait3A_537 : memref<1x256x32xf32, #tpu.memory_space<vmem>> -> memref<256x32xf32, #tpu.memory_space<vmem>>
      %dma_wait3A_539 = arith.constant 0 : i32
      %dma_wait3A_540 = tpu.memref_slice %arg9[%sub3A_533, %dma_wait3A_539] : memref<40x256xi32, #tpu.memory_space<vmem>> -> memref<1x256xi32, #tpu.memory_space<vmem>>
      %dma_wait3A_541 = tpu.memref_squeeze %dma_wait3A_540 : memref<1x256xi32, #tpu.memory_space<vmem>> -> memref<256xi32, #tpu.memory_space<vmem>>
      %dma_wait3A_542 = arith.constant 0 : i32
      %dma_wait3A_543 = arith.constant 0 : i32
      %dma_wait3A_544 = tpu.memref_slice %arg6[%dma_wait3A_542, %dma_wait3A_543] : memref<10112x32xf32, #tpu.memory_space<vmem_shared>> -> memref<10112x32xf32, #tpu.memory_space<vmem_shared>>
      tpu.wait_indirect_dma semaphore(%arg21 : memref<!tpu.dma_semaphore, #tpu.memory_space<semaphore_mem>>) src(%dma_wait3A_538 : memref<256x32xf32, #tpu.memory_space<vmem>>) dst(%dma_wait3A_544 : memref<10112x32xf32, #tpu.memory_space<vmem_shared>>)
      %dma_start3A_545 = arith.constant 2 : i32
      %dma_start3A_546 = arith.constant 0 : i32
      %dma_start3A_547 = arith.constant 0 : i32
      %dma_start3A_548 = tpu.memref_slice %arg10[%dma_start3A_545, %dma_start3A_546, %dma_start3A_547] : memref<8x256x32xf32, #tpu.memory_space<vmem>> -> memref<1x256x32xf32, #tpu.memory_space<vmem>>
      %dma_start3A_549 = tpu.memref_squeeze %dma_start3A_548 : memref<1x256x32xf32, #tpu.memory_space<vmem>> -> memref<256x32xf32, #tpu.memory_space<vmem>>
      %dma_start3A_550 = arith.constant 0 : i32
      %dma_start3A_551 = tpu.memref_slice %arg8[%add3A_531, %dma_start3A_550] : memref<40x256xi32, #tpu.memory_space<vmem>> -> memref<1x256xi32, #tpu.memory_space<vmem>>
      %dma_start3A_552 = tpu.memref_squeeze %dma_start3A_551 : memref<1x256xi32, #tpu.memory_space<vmem>> -> memref<256xi32, #tpu.memory_space<vmem>>
      %dma_start3A_553 = arith.constant 0 : i32
      %dma_start3A_554 = arith.constant 0 : i32
      %dma_start3A_555 = tpu.memref_slice %arg7[%dma_start3A_553, %dma_start3A_554] : memref<10112x32xf32, #tpu.memory_space<vmem_shared>> -> memref<10112x32xf32, #tpu.memory_space<vmem_shared>>
      tpu.enqueue_indirect_dma source(%dma_start3A_555 : memref<10112x32xf32, #tpu.memory_space<vmem_shared>>) target(%dma_start3A_549 : memref<256x32xf32, #tpu.memory_space<vmem>>) offsets(%dma_start3A_552 : memref<256xi32, #tpu.memory_space<vmem>>) semaphore(%arg13 : memref<!tpu.dma_semaphore, #tpu.memory_space<semaphore_mem>>)
      %mul3A_556 = arith.constant 8 : i32
      %mul3A_557 = arith.muli %scan3A_394, %mul3A_556 : i32
      %add3A_558 = arith.constant 4 : i32
      %add3A_559 = arith.addi %add3A_558, %mul3A_557 : i32
      %add3A_560 = arith.constant 3 : i32
      %add3A_561 = arith.addi %add3A_559, %add3A_560 : i32
      %dma_wait3A_562 = arith.constant 7 : i32
      %dma_wait3A_563 = arith.constant 0 : i32
      %dma_wait3A_564 = arith.constant 0 : i32
      %dma_wait3A_565 = tpu.memref_slice %arg10[%dma_wait3A_562, %dma_wait3A_563, %dma_wait3A_564] : memref<8x256x32xf32, #tpu.memory_space<vmem>> -> memref<1x256x32xf32, #tpu.memory_space<vmem>>
      %dma_wait3A_566 = tpu.memref_squeeze %dma_wait3A_565 : memref<1x256x32xf32, #tpu.memory_space<vmem>> -> memref<256x32xf32, #tpu.memory_space<vmem>>
      %dma_wait3A_567 = arith.constant 0 : i32
      %dma_wait3A_568 = tpu.memref_slice %arg8[%add3A_561, %dma_wait3A_567] : memref<40x256xi32, #tpu.memory_space<vmem>> -> memref<1x256xi32, #tpu.memory_space<vmem>>
      %dma_wait3A_569 = tpu.memref_squeeze %dma_wait3A_568 : memref<1x256xi32, #tpu.memory_space<vmem>> -> memref<256xi32, #tpu.memory_space<vmem>>
      %dma_wait3A_570 = arith.constant 0 : i32
      %dma_wait3A_571 = arith.constant 0 : i32
      %dma_wait3A_572 = tpu.memref_slice %arg7[%dma_wait3A_570, %dma_wait3A_571] : memref<10112x32xf32, #tpu.memory_space<vmem_shared>> -> memref<10112x32xf32, #tpu.memory_space<vmem_shared>>
      tpu.wait_indirect_dma semaphore(%arg18 : memref<!tpu.dma_semaphore, #tpu.memory_space<semaphore_mem>>) src(%dma_wait3A_572 : memref<10112x32xf32, #tpu.memory_space<vmem_shared>>) dst(%dma_wait3A_566 : memref<256x32xf32, #tpu.memory_space<vmem>>)
      %dma_start3A_573 = arith.constant 7 : i32
      %dma_start3A_574 = arith.constant 0 : i32
      %dma_start3A_575 = arith.constant 0 : i32
      %dma_start3A_576 = tpu.memref_slice %arg10[%dma_start3A_573, %dma_start3A_574, %dma_start3A_575] : memref<8x256x32xf32, #tpu.memory_space<vmem>> -> memref<1x256x32xf32, #tpu.memory_space<vmem>>
      %dma_start3A_577 = tpu.memref_squeeze %dma_start3A_576 : memref<1x256x32xf32, #tpu.memory_space<vmem>> -> memref<256x32xf32, #tpu.memory_space<vmem>>
      %dma_start3A_578 = arith.constant 0 : i32
      %dma_start3A_579 = tpu.memref_slice %arg9[%add3A_561, %dma_start3A_578] : memref<40x256xi32, #tpu.memory_space<vmem>> -> memref<1x256xi32, #tpu.memory_space<vmem>>
      %dma_start3A_580 = tpu.memref_squeeze %dma_start3A_579 : memref<1x256xi32, #tpu.memory_space<vmem>> -> memref<256xi32, #tpu.memory_space<vmem>>
      %dma_start3A_581 = arith.constant 0 : i32
      %dma_start3A_582 = arith.constant 0 : i32
      %dma_start3A_583 = tpu.memref_slice %arg6[%dma_start3A_581, %dma_start3A_582] : memref<10112x32xf32, #tpu.memory_space<vmem_shared>> -> memref<10112x32xf32, #tpu.memory_space<vmem_shared>>
      tpu.enqueue_indirect_dma source(%dma_start3A_577 : memref<256x32xf32, #tpu.memory_space<vmem>>) target(%dma_start3A_583 : memref<10112x32xf32, #tpu.memory_space<vmem_shared>>) offsets(%dma_start3A_580 : memref<256xi32, #tpu.memory_space<vmem>>) semaphore(%arg26 : memref<!tpu.dma_semaphore, #tpu.memory_space<semaphore_mem>>) {add = true}
      %add3A_584 = arith.constant 4 : i32
      %add3A_585 = arith.addi %add3A_561, %add3A_584 : i32
      %sub3A_586 = arith.constant 8 : i32
      %sub3A_587 = arith.subi %add3A_585, %sub3A_586 : i32
      %dma_wait3A_588 = arith.constant 3 : i32
      %dma_wait3A_589 = arith.constant 0 : i32
      %dma_wait3A_590 = arith.constant 0 : i32
      %dma_wait3A_591 = tpu.memref_slice %arg10[%dma_wait3A_588, %dma_wait3A_589, %dma_wait3A_590] : memref<8x256x32xf32, #tpu.memory_space<vmem>> -> memref<1x256x32xf32, #tpu.memory_space<vmem>>
      %dma_wait3A_592 = tpu.memref_squeeze %dma_wait3A_591 : memref<1x256x32xf32, #tpu.memory_space<vmem>> -> memref<256x32xf32, #tpu.memory_space<vmem>>
      %dma_wait3A_593 = arith.constant 0 : i32
      %dma_wait3A_594 = tpu.memref_slice %arg9[%sub3A_587, %dma_wait3A_593] : memref<40x256xi32, #tpu.memory_space<vmem>> -> memref<1x256xi32, #tpu.memory_space<vmem>>
      %dma_wait3A_595 = tpu.memref_squeeze %dma_wait3A_594 : memref<1x256xi32, #tpu.memory_space<vmem>> -> memref<256xi32, #tpu.memory_space<vmem>>
      %dma_wait3A_596 = arith.constant 0 : i32
      %dma_wait3A_597 = arith.constant 0 : i32
      %dma_wait3A_598 = tpu.memref_slice %arg6[%dma_wait3A_596, %dma_wait3A_597] : memref<10112x32xf32, #tpu.memory_space<vmem_shared>> -> memref<10112x32xf32, #tpu.memory_space<vmem_shared>>
      tpu.wait_indirect_dma semaphore(%arg22 : memref<!tpu.dma_semaphore, #tpu.memory_space<semaphore_mem>>) src(%dma_wait3A_592 : memref<256x32xf32, #tpu.memory_space<vmem>>) dst(%dma_wait3A_598 : memref<10112x32xf32, #tpu.memory_space<vmem_shared>>)
      %dma_start3A_599 = arith.constant 3 : i32
      %dma_start3A_600 = arith.constant 0 : i32
      %dma_start3A_601 = arith.constant 0 : i32
      %dma_start3A_602 = tpu.memref_slice %arg10[%dma_start3A_599, %dma_start3A_600, %dma_start3A_601] : memref<8x256x32xf32, #tpu.memory_space<vmem>> -> memref<1x256x32xf32, #tpu.memory_space<vmem>>
      %dma_start3A_603 = tpu.memref_squeeze %dma_start3A_602 : memref<1x256x32xf32, #tpu.memory_space<vmem>> -> memref<256x32xf32, #tpu.memory_space<vmem>>
      %dma_start3A_604 = arith.constant 0 : i32
      %dma_start3A_605 = tpu.memref_slice %arg8[%add3A_585, %dma_start3A_604] : memref<40x256xi32, #tpu.memory_space<vmem>> -> memref<1x256xi32, #tpu.memory_space<vmem>>
      %dma_start3A_606 = tpu.memref_squeeze %dma_start3A_605 : memref<1x256xi32, #tpu.memory_space<vmem>> -> memref<256xi32, #tpu.memory_space<vmem>>
      %dma_start3A_607 = arith.constant 0 : i32
      %dma_start3A_608 = arith.constant 0 : i32
      %dma_start3A_609 = tpu.memref_slice %arg7[%dma_start3A_607, %dma_start3A_608] : memref<10112x32xf32, #tpu.memory_space<vmem_shared>> -> memref<10112x32xf32, #tpu.memory_space<vmem_shared>>
      tpu.enqueue_indirect_dma source(%dma_start3A_609 : memref<10112x32xf32, #tpu.memory_space<vmem_shared>>) target(%dma_start3A_603 : memref<256x32xf32, #tpu.memory_space<vmem>>) offsets(%dma_start3A_606 : memref<256xi32, #tpu.memory_space<vmem>>) semaphore(%arg14 : memref<!tpu.dma_semaphore, #tpu.memory_space<semaphore_mem>>)
      %mul3A_610 = arith.constant 8 : i32
      %mul3A_611 = arith.muli %scan3A_394, %mul3A_610 : i32
      %add3A_612 = arith.constant 4 : i32
      %add3A_613 = arith.addi %add3A_612, %mul3A_611 : i32
      %add3A_614 = arith.constant 4 : i32
      %add3A_615 = arith.addi %add3A_613, %add3A_614 : i32
      %dma_wait3A_616 = arith.constant 0 : i32
      %dma_wait3A_617 = arith.constant 0 : i32
      %dma_wait3A_618 = arith.constant 0 : i32
      %dma_wait3A_619 = tpu.memref_slice %arg10[%dma_wait3A_616, %dma_wait3A_617, %dma_wait3A_618] : memref<8x256x32xf32, #tpu.memory_space<vmem>> -> memref<1x256x32xf32, #tpu.memory_space<vmem>>
      %dma_wait3A_620 = tpu.memref_squeeze %dma_wait3A_619 : memref<1x256x32xf32, #tpu.memory_space<vmem>> -> memref<256x32xf32, #tpu.memory_space<vmem>>
      %dma_wait3A_621 = arith.constant 0 : i32
      %dma_wait3A_622 = tpu.memref_slice %arg8[%add3A_615, %dma_wait3A_621] : memref<40x256xi32, #tpu.memory_space<vmem>> -> memref<1x256xi32, #tpu.memory_space<vmem>>
      %dma_wait3A_623 = tpu.memref_squeeze %dma_wait3A_622 : memref<1x256xi32, #tpu.memory_space<vmem>> -> memref<256xi32, #tpu.memory_space<vmem>>
      %dma_wait3A_624 = arith.constant 0 : i32
      %dma_wait3A_625 = arith.constant 0 : i32
      %dma_wait3A_626 = tpu.memref_slice %arg7[%dma_wait3A_624, %dma_wait3A_625] : memref<10112x32xf32, #tpu.memory_space<vmem_shared>> -> memref<10112x32xf32, #tpu.memory_space<vmem_shared>>
      tpu.wait_indirect_dma semaphore(%arg11 : memref<!tpu.dma_semaphore, #tpu.memory_space<semaphore_mem>>) src(%dma_wait3A_626 : memref<10112x32xf32, #tpu.memory_space<vmem_shared>>) dst(%dma_wait3A_620 : memref<256x32xf32, #tpu.memory_space<vmem>>)
      %dma_start3A_627 = arith.constant 0 : i32
      %dma_start3A_628 = arith.constant 0 : i32
      %dma_start3A_629 = arith.constant 0 : i32
      %dma_start3A_630 = tpu.memref_slice %arg10[%dma_start3A_627, %dma_start3A_628, %dma_start3A_629] : memref<8x256x32xf32, #tpu.memory_space<vmem>> -> memref<1x256x32xf32, #tpu.memory_space<vmem>>
      %dma_start3A_631 = tpu.memref_squeeze %dma_start3A_630 : memref<1x256x32xf32, #tpu.memory_space<vmem>> -> memref<256x32xf32, #tpu.memory_space<vmem>>
      %dma_start3A_632 = arith.constant 0 : i32
      %dma_start3A_633 = tpu.memref_slice %arg9[%add3A_615, %dma_start3A_632] : memref<40x256xi32, #tpu.memory_space<vmem>> -> memref<1x256xi32, #tpu.memory_space<vmem>>
      %dma_start3A_634 = tpu.memref_squeeze %dma_start3A_633 : memref<1x256xi32, #tpu.memory_space<vmem>> -> memref<256xi32, #tpu.memory_space<vmem>>
      %dma_start3A_635 = arith.constant 0 : i32
      %dma_start3A_636 = arith.constant 0 : i32
      %dma_start3A_637 = tpu.memref_slice %arg6[%dma_start3A_635, %dma_start3A_636] : memref<10112x32xf32, #tpu.memory_space<vmem_shared>> -> memref<10112x32xf32, #tpu.memory_space<vmem_shared>>
      tpu.enqueue_indirect_dma source(%dma_start3A_631 : memref<256x32xf32, #tpu.memory_space<vmem>>) target(%dma_start3A_637 : memref<10112x32xf32, #tpu.memory_space<vmem_shared>>) offsets(%dma_start3A_634 : memref<256xi32, #tpu.memory_space<vmem>>) semaphore(%arg19 : memref<!tpu.dma_semaphore, #tpu.memory_space<semaphore_mem>>) {add = true}
      %add3A_638 = arith.constant 4 : i32
      %add3A_639 = arith.addi %add3A_615, %add3A_638 : i32
      %sub3A_640 = arith.constant 8 : i32
      %sub3A_641 = arith.subi %add3A_639, %sub3A_640 : i32
      %dma_wait3A_642 = arith.constant 4 : i32
      %dma_wait3A_643 = arith.constant 0 : i32
      %dma_wait3A_644 = arith.constant 0 : i32
      %dma_wait3A_645 = tpu.memref_slice %arg10[%dma_wait3A_642, %dma_wait3A_643, %dma_wait3A_644] : memref<8x256x32xf32, #tpu.memory_space<vmem>> -> memref<1x256x32xf32, #tpu.memory_space<vmem>>
      %dma_wait3A_646 = tpu.memref_squeeze %dma_wait3A_645 : memref<1x256x32xf32, #tpu.memory_space<vmem>> -> memref<256x32xf32, #tpu.memory_space<vmem>>
      %dma_wait3A_647 = arith.constant 0 : i32
      %dma_wait3A_648 = tpu.memref_slice %arg9[%sub3A_641, %dma_wait3A_647] : memref<40x256xi32, #tpu.memory_space<vmem>> -> memref<1x256xi32, #tpu.memory_space<vmem>>
      %dma_wait3A_649 = tpu.memref_squeeze %dma_wait3A_648 : memref<1x256xi32, #tpu.memory_space<vmem>> -> memref<256xi32, #tpu.memory_space<vmem>>
      %dma_wait3A_650 = arith.constant 0 : i32
      %dma_wait3A_651 = arith.constant 0 : i32
      %dma_wait3A_652 = tpu.memref_slice %arg6[%dma_wait3A_650, %dma_wait3A_651] : memref<10112x32xf32, #tpu.memory_space<vmem_shared>> -> memref<10112x32xf32, #tpu.memory_space<vmem_shared>>
      tpu.wait_indirect_dma semaphore(%arg23 : memref<!tpu.dma_semaphore, #tpu.memory_space<semaphore_mem>>) src(%dma_wait3A_646 : memref<256x32xf32, #tpu.memory_space<vmem>>) dst(%dma_wait3A_652 : memref<10112x32xf32, #tpu.memory_space<vmem_shared>>)
      %dma_start3A_653 = arith.constant 4 : i32
      %dma_start3A_654 = arith.constant 0 : i32
      %dma_start3A_655 = arith.constant 0 : i32
      %dma_start3A_656 = tpu.memref_slice %arg10[%dma_start3A_653, %dma_start3A_654, %dma_start3A_655] : memref<8x256x32xf32, #tpu.memory_space<vmem>> -> memref<1x256x32xf32, #tpu.memory_space<vmem>>
      %dma_start3A_657 = tpu.memref_squeeze %dma_start3A_656 : memref<1x256x32xf32, #tpu.memory_space<vmem>> -> memref<256x32xf32, #tpu.memory_space<vmem>>
      %dma_start3A_658 = arith.constant 0 : i32
      %dma_start3A_659 = tpu.memref_slice %arg8[%add3A_639, %dma_start3A_658] : memref<40x256xi32, #tpu.memory_space<vmem>> -> memref<1x256xi32, #tpu.memory_space<vmem>>
      %dma_start3A_660 = tpu.memref_squeeze %dma_start3A_659 : memref<1x256xi32, #tpu.memory_space<vmem>> -> memref<256xi32, #tpu.memory_space<vmem>>
      %dma_start3A_661 = arith.constant 0 : i32
      %dma_start3A_662 = arith.constant 0 : i32
      %dma_start3A_663 = tpu.memref_slice %arg7[%dma_start3A_661, %dma_start3A_662] : memref<10112x32xf32, #tpu.memory_space<vmem_shared>> -> memref<10112x32xf32, #tpu.memory_space<vmem_shared>>
      tpu.enqueue_indirect_dma source(%dma_start3A_663 : memref<10112x32xf32, #tpu.memory_space<vmem_shared>>) target(%dma_start3A_657 : memref<256x32xf32, #tpu.memory_space<vmem>>) offsets(%dma_start3A_660 : memref<256xi32, #tpu.memory_space<vmem>>) semaphore(%arg15 : memref<!tpu.dma_semaphore, #tpu.memory_space<semaphore_mem>>)
      %mul3A_664 = arith.constant 8 : i32
      %mul3A_665 = arith.muli %scan3A_394, %mul3A_664 : i32
      %add3A_666 = arith.constant 4 : i32
      %add3A_667 = arith.addi %add3A_666, %mul3A_665 : i32
      %add3A_668 = arith.constant 5 : i32
      %add3A_669 = arith.addi %add3A_667, %add3A_668 : i32
      %dma_wait3A_670 = arith.constant 1 : i32
      %dma_wait3A_671 = arith.constant 0 : i32
      %dma_wait3A_672 = arith.constant 0 : i32
      %dma_wait3A_673 = tpu.memref_slice %arg10[%dma_wait3A_670, %dma_wait3A_671, %dma_wait3A_672] : memref<8x256x32xf32, #tpu.memory_space<vmem>> -> memref<1x256x32xf32, #tpu.memory_space<vmem>>
      %dma_wait3A_674 = tpu.memref_squeeze %dma_wait3A_673 : memref<1x256x32xf32, #tpu.memory_space<vmem>> -> memref<256x32xf32, #tpu.memory_space<vmem>>
      %dma_wait3A_675 = arith.constant 0 : i32
      %dma_wait3A_676 = tpu.memref_slice %arg8[%add3A_669, %dma_wait3A_675] : memref<40x256xi32, #tpu.memory_space<vmem>> -> memref<1x256xi32, #tpu.memory_space<vmem>>
      %dma_wait3A_677 = tpu.memref_squeeze %dma_wait3A_676 : memref<1x256xi32, #tpu.memory_space<vmem>> -> memref<256xi32, #tpu.memory_space<vmem>>
      %dma_wait3A_678 = arith.constant 0 : i32
      %dma_wait3A_679 = arith.constant 0 : i32
      %dma_wait3A_680 = tpu.memref_slice %arg7[%dma_wait3A_678, %dma_wait3A_679] : memref<10112x32xf32, #tpu.memory_space<vmem_shared>> -> memref<10112x32xf32, #tpu.memory_space<vmem_shared>>
      tpu.wait_indirect_dma semaphore(%arg12 : memref<!tpu.dma_semaphore, #tpu.memory_space<semaphore_mem>>) src(%dma_wait3A_680 : memref<10112x32xf32, #tpu.memory_space<vmem_shared>>) dst(%dma_wait3A_674 : memref<256x32xf32, #tpu.memory_space<vmem>>)
      %dma_start3A_681 = arith.constant 1 : i32
      %dma_start3A_682 = arith.constant 0 : i32
      %dma_start3A_683 = arith.constant 0 : i32
      %dma_start3A_684 = tpu.memref_slice %arg10[%dma_start3A_681, %dma_start3A_682, %dma_start3A_683] : memref<8x256x32xf32, #tpu.memory_space<vmem>> -> memref<1x256x32xf32, #tpu.memory_space<vmem>>
      %dma_start3A_685 = tpu.memref_squeeze %dma_start3A_684 : memref<1x256x32xf32, #tpu.memory_space<vmem>> -> memref<256x32xf32, #tpu.memory_space<vmem>>
      %dma_start3A_686 = arith.constant 0 : i32
      %dma_start3A_687 = tpu.memref_slice %arg9[%add3A_669, %dma_start3A_686] : memref<40x256xi32, #tpu.memory_space<vmem>> -> memref<1x256xi32, #tpu.memory_space<vmem>>
      %dma_start3A_688 = tpu.memref_squeeze %dma_start3A_687 : memref<1x256xi32, #tpu.memory_space<vmem>> -> memref<256xi32, #tpu.memory_space<vmem>>
      %dma_start3A_689 = arith.constant 0 : i32
      %dma_start3A_690 = arith.constant 0 : i32
      %dma_start3A_691 = tpu.memref_slice %arg6[%dma_start3A_689, %dma_start3A_690] : memref<10112x32xf32, #tpu.memory_space<vmem_shared>> -> memref<10112x32xf32, #tpu.memory_space<vmem_shared>>
      tpu.enqueue_indirect_dma source(%dma_start3A_685 : memref<256x32xf32, #tpu.memory_space<vmem>>) target(%dma_start3A_691 : memref<10112x32xf32, #tpu.memory_space<vmem_shared>>) offsets(%dma_start3A_688 : memref<256xi32, #tpu.memory_space<vmem>>) semaphore(%arg20 : memref<!tpu.dma_semaphore, #tpu.memory_space<semaphore_mem>>) {add = true}
      %add3A_692 = arith.constant 4 : i32
      %add3A_693 = arith.addi %add3A_669, %add3A_692 : i32
      %sub3A_694 = arith.constant 8 : i32
      %sub3A_695 = arith.subi %add3A_693, %sub3A_694 : i32
      %dma_wait3A_696 = arith.constant 5 : i32
      %dma_wait3A_697 = arith.constant 0 : i32
      %dma_wait3A_698 = arith.constant 0 : i32
      %dma_wait3A_699 = tpu.memref_slice %arg10[%dma_wait3A_696, %dma_wait3A_697, %dma_wait3A_698] : memref<8x256x32xf32, #tpu.memory_space<vmem>> -> memref<1x256x32xf32, #tpu.memory_space<vmem>>
      %dma_wait3A_700 = tpu.memref_squeeze %dma_wait3A_699 : memref<1x256x32xf32, #tpu.memory_space<vmem>> -> memref<256x32xf32, #tpu.memory_space<vmem>>
      %dma_wait3A_701 = arith.constant 0 : i32
      %dma_wait3A_702 = tpu.memref_slice %arg9[%sub3A_695, %dma_wait3A_701] : memref<40x256xi32, #tpu.memory_space<vmem>> -> memref<1x256xi32, #tpu.memory_space<vmem>>
      %dma_wait3A_703 = tpu.memref_squeeze %dma_wait3A_702 : memref<1x256xi32, #tpu.memory_space<vmem>> -> memref<256xi32, #tpu.memory_space<vmem>>
      %dma_wait3A_704 = arith.constant 0 : i32
      %dma_wait3A_705 = arith.constant 0 : i32
      %dma_wait3A_706 = tpu.memref_slice %arg6[%dma_wait3A_704, %dma_wait3A_705] : memref<10112x32xf32, #tpu.memory_space<vmem_shared>> -> memref<10112x32xf32, #tpu.memory_space<vmem_shared>>
      tpu.wait_indirect_dma semaphore(%arg24 : memref<!tpu.dma_semaphore, #tpu.memory_space<semaphore_mem>>) src(%dma_wait3A_700 : memref<256x32xf32, #tpu.memory_space<vmem>>) dst(%dma_wait3A_706 : memref<10112x32xf32, #tpu.memory_space<vmem_shared>>)
      %dma_start3A_707 = arith.constant 5 : i32
      %dma_start3A_708 = arith.constant 0 : i32
      %dma_start3A_709 = arith.constant 0 : i32
      %dma_start3A_710 = tpu.memref_slice %arg10[%dma_start3A_707, %dma_start3A_708, %dma_start3A_709] : memref<8x256x32xf32, #tpu.memory_space<vmem>> -> memref<1x256x32xf32, #tpu.memory_space<vmem>>
      %dma_start3A_711 = tpu.memref_squeeze %dma_start3A_710 : memref<1x256x32xf32, #tpu.memory_space<vmem>> -> memref<256x32xf32, #tpu.memory_space<vmem>>
      %dma_start3A_712 = arith.constant 0 : i32
      %dma_start3A_713 = tpu.memref_slice %arg8[%add3A_693, %dma_start3A_712] : memref<40x256xi32, #tpu.memory_space<vmem>> -> memref<1x256xi32, #tpu.memory_space<vmem>>
      %dma_start3A_714 = tpu.memref_squeeze %dma_start3A_713 : memref<1x256xi32, #tpu.memory_space<vmem>> -> memref<256xi32, #tpu.memory_space<vmem>>
      %dma_start3A_715 = arith.constant 0 : i32
      %dma_start3A_716 = arith.constant 0 : i32
      %dma_start3A_717 = tpu.memref_slice %arg7[%dma_start3A_715, %dma_start3A_716] : memref<10112x32xf32, #tpu.memory_space<vmem_shared>> -> memref<10112x32xf32, #tpu.memory_space<vmem_shared>>
      tpu.enqueue_indirect_dma source(%dma_start3A_717 : memref<10112x32xf32, #tpu.memory_space<vmem_shared>>) target(%dma_start3A_711 : memref<256x32xf32, #tpu.memory_space<vmem>>) offsets(%dma_start3A_714 : memref<256xi32, #tpu.memory_space<vmem>>) semaphore(%arg16 : memref<!tpu.dma_semaphore, #tpu.memory_space<semaphore_mem>>)
      %mul3A_718 = arith.constant 8 : i32
      %mul3A_719 = arith.muli %scan3A_394, %mul3A_718 : i32
      %add3A_720 = arith.constant 4 : i32
      %add3A_721 = arith.addi %add3A_720, %mul3A_719 : i32
      %add3A_722 = arith.constant 6 : i32
      %add3A_723 = arith.addi %add3A_721, %add3A_722 : i32
      %dma_wait3A_724 = arith.constant 2 : i32
      %dma_wait3A_725 = arith.constant 0 : i32
      %dma_wait3A_726 = arith.constant 0 : i32
      %dma_wait3A_727 = tpu.memref_slice %arg10[%dma_wait3A_724, %dma_wait3A_725, %dma_wait3A_726] : memref<8x256x32xf32, #tpu.memory_space<vmem>> -> memref<1x256x32xf32, #tpu.memory_space<vmem>>
      %dma_wait3A_728 = tpu.memref_squeeze %dma_wait3A_727 : memref<1x256x32xf32, #tpu.memory_space<vmem>> -> memref<256x32xf32, #tpu.memory_space<vmem>>
      %dma_wait3A_729 = arith.constant 0 : i32
      %dma_wait3A_730 = tpu.memref_slice %arg8[%add3A_723, %dma_wait3A_729] : memref<40x256xi32, #tpu.memory_space<vmem>> -> memref<1x256xi32, #tpu.memory_space<vmem>>
      %dma_wait3A_731 = tpu.memref_squeeze %dma_wait3A_730 : memref<1x256xi32, #tpu.memory_space<vmem>> -> memref<256xi32, #tpu.memory_space<vmem>>
      %dma_wait3A_732 = arith.constant 0 : i32
      %dma_wait3A_733 = arith.constant 0 : i32
      %dma_wait3A_734 = tpu.memref_slice %arg7[%dma_wait3A_732, %dma_wait3A_733] : memref<10112x32xf32, #tpu.memory_space<vmem_shared>> -> memref<10112x32xf32, #tpu.memory_space<vmem_shared>>
      tpu.wait_indirect_dma semaphore(%arg13 : memref<!tpu.dma_semaphore, #tpu.memory_space<semaphore_mem>>) src(%dma_wait3A_734 : memref<10112x32xf32, #tpu.memory_space<vmem_shared>>) dst(%dma_wait3A_728 : memref<256x32xf32, #tpu.memory_space<vmem>>)
      %dma_start3A_735 = arith.constant 2 : i32
      %dma_start3A_736 = arith.constant 0 : i32
      %dma_start3A_737 = arith.constant 0 : i32
      %dma_start3A_738 = tpu.memref_slice %arg10[%dma_start3A_735, %dma_start3A_736, %dma_start3A_737] : memref<8x256x32xf32, #tpu.memory_space<vmem>> -> memref<1x256x32xf32, #tpu.memory_space<vmem>>
      %dma_start3A_739 = tpu.memref_squeeze %dma_start3A_738 : memref<1x256x32xf32, #tpu.memory_space<vmem>> -> memref<256x32xf32, #tpu.memory_space<vmem>>
      %dma_start3A_740 = arith.constant 0 : i32
      %dma_start3A_741 = tpu.memref_slice %arg9[%add3A_723, %dma_start3A_740] : memref<40x256xi32, #tpu.memory_space<vmem>> -> memref<1x256xi32, #tpu.memory_space<vmem>>
      %dma_start3A_742 = tpu.memref_squeeze %dma_start3A_741 : memref<1x256xi32, #tpu.memory_space<vmem>> -> memref<256xi32, #tpu.memory_space<vmem>>
      %dma_start3A_743 = arith.constant 0 : i32
      %dma_start3A_744 = arith.constant 0 : i32
      %dma_start3A_745 = tpu.memref_slice %arg6[%dma_start3A_743, %dma_start3A_744] : memref<10112x32xf32, #tpu.memory_space<vmem_shared>> -> memref<10112x32xf32, #tpu.memory_space<vmem_shared>>
      tpu.enqueue_indirect_dma source(%dma_start3A_739 : memref<256x32xf32, #tpu.memory_space<vmem>>) target(%dma_start3A_745 : memref<10112x32xf32, #tpu.memory_space<vmem_shared>>) offsets(%dma_start3A_742 : memref<256xi32, #tpu.memory_space<vmem>>) semaphore(%arg21 : memref<!tpu.dma_semaphore, #tpu.memory_space<semaphore_mem>>) {add = true}
      %add3A_746 = arith.constant 4 : i32
      %add3A_747 = arith.addi %add3A_723, %add3A_746 : i32
      %sub3A_748 = arith.constant 8 : i32
      %sub3A_749 = arith.subi %add3A_747, %sub3A_748 : i32
      %dma_wait3A_750 = arith.constant 6 : i32
      %dma_wait3A_751 = arith.constant 0 : i32
      %dma_wait3A_752 = arith.constant 0 : i32
      %dma_wait3A_753 = tpu.memref_slice %arg10[%dma_wait3A_750, %dma_wait3A_751, %dma_wait3A_752] : memref<8x256x32xf32, #tpu.memory_space<vmem>> -> memref<1x256x32xf32, #tpu.memory_space<vmem>>
      %dma_wait3A_754 = tpu.memref_squeeze %dma_wait3A_753 : memref<1x256x32xf32, #tpu.memory_space<vmem>> -> memref<256x32xf32, #tpu.memory_space<vmem>>
      %dma_wait3A_755 = arith.constant 0 : i32
      %dma_wait3A_756 = tpu.memref_slice %arg9[%sub3A_749, %dma_wait3A_755] : memref<40x256xi32, #tpu.memory_space<vmem>> -> memref<1x256xi32, #tpu.memory_space<vmem>>
      %dma_wait3A_757 = tpu.memref_squeeze %dma_wait3A_756 : memref<1x256xi32, #tpu.memory_space<vmem>> -> memref<256xi32, #tpu.memory_space<vmem>>
      %dma_wait3A_758 = arith.constant 0 : i32
      %dma_wait3A_759 = arith.constant 0 : i32
      %dma_wait3A_760 = tpu.memref_slice %arg6[%dma_wait3A_758, %dma_wait3A_759] : memref<10112x32xf32, #tpu.memory_space<vmem_shared>> -> memref<10112x32xf32, #tpu.memory_space<vmem_shared>>
      tpu.wait_indirect_dma semaphore(%arg25 : memref<!tpu.dma_semaphore, #tpu.memory_space<semaphore_mem>>) src(%dma_wait3A_754 : memref<256x32xf32, #tpu.memory_space<vmem>>) dst(%dma_wait3A_760 : memref<10112x32xf32, #tpu.memory_space<vmem_shared>>)
      %dma_start3A_761 = arith.constant 6 : i32
      %dma_start3A_762 = arith.constant 0 : i32
      %dma_start3A_763 = arith.constant 0 : i32
      %dma_start3A_764 = tpu.memref_slice %arg10[%dma_start3A_761, %dma_start3A_762, %dma_start3A_763] : memref<8x256x32xf32, #tpu.memory_space<vmem>> -> memref<1x256x32xf32, #tpu.memory_space<vmem>>
      %dma_start3A_765 = tpu.memref_squeeze %dma_start3A_764 : memref<1x256x32xf32, #tpu.memory_space<vmem>> -> memref<256x32xf32, #tpu.memory_space<vmem>>
      %dma_start3A_766 = arith.constant 0 : i32
      %dma_start3A_767 = tpu.memref_slice %arg8[%add3A_747, %dma_start3A_766] : memref<40x256xi32, #tpu.memory_space<vmem>> -> memref<1x256xi32, #tpu.memory_space<vmem>>
      %dma_start3A_768 = tpu.memref_squeeze %dma_start3A_767 : memref<1x256xi32, #tpu.memory_space<vmem>> -> memref<256xi32, #tpu.memory_space<vmem>>
      %dma_start3A_769 = arith.constant 0 : i32
      %dma_start3A_770 = arith.constant 0 : i32
      %dma_start3A_771 = tpu.memref_slice %arg7[%dma_start3A_769, %dma_start3A_770] : memref<10112x32xf32, #tpu.memory_space<vmem_shared>> -> memref<10112x32xf32, #tpu.memory_space<vmem_shared>>
      tpu.enqueue_indirect_dma source(%dma_start3A_771 : memref<10112x32xf32, #tpu.memory_space<vmem_shared>>) target(%dma_start3A_765 : memref<256x32xf32, #tpu.memory_space<vmem>>) offsets(%dma_start3A_768 : memref<256xi32, #tpu.memory_space<vmem>>) semaphore(%arg17 : memref<!tpu.dma_semaphore, #tpu.memory_space<semaphore_mem>>)
      %mul3A_772 = arith.constant 8 : i32
      %mul3A_773 = arith.muli %scan3A_394, %mul3A_772 : i32
      %add3A_774 = arith.constant 4 : i32
      %add3A_775 = arith.addi %add3A_774, %mul3A_773 : i32
      %add3A_776 = arith.constant 7 : i32
      %add3A_777 = arith.addi %add3A_775, %add3A_776 : i32
      %dma_wait3A_778 = arith.constant 3 : i32
      %dma_wait3A_779 = arith.constant 0 : i32
      %dma_wait3A_780 = arith.constant 0 : i32
      %dma_wait3A_781 = tpu.memref_slice %arg10[%dma_wait3A_778, %dma_wait3A_779, %dma_wait3A_780] : memref<8x256x32xf32, #tpu.memory_space<vmem>> -> memref<1x256x32xf32, #tpu.memory_space<vmem>>
      %dma_wait3A_782 = tpu.memref_squeeze %dma_wait3A_781 : memref<1x256x32xf32, #tpu.memory_space<vmem>> -> memref<256x32xf32, #tpu.memory_space<vmem>>
      %dma_wait3A_783 = arith.constant 0 : i32
      %dma_wait3A_784 = tpu.memref_slice %arg8[%add3A_777, %dma_wait3A_783] : memref<40x256xi32, #tpu.memory_space<vmem>> -> memref<1x256xi32, #tpu.memory_space<vmem>>
      %dma_wait3A_785 = tpu.memref_squeeze %dma_wait3A_784 : memref<1x256xi32, #tpu.memory_space<vmem>> -> memref<256xi32, #tpu.memory_space<vmem>>
      %dma_wait3A_786 = arith.constant 0 : i32
      %dma_wait3A_787 = arith.constant 0 : i32
      %dma_wait3A_788 = tpu.memref_slice %arg7[%dma_wait3A_786, %dma_wait3A_787] : memref<10112x32xf32, #tpu.memory_space<vmem_shared>> -> memref<10112x32xf32, #tpu.memory_space<vmem_shared>>
      tpu.wait_indirect_dma semaphore(%arg14 : memref<!tpu.dma_semaphore, #tpu.memory_space<semaphore_mem>>) src(%dma_wait3A_788 : memref<10112x32xf32, #tpu.memory_space<vmem_shared>>) dst(%dma_wait3A_782 : memref<256x32xf32, #tpu.memory_space<vmem>>)
      %dma_start3A_789 = arith.constant 3 : i32
      %dma_start3A_790 = arith.constant 0 : i32
      %dma_start3A_791 = arith.constant 0 : i32
      %dma_start3A_792 = tpu.memref_slice %arg10[%dma_start3A_789, %dma_start3A_790, %dma_start3A_791] : memref<8x256x32xf32, #tpu.memory_space<vmem>> -> memref<1x256x32xf32, #tpu.memory_space<vmem>>
      %dma_start3A_793 = tpu.memref_squeeze %dma_start3A_792 : memref<1x256x32xf32, #tpu.memory_space<vmem>> -> memref<256x32xf32, #tpu.memory_space<vmem>>
      %dma_start3A_794 = arith.constant 0 : i32
      %dma_start3A_795 = tpu.memref_slice %arg9[%add3A_777, %dma_start3A_794] : memref<40x256xi32, #tpu.memory_space<vmem>> -> memref<1x256xi32, #tpu.memory_space<vmem>>
      %dma_start3A_796 = tpu.memref_squeeze %dma_start3A_795 : memref<1x256xi32, #tpu.memory_space<vmem>> -> memref<256xi32, #tpu.memory_space<vmem>>
      %dma_start3A_797 = arith.constant 0 : i32
      %dma_start3A_798 = arith.constant 0 : i32
      %dma_start3A_799 = tpu.memref_slice %arg6[%dma_start3A_797, %dma_start3A_798] : memref<10112x32xf32, #tpu.memory_space<vmem_shared>> -> memref<10112x32xf32, #tpu.memory_space<vmem_shared>>
      tpu.enqueue_indirect_dma source(%dma_start3A_793 : memref<256x32xf32, #tpu.memory_space<vmem>>) target(%dma_start3A_799 : memref<10112x32xf32, #tpu.memory_space<vmem_shared>>) offsets(%dma_start3A_796 : memref<256xi32, #tpu.memory_space<vmem>>) semaphore(%arg22 : memref<!tpu.dma_semaphore, #tpu.memory_space<semaphore_mem>>) {add = true}
      %add3A_800 = arith.constant 4 : i32
      %add3A_801 = arith.addi %add3A_777, %add3A_800 : i32
      %sub3A_802 = arith.constant 8 : i32
      %sub3A_803 = arith.subi %add3A_801, %sub3A_802 : i32
      %dma_wait3A_804 = arith.constant 7 : i32
      %dma_wait3A_805 = arith.constant 0 : i32
      %dma_wait3A_806 = arith.constant 0 : i32
      %dma_wait3A_807 = tpu.memref_slice %arg10[%dma_wait3A_804, %dma_wait3A_805, %dma_wait3A_806] : memref<8x256x32xf32, #tpu.memory_space<vmem>> -> memref<1x256x32xf32, #tpu.memory_space<vmem>>
      %dma_wait3A_808 = tpu.memref_squeeze %dma_wait3A_807 : memref<1x256x32xf32, #tpu.memory_space<vmem>> -> memref<256x32xf32, #tpu.memory_space<vmem>>
      %dma_wait3A_809 = arith.constant 0 : i32
      %dma_wait3A_810 = tpu.memref_slice %arg9[%sub3A_803, %dma_wait3A_809] : memref<40x256xi32, #tpu.memory_space<vmem>> -> memref<1x256xi32, #tpu.memory_space<vmem>>
      %dma_wait3A_811 = tpu.memref_squeeze %dma_wait3A_810 : memref<1x256xi32, #tpu.memory_space<vmem>> -> memref<256xi32, #tpu.memory_space<vmem>>
      %dma_wait3A_812 = arith.constant 0 : i32
      %dma_wait3A_813 = arith.constant 0 : i32
      %dma_wait3A_814 = tpu.memref_slice %arg6[%dma_wait3A_812, %dma_wait3A_813] : memref<10112x32xf32, #tpu.memory_space<vmem_shared>> -> memref<10112x32xf32, #tpu.memory_space<vmem_shared>>
      tpu.wait_indirect_dma semaphore(%arg26 : memref<!tpu.dma_semaphore, #tpu.memory_space<semaphore_mem>>) src(%dma_wait3A_808 : memref<256x32xf32, #tpu.memory_space<vmem>>) dst(%dma_wait3A_814 : memref<10112x32xf32, #tpu.memory_space<vmem_shared>>)
      %dma_start3A_815 = arith.constant 7 : i32
      %dma_start3A_816 = arith.constant 0 : i32
      %dma_start3A_817 = arith.constant 0 : i32
      %dma_start3A_818 = tpu.memref_slice %arg10[%dma_start3A_815, %dma_start3A_816, %dma_start3A_817] : memref<8x256x32xf32, #tpu.memory_space<vmem>> -> memref<1x256x32xf32, #tpu.memory_space<vmem>>
      %dma_start3A_819 = tpu.memref_squeeze %dma_start3A_818 : memref<1x256x32xf32, #tpu.memory_space<vmem>> -> memref<256x32xf32, #tpu.memory_space<vmem>>
      %dma_start3A_820 = arith.constant 0 : i32
      %dma_start3A_821 = tpu.memref_slice %arg8[%add3A_801, %dma_start3A_820] : memref<40x256xi32, #tpu.memory_space<vmem>> -> memref<1x256xi32, #tpu.memory_space<vmem>>
      %dma_start3A_822 = tpu.memref_squeeze %dma_start3A_821 : memref<1x256xi32, #tpu.memory_space<vmem>> -> memref<256xi32, #tpu.memory_space<vmem>>
      %dma_start3A_823 = arith.constant 0 : i32
      %dma_start3A_824 = arith.constant 0 : i32
      %dma_start3A_825 = tpu.memref_slice %arg7[%dma_start3A_823, %dma_start3A_824] : memref<10112x32xf32, #tpu.memory_space<vmem_shared>> -> memref<10112x32xf32, #tpu.memory_space<vmem_shared>>
      tpu.enqueue_indirect_dma source(%dma_start3A_825 : memref<10112x32xf32, #tpu.memory_space<vmem_shared>>) target(%dma_start3A_819 : memref<256x32xf32, #tpu.memory_space<vmem>>) offsets(%dma_start3A_822 : memref<256xi32, #tpu.memory_space<vmem>>) semaphore(%arg18 : memref<!tpu.dma_semaphore, #tpu.memory_space<semaphore_mem>>)
    }
    %scan3A_200 = arith.constant 4 : i32
    %dma_wait3A_201 = arith.constant 36 : i32
    %dma_wait3A_202 = arith.constant 4 : i32
    %dma_wait3A_203 = arith.constant 0 : i32
    %dma_wait3A_204 = arith.constant 0 : i32
    %dma_wait3A_205 = tpu.memref_slice %arg10[%dma_wait3A_202, %dma_wait3A_203, %dma_wait3A_204] : memref<8x256x32xf32, #tpu.memory_space<vmem>> -> memref<1x256x32xf32, #tpu.memory_space<vmem>>
    %dma_wait3A_206 = tpu.memref_squeeze %dma_wait3A_205 : memref<1x256x32xf32, #tpu.memory_space<vmem>> -> memref<256x32xf32, #tpu.memory_space<vmem>>
    %dma_wait3A_207 = arith.constant 0 : i32
    %dma_wait3A_208 = tpu.memref_slice %arg8[%dma_wait3A_201, %dma_wait3A_207] : memref<40x256xi32, #tpu.memory_space<vmem>> -> memref<1x256xi32, #tpu.memory_space<vmem>>
    %dma_wait3A_209 = tpu.memref_squeeze %dma_wait3A_208 : memref<1x256xi32, #tpu.memory_space<vmem>> -> memref<256xi32, #tpu.memory_space<vmem>>
    %dma_wait3A_210 = arith.constant 0 : i32
    %dma_wait3A_211 = arith.constant 0 : i32
    %dma_wait3A_212 = tpu.memref_slice %arg7[%dma_wait3A_210, %dma_wait3A_211] : memref<10112x32xf32, #tpu.memory_space<vmem_shared>> -> memref<10112x32xf32, #tpu.memory_space<vmem_shared>>
    tpu.wait_indirect_dma semaphore(%arg15 : memref<!tpu.dma_semaphore, #tpu.memory_space<semaphore_mem>>) src(%dma_wait3A_212 : memref<10112x32xf32, #tpu.memory_space<vmem_shared>>) dst(%dma_wait3A_206 : memref<256x32xf32, #tpu.memory_space<vmem>>)
    %dma_start3A_213 = arith.constant 4 : i32
    %dma_start3A_214 = arith.constant 36 : i32
    %dma_start3A_215 = arith.constant 0 : i32
    %dma_start3A_216 = arith.constant 0 : i32
    %dma_start3A_217 = tpu.memref_slice %arg10[%dma_start3A_213, %dma_start3A_215, %dma_start3A_216] : memref<8x256x32xf32, #tpu.memory_space<vmem>> -> memref<1x256x32xf32, #tpu.memory_space<vmem>>
    %dma_start3A_218 = tpu.memref_squeeze %dma_start3A_217 : memref<1x256x32xf32, #tpu.memory_space<vmem>> -> memref<256x32xf32, #tpu.memory_space<vmem>>
    %dma_start3A_219 = arith.constant 0 : i32
    %dma_start3A_220 = tpu.memref_slice %arg9[%dma_start3A_214, %dma_start3A_219] : memref<40x256xi32, #tpu.memory_space<vmem>> -> memref<1x256xi32, #tpu.memory_space<vmem>>
    %dma_start3A_221 = tpu.memref_squeeze %dma_start3A_220 : memref<1x256xi32, #tpu.memory_space<vmem>> -> memref<256xi32, #tpu.memory_space<vmem>>
    %dma_start3A_222 = arith.constant 0 : i32
    %dma_start3A_223 = arith.constant 0 : i32
    %dma_start3A_224 = tpu.memref_slice %arg6[%dma_start3A_222, %dma_start3A_223] : memref<10112x32xf32, #tpu.memory_space<vmem_shared>> -> memref<10112x32xf32, #tpu.memory_space<vmem_shared>>
    tpu.enqueue_indirect_dma source(%dma_start3A_218 : memref<256x32xf32, #tpu.memory_space<vmem>>) target(%dma_start3A_224 : memref<10112x32xf32, #tpu.memory_space<vmem_shared>>) offsets(%dma_start3A_221 : memref<256xi32, #tpu.memory_space<vmem>>) semaphore(%arg23 : memref<!tpu.dma_semaphore, #tpu.memory_space<semaphore_mem>>) {add = true}
    %dma_wait3A_225 = arith.constant 37 : i32
    %dma_wait3A_226 = arith.constant 5 : i32
    %dma_wait3A_227 = arith.constant 0 : i32
    %dma_wait3A_228 = arith.constant 0 : i32
    %dma_wait3A_229 = tpu.memref_slice %arg10[%dma_wait3A_226, %dma_wait3A_227, %dma_wait3A_228] : memref<8x256x32xf32, #tpu.memory_space<vmem>> -> memref<1x256x32xf32, #tpu.memory_space<vmem>>
    %dma_wait3A_230 = tpu.memref_squeeze %dma_wait3A_229 : memref<1x256x32xf32, #tpu.memory_space<vmem>> -> memref<256x32xf32, #tpu.memory_space<vmem>>
    %dma_wait3A_231 = arith.constant 0 : i32
    %dma_wait3A_232 = tpu.memref_slice %arg8[%dma_wait3A_225, %dma_wait3A_231] : memref<40x256xi32, #tpu.memory_space<vmem>> -> memref<1x256xi32, #tpu.memory_space<vmem>>
    %dma_wait3A_233 = tpu.memref_squeeze %dma_wait3A_232 : memref<1x256xi32, #tpu.memory_space<vmem>> -> memref<256xi32, #tpu.memory_space<vmem>>
    %dma_wait3A_234 = arith.constant 0 : i32
    %dma_wait3A_235 = arith.constant 0 : i32
    %dma_wait3A_236 = tpu.memref_slice %arg7[%dma_wait3A_234, %dma_wait3A_235] : memref<10112x32xf32, #tpu.memory_space<vmem_shared>> -> memref<10112x32xf32, #tpu.memory_space<vmem_shared>>
    tpu.wait_indirect_dma semaphore(%arg16 : memref<!tpu.dma_semaphore, #tpu.memory_space<semaphore_mem>>) src(%dma_wait3A_236 : memref<10112x32xf32, #tpu.memory_space<vmem_shared>>) dst(%dma_wait3A_230 : memref<256x32xf32, #tpu.memory_space<vmem>>)
    %dma_start3A_237 = arith.constant 5 : i32
    %dma_start3A_238 = arith.constant 37 : i32
    %dma_start3A_239 = arith.constant 0 : i32
    %dma_start3A_240 = arith.constant 0 : i32
    %dma_start3A_241 = tpu.memref_slice %arg10[%dma_start3A_237, %dma_start3A_239, %dma_start3A_240] : memref<8x256x32xf32, #tpu.memory_space<vmem>> -> memref<1x256x32xf32, #tpu.memory_space<vmem>>
    %dma_start3A_242 = tpu.memref_squeeze %dma_start3A_241 : memref<1x256x32xf32, #tpu.memory_space<vmem>> -> memref<256x32xf32, #tpu.memory_space<vmem>>
    %dma_start3A_243 = arith.constant 0 : i32
    %dma_start3A_244 = tpu.memref_slice %arg9[%dma_start3A_238, %dma_start3A_243] : memref<40x256xi32, #tpu.memory_space<vmem>> -> memref<1x256xi32, #tpu.memory_space<vmem>>
    %dma_start3A_245 = tpu.memref_squeeze %dma_start3A_244 : memref<1x256xi32, #tpu.memory_space<vmem>> -> memref<256xi32, #tpu.memory_space<vmem>>
    %dma_start3A_246 = arith.constant 0 : i32
    %dma_start3A_247 = arith.constant 0 : i32
    %dma_start3A_248 = tpu.memref_slice %arg6[%dma_start3A_246, %dma_start3A_247] : memref<10112x32xf32, #tpu.memory_space<vmem_shared>> -> memref<10112x32xf32, #tpu.memory_space<vmem_shared>>
    tpu.enqueue_indirect_dma source(%dma_start3A_242 : memref<256x32xf32, #tpu.memory_space<vmem>>) target(%dma_start3A_248 : memref<10112x32xf32, #tpu.memory_space<vmem_shared>>) offsets(%dma_start3A_245 : memref<256xi32, #tpu.memory_space<vmem>>) semaphore(%arg24 : memref<!tpu.dma_semaphore, #tpu.memory_space<semaphore_mem>>) {add = true}
    %dma_wait3A_249 = arith.constant 38 : i32
    %dma_wait3A_250 = arith.constant 6 : i32
    %dma_wait3A_251 = arith.constant 0 : i32
    %dma_wait3A_252 = arith.constant 0 : i32
    %dma_wait3A_253 = tpu.memref_slice %arg10[%dma_wait3A_250, %dma_wait3A_251, %dma_wait3A_252] : memref<8x256x32xf32, #tpu.memory_space<vmem>> -> memref<1x256x32xf32, #tpu.memory_space<vmem>>
    %dma_wait3A_254 = tpu.memref_squeeze %dma_wait3A_253 : memref<1x256x32xf32, #tpu.memory_space<vmem>> -> memref<256x32xf32, #tpu.memory_space<vmem>>
    %dma_wait3A_255 = arith.constant 0 : i32
    %dma_wait3A_256 = tpu.memref_slice %arg8[%dma_wait3A_249, %dma_wait3A_255] : memref<40x256xi32, #tpu.memory_space<vmem>> -> memref<1x256xi32, #tpu.memory_space<vmem>>
    %dma_wait3A_257 = tpu.memref_squeeze %dma_wait3A_256 : memref<1x256xi32, #tpu.memory_space<vmem>> -> memref<256xi32, #tpu.memory_space<vmem>>
    %dma_wait3A_258 = arith.constant 0 : i32
    %dma_wait3A_259 = arith.constant 0 : i32
    %dma_wait3A_260 = tpu.memref_slice %arg7[%dma_wait3A_258, %dma_wait3A_259] : memref<10112x32xf32, #tpu.memory_space<vmem_shared>> -> memref<10112x32xf32, #tpu.memory_space<vmem_shared>>
    tpu.wait_indirect_dma semaphore(%arg17 : memref<!tpu.dma_semaphore, #tpu.memory_space<semaphore_mem>>) src(%dma_wait3A_260 : memref<10112x32xf32, #tpu.memory_space<vmem_shared>>) dst(%dma_wait3A_254 : memref<256x32xf32, #tpu.memory_space<vmem>>)
    %dma_start3A_261 = arith.constant 6 : i32
    %dma_start3A_262 = arith.constant 38 : i32
    %dma_start3A_263 = arith.constant 0 : i32
    %dma_start3A_264 = arith.constant 0 : i32
    %dma_start3A_265 = tpu.memref_slice %arg10[%dma_start3A_261, %dma_start3A_263, %dma_start3A_264] : memref<8x256x32xf32, #tpu.memory_space<vmem>> -> memref<1x256x32xf32, #tpu.memory_space<vmem>>
    %dma_start3A_266 = tpu.memref_squeeze %dma_start3A_265 : memref<1x256x32xf32, #tpu.memory_space<vmem>> -> memref<256x32xf32, #tpu.memory_space<vmem>>
    %dma_start3A_267 = arith.constant 0 : i32
    %dma_start3A_268 = tpu.memref_slice %arg9[%dma_start3A_262, %dma_start3A_267] : memref<40x256xi32, #tpu.memory_space<vmem>> -> memref<1x256xi32, #tpu.memory_space<vmem>>
    %dma_start3A_269 = tpu.memref_squeeze %dma_start3A_268 : memref<1x256xi32, #tpu.memory_space<vmem>> -> memref<256xi32, #tpu.memory_space<vmem>>
    %dma_start3A_270 = arith.constant 0 : i32
    %dma_start3A_271 = arith.constant 0 : i32
    %dma_start3A_272 = tpu.memref_slice %arg6[%dma_start3A_270, %dma_start3A_271] : memref<10112x32xf32, #tpu.memory_space<vmem_shared>> -> memref<10112x32xf32, #tpu.memory_space<vmem_shared>>
    tpu.enqueue_indirect_dma source(%dma_start3A_266 : memref<256x32xf32, #tpu.memory_space<vmem>>) target(%dma_start3A_272 : memref<10112x32xf32, #tpu.memory_space<vmem_shared>>) offsets(%dma_start3A_269 : memref<256xi32, #tpu.memory_space<vmem>>) semaphore(%arg25 : memref<!tpu.dma_semaphore, #tpu.memory_space<semaphore_mem>>) {add = true}
    %dma_wait3A_273 = arith.constant 39 : i32
    %dma_wait3A_274 = arith.constant 7 : i32
    %dma_wait3A_275 = arith.constant 0 : i32
    %dma_wait3A_276 = arith.constant 0 : i32
    %dma_wait3A_277 = tpu.memref_slice %arg10[%dma_wait3A_274, %dma_wait3A_275, %dma_wait3A_276] : memref<8x256x32xf32, #tpu.memory_space<vmem>> -> memref<1x256x32xf32, #tpu.memory_space<vmem>>
    %dma_wait3A_278 = tpu.memref_squeeze %dma_wait3A_277 : memref<1x256x32xf32, #tpu.memory_space<vmem>> -> memref<256x32xf32, #tpu.memory_space<vmem>>
    %dma_wait3A_279 = arith.constant 0 : i32
    %dma_wait3A_280 = tpu.memref_slice %arg8[%dma_wait3A_273, %dma_wait3A_279] : memref<40x256xi32, #tpu.memory_space<vmem>> -> memref<1x256xi32, #tpu.memory_space<vmem>>
    %dma_wait3A_281 = tpu.memref_squeeze %dma_wait3A_280 : memref<1x256xi32, #tpu.memory_space<vmem>> -> memref<256xi32, #tpu.memory_space<vmem>>
    %dma_wait3A_282 = arith.constant 0 : i32
    %dma_wait3A_283 = arith.constant 0 : i32
    %dma_wait3A_284 = tpu.memref_slice %arg7[%dma_wait3A_282, %dma_wait3A_283] : memref<10112x32xf32, #tpu.memory_space<vmem_shared>> -> memref<10112x32xf32, #tpu.memory_space<vmem_shared>>
    tpu.wait_indirect_dma semaphore(%arg18 : memref<!tpu.dma_semaphore, #tpu.memory_space<semaphore_mem>>) src(%dma_wait3A_284 : memref<10112x32xf32, #tpu.memory_space<vmem_shared>>) dst(%dma_wait3A_278 : memref<256x32xf32, #tpu.memory_space<vmem>>)
    %dma_start3A_285 = arith.constant 7 : i32
    %dma_start3A_286 = arith.constant 39 : i32
    %dma_start3A_287 = arith.constant 0 : i32
    %dma_start3A_288 = arith.constant 0 : i32
    %dma_start3A_289 = tpu.memref_slice %arg10[%dma_start3A_285, %dma_start3A_287, %dma_start3A_288] : memref<8x256x32xf32, #tpu.memory_space<vmem>> -> memref<1x256x32xf32, #tpu.memory_space<vmem>>
    %dma_start3A_290 = tpu.memref_squeeze %dma_start3A_289 : memref<1x256x32xf32, #tpu.memory_space<vmem>> -> memref<256x32xf32, #tpu.memory_space<vmem>>
    %dma_start3A_291 = arith.constant 0 : i32
    %dma_start3A_292 = tpu.memref_slice %arg9[%dma_start3A_286, %dma_start3A_291] : memref<40x256xi32, #tpu.memory_space<vmem>> -> memref<1x256xi32, #tpu.memory_space<vmem>>
    %dma_start3A_293 = tpu.memref_squeeze %dma_start3A_292 : memref<1x256xi32, #tpu.memory_space<vmem>> -> memref<256xi32, #tpu.memory_space<vmem>>
    %dma_start3A_294 = arith.constant 0 : i32
    %dma_start3A_295 = arith.constant 0 : i32
    %dma_start3A_296 = tpu.memref_slice %arg6[%dma_start3A_294, %dma_start3A_295] : memref<10112x32xf32, #tpu.memory_space<vmem_shared>> -> memref<10112x32xf32, #tpu.memory_space<vmem_shared>>
    tpu.enqueue_indirect_dma source(%dma_start3A_290 : memref<256x32xf32, #tpu.memory_space<vmem>>) target(%dma_start3A_296 : memref<10112x32xf32, #tpu.memory_space<vmem_shared>>) offsets(%dma_start3A_293 : memref<256xi32, #tpu.memory_space<vmem>>) semaphore(%arg26 : memref<!tpu.dma_semaphore, #tpu.memory_space<semaphore_mem>>) {add = true}
    %dma_wait3A_297 = arith.constant 0 : i32
    %dma_wait3A_298 = arith.constant 32 : i32
    %dma_wait3A_299 = arith.constant 0 : i32
    %dma_wait3A_300 = arith.constant 0 : i32
    %dma_wait3A_301 = tpu.memref_slice %arg10[%dma_wait3A_297, %dma_wait3A_299, %dma_wait3A_300] : memref<8x256x32xf32, #tpu.memory_space<vmem>> -> memref<1x256x32xf32, #tpu.memory_space<vmem>>
    %dma_wait3A_302 = tpu.memref_squeeze %dma_wait3A_301 : memref<1x256x32xf32, #tpu.memory_space<vmem>> -> memref<256x32xf32, #tpu.memory_space<vmem>>
    %dma_wait3A_303 = arith.constant 0 : i32
    %dma_wait3A_304 = tpu.memref_slice %arg9[%dma_wait3A_298, %dma_wait3A_303] : memref<40x256xi32, #tpu.memory_space<vmem>> -> memref<1x256xi32, #tpu.memory_space<vmem>>
    %dma_wait3A_305 = tpu.memref_squeeze %dma_wait3A_304 : memref<1x256xi32, #tpu.memory_space<vmem>> -> memref<256xi32, #tpu.memory_space<vmem>>
    %dma_wait3A_306 = arith.constant 0 : i32
    %dma_wait3A_307 = arith.constant 0 : i32
    %dma_wait3A_308 = tpu.memref_slice %arg6[%dma_wait3A_306, %dma_wait3A_307] : memref<10112x32xf32, #tpu.memory_space<vmem_shared>> -> memref<10112x32xf32, #tpu.memory_space<vmem_shared>>
    tpu.wait_indirect_dma semaphore(%arg19 : memref<!tpu.dma_semaphore, #tpu.memory_space<semaphore_mem>>) src(%dma_wait3A_302 : memref<256x32xf32, #tpu.memory_space<vmem>>) dst(%dma_wait3A_308 : memref<10112x32xf32, #tpu.memory_space<vmem_shared>>)
    %dma_wait3A_309 = arith.constant 1 : i32
    %dma_wait3A_310 = arith.constant 33 : i32
    %dma_wait3A_311 = arith.constant 0 : i32
    %dma_wait3A_312 = arith.constant 0 : i32
    %dma_wait3A_313 = tpu.memref_slice %arg10[%dma_wait3A_309, %dma_wait3A_311, %dma_wait3A_312] : memref<8x256x32xf32, #tpu.memory_space<vmem>> -> memref<1x256x32xf32, #tpu.memory_space<vmem>>
    %dma_wait3A_314 = tpu.memref_squeeze %dma_wait3A_313 : memref<1x256x32xf32, #tpu.memory_space<vmem>> -> memref<256x32xf32, #tpu.memory_space<vmem>>
    %dma_wait3A_315 = arith.constant 0 : i32
    %dma_wait3A_316 = tpu.memref_slice %arg9[%dma_wait3A_310, %dma_wait3A_315] : memref<40x256xi32, #tpu.memory_space<vmem>> -> memref<1x256xi32, #tpu.memory_space<vmem>>
    %dma_wait3A_317 = tpu.memref_squeeze %dma_wait3A_316 : memref<1x256xi32, #tpu.memory_space<vmem>> -> memref<256xi32, #tpu.memory_space<vmem>>
    %dma_wait3A_318 = arith.constant 0 : i32
    %dma_wait3A_319 = arith.constant 0 : i32
    %dma_wait3A_320 = tpu.memref_slice %arg6[%dma_wait3A_318, %dma_wait3A_319] : memref<10112x32xf32, #tpu.memory_space<vmem_shared>> -> memref<10112x32xf32, #tpu.memory_space<vmem_shared>>
    tpu.wait_indirect_dma semaphore(%arg20 : memref<!tpu.dma_semaphore, #tpu.memory_space<semaphore_mem>>) src(%dma_wait3A_314 : memref<256x32xf32, #tpu.memory_space<vmem>>) dst(%dma_wait3A_320 : memref<10112x32xf32, #tpu.memory_space<vmem_shared>>)
    %dma_wait3A_321 = arith.constant 2 : i32
    %dma_wait3A_322 = arith.constant 34 : i32
    %dma_wait3A_323 = arith.constant 0 : i32
    %dma_wait3A_324 = arith.constant 0 : i32
    %dma_wait3A_325 = tpu.memref_slice %arg10[%dma_wait3A_321, %dma_wait3A_323, %dma_wait3A_324] : memref<8x256x32xf32, #tpu.memory_space<vmem>> -> memref<1x256x32xf32, #tpu.memory_space<vmem>>
    %dma_wait3A_326 = tpu.memref_squeeze %dma_wait3A_325 : memref<1x256x32xf32, #tpu.memory_space<vmem>> -> memref<256x32xf32, #tpu.memory_space<vmem>>
    %dma_wait3A_327 = arith.constant 0 : i32
    %dma_wait3A_328 = tpu.memref_slice %arg9[%dma_wait3A_322, %dma_wait3A_327] : memref<40x256xi32, #tpu.memory_space<vmem>> -> memref<1x256xi32, #tpu.memory_space<vmem>>
    %dma_wait3A_329 = tpu.memref_squeeze %dma_wait3A_328 : memref<1x256xi32, #tpu.memory_space<vmem>> -> memref<256xi32, #tpu.memory_space<vmem>>
    %dma_wait3A_330 = arith.constant 0 : i32
    %dma_wait3A_331 = arith.constant 0 : i32
    %dma_wait3A_332 = tpu.memref_slice %arg6[%dma_wait3A_330, %dma_wait3A_331] : memref<10112x32xf32, #tpu.memory_space<vmem_shared>> -> memref<10112x32xf32, #tpu.memory_space<vmem_shared>>
    tpu.wait_indirect_dma semaphore(%arg21 : memref<!tpu.dma_semaphore, #tpu.memory_space<semaphore_mem>>) src(%dma_wait3A_326 : memref<256x32xf32, #tpu.memory_space<vmem>>) dst(%dma_wait3A_332 : memref<10112x32xf32, #tpu.memory_space<vmem_shared>>)
    %dma_wait3A_333 = arith.constant 3 : i32
    %dma_wait3A_334 = arith.constant 35 : i32
    %dma_wait3A_335 = arith.constant 0 : i32
    %dma_wait3A_336 = arith.constant 0 : i32
    %dma_wait3A_337 = tpu.memref_slice %arg10[%dma_wait3A_333, %dma_wait3A_335, %dma_wait3A_336] : memref<8x256x32xf32, #tpu.memory_space<vmem>> -> memref<1x256x32xf32, #tpu.memory_space<vmem>>
    %dma_wait3A_338 = tpu.memref_squeeze %dma_wait3A_337 : memref<1x256x32xf32, #tpu.memory_space<vmem>> -> memref<256x32xf32, #tpu.memory_space<vmem>>
    %dma_wait3A_339 = arith.constant 0 : i32
    %dma_wait3A_340 = tpu.memref_slice %arg9[%dma_wait3A_334, %dma_wait3A_339] : memref<40x256xi32, #tpu.memory_space<vmem>> -> memref<1x256xi32, #tpu.memory_space<vmem>>
    %dma_wait3A_341 = tpu.memref_squeeze %dma_wait3A_340 : memref<1x256xi32, #tpu.memory_space<vmem>> -> memref<256xi32, #tpu.memory_space<vmem>>
    %dma_wait3A_342 = arith.constant 0 : i32
    %dma_wait3A_343 = arith.constant 0 : i32
    %dma_wait3A_344 = tpu.memref_slice %arg6[%dma_wait3A_342, %dma_wait3A_343] : memref<10112x32xf32, #tpu.memory_space<vmem_shared>> -> memref<10112x32xf32, #tpu.memory_space<vmem_shared>>
    tpu.wait_indirect_dma semaphore(%arg22 : memref<!tpu.dma_semaphore, #tpu.memory_space<semaphore_mem>>) src(%dma_wait3A_338 : memref<256x32xf32, #tpu.memory_space<vmem>>) dst(%dma_wait3A_344 : memref<10112x32xf32, #tpu.memory_space<vmem_shared>>)
    %dma_wait3A_345 = arith.constant 4 : i32
    %dma_wait3A_346 = arith.constant 36 : i32
    %dma_wait3A_347 = arith.constant 0 : i32
    %dma_wait3A_348 = arith.constant 0 : i32
    %dma_wait3A_349 = tpu.memref_slice %arg10[%dma_wait3A_345, %dma_wait3A_347, %dma_wait3A_348] : memref<8x256x32xf32, #tpu.memory_space<vmem>> -> memref<1x256x32xf32, #tpu.memory_space<vmem>>
    %dma_wait3A_350 = tpu.memref_squeeze %dma_wait3A_349 : memref<1x256x32xf32, #tpu.memory_space<vmem>> -> memref<256x32xf32, #tpu.memory_space<vmem>>
    %dma_wait3A_351 = arith.constant 0 : i32
    %dma_wait3A_352 = tpu.memref_slice %arg9[%dma_wait3A_346, %dma_wait3A_351] : memref<40x256xi32, #tpu.memory_space<vmem>> -> memref<1x256xi32, #tpu.memory_space<vmem>>
    %dma_wait3A_353 = tpu.memref_squeeze %dma_wait3A_352 : memref<1x256xi32, #tpu.memory_space<vmem>> -> memref<256xi32, #tpu.memory_space<vmem>>
    %dma_wait3A_354 = arith.constant 0 : i32
    %dma_wait3A_355 = arith.constant 0 : i32
    %dma_wait3A_356 = tpu.memref_slice %arg6[%dma_wait3A_354, %dma_wait3A_355] : memref<10112x32xf32, #tpu.memory_space<vmem_shared>> -> memref<10112x32xf32, #tpu.memory_space<vmem_shared>>
    tpu.wait_indirect_dma semaphore(%arg23 : memref<!tpu.dma_semaphore, #tpu.memory_space<semaphore_mem>>) src(%dma_wait3A_350 : memref<256x32xf32, #tpu.memory_space<vmem>>) dst(%dma_wait3A_356 : memref<10112x32xf32, #tpu.memory_space<vmem_shared>>)
    %dma_wait3A_357 = arith.constant 5 : i32
    %dma_wait3A_358 = arith.constant 37 : i32
    %dma_wait3A_359 = arith.constant 0 : i32
    %dma_wait3A_360 = arith.constant 0 : i32
    %dma_wait3A_361 = tpu.memref_slice %arg10[%dma_wait3A_357, %dma_wait3A_359, %dma_wait3A_360] : memref<8x256x32xf32, #tpu.memory_space<vmem>> -> memref<1x256x32xf32, #tpu.memory_space<vmem>>
    %dma_wait3A_362 = tpu.memref_squeeze %dma_wait3A_361 : memref<1x256x32xf32, #tpu.memory_space<vmem>> -> memref<256x32xf32, #tpu.memory_space<vmem>>
    %dma_wait3A_363 = arith.constant 0 : i32
    %dma_wait3A_364 = tpu.memref_slice %arg9[%dma_wait3A_358, %dma_wait3A_363] : memref<40x256xi32, #tpu.memory_space<vmem>> -> memref<1x256xi32, #tpu.memory_space<vmem>>
    %dma_wait3A_365 = tpu.memref_squeeze %dma_wait3A_364 : memref<1x256xi32, #tpu.memory_space<vmem>> -> memref<256xi32, #tpu.memory_space<vmem>>
    %dma_wait3A_366 = arith.constant 0 : i32
    %dma_wait3A_367 = arith.constant 0 : i32
    %dma_wait3A_368 = tpu.memref_slice %arg6[%dma_wait3A_366, %dma_wait3A_367] : memref<10112x32xf32, #tpu.memory_space<vmem_shared>> -> memref<10112x32xf32, #tpu.memory_space<vmem_shared>>
    tpu.wait_indirect_dma semaphore(%arg24 : memref<!tpu.dma_semaphore, #tpu.memory_space<semaphore_mem>>) src(%dma_wait3A_362 : memref<256x32xf32, #tpu.memory_space<vmem>>) dst(%dma_wait3A_368 : memref<10112x32xf32, #tpu.memory_space<vmem_shared>>)
    %dma_wait3A_369 = arith.constant 6 : i32
    %dma_wait3A_370 = arith.constant 38 : i32
    %dma_wait3A_371 = arith.constant 0 : i32
    %dma_wait3A_372 = arith.constant 0 : i32
    %dma_wait3A_373 = tpu.memref_slice %arg10[%dma_wait3A_369, %dma_wait3A_371, %dma_wait3A_372] : memref<8x256x32xf32, #tpu.memory_space<vmem>> -> memref<1x256x32xf32, #tpu.memory_space<vmem>>
    %dma_wait3A_374 = tpu.memref_squeeze %dma_wait3A_373 : memref<1x256x32xf32, #tpu.memory_space<vmem>> -> memref<256x32xf32, #tpu.memory_space<vmem>>
    %dma_wait3A_375 = arith.constant 0 : i32
    %dma_wait3A_376 = tpu.memref_slice %arg9[%dma_wait3A_370, %dma_wait3A_375] : memref<40x256xi32, #tpu.memory_space<vmem>> -> memref<1x256xi32, #tpu.memory_space<vmem>>
    %dma_wait3A_377 = tpu.memref_squeeze %dma_wait3A_376 : memref<1x256xi32, #tpu.memory_space<vmem>> -> memref<256xi32, #tpu.memory_space<vmem>>
    %dma_wait3A_378 = arith.constant 0 : i32
    %dma_wait3A_379 = arith.constant 0 : i32
    %dma_wait3A_380 = tpu.memref_slice %arg6[%dma_wait3A_378, %dma_wait3A_379] : memref<10112x32xf32, #tpu.memory_space<vmem_shared>> -> memref<10112x32xf32, #tpu.memory_space<vmem_shared>>
    tpu.wait_indirect_dma semaphore(%arg25 : memref<!tpu.dma_semaphore, #tpu.memory_space<semaphore_mem>>) src(%dma_wait3A_374 : memref<256x32xf32, #tpu.memory_space<vmem>>) dst(%dma_wait3A_380 : memref<10112x32xf32, #tpu.memory_space<vmem_shared>>)
    %dma_wait3A_381 = arith.constant 7 : i32
    %dma_wait3A_382 = arith.constant 39 : i32
    %dma_wait3A_383 = arith.constant 0 : i32
    %dma_wait3A_384 = arith.constant 0 : i32
    %dma_wait3A_385 = tpu.memref_slice %arg10[%dma_wait3A_381, %dma_wait3A_383, %dma_wait3A_384] : memref<8x256x32xf32, #tpu.memory_space<vmem>> -> memref<1x256x32xf32, #tpu.memory_space<vmem>>
    %dma_wait3A_386 = tpu.memref_squeeze %dma_wait3A_385 : memref<1x256x32xf32, #tpu.memory_space<vmem>> -> memref<256x32xf32, #tpu.memory_space<vmem>>
    %dma_wait3A_387 = arith.constant 0 : i32
    %dma_wait3A_388 = tpu.memref_slice %arg9[%dma_wait3A_382, %dma_wait3A_387] : memref<40x256xi32, #tpu.memory_space<vmem>> -> memref<1x256xi32, #tpu.memory_space<vmem>>
    %dma_wait3A_389 = tpu.memref_squeeze %dma_wait3A_388 : memref<1x256xi32, #tpu.memory_space<vmem>> -> memref<256xi32, #tpu.memory_space<vmem>>
    %dma_wait3A_390 = arith.constant 0 : i32
    %dma_wait3A_391 = arith.constant 0 : i32
    %dma_wait3A_392 = tpu.memref_slice %arg6[%dma_wait3A_390, %dma_wait3A_391] : memref<10112x32xf32, #tpu.memory_space<vmem_shared>> -> memref<10112x32xf32, #tpu.memory_space<vmem_shared>>
    tpu.wait_indirect_dma semaphore(%arg26 : memref<!tpu.dma_semaphore, #tpu.memory_space<semaphore_mem>>) src(%dma_wait3A_386 : memref<256x32xf32, #tpu.memory_space<vmem>>) dst(%dma_wait3A_392 : memref<10112x32xf32, #tpu.memory_space<vmem_shared>>)
    %barrier3A_393 = arith.constant 0 : index
    tpu.barrier barrier_id(%barrier3A_393)
    "tpu.region"() ({
      %run_scoped3A = tpu.sem_alloc : memref<!tpu.dma_semaphore, #tpu.memory_space<semaphore_mem>>
      %dma_start3A_394 = arith.constant 0 : i32
      %dma_start3A_395 = tpu.memref_slice %arg5[%arg0, %mul3A_2, %dma_start3A_394] : memref<2x10112x32xf32, #tpu.memory_space<hbm>> -> memref<1x632x32xf32, #tpu.memory_space<hbm>>
      %dma_start3A_396 = tpu.memref_squeeze %dma_start3A_395 : memref<1x632x32xf32, #tpu.memory_space<hbm>> -> memref<632x32xf32, #tpu.memory_space<hbm>>
      %dma_start3A_397 = arith.constant 0 : i32
      %dma_start3A_398 = tpu.memref_slice %arg6[%mul3A_2, %dma_start3A_397] : memref<10112x32xf32, #tpu.memory_space<vmem_shared>> -> memref<632x32xf32, #tpu.memory_space<vmem_shared>>
      tpu.enqueue_dma source(%dma_start3A_398 : memref<632x32xf32, #tpu.memory_space<vmem_shared>>) target(%dma_start3A_396 : memref<632x32xf32, #tpu.memory_space<hbm>>) target_semaphore(%run_scoped3A : memref<!tpu.dma_semaphore, #tpu.memory_space<semaphore_mem>>)
      %dma_wait3A_399 = arith.constant 0 : i32
      %dma_wait3A_400 = tpu.memref_slice %arg5[%arg0, %mul3A_2, %dma_wait3A_399] : memref<2x10112x32xf32, #tpu.memory_space<hbm>> -> memref<1x632x32xf32, #tpu.memory_space<hbm>>
      %dma_wait3A_401 = tpu.memref_squeeze %dma_wait3A_400 : memref<1x632x32xf32, #tpu.memory_space<hbm>> -> memref<632x32xf32, #tpu.memory_space<hbm>>
      %dma_wait3A_402 = arith.constant 0 : i32
      %dma_wait3A_403 = tpu.memref_slice %arg6[%mul3A_2, %dma_wait3A_402] : memref<10112x32xf32, #tpu.memory_space<vmem_shared>> -> memref<632x32xf32, #tpu.memory_space<vmem_shared>>
      tpu.wait_dma2 semaphore(%run_scoped3A : memref<!tpu.dma_semaphore, #tpu.memory_space<semaphore_mem>>) src(%dma_wait3A_403 : memref<632x32xf32, #tpu.memory_space<vmem_shared>>) dst(%dma_wait3A_401 : memref<632x32xf32, #tpu.memory_space<hbm>>)
      tpu.yield
    }) : () -> ()
    return
  }
}

#map = affine_map<(d0, d1) -> (0, 0)>
#map1 = affine_map<(d0, d1) -> (0, 0, 0)>
module attributes {stable_mosaic.version = 14 : i64} {
  func.func @kern(%arg0: i32, %arg1: i32, %arg2: memref<20224x32xf32, #tpu.memory_space<hbm>>, %arg3: memref<32x40x256xi32, #tpu.memory_space<hbm>>, %arg4: memref<32x40x256xi32, #tpu.memory_space<hbm>>, %arg5: memref<2x10112x32xf32, #tpu.memory_space<hbm>>, %arg6: memref<10112x32xf32, #tpu.memory_space<vmem_shared>>, %arg7: memref<10112x32xf32, #tpu.memory_space<vmem_shared>>, %arg8: memref<40x256xi32, #tpu.memory_space<vmem>>, %arg9: memref<40x256xi32, #tpu.memory_space<vmem>>, %arg10: memref<8x256x32xf32, #tpu.memory_space<vmem>>, %arg11: memref<!tpu.dma_semaphore, #tpu.memory_space<semaphore_mem>>, %arg12: memref<!tpu.dma_semaphore, #tpu.memory_space<semaphore_mem>>, %arg13: memref<!tpu.dma_semaphore, #tpu.memory_space<semaphore_mem>>, %arg14: memref<!tpu.dma_semaphore, #tpu.memory_space<semaphore_mem>>, %arg15: memref<!tpu.dma_semaphore, #tpu.memory_space<semaphore_mem>>, %arg16: memref<!tpu.dma_semaphore, #tpu.memory_space<semaphore_mem>>, %arg17: memref<!tpu.dma_semaphore, #tpu.memory_space<semaphore_mem>>, %arg18: memref<!tpu.dma_semaphore, #tpu.memory_space<semaphore_mem>>, %arg19: memref<!tpu.dma_semaphore, #tpu.memory_space<semaphore_mem>>, %arg20: memref<!tpu.dma_semaphore, #tpu.memory_space<semaphore_mem>>, %arg21: memref<!tpu.dma_semaphore, #tpu.memory_space<semaphore_mem>>, %arg22: memref<!tpu.dma_semaphore, #tpu.memory_space<semaphore_mem>>, %arg23: memref<!tpu.dma_semaphore, #tpu.memory_space<semaphore_mem>>, %arg24: memref<!tpu.dma_semaphore, #tpu.memory_space<semaphore_mem>>, %arg25: memref<!tpu.dma_semaphore, #tpu.memory_space<semaphore_mem>>, %arg26: memref<!tpu.dma_semaphore, #tpu.memory_space<semaphore_mem>>) attributes {dimension_semantics = [#tpu.dimension_semantics<core_parallel>, #tpu.dimension_semantics<subcore_parallel>], iteration_bounds = array<i64: 2, 16>, scalar_prefetch = 0 : i64, scratch_operands = 21 : i64, tpu.core_type = #tpu.core_type<sc_vector_subcore>, window_params = [{transform_indices = #map}, {transform_indices = #map1}, {transform_indices = #map1}, {transform_indices = #map1}]} {
    %mul3A = arith.constant 2 : i32
    %mul3A_0 = arith.muli %arg1, %mul3A : i32
    %add3A = arith.addi %mul3A_0, %arg0 : i32
    %mul3A_1 = arith.constant 632 : i32
    %mul3A_2 = arith.muli %arg1, %mul3A_1 : i32
    %mul3A_3 = arith.constant 10112 : i32
    %mul3A_4 = arith.muli %arg0, %mul3A_3 : i32
    %add3A_5 = arith.addi %mul3A_4, %mul3A_2 : i32
    "tpu.region"() ({
      %run_scoped3A = tpu.sem_alloc : memref<!tpu.dma_semaphore, #tpu.memory_space<semaphore_mem>>
      %dma_start3A_394 = arith.constant 0 : i32
      %dma_start3A_395 = tpu.memref_slice %arg6[%mul3A_2, %dma_start3A_394] : memref<10112x32xf32, #tpu.memory_space<vmem_shared>> -> memref<632x32xf32, #tpu.memory_space<vmem_shared>>
      %dma_start3A_396 = arith.constant 0 : i32
      %dma_start3A_397 = tpu.memref_slice %arg2[%add3A_5, %dma_start3A_396] : memref<20224x32xf32, #tpu.memory_space<hbm>> -> memref<632x32xf32, #tpu.memory_space<hbm>>
      tpu.enqueue_dma source(%dma_start3A_397 : memref<632x32xf32, #tpu.memory_space<hbm>>) target(%dma_start3A_395 : memref<632x32xf32, #tpu.memory_space<vmem_shared>>) target_semaphore(%run_scoped3A : memref<!tpu.dma_semaphore, #tpu.memory_space<semaphore_mem>>)
      %dma_wait3A_398 = arith.constant 0 : i32
      %dma_wait3A_399 = tpu.memref_slice %arg6[%mul3A_2, %dma_wait3A_398] : memref<10112x32xf32, #tpu.memory_space<vmem_shared>> -> memref<632x32xf32, #tpu.memory_space<vmem_shared>>
      %dma_wait3A_400 = arith.constant 0 : i32
      %dma_wait3A_401 = tpu.memref_slice %arg2[%add3A_5, %dma_wait3A_400] : memref<20224x32xf32, #tpu.memory_space<hbm>> -> memref<632x32xf32, #tpu.memory_space<hbm>>
      tpu.wait_dma2 semaphore(%run_scoped3A : memref<!tpu.dma_semaphore, #tpu.memory_space<semaphore_mem>>) src(%dma_wait3A_401 : memref<632x32xf32, #tpu.memory_space<hbm>>) dst(%dma_wait3A_399 : memref<632x32xf32, #tpu.memory_space<vmem_shared>>)
      tpu.yield
    }) : () -> ()
    "tpu.region"() ({
      %run_scoped3A = tpu.sem_alloc : memref<!tpu.dma_semaphore, #tpu.memory_space<semaphore_mem>>
      %dma_start3A_394 = arith.constant 0 : i32
      %dma_start3A_395 = tpu.memref_slice %arg7[%mul3A_2, %dma_start3A_394] : memref<10112x32xf32, #tpu.memory_space<vmem_shared>> -> memref<632x32xf32, #tpu.memory_space<vmem_shared>>
      %dma_start3A_396 = arith.constant 0 : i32
      %dma_start3A_397 = tpu.memref_slice %arg2[%mul3A_2, %dma_start3A_396] : memref<20224x32xf32, #tpu.memory_space<hbm>> -> memref<632x32xf32, #tpu.memory_space<hbm>>
      tpu.enqueue_dma source(%dma_start3A_397 : memref<632x32xf32, #tpu.memory_space<hbm>>) target(%dma_start3A_395 : memref<632x32xf32, #tpu.memory_space<vmem_shared>>) target_semaphore(%run_scoped3A : memref<!tpu.dma_semaphore, #tpu.memory_space<semaphore_mem>>)
      %dma_wait3A_398 = arith.constant 0 : i32
      %dma_wait3A_399 = tpu.memref_slice %arg7[%mul3A_2, %dma_wait3A_398] : memref<10112x32xf32, #tpu.memory_space<vmem_shared>> -> memref<632x32xf32, #tpu.memory_space<vmem_shared>>
      %dma_wait3A_400 = arith.constant 0 : i32
      %dma_wait3A_401 = tpu.memref_slice %arg2[%mul3A_2, %dma_wait3A_400] : memref<20224x32xf32, #tpu.memory_space<hbm>> -> memref<632x32xf32, #tpu.memory_space<hbm>>
      tpu.wait_dma2 semaphore(%run_scoped3A : memref<!tpu.dma_semaphore, #tpu.memory_space<semaphore_mem>>) src(%dma_wait3A_401 : memref<632x32xf32, #tpu.memory_space<hbm>>) dst(%dma_wait3A_399 : memref<632x32xf32, #tpu.memory_space<vmem_shared>>)
      tpu.yield
    }) : () -> ()
    "tpu.region"() ({
      %run_scoped3A = tpu.sem_alloc : memref<!tpu.dma_semaphore, #tpu.memory_space<semaphore_mem>>
      %dma_start3A_394 = arith.constant 0 : i32
      %dma_start3A_395 = arith.constant 0 : i32
      %dma_start3A_396 = tpu.memref_slice %arg3[%add3A, %dma_start3A_394, %dma_start3A_395] : memref<32x40x256xi32, #tpu.memory_space<hbm>> -> memref<1x40x256xi32, #tpu.memory_space<hbm>>
      %dma_start3A_397 = tpu.memref_squeeze %dma_start3A_396 : memref<1x40x256xi32, #tpu.memory_space<hbm>> -> memref<40x256xi32, #tpu.memory_space<hbm>>
      %dma_start3A_398 = arith.constant 0 : i32
      %dma_start3A_399 = arith.constant 0 : i32
      %dma_start3A_400 = tpu.memref_slice %arg3[%add3A, %dma_start3A_398, %dma_start3A_399] : memref<32x40x256xi32, #tpu.memory_space<hbm>> -> memref<1x40x256xi32, #tpu.memory_space<hbm>>
      %dma_start3A_401 = tpu.memref_squeeze %dma_start3A_400 : memref<1x40x256xi32, #tpu.memory_space<hbm>> -> memref<40x256xi32, #tpu.memory_space<hbm>>
      tpu.enqueue_dma source(%dma_start3A_401 : memref<40x256xi32, #tpu.memory_space<hbm>>) target(%arg8 : memref<40x256xi32, #tpu.memory_space<vmem>>) target_semaphore(%run_scoped3A : memref<!tpu.dma_semaphore, #tpu.memory_space<semaphore_mem>>)
      %dma_wait3A_402 = arith.constant 0 : i32
      %dma_wait3A_403 = arith.constant 0 : i32
      %dma_wait3A_404 = tpu.memref_slice %arg3[%add3A, %dma_wait3A_402, %dma_wait3A_403] : memref<32x40x256xi32, #tpu.memory_space<hbm>> -> memref<1x40x256xi32, #tpu.memory_space<hbm>>
      %dma_wait3A_405 = tpu.memref_squeeze %dma_wait3A_404 : memref<1x40x256xi32, #tpu.memory_space<hbm>> -> memref<40x256xi32, #tpu.memory_space<hbm>>
      %dma_wait3A_406 = arith.constant 0 : i32
      %dma_wait3A_407 = arith.constant 0 : i32
      %dma_wait3A_408 = tpu.memref_slice %arg3[%add3A, %dma_wait3A_406, %dma_wait3A_407] : memref<32x40x256xi32, #tpu.memory_space<hbm>> -> memref<1x40x256xi32, #tpu.memory_space<hbm>>
      %dma_wait3A_409 = tpu.memref_squeeze %dma_wait3A_408 : memref<1x40x256xi32, #tpu.memory_space<hbm>> -> memref<40x256xi32, #tpu.memory_space<hbm>>
      tpu.wait_dma2 semaphore(%run_scoped3A : memref<!tpu.dma_semaphore, #tpu.memory_space<semaphore_mem>>) src(%dma_wait3A_409 : memref<40x256xi32, #tpu.memory_space<hbm>>) dst(%arg8 : memref<40x256xi32, #tpu.memory_space<vmem>>)
      tpu.yield
    }) : () -> ()
    "tpu.region"() ({
      %run_scoped3A = tpu.sem_alloc : memref<!tpu.dma_semaphore, #tpu.memory_space<semaphore_mem>>
      %dma_start3A_394 = arith.constant 0 : i32
      %dma_start3A_395 = arith.constant 0 : i32
      %dma_start3A_396 = tpu.memref_slice %arg4[%add3A, %dma_start3A_394, %dma_start3A_395] : memref<32x40x256xi32, #tpu.memory_space<hbm>> -> memref<1x40x256xi32, #tpu.memory_space<hbm>>
      %dma_start3A_397 = tpu.memref_squeeze %dma_start3A_396 : memref<1x40x256xi32, #tpu.memory_space<hbm>> -> memref<40x256xi32, #tpu.memory_space<hbm>>
      %dma_start3A_398 = arith.constant 0 : i32
      %dma_start3A_399 = arith.constant 0 : i32
      %dma_start3A_400 = tpu.memref_slice %arg4[%add3A, %dma_start3A_398, %dma_start3A_399] : memref<32x40x256xi32, #tpu.memory_space<hbm>> -> memref<1x40x256xi32, #tpu.memory_space<hbm>>
      %dma_start3A_401 = tpu.memref_squeeze %dma_start3A_400 : memref<1x40x256xi32, #tpu.memory_space<hbm>> -> memref<40x256xi32, #tpu.memory_space<hbm>>
      tpu.enqueue_dma source(%dma_start3A_401 : memref<40x256xi32, #tpu.memory_space<hbm>>) target(%arg9 : memref<40x256xi32, #tpu.memory_space<vmem>>) target_semaphore(%run_scoped3A : memref<!tpu.dma_semaphore, #tpu.memory_space<semaphore_mem>>)
      %dma_wait3A_402 = arith.constant 0 : i32
      %dma_wait3A_403 = arith.constant 0 : i32
      %dma_wait3A_404 = tpu.memref_slice %arg4[%add3A, %dma_wait3A_402, %dma_wait3A_403] : memref<32x40x256xi32, #tpu.memory_space<hbm>> -> memref<1x40x256xi32, #tpu.memory_space<hbm>>
      %dma_wait3A_405 = tpu.memref_squeeze %dma_wait3A_404 : memref<1x40x256xi32, #tpu.memory_space<hbm>> -> memref<40x256xi32, #tpu.memory_space<hbm>>
      %dma_wait3A_406 = arith.constant 0 : i32
      %dma_wait3A_407 = arith.constant 0 : i32
      %dma_wait3A_408 = tpu.memref_slice %arg4[%add3A, %dma_wait3A_406, %dma_wait3A_407] : memref<32x40x256xi32, #tpu.memory_space<hbm>> -> memref<1x40x256xi32, #tpu.memory_space<hbm>>
      %dma_wait3A_409 = tpu.memref_squeeze %dma_wait3A_408 : memref<1x40x256xi32, #tpu.memory_space<hbm>> -> memref<40x256xi32, #tpu.memory_space<hbm>>
      tpu.wait_dma2 semaphore(%run_scoped3A : memref<!tpu.dma_semaphore, #tpu.memory_space<semaphore_mem>>) src(%dma_wait3A_409 : memref<40x256xi32, #tpu.memory_space<hbm>>) dst(%arg9 : memref<40x256xi32, #tpu.memory_space<vmem>>)
      tpu.yield
    }) : () -> ()
    %barrier3A = arith.constant 0 : index
    tpu.barrier barrier_id(%barrier3A)
    %dma_start3A = arith.constant 0 : i32
    %dma_start3A_6 = arith.constant 0 : i32
    %dma_start3A_7 = arith.constant 0 : i32
    %dma_start3A_8 = arith.constant 0 : i32
    %dma_start3A_9 = tpu.memref_slice %arg10[%dma_start3A_6, %dma_start3A_7, %dma_start3A_8] : memref<8x256x32xf32, #tpu.memory_space<vmem>> -> memref<1x256x32xf32, #tpu.memory_space<vmem>>
    %dma_start3A_10 = tpu.memref_squeeze %dma_start3A_9 : memref<1x256x32xf32, #tpu.memory_space<vmem>> -> memref<256x32xf32, #tpu.memory_space<vmem>>
    %dma_start3A_11 = arith.constant 0 : i32
    %dma_start3A_12 = tpu.memref_slice %arg8[%dma_start3A, %dma_start3A_11] : memref<40x256xi32, #tpu.memory_space<vmem>> -> memref<1x256xi32, #tpu.memory_space<vmem>>
    %dma_start3A_13 = tpu.memref_squeeze %dma_start3A_12 : memref<1x256xi32, #tpu.memory_space<vmem>> -> memref<256xi32, #tpu.memory_space<vmem>>
    %dma_start3A_14 = arith.constant 0 : i32
    %dma_start3A_15 = arith.constant 0 : i32
    %dma_start3A_16 = tpu.memref_slice %arg7[%dma_start3A_14, %dma_start3A_15] : memref<10112x32xf32, #tpu.memory_space<vmem_shared>> -> memref<10112x32xf32, #tpu.memory_space<vmem_shared>>
    tpu.enqueue_indirect_dma source(%dma_start3A_16 : memref<10112x32xf32, #tpu.memory_space<vmem_shared>>) target(%dma_start3A_10 : memref<256x32xf32, #tpu.memory_space<vmem>>) offsets(%dma_start3A_13 : memref<256xi32, #tpu.memory_space<vmem>>) semaphore(%arg11 : memref<!tpu.dma_semaphore, #tpu.memory_space<semaphore_mem>>)
    %dma_start3A_17 = arith.constant 1 : i32
    %dma_start3A_18 = arith.constant 1 : i32
    %dma_start3A_19 = arith.constant 0 : i32
    %dma_start3A_20 = arith.constant 0 : i32
    %dma_start3A_21 = tpu.memref_slice %arg10[%dma_start3A_18, %dma_start3A_19, %dma_start3A_20] : memref<8x256x32xf32, #tpu.memory_space<vmem>> -> memref<1x256x32xf32, #tpu.memory_space<vmem>>
    %dma_start3A_22 = tpu.memref_squeeze %dma_start3A_21 : memref<1x256x32xf32, #tpu.memory_space<vmem>> -> memref<256x32xf32, #tpu.memory_space<vmem>>
    %dma_start3A_23 = arith.constant 0 : i32
    %dma_start3A_24 = tpu.memref_slice %arg8[%dma_start3A_17, %dma_start3A_23] : memref<40x256xi32, #tpu.memory_space<vmem>> -> memref<1x256xi32, #tpu.memory_space<vmem>>
    %dma_start3A_25 = tpu.memref_squeeze %dma_start3A_24 : memref<1x256xi32, #tpu.memory_space<vmem>> -> memref<256xi32, #tpu.memory_space<vmem>>
    %dma_start3A_26 = arith.constant 0 : i32
    %dma_start3A_27 = arith.constant 0 : i32
    %dma_start3A_28 = tpu.memref_slice %arg7[%dma_start3A_26, %dma_start3A_27] : memref<10112x32xf32, #tpu.memory_space<vmem_shared>> -> memref<10112x32xf32, #tpu.memory_space<vmem_shared>>
    tpu.enqueue_indirect_dma source(%dma_start3A_28 : memref<10112x32xf32, #tpu.memory_space<vmem_shared>>) target(%dma_start3A_22 : memref<256x32xf32, #tpu.memory_space<vmem>>) offsets(%dma_start3A_25 : memref<256xi32, #tpu.memory_space<vmem>>) semaphore(%arg12 : memref<!tpu.dma_semaphore, #tpu.memory_space<semaphore_mem>>)
    %dma_start3A_29 = arith.constant 2 : i32
    %dma_start3A_30 = arith.constant 2 : i32
    %dma_start3A_31 = arith.constant 0 : i32
    %dma_start3A_32 = arith.constant 0 : i32
    %dma_start3A_33 = tpu.memref_slice %arg10[%dma_start3A_30, %dma_start3A_31, %dma_start3A_32] : memref<8x256x32xf32, #tpu.memory_space<vmem>> -> memref<1x256x32xf32, #tpu.memory_space<vmem>>
    %dma_start3A_34 = tpu.memref_squeeze %dma_start3A_33 : memref<1x256x32xf32, #tpu.memory_space<vmem>> -> memref<256x32xf32, #tpu.memory_space<vmem>>
    %dma_start3A_35 = arith.constant 0 : i32
    %dma_start3A_36 = tpu.memref_slice %arg8[%dma_start3A_29, %dma_start3A_35] : memref<40x256xi32, #tpu.memory_space<vmem>> -> memref<1x256xi32, #tpu.memory_space<vmem>>
    %dma_start3A_37 = tpu.memref_squeeze %dma_start3A_36 : memref<1x256xi32, #tpu.memory_space<vmem>> -> memref<256xi32, #tpu.memory_space<vmem>>
    %dma_start3A_38 = arith.constant 0 : i32
    %dma_start3A_39 = arith.constant 0 : i32
    %dma_start3A_40 = tpu.memref_slice %arg7[%dma_start3A_38, %dma_start3A_39] : memref<10112x32xf32, #tpu.memory_space<vmem_shared>> -> memref<10112x32xf32, #tpu.memory_space<vmem_shared>>
    tpu.enqueue_indirect_dma source(%dma_start3A_40 : memref<10112x32xf32, #tpu.memory_space<vmem_shared>>) target(%dma_start3A_34 : memref<256x32xf32, #tpu.memory_space<vmem>>) offsets(%dma_start3A_37 : memref<256xi32, #tpu.memory_space<vmem>>) semaphore(%arg13 : memref<!tpu.dma_semaphore, #tpu.memory_space<semaphore_mem>>)
    %dma_start3A_41 = arith.constant 3 : i32
    %dma_start3A_42 = arith.constant 3 : i32
    %dma_start3A_43 = arith.constant 0 : i32
    %dma_start3A_44 = arith.constant 0 : i32
    %dma_start3A_45 = tpu.memref_slice %arg10[%dma_start3A_42, %dma_start3A_43, %dma_start3A_44] : memref<8x256x32xf32, #tpu.memory_space<vmem>> -> memref<1x256x32xf32, #tpu.memory_space<vmem>>
    %dma_start3A_46 = tpu.memref_squeeze %dma_start3A_45 : memref<1x256x32xf32, #tpu.memory_space<vmem>> -> memref<256x32xf32, #tpu.memory_space<vmem>>
    %dma_start3A_47 = arith.constant 0 : i32
    %dma_start3A_48 = tpu.memref_slice %arg8[%dma_start3A_41, %dma_start3A_47] : memref<40x256xi32, #tpu.memory_space<vmem>> -> memref<1x256xi32, #tpu.memory_space<vmem>>
    %dma_start3A_49 = tpu.memref_squeeze %dma_start3A_48 : memref<1x256xi32, #tpu.memory_space<vmem>> -> memref<256xi32, #tpu.memory_space<vmem>>
    %dma_start3A_50 = arith.constant 0 : i32
    %dma_start3A_51 = arith.constant 0 : i32
    %dma_start3A_52 = tpu.memref_slice %arg7[%dma_start3A_50, %dma_start3A_51] : memref<10112x32xf32, #tpu.memory_space<vmem_shared>> -> memref<10112x32xf32, #tpu.memory_space<vmem_shared>>
    tpu.enqueue_indirect_dma source(%dma_start3A_52 : memref<10112x32xf32, #tpu.memory_space<vmem_shared>>) target(%dma_start3A_46 : memref<256x32xf32, #tpu.memory_space<vmem>>) offsets(%dma_start3A_49 : memref<256xi32, #tpu.memory_space<vmem>>) semaphore(%arg14 : memref<!tpu.dma_semaphore, #tpu.memory_space<semaphore_mem>>)
    %dma_wait3A = arith.constant 0 : i32
    %dma_wait3A_53 = arith.constant 0 : i32
    %dma_wait3A_54 = arith.constant 0 : i32
    %dma_wait3A_55 = arith.constant 0 : i32
    %dma_wait3A_56 = tpu.memref_slice %arg10[%dma_wait3A_53, %dma_wait3A_54, %dma_wait3A_55] : memref<8x256x32xf32, #tpu.memory_space<vmem>> -> memref<1x256x32xf32, #tpu.memory_space<vmem>>
    %dma_wait3A_57 = tpu.memref_squeeze %dma_wait3A_56 : memref<1x256x32xf32, #tpu.memory_space<vmem>> -> memref<256x32xf32, #tpu.memory_space<vmem>>
    %dma_wait3A_58 = arith.constant 0 : i32
    %dma_wait3A_59 = tpu.memref_slice %arg8[%dma_wait3A, %dma_wait3A_58] : memref<40x256xi32, #tpu.memory_space<vmem>> -> memref<1x256xi32, #tpu.memory_space<vmem>>
    %dma_wait3A_60 = tpu.memref_squeeze %dma_wait3A_59 : memref<1x256xi32, #tpu.memory_space<vmem>> -> memref<256xi32, #tpu.memory_space<vmem>>
    %dma_wait3A_61 = arith.constant 0 : i32
    %dma_wait3A_62 = arith.constant 0 : i32
    %dma_wait3A_63 = tpu.memref_slice %arg7[%dma_wait3A_61, %dma_wait3A_62] : memref<10112x32xf32, #tpu.memory_space<vmem_shared>> -> memref<10112x32xf32, #tpu.memory_space<vmem_shared>>
    tpu.wait_indirect_dma semaphore(%arg11 : memref<!tpu.dma_semaphore, #tpu.memory_space<semaphore_mem>>) src(%dma_wait3A_63 : memref<10112x32xf32, #tpu.memory_space<vmem_shared>>) dst(%dma_wait3A_57 : memref<256x32xf32, #tpu.memory_space<vmem>>)
    %dma_start3A_64 = arith.constant 0 : i32
    %dma_start3A_65 = arith.constant 0 : i32
    %dma_start3A_66 = arith.constant 0 : i32
    %dma_start3A_67 = arith.constant 0 : i32
    %dma_start3A_68 = tpu.memref_slice %arg10[%dma_start3A_64, %dma_start3A_66, %dma_start3A_67] : memref<8x256x32xf32, #tpu.memory_space<vmem>> -> memref<1x256x32xf32, #tpu.memory_space<vmem>>
    %dma_start3A_69 = tpu.memref_squeeze %dma_start3A_68 : memref<1x256x32xf32, #tpu.memory_space<vmem>> -> memref<256x32xf32, #tpu.memory_space<vmem>>
    %dma_start3A_70 = arith.constant 0 : i32
    %dma_start3A_71 = tpu.memref_slice %arg9[%dma_start3A_65, %dma_start3A_70] : memref<40x256xi32, #tpu.memory_space<vmem>> -> memref<1x256xi32, #tpu.memory_space<vmem>>
    %dma_start3A_72 = tpu.memref_squeeze %dma_start3A_71 : memref<1x256xi32, #tpu.memory_space<vmem>> -> memref<256xi32, #tpu.memory_space<vmem>>
    %dma_start3A_73 = arith.constant 0 : i32
    %dma_start3A_74 = arith.constant 0 : i32
    %dma_start3A_75 = tpu.memref_slice %arg6[%dma_start3A_73, %dma_start3A_74] : memref<10112x32xf32, #tpu.memory_space<vmem_shared>> -> memref<10112x32xf32, #tpu.memory_space<vmem_shared>>
    tpu.enqueue_indirect_dma source(%dma_start3A_69 : memref<256x32xf32, #tpu.memory_space<vmem>>) target(%dma_start3A_75 : memref<10112x32xf32, #tpu.memory_space<vmem_shared>>) offsets(%dma_start3A_72 : memref<256xi32, #tpu.memory_space<vmem>>) semaphore(%arg19 : memref<!tpu.dma_semaphore, #tpu.memory_space<semaphore_mem>>) {add = true}
    %dma_start3A_76 = arith.constant 4 : i32
    %dma_start3A_77 = arith.constant 4 : i32
    %dma_start3A_78 = arith.constant 0 : i32
    %dma_start3A_79 = arith.constant 0 : i32
    %dma_start3A_80 = tpu.memref_slice %arg10[%dma_start3A_77, %dma_start3A_78, %dma_start3A_79] : memref<8x256x32xf32, #tpu.memory_space<vmem>> -> memref<1x256x32xf32, #tpu.memory_space<vmem>>
    %dma_start3A_81 = tpu.memref_squeeze %dma_start3A_80 : memref<1x256x32xf32, #tpu.memory_space<vmem>> -> memref<256x32xf32, #tpu.memory_space<vmem>>
    %dma_start3A_82 = arith.constant 0 : i32
    %dma_start3A_83 = tpu.memref_slice %arg8[%dma_start3A_76, %dma_start3A_82] : memref<40x256xi32, #tpu.memory_space<vmem>> -> memref<1x256xi32, #tpu.memory_space<vmem>>
    %dma_start3A_84 = tpu.memref_squeeze %dma_start3A_83 : memref<1x256xi32, #tpu.memory_space<vmem>> -> memref<256xi32, #tpu.memory_space<vmem>>
    %dma_start3A_85 = arith.constant 0 : i32
    %dma_start3A_86 = arith.constant 0 : i32
    %dma_start3A_87 = tpu.memref_slice %arg7[%dma_start3A_85, %dma_start3A_86] : memref<10112x32xf32, #tpu.memory_space<vmem_shared>> -> memref<10112x32xf32, #tpu.memory_space<vmem_shared>>
    tpu.enqueue_indirect_dma source(%dma_start3A_87 : memref<10112x32xf32, #tpu.memory_space<vmem_shared>>) target(%dma_start3A_81 : memref<256x32xf32, #tpu.memory_space<vmem>>) offsets(%dma_start3A_84 : memref<256xi32, #tpu.memory_space<vmem>>) semaphore(%arg15 : memref<!tpu.dma_semaphore, #tpu.memory_space<semaphore_mem>>)
    %dma_wait3A_88 = arith.constant 1 : i32
    %dma_wait3A_89 = arith.constant 1 : i32
    %dma_wait3A_90 = arith.constant 0 : i32
    %dma_wait3A_91 = arith.constant 0 : i32
    %dma_wait3A_92 = tpu.memref_slice %arg10[%dma_wait3A_89, %dma_wait3A_90, %dma_wait3A_91] : memref<8x256x32xf32, #tpu.memory_space<vmem>> -> memref<1x256x32xf32, #tpu.memory_space<vmem>>
    %dma_wait3A_93 = tpu.memref_squeeze %dma_wait3A_92 : memref<1x256x32xf32, #tpu.memory_space<vmem>> -> memref<256x32xf32, #tpu.memory_space<vmem>>
    %dma_wait3A_94 = arith.constant 0 : i32
    %dma_wait3A_95 = tpu.memref_slice %arg8[%dma_wait3A_88, %dma_wait3A_94] : memref<40x256xi32, #tpu.memory_space<vmem>> -> memref<1x256xi32, #tpu.memory_space<vmem>>
    %dma_wait3A_96 = tpu.memref_squeeze %dma_wait3A_95 : memref<1x256xi32, #tpu.memory_space<vmem>> -> memref<256xi32, #tpu.memory_space<vmem>>
    %dma_wait3A_97 = arith.constant 0 : i32
    %dma_wait3A_98 = arith.constant 0 : i32
    %dma_wait3A_99 = tpu.memref_slice %arg7[%dma_wait3A_97, %dma_wait3A_98] : memref<10112x32xf32, #tpu.memory_space<vmem_shared>> -> memref<10112x32xf32, #tpu.memory_space<vmem_shared>>
    tpu.wait_indirect_dma semaphore(%arg12 : memref<!tpu.dma_semaphore, #tpu.memory_space<semaphore_mem>>) src(%dma_wait3A_99 : memref<10112x32xf32, #tpu.memory_space<vmem_shared>>) dst(%dma_wait3A_93 : memref<256x32xf32, #tpu.memory_space<vmem>>)
    %dma_start3A_100 = arith.constant 1 : i32
    %dma_start3A_101 = arith.constant 1 : i32
    %dma_start3A_102 = arith.constant 0 : i32
    %dma_start3A_103 = arith.constant 0 : i32
    %dma_start3A_104 = tpu.memref_slice %arg10[%dma_start3A_100, %dma_start3A_102, %dma_start3A_103] : memref<8x256x32xf32, #tpu.memory_space<vmem>> -> memref<1x256x32xf32, #tpu.memory_space<vmem>>
    %dma_start3A_105 = tpu.memref_squeeze %dma_start3A_104 : memref<1x256x32xf32, #tpu.memory_space<vmem>> -> memref<256x32xf32, #tpu.memory_space<vmem>>
    %dma_start3A_106 = arith.constant 0 : i32
    %dma_start3A_107 = tpu.memref_slice %arg9[%dma_start3A_101, %dma_start3A_106] : memref<40x256xi32, #tpu.memory_space<vmem>> -> memref<1x256xi32, #tpu.memory_space<vmem>>
    %dma_start3A_108 = tpu.memref_squeeze %dma_start3A_107 : memref<1x256xi32, #tpu.memory_space<vmem>> -> memref<256xi32, #tpu.memory_space<vmem>>
    %dma_start3A_109 = arith.constant 0 : i32
    %dma_start3A_110 = arith.constant 0 : i32
    %dma_start3A_111 = tpu.memref_slice %arg6[%dma_start3A_109, %dma_start3A_110] : memref<10112x32xf32, #tpu.memory_space<vmem_shared>> -> memref<10112x32xf32, #tpu.memory_space<vmem_shared>>
    tpu.enqueue_indirect_dma source(%dma_start3A_105 : memref<256x32xf32, #tpu.memory_space<vmem>>) target(%dma_start3A_111 : memref<10112x32xf32, #tpu.memory_space<vmem_shared>>) offsets(%dma_start3A_108 : memref<256xi32, #tpu.memory_space<vmem>>) semaphore(%arg20 : memref<!tpu.dma_semaphore, #tpu.memory_space<semaphore_mem>>) {add = true}
    %dma_start3A_112 = arith.constant 5 : i32
    %dma_start3A_113 = arith.constant 5 : i32
    %dma_start3A_114 = arith.constant 0 : i32
    %dma_start3A_115 = arith.constant 0 : i32
    %dma_start3A_116 = tpu.memref_slice %arg10[%dma_start3A_113, %dma_start3A_114, %dma_start3A_115] : memref<8x256x32xf32, #tpu.memory_space<vmem>> -> memref<1x256x32xf32, #tpu.memory_space<vmem>>
    %dma_start3A_117 = tpu.memref_squeeze %dma_start3A_116 : memref<1x256x32xf32, #tpu.memory_space<vmem>> -> memref<256x32xf32, #tpu.memory_space<vmem>>
    %dma_start3A_118 = arith.constant 0 : i32
    %dma_start3A_119 = tpu.memref_slice %arg8[%dma_start3A_112, %dma_start3A_118] : memref<40x256xi32, #tpu.memory_space<vmem>> -> memref<1x256xi32, #tpu.memory_space<vmem>>
    %dma_start3A_120 = tpu.memref_squeeze %dma_start3A_119 : memref<1x256xi32, #tpu.memory_space<vmem>> -> memref<256xi32, #tpu.memory_space<vmem>>
    %dma_start3A_121 = arith.constant 0 : i32
    %dma_start3A_122 = arith.constant 0 : i32
    %dma_start3A_123 = tpu.memref_slice %arg7[%dma_start3A_121, %dma_start3A_122] : memref<10112x32xf32, #tpu.memory_space<vmem_shared>> -> memref<10112x32xf32, #tpu.memory_space<vmem_shared>>
    tpu.enqueue_indirect_dma source(%dma_start3A_123 : memref<10112x32xf32, #tpu.memory_space<vmem_shared>>) target(%dma_start3A_117 : memref<256x32xf32, #tpu.memory_space<vmem>>) offsets(%dma_start3A_120 : memref<256xi32, #tpu.memory_space<vmem>>) semaphore(%arg16 : memref<!tpu.dma_semaphore, #tpu.memory_space<semaphore_mem>>)
    %dma_wait3A_124 = arith.constant 2 : i32
    %dma_wait3A_125 = arith.constant 2 : i32
    %dma_wait3A_126 = arith.constant 0 : i32
    %dma_wait3A_127 = arith.constant 0 : i32
    %dma_wait3A_128 = tpu.memref_slice %arg10[%dma_wait3A_125, %dma_wait3A_126, %dma_wait3A_127] : memref<8x256x32xf32, #tpu.memory_space<vmem>> -> memref<1x256x32xf32, #tpu.memory_space<vmem>>
    %dma_wait3A_129 = tpu.memref_squeeze %dma_wait3A_128 : memref<1x256x32xf32, #tpu.memory_space<vmem>> -> memref<256x32xf32, #tpu.memory_space<vmem>>
    %dma_wait3A_130 = arith.constant 0 : i32
    %dma_wait3A_131 = tpu.memref_slice %arg8[%dma_wait3A_124, %dma_wait3A_130] : memref<40x256xi32, #tpu.memory_space<vmem>> -> memref<1x256xi32, #tpu.memory_space<vmem>>
    %dma_wait3A_132 = tpu.memref_squeeze %dma_wait3A_131 : memref<1x256xi32, #tpu.memory_space<vmem>> -> memref<256xi32, #tpu.memory_space<vmem>>
    %dma_wait3A_133 = arith.constant 0 : i32
    %dma_wait3A_134 = arith.constant 0 : i32
    %dma_wait3A_135 = tpu.memref_slice %arg7[%dma_wait3A_133, %dma_wait3A_134] : memref<10112x32xf32, #tpu.memory_space<vmem_shared>> -> memref<10112x32xf32, #tpu.memory_space<vmem_shared>>
    tpu.wait_indirect_dma semaphore(%arg13 : memref<!tpu.dma_semaphore, #tpu.memory_space<semaphore_mem>>) src(%dma_wait3A_135 : memref<10112x32xf32, #tpu.memory_space<vmem_shared>>) dst(%dma_wait3A_129 : memref<256x32xf32, #tpu.memory_space<vmem>>)
    %dma_start3A_136 = arith.constant 2 : i32
    %dma_start3A_137 = arith.constant 2 : i32
    %dma_start3A_138 = arith.constant 0 : i32
    %dma_start3A_139 = arith.constant 0 : i32
    %dma_start3A_140 = tpu.memref_slice %arg10[%dma_start3A_136, %dma_start3A_138, %dma_start3A_139] : memref<8x256x32xf32, #tpu.memory_space<vmem>> -> memref<1x256x32xf32, #tpu.memory_space<vmem>>
    %dma_start3A_141 = tpu.memref_squeeze %dma_start3A_140 : memref<1x256x32xf32, #tpu.memory_space<vmem>> -> memref<256x32xf32, #tpu.memory_space<vmem>>
    %dma_start3A_142 = arith.constant 0 : i32
    %dma_start3A_143 = tpu.memref_slice %arg9[%dma_start3A_137, %dma_start3A_142] : memref<40x256xi32, #tpu.memory_space<vmem>> -> memref<1x256xi32, #tpu.memory_space<vmem>>
    %dma_start3A_144 = tpu.memref_squeeze %dma_start3A_143 : memref<1x256xi32, #tpu.memory_space<vmem>> -> memref<256xi32, #tpu.memory_space<vmem>>
    %dma_start3A_145 = arith.constant 0 : i32
    %dma_start3A_146 = arith.constant 0 : i32
    %dma_start3A_147 = tpu.memref_slice %arg6[%dma_start3A_145, %dma_start3A_146] : memref<10112x32xf32, #tpu.memory_space<vmem_shared>> -> memref<10112x32xf32, #tpu.memory_space<vmem_shared>>
    tpu.enqueue_indirect_dma source(%dma_start3A_141 : memref<256x32xf32, #tpu.memory_space<vmem>>) target(%dma_start3A_147 : memref<10112x32xf32, #tpu.memory_space<vmem_shared>>) offsets(%dma_start3A_144 : memref<256xi32, #tpu.memory_space<vmem>>) semaphore(%arg21 : memref<!tpu.dma_semaphore, #tpu.memory_space<semaphore_mem>>) {add = true}
    %dma_start3A_148 = arith.constant 6 : i32
    %dma_start3A_149 = arith.constant 6 : i32
    %dma_start3A_150 = arith.constant 0 : i32
    %dma_start3A_151 = arith.constant 0 : i32
    %dma_start3A_152 = tpu.memref_slice %arg10[%dma_start3A_149, %dma_start3A_150, %dma_start3A_151] : memref<8x256x32xf32, #tpu.memory_space<vmem>> -> memref<1x256x32xf32, #tpu.memory_space<vmem>>
    %dma_start3A_153 = tpu.memref_squeeze %dma_start3A_152 : memref<1x256x32xf32, #tpu.memory_space<vmem>> -> memref<256x32xf32, #tpu.memory_space<vmem>>
    %dma_start3A_154 = arith.constant 0 : i32
    %dma_start3A_155 = tpu.memref_slice %arg8[%dma_start3A_148, %dma_start3A_154] : memref<40x256xi32, #tpu.memory_space<vmem>> -> memref<1x256xi32, #tpu.memory_space<vmem>>
    %dma_start3A_156 = tpu.memref_squeeze %dma_start3A_155 : memref<1x256xi32, #tpu.memory_space<vmem>> -> memref<256xi32, #tpu.memory_space<vmem>>
    %dma_start3A_157 = arith.constant 0 : i32
    %dma_start3A_158 = arith.constant 0 : i32
    %dma_start3A_159 = tpu.memref_slice %arg7[%dma_start3A_157, %dma_start3A_158] : memref<10112x32xf32, #tpu.memory_space<vmem_shared>> -> memref<10112x32xf32, #tpu.memory_space<vmem_shared>>
    tpu.enqueue_indirect_dma source(%dma_start3A_159 : memref<10112x32xf32, #tpu.memory_space<vmem_shared>>) target(%dma_start3A_153 : memref<256x32xf32, #tpu.memory_space<vmem>>) offsets(%dma_start3A_156 : memref<256xi32, #tpu.memory_space<vmem>>) semaphore(%arg17 : memref<!tpu.dma_semaphore, #tpu.memory_space<semaphore_mem>>)
    %dma_wait3A_160 = arith.constant 3 : i32
    %dma_wait3A_161 = arith.constant 3 : i32
    %dma_wait3A_162 = arith.constant 0 : i32
    %dma_wait3A_163 = arith.constant 0 : i32
    %dma_wait3A_164 = tpu.memref_slice %arg10[%dma_wait3A_161, %dma_wait3A_162, %dma_wait3A_163] : memref<8x256x32xf32, #tpu.memory_space<vmem>> -> memref<1x256x32xf32, #tpu.memory_space<vmem>>
    %dma_wait3A_165 = tpu.memref_squeeze %dma_wait3A_164 : memref<1x256x32xf32, #tpu.memory_space<vmem>> -> memref<256x32xf32, #tpu.memory_space<vmem>>
    %dma_wait3A_166 = arith.constant 0 : i32
    %dma_wait3A_167 = tpu.memref_slice %arg8[%dma_wait3A_160, %dma_wait3A_166] : memref<40x256xi32, #tpu.memory_space<vmem>> -> memref<1x256xi32, #tpu.memory_space<vmem>>
    %dma_wait3A_168 = tpu.memref_squeeze %dma_wait3A_167 : memref<1x256xi32, #tpu.memory_space<vmem>> -> memref<256xi32, #tpu.memory_space<vmem>>
    %dma_wait3A_169 = arith.constant 0 : i32
    %dma_wait3A_170 = arith.constant 0 : i32
    %dma_wait3A_171 = tpu.memref_slice %arg7[%dma_wait3A_169, %dma_wait3A_170] : memref<10112x32xf32, #tpu.memory_space<vmem_shared>> -> memref<10112x32xf32, #tpu.memory_space<vmem_shared>>
    tpu.wait_indirect_dma semaphore(%arg14 : memref<!tpu.dma_semaphore, #tpu.memory_space<semaphore_mem>>) src(%dma_wait3A_171 : memref<10112x32xf32, #tpu.memory_space<vmem_shared>>) dst(%dma_wait3A_165 : memref<256x32xf32, #tpu.memory_space<vmem>>)
    %dma_start3A_172 = arith.constant 3 : i32
    %dma_start3A_173 = arith.constant 3 : i32
    %dma_start3A_174 = arith.constant 0 : i32
    %dma_start3A_175 = arith.constant 0 : i32
    %dma_start3A_176 = tpu.memref_slice %arg10[%dma_start3A_172, %dma_start3A_174, %dma_start3A_175] : memref<8x256x32xf32, #tpu.memory_space<vmem>> -> memref<1x256x32xf32, #tpu.memory_space<vmem>>
    %dma_start3A_177 = tpu.memref_squeeze %dma_start3A_176 : memref<1x256x32xf32, #tpu.memory_space<vmem>> -> memref<256x32xf32, #tpu.memory_space<vmem>>
    %dma_start3A_178 = arith.constant 0 : i32
    %dma_start3A_179 = tpu.memref_slice %arg9[%dma_start3A_173, %dma_start3A_178] : memref<40x256xi32, #tpu.memory_space<vmem>> -> memref<1x256xi32, #tpu.memory_space<vmem>>
    %dma_start3A_180 = tpu.memref_squeeze %dma_start3A_179 : memref<1x256xi32, #tpu.memory_space<vmem>> -> memref<256xi32, #tpu.memory_space<vmem>>
    %dma_start3A_181 = arith.constant 0 : i32
    %dma_start3A_182 = arith.constant 0 : i32
    %dma_start3A_183 = tpu.memref_slice %arg6[%dma_start3A_181, %dma_start3A_182] : memref<10112x32xf32, #tpu.memory_space<vmem_shared>> -> memref<10112x32xf32, #tpu.memory_space<vmem_shared>>
    tpu.enqueue_indirect_dma source(%dma_start3A_177 : memref<256x32xf32, #tpu.memory_space<vmem>>) target(%dma_start3A_183 : memref<10112x32xf32, #tpu.memory_space<vmem_shared>>) offsets(%dma_start3A_180 : memref<256xi32, #tpu.memory_space<vmem>>) semaphore(%arg22 : memref<!tpu.dma_semaphore, #tpu.memory_space<semaphore_mem>>) {add = true}
    %dma_start3A_184 = arith.constant 7 : i32
    %dma_start3A_185 = arith.constant 7 : i32
    %dma_start3A_186 = arith.constant 0 : i32
    %dma_start3A_187 = arith.constant 0 : i32
    %dma_start3A_188 = tpu.memref_slice %arg10[%dma_start3A_185, %dma_start3A_186, %dma_start3A_187] : memref<8x256x32xf32, #tpu.memory_space<vmem>> -> memref<1x256x32xf32, #tpu.memory_space<vmem>>
    %dma_start3A_189 = tpu.memref_squeeze %dma_start3A_188 : memref<1x256x32xf32, #tpu.memory_space<vmem>> -> memref<256x32xf32, #tpu.memory_space<vmem>>
    %dma_start3A_190 = arith.constant 0 : i32
    %dma_start3A_191 = tpu.memref_slice %arg8[%dma_start3A_184, %dma_start3A_190] : memref<40x256xi32, #tpu.memory_space<vmem>> -> memref<1x256xi32, #tpu.memory_space<vmem>>
    %dma_start3A_192 = tpu.memref_squeeze %dma_start3A_191 : memref<1x256xi32, #tpu.memory_space<vmem>> -> memref<256xi32, #tpu.memory_space<vmem>>
    %dma_start3A_193 = arith.constant 0 : i32
    %dma_start3A_194 = arith.constant 0 : i32
    %dma_start3A_195 = tpu.memref_slice %arg7[%dma_start3A_193, %dma_start3A_194] : memref<10112x32xf32, #tpu.memory_space<vmem_shared>> -> memref<10112x32xf32, #tpu.memory_space<vmem_shared>>
    tpu.enqueue_indirect_dma source(%dma_start3A_195 : memref<10112x32xf32, #tpu.memory_space<vmem_shared>>) target(%dma_start3A_189 : memref<256x32xf32, #tpu.memory_space<vmem>>) offsets(%dma_start3A_192 : memref<256xi32, #tpu.memory_space<vmem>>) semaphore(%arg18 : memref<!tpu.dma_semaphore, #tpu.memory_space<semaphore_mem>>)
    %scan3A = arith.constant 0 : i32
    %scan3A_196 = arith.constant 0 : i32
    %scan3A_197 = arith.constant 4 : i32
    %scan3A_198 = arith.addi %scan3A_196, %scan3A_197 : i32
    %scan3A_199 = arith.constant 1 : i32
    scf.for %scan3A_394 = %scan3A_196 to %scan3A_198 step %scan3A_199  : i32 {
      %mul3A_395 = arith.constant 8 : i32
      %mul3A_396 = arith.muli %scan3A_394, %mul3A_395 : i32
      %add3A_397 = arith.constant 4 : i32
      %add3A_398 = arith.addi %add3A_397, %mul3A_396 : i32
      %add3A_399 = arith.constant 0 : i32
      %add3A_400 = arith.addi %add3A_398, %add3A_399 : i32
      %dma_wait3A_401 = arith.constant 4 : i32
      %dma_wait3A_402 = arith.constant 0 : i32
      %dma_wait3A_403 = arith.constant 0 : i32
      %dma_wait3A_404 = tpu.memref_slice %arg10[%dma_wait3A_401, %dma_wait3A_402, %dma_wait3A_403] : memref<8x256x32xf32, #tpu.memory_space<vmem>> -> memref<1x256x32xf32, #tpu.memory_space<vmem>>
      %dma_wait3A_405 = tpu.memref_squeeze %dma_wait3A_404 : memref<1x256x32xf32, #tpu.memory_space<vmem>> -> memref<256x32xf32, #tpu.memory_space<vmem>>
      %dma_wait3A_406 = arith.constant 0 : i32
      %dma_wait3A_407 = tpu.memref_slice %arg8[%add3A_400, %dma_wait3A_406] : memref<40x256xi32, #tpu.memory_space<vmem>> -> memref<1x256xi32, #tpu.memory_space<vmem>>
      %dma_wait3A_408 = tpu.memref_squeeze %dma_wait3A_407 : memref<1x256xi32, #tpu.memory_space<vmem>> -> memref<256xi32, #tpu.memory_space<vmem>>
      %dma_wait3A_409 = arith.constant 0 : i32
      %dma_wait3A_410 = arith.constant 0 : i32
      %dma_wait3A_411 = tpu.memref_slice %arg7[%dma_wait3A_409, %dma_wait3A_410] : memref<10112x32xf32, #tpu.memory_space<vmem_shared>> -> memref<10112x32xf32, #tpu.memory_space<vmem_shared>>
      tpu.wait_indirect_dma semaphore(%arg15 : memref<!tpu.dma_semaphore, #tpu.memory_space<semaphore_mem>>) src(%dma_wait3A_411 : memref<10112x32xf32, #tpu.memory_space<vmem_shared>>) dst(%dma_wait3A_405 : memref<256x32xf32, #tpu.memory_space<vmem>>)
      %dma_start3A_412 = arith.constant 4 : i32
      %dma_start3A_413 = arith.constant 0 : i32
      %dma_start3A_414 = arith.constant 0 : i32
      %dma_start3A_415 = tpu.memref_slice %arg10[%dma_start3A_412, %dma_start3A_413, %dma_start3A_414] : memref<8x256x32xf32, #tpu.memory_space<vmem>> -> memref<1x256x32xf32, #tpu.memory_space<vmem>>
      %dma_start3A_416 = tpu.memref_squeeze %dma_start3A_415 : memref<1x256x32xf32, #tpu.memory_space<vmem>> -> memref<256x32xf32, #tpu.memory_space<vmem>>
      %dma_start3A_417 = arith.constant 0 : i32
      %dma_start3A_418 = tpu.memref_slice %arg9[%add3A_400, %dma_start3A_417] : memref<40x256xi32, #tpu.memory_space<vmem>> -> memref<1x256xi32, #tpu.memory_space<vmem>>
      %dma_start3A_419 = tpu.memref_squeeze %dma_start3A_418 : memref<1x256xi32, #tpu.memory_space<vmem>> -> memref<256xi32, #tpu.memory_space<vmem>>
      %dma_start3A_420 = arith.constant 0 : i32
      %dma_start3A_421 = arith.constant 0 : i32
      %dma_start3A_422 = tpu.memref_slice %arg6[%dma_start3A_420, %dma_start3A_421] : memref<10112x32xf32, #tpu.memory_space<vmem_shared>> -> memref<10112x32xf32, #tpu.memory_space<vmem_shared>>
      tpu.enqueue_indirect_dma source(%dma_start3A_416 : memref<256x32xf32, #tpu.memory_space<vmem>>) target(%dma_start3A_422 : memref<10112x32xf32, #tpu.memory_space<vmem_shared>>) offsets(%dma_start3A_419 : memref<256xi32, #tpu.memory_space<vmem>>) semaphore(%arg23 : memref<!tpu.dma_semaphore, #tpu.memory_space<semaphore_mem>>) {add = true}
      %add3A_423 = arith.constant 4 : i32
      %add3A_424 = arith.addi %add3A_400, %add3A_423 : i32
      %sub3A = arith.constant 8 : i32
      %sub3A_425 = arith.subi %add3A_424, %sub3A : i32
      %dma_wait3A_426 = arith.constant 0 : i32
      %dma_wait3A_427 = arith.constant 0 : i32
      %dma_wait3A_428 = arith.constant 0 : i32
      %dma_wait3A_429 = tpu.memref_slice %arg10[%dma_wait3A_426, %dma_wait3A_427, %dma_wait3A_428] : memref<8x256x32xf32, #tpu.memory_space<vmem>> -> memref<1x256x32xf32, #tpu.memory_space<vmem>>
      %dma_wait3A_430 = tpu.memref_squeeze %dma_wait3A_429 : memref<1x256x32xf32, #tpu.memory_space<vmem>> -> memref<256x32xf32, #tpu.memory_space<vmem>>
      %dma_wait3A_431 = arith.constant 0 : i32
      %dma_wait3A_432 = tpu.memref_slice %arg9[%sub3A_425, %dma_wait3A_431] : memref<40x256xi32, #tpu.memory_space<vmem>> -> memref<1x256xi32, #tpu.memory_space<vmem>>
      %dma_wait3A_433 = tpu.memref_squeeze %dma_wait3A_432 : memref<1x256xi32, #tpu.memory_space<vmem>> -> memref<256xi32, #tpu.memory_space<vmem>>
      %dma_wait3A_434 = arith.constant 0 : i32
      %dma_wait3A_435 = arith.constant 0 : i32
      %dma_wait3A_436 = tpu.memref_slice %arg6[%dma_wait3A_434, %dma_wait3A_435] : memref<10112x32xf32, #tpu.memory_space<vmem_shared>> -> memref<10112x32xf32, #tpu.memory_space<vmem_shared>>
      tpu.wait_indirect_dma semaphore(%arg19 : memref<!tpu.dma_semaphore, #tpu.memory_space<semaphore_mem>>) src(%dma_wait3A_430 : memref<256x32xf32, #tpu.memory_space<vmem>>) dst(%dma_wait3A_436 : memref<10112x32xf32, #tpu.memory_space<vmem_shared>>)
      %dma_start3A_437 = arith.constant 0 : i32
      %dma_start3A_438 = arith.constant 0 : i32
      %dma_start3A_439 = arith.constant 0 : i32
      %dma_start3A_440 = tpu.memref_slice %arg10[%dma_start3A_437, %dma_start3A_438, %dma_start3A_439] : memref<8x256x32xf32, #tpu.memory_space<vmem>> -> memref<1x256x32xf32, #tpu.memory_space<vmem>>
      %dma_start3A_441 = tpu.memref_squeeze %dma_start3A_440 : memref<1x256x32xf32, #tpu.memory_space<vmem>> -> memref<256x32xf32, #tpu.memory_space<vmem>>
      %dma_start3A_442 = arith.constant 0 : i32
      %dma_start3A_443 = tpu.memref_slice %arg8[%add3A_424, %dma_start3A_442] : memref<40x256xi32, #tpu.memory_space<vmem>> -> memref<1x256xi32, #tpu.memory_space<vmem>>
      %dma_start3A_444 = tpu.memref_squeeze %dma_start3A_443 : memref<1x256xi32, #tpu.memory_space<vmem>> -> memref<256xi32, #tpu.memory_space<vmem>>
      %dma_start3A_445 = arith.constant 0 : i32
      %dma_start3A_446 = arith.constant 0 : i32
      %dma_start3A_447 = tpu.memref_slice %arg7[%dma_start3A_445, %dma_start3A_446] : memref<10112x32xf32, #tpu.memory_space<vmem_shared>> -> memref<10112x32xf32, #tpu.memory_space<vmem_shared>>
      tpu.enqueue_indirect_dma source(%dma_start3A_447 : memref<10112x32xf32, #tpu.memory_space<vmem_shared>>) target(%dma_start3A_441 : memref<256x32xf32, #tpu.memory_space<vmem>>) offsets(%dma_start3A_444 : memref<256xi32, #tpu.memory_space<vmem>>) semaphore(%arg11 : memref<!tpu.dma_semaphore, #tpu.memory_space<semaphore_mem>>)
      %mul3A_448 = arith.constant 8 : i32
      %mul3A_449 = arith.muli %scan3A_394, %mul3A_448 : i32
      %add3A_450 = arith.constant 4 : i32
      %add3A_451 = arith.addi %add3A_450, %mul3A_449 : i32
      %add3A_452 = arith.constant 1 : i32
      %add3A_453 = arith.addi %add3A_451, %add3A_452 : i32
      %dma_wait3A_454 = arith.constant 5 : i32
      %dma_wait3A_455 = arith.constant 0 : i32
      %dma_wait3A_456 = arith.constant 0 : i32
      %dma_wait3A_457 = tpu.memref_slice %arg10[%dma_wait3A_454, %dma_wait3A_455, %dma_wait3A_456] : memref<8x256x32xf32, #tpu.memory_space<vmem>> -> memref<1x256x32xf32, #tpu.memory_space<vmem>>
      %dma_wait3A_458 = tpu.memref_squeeze %dma_wait3A_457 : memref<1x256x32xf32, #tpu.memory_space<vmem>> -> memref<256x32xf32, #tpu.memory_space<vmem>>
      %dma_wait3A_459 = arith.constant 0 : i32
      %dma_wait3A_460 = tpu.memref_slice %arg8[%add3A_453, %dma_wait3A_459] : memref<40x256xi32, #tpu.memory_space<vmem>> -> memref<1x256xi32, #tpu.memory_space<vmem>>
      %dma_wait3A_461 = tpu.memref_squeeze %dma_wait3A_460 : memref<1x256xi32, #tpu.memory_space<vmem>> -> memref<256xi32, #tpu.memory_space<vmem>>
      %dma_wait3A_462 = arith.constant 0 : i32
      %dma_wait3A_463 = arith.constant 0 : i32
      %dma_wait3A_464 = tpu.memref_slice %arg7[%dma_wait3A_462, %dma_wait3A_463] : memref<10112x32xf32, #tpu.memory_space<vmem_shared>> -> memref<10112x32xf32, #tpu.memory_space<vmem_shared>>
      tpu.wait_indirect_dma semaphore(%arg16 : memref<!tpu.dma_semaphore, #tpu.memory_space<semaphore_mem>>) src(%dma_wait3A_464 : memref<10112x32xf32, #tpu.memory_space<vmem_shared>>) dst(%dma_wait3A_458 : memref<256x32xf32, #tpu.memory_space<vmem>>)
      %dma_start3A_465 = arith.constant 5 : i32
      %dma_start3A_466 = arith.constant 0 : i32
      %dma_start3A_467 = arith.constant 0 : i32
      %dma_start3A_468 = tpu.memref_slice %arg10[%dma_start3A_465, %dma_start3A_466, %dma_start3A_467] : memref<8x256x32xf32, #tpu.memory_space<vmem>> -> memref<1x256x32xf32, #tpu.memory_space<vmem>>
      %dma_start3A_469 = tpu.memref_squeeze %dma_start3A_468 : memref<1x256x32xf32, #tpu.memory_space<vmem>> -> memref<256x32xf32, #tpu.memory_space<vmem>>
      %dma_start3A_470 = arith.constant 0 : i32
      %dma_start3A_471 = tpu.memref_slice %arg9[%add3A_453, %dma_start3A_470] : memref<40x256xi32, #tpu.memory_space<vmem>> -> memref<1x256xi32, #tpu.memory_space<vmem>>
      %dma_start3A_472 = tpu.memref_squeeze %dma_start3A_471 : memref<1x256xi32, #tpu.memory_space<vmem>> -> memref<256xi32, #tpu.memory_space<vmem>>
      %dma_start3A_473 = arith.constant 0 : i32
      %dma_start3A_474 = arith.constant 0 : i32
      %dma_start3A_475 = tpu.memref_slice %arg6[%dma_start3A_473, %dma_start3A_474] : memref<10112x32xf32, #tpu.memory_space<vmem_shared>> -> memref<10112x32xf32, #tpu.memory_space<vmem_shared>>
      tpu.enqueue_indirect_dma source(%dma_start3A_469 : memref<256x32xf32, #tpu.memory_space<vmem>>) target(%dma_start3A_475 : memref<10112x32xf32, #tpu.memory_space<vmem_shared>>) offsets(%dma_start3A_472 : memref<256xi32, #tpu.memory_space<vmem>>) semaphore(%arg24 : memref<!tpu.dma_semaphore, #tpu.memory_space<semaphore_mem>>) {add = true}
      %add3A_476 = arith.constant 4 : i32
      %add3A_477 = arith.addi %add3A_453, %add3A_476 : i32
      %sub3A_478 = arith.constant 8 : i32
      %sub3A_479 = arith.subi %add3A_477, %sub3A_478 : i32
      %dma_wait3A_480 = arith.constant 1 : i32
      %dma_wait3A_481 = arith.constant 0 : i32
      %dma_wait3A_482 = arith.constant 0 : i32
      %dma_wait3A_483 = tpu.memref_slice %arg10[%dma_wait3A_480, %dma_wait3A_481, %dma_wait3A_482] : memref<8x256x32xf32, #tpu.memory_space<vmem>> -> memref<1x256x32xf32, #tpu.memory_space<vmem>>
      %dma_wait3A_484 = tpu.memref_squeeze %dma_wait3A_483 : memref<1x256x32xf32, #tpu.memory_space<vmem>> -> memref<256x32xf32, #tpu.memory_space<vmem>>
      %dma_wait3A_485 = arith.constant 0 : i32
      %dma_wait3A_486 = tpu.memref_slice %arg9[%sub3A_479, %dma_wait3A_485] : memref<40x256xi32, #tpu.memory_space<vmem>> -> memref<1x256xi32, #tpu.memory_space<vmem>>
      %dma_wait3A_487 = tpu.memref_squeeze %dma_wait3A_486 : memref<1x256xi32, #tpu.memory_space<vmem>> -> memref<256xi32, #tpu.memory_space<vmem>>
      %dma_wait3A_488 = arith.constant 0 : i32
      %dma_wait3A_489 = arith.constant 0 : i32
      %dma_wait3A_490 = tpu.memref_slice %arg6[%dma_wait3A_488, %dma_wait3A_489] : memref<10112x32xf32, #tpu.memory_space<vmem_shared>> -> memref<10112x32xf32, #tpu.memory_space<vmem_shared>>
      tpu.wait_indirect_dma semaphore(%arg20 : memref<!tpu.dma_semaphore, #tpu.memory_space<semaphore_mem>>) src(%dma_wait3A_484 : memref<256x32xf32, #tpu.memory_space<vmem>>) dst(%dma_wait3A_490 : memref<10112x32xf32, #tpu.memory_space<vmem_shared>>)
      %dma_start3A_491 = arith.constant 1 : i32
      %dma_start3A_492 = arith.constant 0 : i32
      %dma_start3A_493 = arith.constant 0 : i32
      %dma_start3A_494 = tpu.memref_slice %arg10[%dma_start3A_491, %dma_start3A_492, %dma_start3A_493] : memref<8x256x32xf32, #tpu.memory_space<vmem>> -> memref<1x256x32xf32, #tpu.memory_space<vmem>>
      %dma_start3A_495 = tpu.memref_squeeze %dma_start3A_494 : memref<1x256x32xf32, #tpu.memory_space<vmem>> -> memref<256x32xf32, #tpu.memory_space<vmem>>
      %dma_start3A_496 = arith.constant 0 : i32
      %dma_start3A_497 = tpu.memref_slice %arg8[%add3A_477, %dma_start3A_496] : memref<40x256xi32, #tpu.memory_space<vmem>> -> memref<1x256xi32, #tpu.memory_space<vmem>>
      %dma_start3A_498 = tpu.memref_squeeze %dma_start3A_497 : memref<1x256xi32, #tpu.memory_space<vmem>> -> memref<256xi32, #tpu.memory_space<vmem>>
      %dma_start3A_499 = arith.constant 0 : i32
      %dma_start3A_500 = arith.constant 0 : i32
      %dma_start3A_501 = tpu.memref_slice %arg7[%dma_start3A_499, %dma_start3A_500] : memref<10112x32xf32, #tpu.memory_space<vmem_shared>> -> memref<10112x32xf32, #tpu.memory_space<vmem_shared>>
      tpu.enqueue_indirect_dma source(%dma_start3A_501 : memref<10112x32xf32, #tpu.memory_space<vmem_shared>>) target(%dma_start3A_495 : memref<256x32xf32, #tpu.memory_space<vmem>>) offsets(%dma_start3A_498 : memref<256xi32, #tpu.memory_space<vmem>>) semaphore(%arg12 : memref<!tpu.dma_semaphore, #tpu.memory_space<semaphore_mem>>)
      %mul3A_502 = arith.constant 8 : i32
      %mul3A_503 = arith.muli %scan3A_394, %mul3A_502 : i32
      %add3A_504 = arith.constant 4 : i32
      %add3A_505 = arith.addi %add3A_504, %mul3A_503 : i32
      %add3A_506 = arith.constant 2 : i32
      %add3A_507 = arith.addi %add3A_505, %add3A_506 : i32
      %dma_wait3A_508 = arith.constant 6 : i32
      %dma_wait3A_509 = arith.constant 0 : i32
      %dma_wait3A_510 = arith.constant 0 : i32
      %dma_wait3A_511 = tpu.memref_slice %arg10[%dma_wait3A_508, %dma_wait3A_509, %dma_wait3A_510] : memref<8x256x32xf32, #tpu.memory_space<vmem>> -> memref<1x256x32xf32, #tpu.memory_space<vmem>>
      %dma_wait3A_512 = tpu.memref_squeeze %dma_wait3A_511 : memref<1x256x32xf32, #tpu.memory_space<vmem>> -> memref<256x32xf32, #tpu.memory_space<vmem>>
      %dma_wait3A_513 = arith.constant 0 : i32
      %dma_wait3A_514 = tpu.memref_slice %arg8[%add3A_507, %dma_wait3A_513] : memref<40x256xi32, #tpu.memory_space<vmem>> -> memref<1x256xi32, #tpu.memory_space<vmem>>
      %dma_wait3A_515 = tpu.memref_squeeze %dma_wait3A_514 : memref<1x256xi32, #tpu.memory_space<vmem>> -> memref<256xi32, #tpu.memory_space<vmem>>
      %dma_wait3A_516 = arith.constant 0 : i32
      %dma_wait3A_517 = arith.constant 0 : i32
      %dma_wait3A_518 = tpu.memref_slice %arg7[%dma_wait3A_516, %dma_wait3A_517] : memref<10112x32xf32, #tpu.memory_space<vmem_shared>> -> memref<10112x32xf32, #tpu.memory_space<vmem_shared>>
      tpu.wait_indirect_dma semaphore(%arg17 : memref<!tpu.dma_semaphore, #tpu.memory_space<semaphore_mem>>) src(%dma_wait3A_518 : memref<10112x32xf32, #tpu.memory_space<vmem_shared>>) dst(%dma_wait3A_512 : memref<256x32xf32, #tpu.memory_space<vmem>>)
      %dma_start3A_519 = arith.constant 6 : i32
      %dma_start3A_520 = arith.constant 0 : i32
      %dma_start3A_521 = arith.constant 0 : i32
      %dma_start3A_522 = tpu.memref_slice %arg10[%dma_start3A_519, %dma_start3A_520, %dma_start3A_521] : memref<8x256x32xf32, #tpu.memory_space<vmem>> -> memref<1x256x32xf32, #tpu.memory_space<vmem>>
      %dma_start3A_523 = tpu.memref_squeeze %dma_start3A_522 : memref<1x256x32xf32, #tpu.memory_space<vmem>> -> memref<256x32xf32, #tpu.memory_space<vmem>>
      %dma_start3A_524 = arith.constant 0 : i32
      %dma_start3A_525 = tpu.memref_slice %arg9[%add3A_507, %dma_start3A_524] : memref<40x256xi32, #tpu.memory_space<vmem>> -> memref<1x256xi32, #tpu.memory_space<vmem>>
      %dma_start3A_526 = tpu.memref_squeeze %dma_start3A_525 : memref<1x256xi32, #tpu.memory_space<vmem>> -> memref<256xi32, #tpu.memory_space<vmem>>
      %dma_start3A_527 = arith.constant 0 : i32
      %dma_start3A_528 = arith.constant 0 : i32
      %dma_start3A_529 = tpu.memref_slice %arg6[%dma_start3A_527, %dma_start3A_528] : memref<10112x32xf32, #tpu.memory_space<vmem_shared>> -> memref<10112x32xf32, #tpu.memory_space<vmem_shared>>
      tpu.enqueue_indirect_dma source(%dma_start3A_523 : memref<256x32xf32, #tpu.memory_space<vmem>>) target(%dma_start3A_529 : memref<10112x32xf32, #tpu.memory_space<vmem_shared>>) offsets(%dma_start3A_526 : memref<256xi32, #tpu.memory_space<vmem>>) semaphore(%arg25 : memref<!tpu.dma_semaphore, #tpu.memory_space<semaphore_mem>>) {add = true}
      %add3A_530 = arith.constant 4 : i32
      %add3A_531 = arith.addi %add3A_507, %add3A_530 : i32
      %sub3A_532 = arith.constant 8 : i32
      %sub3A_533 = arith.subi %add3A_531, %sub3A_532 : i32
      %dma_wait3A_534 = arith.constant 2 : i32
      %dma_wait3A_535 = arith.constant 0 : i32
      %dma_wait3A_536 = arith.constant 0 : i32
      %dma_wait3A_537 = tpu.memref_slice %arg10[%dma_wait3A_534, %dma_wait3A_535, %dma_wait3A_536] : memref<8x256x32xf32, #tpu.memory_space<vmem>> -> memref<1x256x32xf32, #tpu.memory_space<vmem>>
      %dma_wait3A_538 = tpu.memref_squeeze %dma_wait3A_537 : memref<1x256x32xf32, #tpu.memory_space<vmem>> -> memref<256x32xf32, #tpu.memory_space<vmem>>
      %dma_wait3A_539 = arith.constant 0 : i32
      %dma_wait3A_540 = tpu.memref_slice %arg9[%sub3A_533, %dma_wait3A_539] : memref<40x256xi32, #tpu.memory_space<vmem>> -> memref<1x256xi32, #tpu.memory_space<vmem>>
      %dma_wait3A_541 = tpu.memref_squeeze %dma_wait3A_540 : memref<1x256xi32, #tpu.memory_space<vmem>> -> memref<256xi32, #tpu.memory_space<vmem>>
      %dma_wait3A_542 = arith.constant 0 : i32
      %dma_wait3A_543 = arith.constant 0 : i32
      %dma_wait3A_544 = tpu.memref_slice %arg6[%dma_wait3A_542, %dma_wait3A_543] : memref<10112x32xf32, #tpu.memory_space<vmem_shared>> -> memref<10112x32xf32, #tpu.memory_space<vmem_shared>>
      tpu.wait_indirect_dma semaphore(%arg21 : memref<!tpu.dma_semaphore, #tpu.memory_space<semaphore_mem>>) src(%dma_wait3A_538 : memref<256x32xf32, #tpu.memory_space<vmem>>) dst(%dma_wait3A_544 : memref<10112x32xf32, #tpu.memory_space<vmem_shared>>)
      %dma_start3A_545 = arith.constant 2 : i32
      %dma_start3A_546 = arith.constant 0 : i32
      %dma_start3A_547 = arith.constant 0 : i32
      %dma_start3A_548 = tpu.memref_slice %arg10[%dma_start3A_545, %dma_start3A_546, %dma_start3A_547] : memref<8x256x32xf32, #tpu.memory_space<vmem>> -> memref<1x256x32xf32, #tpu.memory_space<vmem>>
      %dma_start3A_549 = tpu.memref_squeeze %dma_start3A_548 : memref<1x256x32xf32, #tpu.memory_space<vmem>> -> memref<256x32xf32, #tpu.memory_space<vmem>>
      %dma_start3A_550 = arith.constant 0 : i32
      %dma_start3A_551 = tpu.memref_slice %arg8[%add3A_531, %dma_start3A_550] : memref<40x256xi32, #tpu.memory_space<vmem>> -> memref<1x256xi32, #tpu.memory_space<vmem>>
      %dma_start3A_552 = tpu.memref_squeeze %dma_start3A_551 : memref<1x256xi32, #tpu.memory_space<vmem>> -> memref<256xi32, #tpu.memory_space<vmem>>
      %dma_start3A_553 = arith.constant 0 : i32
      %dma_start3A_554 = arith.constant 0 : i32
      %dma_start3A_555 = tpu.memref_slice %arg7[%dma_start3A_553, %dma_start3A_554] : memref<10112x32xf32, #tpu.memory_space<vmem_shared>> -> memref<10112x32xf32, #tpu.memory_space<vmem_shared>>
      tpu.enqueue_indirect_dma source(%dma_start3A_555 : memref<10112x32xf32, #tpu.memory_space<vmem_shared>>) target(%dma_start3A_549 : memref<256x32xf32, #tpu.memory_space<vmem>>) offsets(%dma_start3A_552 : memref<256xi32, #tpu.memory_space<vmem>>) semaphore(%arg13 : memref<!tpu.dma_semaphore, #tpu.memory_space<semaphore_mem>>)
      %mul3A_556 = arith.constant 8 : i32
      %mul3A_557 = arith.muli %scan3A_394, %mul3A_556 : i32
      %add3A_558 = arith.constant 4 : i32
      %add3A_559 = arith.addi %add3A_558, %mul3A_557 : i32
      %add3A_560 = arith.constant 3 : i32
      %add3A_561 = arith.addi %add3A_559, %add3A_560 : i32
      %dma_wait3A_562 = arith.constant 7 : i32
      %dma_wait3A_563 = arith.constant 0 : i32
      %dma_wait3A_564 = arith.constant 0 : i32
      %dma_wait3A_565 = tpu.memref_slice %arg10[%dma_wait3A_562, %dma_wait3A_563, %dma_wait3A_564] : memref<8x256x32xf32, #tpu.memory_space<vmem>> -> memref<1x256x32xf32, #tpu.memory_space<vmem>>
      %dma_wait3A_566 = tpu.memref_squeeze %dma_wait3A_565 : memref<1x256x32xf32, #tpu.memory_space<vmem>> -> memref<256x32xf32, #tpu.memory_space<vmem>>
      %dma_wait3A_567 = arith.constant 0 : i32
      %dma_wait3A_568 = tpu.memref_slice %arg8[%add3A_561, %dma_wait3A_567] : memref<40x256xi32, #tpu.memory_space<vmem>> -> memref<1x256xi32, #tpu.memory_space<vmem>>
      %dma_wait3A_569 = tpu.memref_squeeze %dma_wait3A_568 : memref<1x256xi32, #tpu.memory_space<vmem>> -> memref<256xi32, #tpu.memory_space<vmem>>
      %dma_wait3A_570 = arith.constant 0 : i32
      %dma_wait3A_571 = arith.constant 0 : i32
      %dma_wait3A_572 = tpu.memref_slice %arg7[%dma_wait3A_570, %dma_wait3A_571] : memref<10112x32xf32, #tpu.memory_space<vmem_shared>> -> memref<10112x32xf32, #tpu.memory_space<vmem_shared>>
      tpu.wait_indirect_dma semaphore(%arg18 : memref<!tpu.dma_semaphore, #tpu.memory_space<semaphore_mem>>) src(%dma_wait3A_572 : memref<10112x32xf32, #tpu.memory_space<vmem_shared>>) dst(%dma_wait3A_566 : memref<256x32xf32, #tpu.memory_space<vmem>>)
      %dma_start3A_573 = arith.constant 7 : i32
      %dma_start3A_574 = arith.constant 0 : i32
      %dma_start3A_575 = arith.constant 0 : i32
      %dma_start3A_576 = tpu.memref_slice %arg10[%dma_start3A_573, %dma_start3A_574, %dma_start3A_575] : memref<8x256x32xf32, #tpu.memory_space<vmem>> -> memref<1x256x32xf32, #tpu.memory_space<vmem>>
      %dma_start3A_577 = tpu.memref_squeeze %dma_start3A_576 : memref<1x256x32xf32, #tpu.memory_space<vmem>> -> memref<256x32xf32, #tpu.memory_space<vmem>>
      %dma_start3A_578 = arith.constant 0 : i32
      %dma_start3A_579 = tpu.memref_slice %arg9[%add3A_561, %dma_start3A_578] : memref<40x256xi32, #tpu.memory_space<vmem>> -> memref<1x256xi32, #tpu.memory_space<vmem>>
      %dma_start3A_580 = tpu.memref_squeeze %dma_start3A_579 : memref<1x256xi32, #tpu.memory_space<vmem>> -> memref<256xi32, #tpu.memory_space<vmem>>
      %dma_start3A_581 = arith.constant 0 : i32
      %dma_start3A_582 = arith.constant 0 : i32
      %dma_start3A_583 = tpu.memref_slice %arg6[%dma_start3A_581, %dma_start3A_582] : memref<10112x32xf32, #tpu.memory_space<vmem_shared>> -> memref<10112x32xf32, #tpu.memory_space<vmem_shared>>
      tpu.enqueue_indirect_dma source(%dma_start3A_577 : memref<256x32xf32, #tpu.memory_space<vmem>>) target(%dma_start3A_583 : memref<10112x32xf32, #tpu.memory_space<vmem_shared>>) offsets(%dma_start3A_580 : memref<256xi32, #tpu.memory_space<vmem>>) semaphore(%arg26 : memref<!tpu.dma_semaphore, #tpu.memory_space<semaphore_mem>>) {add = true}
      %add3A_584 = arith.constant 4 : i32
      %add3A_585 = arith.addi %add3A_561, %add3A_584 : i32
      %sub3A_586 = arith.constant 8 : i32
      %sub3A_587 = arith.subi %add3A_585, %sub3A_586 : i32
      %dma_wait3A_588 = arith.constant 3 : i32
      %dma_wait3A_589 = arith.constant 0 : i32
      %dma_wait3A_590 = arith.constant 0 : i32
      %dma_wait3A_591 = tpu.memref_slice %arg10[%dma_wait3A_588, %dma_wait3A_589, %dma_wait3A_590] : memref<8x256x32xf32, #tpu.memory_space<vmem>> -> memref<1x256x32xf32, #tpu.memory_space<vmem>>
      %dma_wait3A_592 = tpu.memref_squeeze %dma_wait3A_591 : memref<1x256x32xf32, #tpu.memory_space<vmem>> -> memref<256x32xf32, #tpu.memory_space<vmem>>
      %dma_wait3A_593 = arith.constant 0 : i32
      %dma_wait3A_594 = tpu.memref_slice %arg9[%sub3A_587, %dma_wait3A_593] : memref<40x256xi32, #tpu.memory_space<vmem>> -> memref<1x256xi32, #tpu.memory_space<vmem>>
      %dma_wait3A_595 = tpu.memref_squeeze %dma_wait3A_594 : memref<1x256xi32, #tpu.memory_space<vmem>> -> memref<256xi32, #tpu.memory_space<vmem>>
      %dma_wait3A_596 = arith.constant 0 : i32
      %dma_wait3A_597 = arith.constant 0 : i32
      %dma_wait3A_598 = tpu.memref_slice %arg6[%dma_wait3A_596, %dma_wait3A_597] : memref<10112x32xf32, #tpu.memory_space<vmem_shared>> -> memref<10112x32xf32, #tpu.memory_space<vmem_shared>>
      tpu.wait_indirect_dma semaphore(%arg22 : memref<!tpu.dma_semaphore, #tpu.memory_space<semaphore_mem>>) src(%dma_wait3A_592 : memref<256x32xf32, #tpu.memory_space<vmem>>) dst(%dma_wait3A_598 : memref<10112x32xf32, #tpu.memory_space<vmem_shared>>)
      %dma_start3A_599 = arith.constant 3 : i32
      %dma_start3A_600 = arith.constant 0 : i32
      %dma_start3A_601 = arith.constant 0 : i32
      %dma_start3A_602 = tpu.memref_slice %arg10[%dma_start3A_599, %dma_start3A_600, %dma_start3A_601] : memref<8x256x32xf32, #tpu.memory_space<vmem>> -> memref<1x256x32xf32, #tpu.memory_space<vmem>>
      %dma_start3A_603 = tpu.memref_squeeze %dma_start3A_602 : memref<1x256x32xf32, #tpu.memory_space<vmem>> -> memref<256x32xf32, #tpu.memory_space<vmem>>
      %dma_start3A_604 = arith.constant 0 : i32
      %dma_start3A_605 = tpu.memref_slice %arg8[%add3A_585, %dma_start3A_604] : memref<40x256xi32, #tpu.memory_space<vmem>> -> memref<1x256xi32, #tpu.memory_space<vmem>>
      %dma_start3A_606 = tpu.memref_squeeze %dma_start3A_605 : memref<1x256xi32, #tpu.memory_space<vmem>> -> memref<256xi32, #tpu.memory_space<vmem>>
      %dma_start3A_607 = arith.constant 0 : i32
      %dma_start3A_608 = arith.constant 0 : i32
      %dma_start3A_609 = tpu.memref_slice %arg7[%dma_start3A_607, %dma_start3A_608] : memref<10112x32xf32, #tpu.memory_space<vmem_shared>> -> memref<10112x32xf32, #tpu.memory_space<vmem_shared>>
      tpu.enqueue_indirect_dma source(%dma_start3A_609 : memref<10112x32xf32, #tpu.memory_space<vmem_shared>>) target(%dma_start3A_603 : memref<256x32xf32, #tpu.memory_space<vmem>>) offsets(%dma_start3A_606 : memref<256xi32, #tpu.memory_space<vmem>>) semaphore(%arg14 : memref<!tpu.dma_semaphore, #tpu.memory_space<semaphore_mem>>)
      %mul3A_610 = arith.constant 8 : i32
      %mul3A_611 = arith.muli %scan3A_394, %mul3A_610 : i32
      %add3A_612 = arith.constant 4 : i32
      %add3A_613 = arith.addi %add3A_612, %mul3A_611 : i32
      %add3A_614 = arith.constant 4 : i32
      %add3A_615 = arith.addi %add3A_613, %add3A_614 : i32
      %dma_wait3A_616 = arith.constant 0 : i32
      %dma_wait3A_617 = arith.constant 0 : i32
      %dma_wait3A_618 = arith.constant 0 : i32
      %dma_wait3A_619 = tpu.memref_slice %arg10[%dma_wait3A_616, %dma_wait3A_617, %dma_wait3A_618] : memref<8x256x32xf32, #tpu.memory_space<vmem>> -> memref<1x256x32xf32, #tpu.memory_space<vmem>>
      %dma_wait3A_620 = tpu.memref_squeeze %dma_wait3A_619 : memref<1x256x32xf32, #tpu.memory_space<vmem>> -> memref<256x32xf32, #tpu.memory_space<vmem>>
      %dma_wait3A_621 = arith.constant 0 : i32
      %dma_wait3A_622 = tpu.memref_slice %arg8[%add3A_615, %dma_wait3A_621] : memref<40x256xi32, #tpu.memory_space<vmem>> -> memref<1x256xi32, #tpu.memory_space<vmem>>
      %dma_wait3A_623 = tpu.memref_squeeze %dma_wait3A_622 : memref<1x256xi32, #tpu.memory_space<vmem>> -> memref<256xi32, #tpu.memory_space<vmem>>
      %dma_wait3A_624 = arith.constant 0 : i32
      %dma_wait3A_625 = arith.constant 0 : i32
      %dma_wait3A_626 = tpu.memref_slice %arg7[%dma_wait3A_624, %dma_wait3A_625] : memref<10112x32xf32, #tpu.memory_space<vmem_shared>> -> memref<10112x32xf32, #tpu.memory_space<vmem_shared>>
      tpu.wait_indirect_dma semaphore(%arg11 : memref<!tpu.dma_semaphore, #tpu.memory_space<semaphore_mem>>) src(%dma_wait3A_626 : memref<10112x32xf32, #tpu.memory_space<vmem_shared>>) dst(%dma_wait3A_620 : memref<256x32xf32, #tpu.memory_space<vmem>>)
      %dma_start3A_627 = arith.constant 0 : i32
      %dma_start3A_628 = arith.constant 0 : i32
      %dma_start3A_629 = arith.constant 0 : i32
      %dma_start3A_630 = tpu.memref_slice %arg10[%dma_start3A_627, %dma_start3A_628, %dma_start3A_629] : memref<8x256x32xf32, #tpu.memory_space<vmem>> -> memref<1x256x32xf32, #tpu.memory_space<vmem>>
      %dma_start3A_631 = tpu.memref_squeeze %dma_start3A_630 : memref<1x256x32xf32, #tpu.memory_space<vmem>> -> memref<256x32xf32, #tpu.memory_space<vmem>>
      %dma_start3A_632 = arith.constant 0 : i32
      %dma_start3A_633 = tpu.memref_slice %arg9[%add3A_615, %dma_start3A_632] : memref<40x256xi32, #tpu.memory_space<vmem>> -> memref<1x256xi32, #tpu.memory_space<vmem>>
      %dma_start3A_634 = tpu.memref_squeeze %dma_start3A_633 : memref<1x256xi32, #tpu.memory_space<vmem>> -> memref<256xi32, #tpu.memory_space<vmem>>
      %dma_start3A_635 = arith.constant 0 : i32
      %dma_start3A_636 = arith.constant 0 : i32
      %dma_start3A_637 = tpu.memref_slice %arg6[%dma_start3A_635, %dma_start3A_636] : memref<10112x32xf32, #tpu.memory_space<vmem_shared>> -> memref<10112x32xf32, #tpu.memory_space<vmem_shared>>
      tpu.enqueue_indirect_dma source(%dma_start3A_631 : memref<256x32xf32, #tpu.memory_space<vmem>>) target(%dma_start3A_637 : memref<10112x32xf32, #tpu.memory_space<vmem_shared>>) offsets(%dma_start3A_634 : memref<256xi32, #tpu.memory_space<vmem>>) semaphore(%arg19 : memref<!tpu.dma_semaphore, #tpu.memory_space<semaphore_mem>>) {add = true}
      %add3A_638 = arith.constant 4 : i32
      %add3A_639 = arith.addi %add3A_615, %add3A_638 : i32
      %sub3A_640 = arith.constant 8 : i32
      %sub3A_641 = arith.subi %add3A_639, %sub3A_640 : i32
      %dma_wait3A_642 = arith.constant 4 : i32
      %dma_wait3A_643 = arith.constant 0 : i32
      %dma_wait3A_644 = arith.constant 0 : i32
      %dma_wait3A_645 = tpu.memref_slice %arg10[%dma_wait3A_642, %dma_wait3A_643, %dma_wait3A_644] : memref<8x256x32xf32, #tpu.memory_space<vmem>> -> memref<1x256x32xf32, #tpu.memory_space<vmem>>
      %dma_wait3A_646 = tpu.memref_squeeze %dma_wait3A_645 : memref<1x256x32xf32, #tpu.memory_space<vmem>> -> memref<256x32xf32, #tpu.memory_space<vmem>>
      %dma_wait3A_647 = arith.constant 0 : i32
      %dma_wait3A_648 = tpu.memref_slice %arg9[%sub3A_641, %dma_wait3A_647] : memref<40x256xi32, #tpu.memory_space<vmem>> -> memref<1x256xi32, #tpu.memory_space<vmem>>
      %dma_wait3A_649 = tpu.memref_squeeze %dma_wait3A_648 : memref<1x256xi32, #tpu.memory_space<vmem>> -> memref<256xi32, #tpu.memory_space<vmem>>
      %dma_wait3A_650 = arith.constant 0 : i32
      %dma_wait3A_651 = arith.constant 0 : i32
      %dma_wait3A_652 = tpu.memref_slice %arg6[%dma_wait3A_650, %dma_wait3A_651] : memref<10112x32xf32, #tpu.memory_space<vmem_shared>> -> memref<10112x32xf32, #tpu.memory_space<vmem_shared>>
      tpu.wait_indirect_dma semaphore(%arg23 : memref<!tpu.dma_semaphore, #tpu.memory_space<semaphore_mem>>) src(%dma_wait3A_646 : memref<256x32xf32, #tpu.memory_space<vmem>>) dst(%dma_wait3A_652 : memref<10112x32xf32, #tpu.memory_space<vmem_shared>>)
      %dma_start3A_653 = arith.constant 4 : i32
      %dma_start3A_654 = arith.constant 0 : i32
      %dma_start3A_655 = arith.constant 0 : i32
      %dma_start3A_656 = tpu.memref_slice %arg10[%dma_start3A_653, %dma_start3A_654, %dma_start3A_655] : memref<8x256x32xf32, #tpu.memory_space<vmem>> -> memref<1x256x32xf32, #tpu.memory_space<vmem>>
      %dma_start3A_657 = tpu.memref_squeeze %dma_start3A_656 : memref<1x256x32xf32, #tpu.memory_space<vmem>> -> memref<256x32xf32, #tpu.memory_space<vmem>>
      %dma_start3A_658 = arith.constant 0 : i32
      %dma_start3A_659 = tpu.memref_slice %arg8[%add3A_639, %dma_start3A_658] : memref<40x256xi32, #tpu.memory_space<vmem>> -> memref<1x256xi32, #tpu.memory_space<vmem>>
      %dma_start3A_660 = tpu.memref_squeeze %dma_start3A_659 : memref<1x256xi32, #tpu.memory_space<vmem>> -> memref<256xi32, #tpu.memory_space<vmem>>
      %dma_start3A_661 = arith.constant 0 : i32
      %dma_start3A_662 = arith.constant 0 : i32
      %dma_start3A_663 = tpu.memref_slice %arg7[%dma_start3A_661, %dma_start3A_662] : memref<10112x32xf32, #tpu.memory_space<vmem_shared>> -> memref<10112x32xf32, #tpu.memory_space<vmem_shared>>
      tpu.enqueue_indirect_dma source(%dma_start3A_663 : memref<10112x32xf32, #tpu.memory_space<vmem_shared>>) target(%dma_start3A_657 : memref<256x32xf32, #tpu.memory_space<vmem>>) offsets(%dma_start3A_660 : memref<256xi32, #tpu.memory_space<vmem>>) semaphore(%arg15 : memref<!tpu.dma_semaphore, #tpu.memory_space<semaphore_mem>>)
      %mul3A_664 = arith.constant 8 : i32
      %mul3A_665 = arith.muli %scan3A_394, %mul3A_664 : i32
      %add3A_666 = arith.constant 4 : i32
      %add3A_667 = arith.addi %add3A_666, %mul3A_665 : i32
      %add3A_668 = arith.constant 5 : i32
      %add3A_669 = arith.addi %add3A_667, %add3A_668 : i32
      %dma_wait3A_670 = arith.constant 1 : i32
      %dma_wait3A_671 = arith.constant 0 : i32
      %dma_wait3A_672 = arith.constant 0 : i32
      %dma_wait3A_673 = tpu.memref_slice %arg10[%dma_wait3A_670, %dma_wait3A_671, %dma_wait3A_672] : memref<8x256x32xf32, #tpu.memory_space<vmem>> -> memref<1x256x32xf32, #tpu.memory_space<vmem>>
      %dma_wait3A_674 = tpu.memref_squeeze %dma_wait3A_673 : memref<1x256x32xf32, #tpu.memory_space<vmem>> -> memref<256x32xf32, #tpu.memory_space<vmem>>
      %dma_wait3A_675 = arith.constant 0 : i32
      %dma_wait3A_676 = tpu.memref_slice %arg8[%add3A_669, %dma_wait3A_675] : memref<40x256xi32, #tpu.memory_space<vmem>> -> memref<1x256xi32, #tpu.memory_space<vmem>>
      %dma_wait3A_677 = tpu.memref_squeeze %dma_wait3A_676 : memref<1x256xi32, #tpu.memory_space<vmem>> -> memref<256xi32, #tpu.memory_space<vmem>>
      %dma_wait3A_678 = arith.constant 0 : i32
      %dma_wait3A_679 = arith.constant 0 : i32
      %dma_wait3A_680 = tpu.memref_slice %arg7[%dma_wait3A_678, %dma_wait3A_679] : memref<10112x32xf32, #tpu.memory_space<vmem_shared>> -> memref<10112x32xf32, #tpu.memory_space<vmem_shared>>
      tpu.wait_indirect_dma semaphore(%arg12 : memref<!tpu.dma_semaphore, #tpu.memory_space<semaphore_mem>>) src(%dma_wait3A_680 : memref<10112x32xf32, #tpu.memory_space<vmem_shared>>) dst(%dma_wait3A_674 : memref<256x32xf32, #tpu.memory_space<vmem>>)
      %dma_start3A_681 = arith.constant 1 : i32
      %dma_start3A_682 = arith.constant 0 : i32
      %dma_start3A_683 = arith.constant 0 : i32
      %dma_start3A_684 = tpu.memref_slice %arg10[%dma_start3A_681, %dma_start3A_682, %dma_start3A_683] : memref<8x256x32xf32, #tpu.memory_space<vmem>> -> memref<1x256x32xf32, #tpu.memory_space<vmem>>
      %dma_start3A_685 = tpu.memref_squeeze %dma_start3A_684 : memref<1x256x32xf32, #tpu.memory_space<vmem>> -> memref<256x32xf32, #tpu.memory_space<vmem>>
      %dma_start3A_686 = arith.constant 0 : i32
      %dma_start3A_687 = tpu.memref_slice %arg9[%add3A_669, %dma_start3A_686] : memref<40x256xi32, #tpu.memory_space<vmem>> -> memref<1x256xi32, #tpu.memory_space<vmem>>
      %dma_start3A_688 = tpu.memref_squeeze %dma_start3A_687 : memref<1x256xi32, #tpu.memory_space<vmem>> -> memref<256xi32, #tpu.memory_space<vmem>>
      %dma_start3A_689 = arith.constant 0 : i32
      %dma_start3A_690 = arith.constant 0 : i32
      %dma_start3A_691 = tpu.memref_slice %arg6[%dma_start3A_689, %dma_start3A_690] : memref<10112x32xf32, #tpu.memory_space<vmem_shared>> -> memref<10112x32xf32, #tpu.memory_space<vmem_shared>>
      tpu.enqueue_indirect_dma source(%dma_start3A_685 : memref<256x32xf32, #tpu.memory_space<vmem>>) target(%dma_start3A_691 : memref<10112x32xf32, #tpu.memory_space<vmem_shared>>) offsets(%dma_start3A_688 : memref<256xi32, #tpu.memory_space<vmem>>) semaphore(%arg20 : memref<!tpu.dma_semaphore, #tpu.memory_space<semaphore_mem>>) {add = true}
      %add3A_692 = arith.constant 4 : i32
      %add3A_693 = arith.addi %add3A_669, %add3A_692 : i32
      %sub3A_694 = arith.constant 8 : i32
      %sub3A_695 = arith.subi %add3A_693, %sub3A_694 : i32
      %dma_wait3A_696 = arith.constant 5 : i32
      %dma_wait3A_697 = arith.constant 0 : i32
      %dma_wait3A_698 = arith.constant 0 : i32
      %dma_wait3A_699 = tpu.memref_slice %arg10[%dma_wait3A_696, %dma_wait3A_697, %dma_wait3A_698] : memref<8x256x32xf32, #tpu.memory_space<vmem>> -> memref<1x256x32xf32, #tpu.memory_space<vmem>>
      %dma_wait3A_700 = tpu.memref_squeeze %dma_wait3A_699 : memref<1x256x32xf32, #tpu.memory_space<vmem>> -> memref<256x32xf32, #tpu.memory_space<vmem>>
      %dma_wait3A_701 = arith.constant 0 : i32
      %dma_wait3A_702 = tpu.memref_slice %arg9[%sub3A_695, %dma_wait3A_701] : memref<40x256xi32, #tpu.memory_space<vmem>> -> memref<1x256xi32, #tpu.memory_space<vmem>>
      %dma_wait3A_703 = tpu.memref_squeeze %dma_wait3A_702 : memref<1x256xi32, #tpu.memory_space<vmem>> -> memref<256xi32, #tpu.memory_space<vmem>>
      %dma_wait3A_704 = arith.constant 0 : i32
      %dma_wait3A_705 = arith.constant 0 : i32
      %dma_wait3A_706 = tpu.memref_slice %arg6[%dma_wait3A_704, %dma_wait3A_705] : memref<10112x32xf32, #tpu.memory_space<vmem_shared>> -> memref<10112x32xf32, #tpu.memory_space<vmem_shared>>
      tpu.wait_indirect_dma semaphore(%arg24 : memref<!tpu.dma_semaphore, #tpu.memory_space<semaphore_mem>>) src(%dma_wait3A_700 : memref<256x32xf32, #tpu.memory_space<vmem>>) dst(%dma_wait3A_706 : memref<10112x32xf32, #tpu.memory_space<vmem_shared>>)
      %dma_start3A_707 = arith.constant 5 : i32
      %dma_start3A_708 = arith.constant 0 : i32
      %dma_start3A_709 = arith.constant 0 : i32
      %dma_start3A_710 = tpu.memref_slice %arg10[%dma_start3A_707, %dma_start3A_708, %dma_start3A_709] : memref<8x256x32xf32, #tpu.memory_space<vmem>> -> memref<1x256x32xf32, #tpu.memory_space<vmem>>
      %dma_start3A_711 = tpu.memref_squeeze %dma_start3A_710 : memref<1x256x32xf32, #tpu.memory_space<vmem>> -> memref<256x32xf32, #tpu.memory_space<vmem>>
      %dma_start3A_712 = arith.constant 0 : i32
      %dma_start3A_713 = tpu.memref_slice %arg8[%add3A_693, %dma_start3A_712] : memref<40x256xi32, #tpu.memory_space<vmem>> -> memref<1x256xi32, #tpu.memory_space<vmem>>
      %dma_start3A_714 = tpu.memref_squeeze %dma_start3A_713 : memref<1x256xi32, #tpu.memory_space<vmem>> -> memref<256xi32, #tpu.memory_space<vmem>>
      %dma_start3A_715 = arith.constant 0 : i32
      %dma_start3A_716 = arith.constant 0 : i32
      %dma_start3A_717 = tpu.memref_slice %arg7[%dma_start3A_715, %dma_start3A_716] : memref<10112x32xf32, #tpu.memory_space<vmem_shared>> -> memref<10112x32xf32, #tpu.memory_space<vmem_shared>>
      tpu.enqueue_indirect_dma source(%dma_start3A_717 : memref<10112x32xf32, #tpu.memory_space<vmem_shared>>) target(%dma_start3A_711 : memref<256x32xf32, #tpu.memory_space<vmem>>) offsets(%dma_start3A_714 : memref<256xi32, #tpu.memory_space<vmem>>) semaphore(%arg16 : memref<!tpu.dma_semaphore, #tpu.memory_space<semaphore_mem>>)
      %mul3A_718 = arith.constant 8 : i32
      %mul3A_719 = arith.muli %scan3A_394, %mul3A_718 : i32
      %add3A_720 = arith.constant 4 : i32
      %add3A_721 = arith.addi %add3A_720, %mul3A_719 : i32
      %add3A_722 = arith.constant 6 : i32
      %add3A_723 = arith.addi %add3A_721, %add3A_722 : i32
      %dma_wait3A_724 = arith.constant 2 : i32
      %dma_wait3A_725 = arith.constant 0 : i32
      %dma_wait3A_726 = arith.constant 0 : i32
      %dma_wait3A_727 = tpu.memref_slice %arg10[%dma_wait3A_724, %dma_wait3A_725, %dma_wait3A_726] : memref<8x256x32xf32, #tpu.memory_space<vmem>> -> memref<1x256x32xf32, #tpu.memory_space<vmem>>
      %dma_wait3A_728 = tpu.memref_squeeze %dma_wait3A_727 : memref<1x256x32xf32, #tpu.memory_space<vmem>> -> memref<256x32xf32, #tpu.memory_space<vmem>>
      %dma_wait3A_729 = arith.constant 0 : i32
      %dma_wait3A_730 = tpu.memref_slice %arg8[%add3A_723, %dma_wait3A_729] : memref<40x256xi32, #tpu.memory_space<vmem>> -> memref<1x256xi32, #tpu.memory_space<vmem>>
      %dma_wait3A_731 = tpu.memref_squeeze %dma_wait3A_730 : memref<1x256xi32, #tpu.memory_space<vmem>> -> memref<256xi32, #tpu.memory_space<vmem>>
      %dma_wait3A_732 = arith.constant 0 : i32
      %dma_wait3A_733 = arith.constant 0 : i32
      %dma_wait3A_734 = tpu.memref_slice %arg7[%dma_wait3A_732, %dma_wait3A_733] : memref<10112x32xf32, #tpu.memory_space<vmem_shared>> -> memref<10112x32xf32, #tpu.memory_space<vmem_shared>>
      tpu.wait_indirect_dma semaphore(%arg13 : memref<!tpu.dma_semaphore, #tpu.memory_space<semaphore_mem>>) src(%dma_wait3A_734 : memref<10112x32xf32, #tpu.memory_space<vmem_shared>>) dst(%dma_wait3A_728 : memref<256x32xf32, #tpu.memory_space<vmem>>)
      %dma_start3A_735 = arith.constant 2 : i32
      %dma_start3A_736 = arith.constant 0 : i32
      %dma_start3A_737 = arith.constant 0 : i32
      %dma_start3A_738 = tpu.memref_slice %arg10[%dma_start3A_735, %dma_start3A_736, %dma_start3A_737] : memref<8x256x32xf32, #tpu.memory_space<vmem>> -> memref<1x256x32xf32, #tpu.memory_space<vmem>>
      %dma_start3A_739 = tpu.memref_squeeze %dma_start3A_738 : memref<1x256x32xf32, #tpu.memory_space<vmem>> -> memref<256x32xf32, #tpu.memory_space<vmem>>
      %dma_start3A_740 = arith.constant 0 : i32
      %dma_start3A_741 = tpu.memref_slice %arg9[%add3A_723, %dma_start3A_740] : memref<40x256xi32, #tpu.memory_space<vmem>> -> memref<1x256xi32, #tpu.memory_space<vmem>>
      %dma_start3A_742 = tpu.memref_squeeze %dma_start3A_741 : memref<1x256xi32, #tpu.memory_space<vmem>> -> memref<256xi32, #tpu.memory_space<vmem>>
      %dma_start3A_743 = arith.constant 0 : i32
      %dma_start3A_744 = arith.constant 0 : i32
      %dma_start3A_745 = tpu.memref_slice %arg6[%dma_start3A_743, %dma_start3A_744] : memref<10112x32xf32, #tpu.memory_space<vmem_shared>> -> memref<10112x32xf32, #tpu.memory_space<vmem_shared>>
      tpu.enqueue_indirect_dma source(%dma_start3A_739 : memref<256x32xf32, #tpu.memory_space<vmem>>) target(%dma_start3A_745 : memref<10112x32xf32, #tpu.memory_space<vmem_shared>>) offsets(%dma_start3A_742 : memref<256xi32, #tpu.memory_space<vmem>>) semaphore(%arg21 : memref<!tpu.dma_semaphore, #tpu.memory_space<semaphore_mem>>) {add = true}
      %add3A_746 = arith.constant 4 : i32
      %add3A_747 = arith.addi %add3A_723, %add3A_746 : i32
      %sub3A_748 = arith.constant 8 : i32
      %sub3A_749 = arith.subi %add3A_747, %sub3A_748 : i32
      %dma_wait3A_750 = arith.constant 6 : i32
      %dma_wait3A_751 = arith.constant 0 : i32
      %dma_wait3A_752 = arith.constant 0 : i32
      %dma_wait3A_753 = tpu.memref_slice %arg10[%dma_wait3A_750, %dma_wait3A_751, %dma_wait3A_752] : memref<8x256x32xf32, #tpu.memory_space<vmem>> -> memref<1x256x32xf32, #tpu.memory_space<vmem>>
      %dma_wait3A_754 = tpu.memref_squeeze %dma_wait3A_753 : memref<1x256x32xf32, #tpu.memory_space<vmem>> -> memref<256x32xf32, #tpu.memory_space<vmem>>
      %dma_wait3A_755 = arith.constant 0 : i32
      %dma_wait3A_756 = tpu.memref_slice %arg9[%sub3A_749, %dma_wait3A_755] : memref<40x256xi32, #tpu.memory_space<vmem>> -> memref<1x256xi32, #tpu.memory_space<vmem>>
      %dma_wait3A_757 = tpu.memref_squeeze %dma_wait3A_756 : memref<1x256xi32, #tpu.memory_space<vmem>> -> memref<256xi32, #tpu.memory_space<vmem>>
      %dma_wait3A_758 = arith.constant 0 : i32
      %dma_wait3A_759 = arith.constant 0 : i32
      %dma_wait3A_760 = tpu.memref_slice %arg6[%dma_wait3A_758, %dma_wait3A_759] : memref<10112x32xf32, #tpu.memory_space<vmem_shared>> -> memref<10112x32xf32, #tpu.memory_space<vmem_shared>>
      tpu.wait_indirect_dma semaphore(%arg25 : memref<!tpu.dma_semaphore, #tpu.memory_space<semaphore_mem>>) src(%dma_wait3A_754 : memref<256x32xf32, #tpu.memory_space<vmem>>) dst(%dma_wait3A_760 : memref<10112x32xf32, #tpu.memory_space<vmem_shared>>)
      %dma_start3A_761 = arith.constant 6 : i32
      %dma_start3A_762 = arith.constant 0 : i32
      %dma_start3A_763 = arith.constant 0 : i32
      %dma_start3A_764 = tpu.memref_slice %arg10[%dma_start3A_761, %dma_start3A_762, %dma_start3A_763] : memref<8x256x32xf32, #tpu.memory_space<vmem>> -> memref<1x256x32xf32, #tpu.memory_space<vmem>>
      %dma_start3A_765 = tpu.memref_squeeze %dma_start3A_764 : memref<1x256x32xf32, #tpu.memory_space<vmem>> -> memref<256x32xf32, #tpu.memory_space<vmem>>
      %dma_start3A_766 = arith.constant 0 : i32
      %dma_start3A_767 = tpu.memref_slice %arg8[%add3A_747, %dma_start3A_766] : memref<40x256xi32, #tpu.memory_space<vmem>> -> memref<1x256xi32, #tpu.memory_space<vmem>>
      %dma_start3A_768 = tpu.memref_squeeze %dma_start3A_767 : memref<1x256xi32, #tpu.memory_space<vmem>> -> memref<256xi32, #tpu.memory_space<vmem>>
      %dma_start3A_769 = arith.constant 0 : i32
      %dma_start3A_770 = arith.constant 0 : i32
      %dma_start3A_771 = tpu.memref_slice %arg7[%dma_start3A_769, %dma_start3A_770] : memref<10112x32xf32, #tpu.memory_space<vmem_shared>> -> memref<10112x32xf32, #tpu.memory_space<vmem_shared>>
      tpu.enqueue_indirect_dma source(%dma_start3A_771 : memref<10112x32xf32, #tpu.memory_space<vmem_shared>>) target(%dma_start3A_765 : memref<256x32xf32, #tpu.memory_space<vmem>>) offsets(%dma_start3A_768 : memref<256xi32, #tpu.memory_space<vmem>>) semaphore(%arg17 : memref<!tpu.dma_semaphore, #tpu.memory_space<semaphore_mem>>)
      %mul3A_772 = arith.constant 8 : i32
      %mul3A_773 = arith.muli %scan3A_394, %mul3A_772 : i32
      %add3A_774 = arith.constant 4 : i32
      %add3A_775 = arith.addi %add3A_774, %mul3A_773 : i32
      %add3A_776 = arith.constant 7 : i32
      %add3A_777 = arith.addi %add3A_775, %add3A_776 : i32
      %dma_wait3A_778 = arith.constant 3 : i32
      %dma_wait3A_779 = arith.constant 0 : i32
      %dma_wait3A_780 = arith.constant 0 : i32
      %dma_wait3A_781 = tpu.memref_slice %arg10[%dma_wait3A_778, %dma_wait3A_779, %dma_wait3A_780] : memref<8x256x32xf32, #tpu.memory_space<vmem>> -> memref<1x256x32xf32, #tpu.memory_space<vmem>>
      %dma_wait3A_782 = tpu.memref_squeeze %dma_wait3A_781 : memref<1x256x32xf32, #tpu.memory_space<vmem>> -> memref<256x32xf32, #tpu.memory_space<vmem>>
      %dma_wait3A_783 = arith.constant 0 : i32
      %dma_wait3A_784 = tpu.memref_slice %arg8[%add3A_777, %dma_wait3A_783] : memref<40x256xi32, #tpu.memory_space<vmem>> -> memref<1x256xi32, #tpu.memory_space<vmem>>
      %dma_wait3A_785 = tpu.memref_squeeze %dma_wait3A_784 : memref<1x256xi32, #tpu.memory_space<vmem>> -> memref<256xi32, #tpu.memory_space<vmem>>
      %dma_wait3A_786 = arith.constant 0 : i32
      %dma_wait3A_787 = arith.constant 0 : i32
      %dma_wait3A_788 = tpu.memref_slice %arg7[%dma_wait3A_786, %dma_wait3A_787] : memref<10112x32xf32, #tpu.memory_space<vmem_shared>> -> memref<10112x32xf32, #tpu.memory_space<vmem_shared>>
      tpu.wait_indirect_dma semaphore(%arg14 : memref<!tpu.dma_semaphore, #tpu.memory_space<semaphore_mem>>) src(%dma_wait3A_788 : memref<10112x32xf32, #tpu.memory_space<vmem_shared>>) dst(%dma_wait3A_782 : memref<256x32xf32, #tpu.memory_space<vmem>>)
      %dma_start3A_789 = arith.constant 3 : i32
      %dma_start3A_790 = arith.constant 0 : i32
      %dma_start3A_791 = arith.constant 0 : i32
      %dma_start3A_792 = tpu.memref_slice %arg10[%dma_start3A_789, %dma_start3A_790, %dma_start3A_791] : memref<8x256x32xf32, #tpu.memory_space<vmem>> -> memref<1x256x32xf32, #tpu.memory_space<vmem>>
      %dma_start3A_793 = tpu.memref_squeeze %dma_start3A_792 : memref<1x256x32xf32, #tpu.memory_space<vmem>> -> memref<256x32xf32, #tpu.memory_space<vmem>>
      %dma_start3A_794 = arith.constant 0 : i32
      %dma_start3A_795 = tpu.memref_slice %arg9[%add3A_777, %dma_start3A_794] : memref<40x256xi32, #tpu.memory_space<vmem>> -> memref<1x256xi32, #tpu.memory_space<vmem>>
      %dma_start3A_796 = tpu.memref_squeeze %dma_start3A_795 : memref<1x256xi32, #tpu.memory_space<vmem>> -> memref<256xi32, #tpu.memory_space<vmem>>
      %dma_start3A_797 = arith.constant 0 : i32
      %dma_start3A_798 = arith.constant 0 : i32
      %dma_start3A_799 = tpu.memref_slice %arg6[%dma_start3A_797, %dma_start3A_798] : memref<10112x32xf32, #tpu.memory_space<vmem_shared>> -> memref<10112x32xf32, #tpu.memory_space<vmem_shared>>
      tpu.enqueue_indirect_dma source(%dma_start3A_793 : memref<256x32xf32, #tpu.memory_space<vmem>>) target(%dma_start3A_799 : memref<10112x32xf32, #tpu.memory_space<vmem_shared>>) offsets(%dma_start3A_796 : memref<256xi32, #tpu.memory_space<vmem>>) semaphore(%arg22 : memref<!tpu.dma_semaphore, #tpu.memory_space<semaphore_mem>>) {add = true}
      %add3A_800 = arith.constant 4 : i32
      %add3A_801 = arith.addi %add3A_777, %add3A_800 : i32
      %sub3A_802 = arith.constant 8 : i32
      %sub3A_803 = arith.subi %add3A_801, %sub3A_802 : i32
      %dma_wait3A_804 = arith.constant 7 : i32
      %dma_wait3A_805 = arith.constant 0 : i32
      %dma_wait3A_806 = arith.constant 0 : i32
      %dma_wait3A_807 = tpu.memref_slice %arg10[%dma_wait3A_804, %dma_wait3A_805, %dma_wait3A_806] : memref<8x256x32xf32, #tpu.memory_space<vmem>> -> memref<1x256x32xf32, #tpu.memory_space<vmem>>
      %dma_wait3A_808 = tpu.memref_squeeze %dma_wait3A_807 : memref<1x256x32xf32, #tpu.memory_space<vmem>> -> memref<256x32xf32, #tpu.memory_space<vmem>>
      %dma_wait3A_809 = arith.constant 0 : i32
      %dma_wait3A_810 = tpu.memref_slice %arg9[%sub3A_803, %dma_wait3A_809] : memref<40x256xi32, #tpu.memory_space<vmem>> -> memref<1x256xi32, #tpu.memory_space<vmem>>
      %dma_wait3A_811 = tpu.memref_squeeze %dma_wait3A_810 : memref<1x256xi32, #tpu.memory_space<vmem>> -> memref<256xi32, #tpu.memory_space<vmem>>
      %dma_wait3A_812 = arith.constant 0 : i32
      %dma_wait3A_813 = arith.constant 0 : i32
      %dma_wait3A_814 = tpu.memref_slice %arg6[%dma_wait3A_812, %dma_wait3A_813] : memref<10112x32xf32, #tpu.memory_space<vmem_shared>> -> memref<10112x32xf32, #tpu.memory_space<vmem_shared>>
      tpu.wait_indirect_dma semaphore(%arg26 : memref<!tpu.dma_semaphore, #tpu.memory_space<semaphore_mem>>) src(%dma_wait3A_808 : memref<256x32xf32, #tpu.memory_space<vmem>>) dst(%dma_wait3A_814 : memref<10112x32xf32, #tpu.memory_space<vmem_shared>>)
      %dma_start3A_815 = arith.constant 7 : i32
      %dma_start3A_816 = arith.constant 0 : i32
      %dma_start3A_817 = arith.constant 0 : i32
      %dma_start3A_818 = tpu.memref_slice %arg10[%dma_start3A_815, %dma_start3A_816, %dma_start3A_817] : memref<8x256x32xf32, #tpu.memory_space<vmem>> -> memref<1x256x32xf32, #tpu.memory_space<vmem>>
      %dma_start3A_819 = tpu.memref_squeeze %dma_start3A_818 : memref<1x256x32xf32, #tpu.memory_space<vmem>> -> memref<256x32xf32, #tpu.memory_space<vmem>>
      %dma_start3A_820 = arith.constant 0 : i32
      %dma_start3A_821 = tpu.memref_slice %arg8[%add3A_801, %dma_start3A_820] : memref<40x256xi32, #tpu.memory_space<vmem>> -> memref<1x256xi32, #tpu.memory_space<vmem>>
      %dma_start3A_822 = tpu.memref_squeeze %dma_start3A_821 : memref<1x256xi32, #tpu.memory_space<vmem>> -> memref<256xi32, #tpu.memory_space<vmem>>
      %dma_start3A_823 = arith.constant 0 : i32
      %dma_start3A_824 = arith.constant 0 : i32
      %dma_start3A_825 = tpu.memref_slice %arg7[%dma_start3A_823, %dma_start3A_824] : memref<10112x32xf32, #tpu.memory_space<vmem_shared>> -> memref<10112x32xf32, #tpu.memory_space<vmem_shared>>
      tpu.enqueue_indirect_dma source(%dma_start3A_825 : memref<10112x32xf32, #tpu.memory_space<vmem_shared>>) target(%dma_start3A_819 : memref<256x32xf32, #tpu.memory_space<vmem>>) offsets(%dma_start3A_822 : memref<256xi32, #tpu.memory_space<vmem>>) semaphore(%arg18 : memref<!tpu.dma_semaphore, #tpu.memory_space<semaphore_mem>>)
    }
    %scan3A_200 = arith.constant 4 : i32
    %dma_wait3A_201 = arith.constant 36 : i32
    %dma_wait3A_202 = arith.constant 4 : i32
    %dma_wait3A_203 = arith.constant 0 : i32
    %dma_wait3A_204 = arith.constant 0 : i32
    %dma_wait3A_205 = tpu.memref_slice %arg10[%dma_wait3A_202, %dma_wait3A_203, %dma_wait3A_204] : memref<8x256x32xf32, #tpu.memory_space<vmem>> -> memref<1x256x32xf32, #tpu.memory_space<vmem>>
    %dma_wait3A_206 = tpu.memref_squeeze %dma_wait3A_205 : memref<1x256x32xf32, #tpu.memory_space<vmem>> -> memref<256x32xf32, #tpu.memory_space<vmem>>
    %dma_wait3A_207 = arith.constant 0 : i32
    %dma_wait3A_208 = tpu.memref_slice %arg8[%dma_wait3A_201, %dma_wait3A_207] : memref<40x256xi32, #tpu.memory_space<vmem>> -> memref<1x256xi32, #tpu.memory_space<vmem>>
    %dma_wait3A_209 = tpu.memref_squeeze %dma_wait3A_208 : memref<1x256xi32, #tpu.memory_space<vmem>> -> memref<256xi32, #tpu.memory_space<vmem>>
    %dma_wait3A_210 = arith.constant 0 : i32
    %dma_wait3A_211 = arith.constant 0 : i32
    %dma_wait3A_212 = tpu.memref_slice %arg7[%dma_wait3A_210, %dma_wait3A_211] : memref<10112x32xf32, #tpu.memory_space<vmem_shared>> -> memref<10112x32xf32, #tpu.memory_space<vmem_shared>>
    tpu.wait_indirect_dma semaphore(%arg15 : memref<!tpu.dma_semaphore, #tpu.memory_space<semaphore_mem>>) src(%dma_wait3A_212 : memref<10112x32xf32, #tpu.memory_space<vmem_shared>>) dst(%dma_wait3A_206 : memref<256x32xf32, #tpu.memory_space<vmem>>)
    %dma_start3A_213 = arith.constant 4 : i32
    %dma_start3A_214 = arith.constant 36 : i32
    %dma_start3A_215 = arith.constant 0 : i32
    %dma_start3A_216 = arith.constant 0 : i32
    %dma_start3A_217 = tpu.memref_slice %arg10[%dma_start3A_213, %dma_start3A_215, %dma_start3A_216] : memref<8x256x32xf32, #tpu.memory_space<vmem>> -> memref<1x256x32xf32, #tpu.memory_space<vmem>>
    %dma_start3A_218 = tpu.memref_squeeze %dma_start3A_217 : memref<1x256x32xf32, #tpu.memory_space<vmem>> -> memref<256x32xf32, #tpu.memory_space<vmem>>
    %dma_start3A_219 = arith.constant 0 : i32
    %dma_start3A_220 = tpu.memref_slice %arg9[%dma_start3A_214, %dma_start3A_219] : memref<40x256xi32, #tpu.memory_space<vmem>> -> memref<1x256xi32, #tpu.memory_space<vmem>>
    %dma_start3A_221 = tpu.memref_squeeze %dma_start3A_220 : memref<1x256xi32, #tpu.memory_space<vmem>> -> memref<256xi32, #tpu.memory_space<vmem>>
    %dma_start3A_222 = arith.constant 0 : i32
    %dma_start3A_223 = arith.constant 0 : i32
    %dma_start3A_224 = tpu.memref_slice %arg6[%dma_start3A_222, %dma_start3A_223] : memref<10112x32xf32, #tpu.memory_space<vmem_shared>> -> memref<10112x32xf32, #tpu.memory_space<vmem_shared>>
    tpu.enqueue_indirect_dma source(%dma_start3A_218 : memref<256x32xf32, #tpu.memory_space<vmem>>) target(%dma_start3A_224 : memref<10112x32xf32, #tpu.memory_space<vmem_shared>>) offsets(%dma_start3A_221 : memref<256xi32, #tpu.memory_space<vmem>>) semaphore(%arg23 : memref<!tpu.dma_semaphore, #tpu.memory_space<semaphore_mem>>) {add = true}
    %dma_wait3A_225 = arith.constant 37 : i32
    %dma_wait3A_226 = arith.constant 5 : i32
    %dma_wait3A_227 = arith.constant 0 : i32
    %dma_wait3A_228 = arith.constant 0 : i32
    %dma_wait3A_229 = tpu.memref_slice %arg10[%dma_wait3A_226, %dma_wait3A_227, %dma_wait3A_228] : memref<8x256x32xf32, #tpu.memory_space<vmem>> -> memref<1x256x32xf32, #tpu.memory_space<vmem>>
    %dma_wait3A_230 = tpu.memref_squeeze %dma_wait3A_229 : memref<1x256x32xf32, #tpu.memory_space<vmem>> -> memref<256x32xf32, #tpu.memory_space<vmem>>
    %dma_wait3A_231 = arith.constant 0 : i32
    %dma_wait3A_232 = tpu.memref_slice %arg8[%dma_wait3A_225, %dma_wait3A_231] : memref<40x256xi32, #tpu.memory_space<vmem>> -> memref<1x256xi32, #tpu.memory_space<vmem>>
    %dma_wait3A_233 = tpu.memref_squeeze %dma_wait3A_232 : memref<1x256xi32, #tpu.memory_space<vmem>> -> memref<256xi32, #tpu.memory_space<vmem>>
    %dma_wait3A_234 = arith.constant 0 : i32
    %dma_wait3A_235 = arith.constant 0 : i32
    %dma_wait3A_236 = tpu.memref_slice %arg7[%dma_wait3A_234, %dma_wait3A_235] : memref<10112x32xf32, #tpu.memory_space<vmem_shared>> -> memref<10112x32xf32, #tpu.memory_space<vmem_shared>>
    tpu.wait_indirect_dma semaphore(%arg16 : memref<!tpu.dma_semaphore, #tpu.memory_space<semaphore_mem>>) src(%dma_wait3A_236 : memref<10112x32xf32, #tpu.memory_space<vmem_shared>>) dst(%dma_wait3A_230 : memref<256x32xf32, #tpu.memory_space<vmem>>)
    %dma_start3A_237 = arith.constant 5 : i32
    %dma_start3A_238 = arith.constant 37 : i32
    %dma_start3A_239 = arith.constant 0 : i32
    %dma_start3A_240 = arith.constant 0 : i32
    %dma_start3A_241 = tpu.memref_slice %arg10[%dma_start3A_237, %dma_start3A_239, %dma_start3A_240] : memref<8x256x32xf32, #tpu.memory_space<vmem>> -> memref<1x256x32xf32, #tpu.memory_space<vmem>>
    %dma_start3A_242 = tpu.memref_squeeze %dma_start3A_241 : memref<1x256x32xf32, #tpu.memory_space<vmem>> -> memref<256x32xf32, #tpu.memory_space<vmem>>
    %dma_start3A_243 = arith.constant 0 : i32
    %dma_start3A_244 = tpu.memref_slice %arg9[%dma_start3A_238, %dma_start3A_243] : memref<40x256xi32, #tpu.memory_space<vmem>> -> memref<1x256xi32, #tpu.memory_space<vmem>>
    %dma_start3A_245 = tpu.memref_squeeze %dma_start3A_244 : memref<1x256xi32, #tpu.memory_space<vmem>> -> memref<256xi32, #tpu.memory_space<vmem>>
    %dma_start3A_246 = arith.constant 0 : i32
    %dma_start3A_247 = arith.constant 0 : i32
    %dma_start3A_248 = tpu.memref_slice %arg6[%dma_start3A_246, %dma_start3A_247] : memref<10112x32xf32, #tpu.memory_space<vmem_shared>> -> memref<10112x32xf32, #tpu.memory_space<vmem_shared>>
    tpu.enqueue_indirect_dma source(%dma_start3A_242 : memref<256x32xf32, #tpu.memory_space<vmem>>) target(%dma_start3A_248 : memref<10112x32xf32, #tpu.memory_space<vmem_shared>>) offsets(%dma_start3A_245 : memref<256xi32, #tpu.memory_space<vmem>>) semaphore(%arg24 : memref<!tpu.dma_semaphore, #tpu.memory_space<semaphore_mem>>) {add = true}
    %dma_wait3A_249 = arith.constant 38 : i32
    %dma_wait3A_250 = arith.constant 6 : i32
    %dma_wait3A_251 = arith.constant 0 : i32
    %dma_wait3A_252 = arith.constant 0 : i32
    %dma_wait3A_253 = tpu.memref_slice %arg10[%dma_wait3A_250, %dma_wait3A_251, %dma_wait3A_252] : memref<8x256x32xf32, #tpu.memory_space<vmem>> -> memref<1x256x32xf32, #tpu.memory_space<vmem>>
    %dma_wait3A_254 = tpu.memref_squeeze %dma_wait3A_253 : memref<1x256x32xf32, #tpu.memory_space<vmem>> -> memref<256x32xf32, #tpu.memory_space<vmem>>
    %dma_wait3A_255 = arith.constant 0 : i32
    %dma_wait3A_256 = tpu.memref_slice %arg8[%dma_wait3A_249, %dma_wait3A_255] : memref<40x256xi32, #tpu.memory_space<vmem>> -> memref<1x256xi32, #tpu.memory_space<vmem>>
    %dma_wait3A_257 = tpu.memref_squeeze %dma_wait3A_256 : memref<1x256xi32, #tpu.memory_space<vmem>> -> memref<256xi32, #tpu.memory_space<vmem>>
    %dma_wait3A_258 = arith.constant 0 : i32
    %dma_wait3A_259 = arith.constant 0 : i32
    %dma_wait3A_260 = tpu.memref_slice %arg7[%dma_wait3A_258, %dma_wait3A_259] : memref<10112x32xf32, #tpu.memory_space<vmem_shared>> -> memref<10112x32xf32, #tpu.memory_space<vmem_shared>>
    tpu.wait_indirect_dma semaphore(%arg17 : memref<!tpu.dma_semaphore, #tpu.memory_space<semaphore_mem>>) src(%dma_wait3A_260 : memref<10112x32xf32, #tpu.memory_space<vmem_shared>>) dst(%dma_wait3A_254 : memref<256x32xf32, #tpu.memory_space<vmem>>)
    %dma_start3A_261 = arith.constant 6 : i32
    %dma_start3A_262 = arith.constant 38 : i32
    %dma_start3A_263 = arith.constant 0 : i32
    %dma_start3A_264 = arith.constant 0 : i32
    %dma_start3A_265 = tpu.memref_slice %arg10[%dma_start3A_261, %dma_start3A_263, %dma_start3A_264] : memref<8x256x32xf32, #tpu.memory_space<vmem>> -> memref<1x256x32xf32, #tpu.memory_space<vmem>>
    %dma_start3A_266 = tpu.memref_squeeze %dma_start3A_265 : memref<1x256x32xf32, #tpu.memory_space<vmem>> -> memref<256x32xf32, #tpu.memory_space<vmem>>
    %dma_start3A_267 = arith.constant 0 : i32
    %dma_start3A_268 = tpu.memref_slice %arg9[%dma_start3A_262, %dma_start3A_267] : memref<40x256xi32, #tpu.memory_space<vmem>> -> memref<1x256xi32, #tpu.memory_space<vmem>>
    %dma_start3A_269 = tpu.memref_squeeze %dma_start3A_268 : memref<1x256xi32, #tpu.memory_space<vmem>> -> memref<256xi32, #tpu.memory_space<vmem>>
    %dma_start3A_270 = arith.constant 0 : i32
    %dma_start3A_271 = arith.constant 0 : i32
    %dma_start3A_272 = tpu.memref_slice %arg6[%dma_start3A_270, %dma_start3A_271] : memref<10112x32xf32, #tpu.memory_space<vmem_shared>> -> memref<10112x32xf32, #tpu.memory_space<vmem_shared>>
    tpu.enqueue_indirect_dma source(%dma_start3A_266 : memref<256x32xf32, #tpu.memory_space<vmem>>) target(%dma_start3A_272 : memref<10112x32xf32, #tpu.memory_space<vmem_shared>>) offsets(%dma_start3A_269 : memref<256xi32, #tpu.memory_space<vmem>>) semaphore(%arg25 : memref<!tpu.dma_semaphore, #tpu.memory_space<semaphore_mem>>) {add = true}
    %dma_wait3A_273 = arith.constant 39 : i32
    %dma_wait3A_274 = arith.constant 7 : i32
    %dma_wait3A_275 = arith.constant 0 : i32
    %dma_wait3A_276 = arith.constant 0 : i32
    %dma_wait3A_277 = tpu.memref_slice %arg10[%dma_wait3A_274, %dma_wait3A_275, %dma_wait3A_276] : memref<8x256x32xf32, #tpu.memory_space<vmem>> -> memref<1x256x32xf32, #tpu.memory_space<vmem>>
    %dma_wait3A_278 = tpu.memref_squeeze %dma_wait3A_277 : memref<1x256x32xf32, #tpu.memory_space<vmem>> -> memref<256x32xf32, #tpu.memory_space<vmem>>
    %dma_wait3A_279 = arith.constant 0 : i32
    %dma_wait3A_280 = tpu.memref_slice %arg8[%dma_wait3A_273, %dma_wait3A_279] : memref<40x256xi32, #tpu.memory_space<vmem>> -> memref<1x256xi32, #tpu.memory_space<vmem>>
    %dma_wait3A_281 = tpu.memref_squeeze %dma_wait3A_280 : memref<1x256xi32, #tpu.memory_space<vmem>> -> memref<256xi32, #tpu.memory_space<vmem>>
    %dma_wait3A_282 = arith.constant 0 : i32
    %dma_wait3A_283 = arith.constant 0 : i32
    %dma_wait3A_284 = tpu.memref_slice %arg7[%dma_wait3A_282, %dma_wait3A_283] : memref<10112x32xf32, #tpu.memory_space<vmem_shared>> -> memref<10112x32xf32, #tpu.memory_space<vmem_shared>>
    tpu.wait_indirect_dma semaphore(%arg18 : memref<!tpu.dma_semaphore, #tpu.memory_space<semaphore_mem>>) src(%dma_wait3A_284 : memref<10112x32xf32, #tpu.memory_space<vmem_shared>>) dst(%dma_wait3A_278 : memref<256x32xf32, #tpu.memory_space<vmem>>)
    %dma_start3A_285 = arith.constant 7 : i32
    %dma_start3A_286 = arith.constant 39 : i32
    %dma_start3A_287 = arith.constant 0 : i32
    %dma_start3A_288 = arith.constant 0 : i32
    %dma_start3A_289 = tpu.memref_slice %arg10[%dma_start3A_285, %dma_start3A_287, %dma_start3A_288] : memref<8x256x32xf32, #tpu.memory_space<vmem>> -> memref<1x256x32xf32, #tpu.memory_space<vmem>>
    %dma_start3A_290 = tpu.memref_squeeze %dma_start3A_289 : memref<1x256x32xf32, #tpu.memory_space<vmem>> -> memref<256x32xf32, #tpu.memory_space<vmem>>
    %dma_start3A_291 = arith.constant 0 : i32
    %dma_start3A_292 = tpu.memref_slice %arg9[%dma_start3A_286, %dma_start3A_291] : memref<40x256xi32, #tpu.memory_space<vmem>> -> memref<1x256xi32, #tpu.memory_space<vmem>>
    %dma_start3A_293 = tpu.memref_squeeze %dma_start3A_292 : memref<1x256xi32, #tpu.memory_space<vmem>> -> memref<256xi32, #tpu.memory_space<vmem>>
    %dma_start3A_294 = arith.constant 0 : i32
    %dma_start3A_295 = arith.constant 0 : i32
    %dma_start3A_296 = tpu.memref_slice %arg6[%dma_start3A_294, %dma_start3A_295] : memref<10112x32xf32, #tpu.memory_space<vmem_shared>> -> memref<10112x32xf32, #tpu.memory_space<vmem_shared>>
    tpu.enqueue_indirect_dma source(%dma_start3A_290 : memref<256x32xf32, #tpu.memory_space<vmem>>) target(%dma_start3A_296 : memref<10112x32xf32, #tpu.memory_space<vmem_shared>>) offsets(%dma_start3A_293 : memref<256xi32, #tpu.memory_space<vmem>>) semaphore(%arg26 : memref<!tpu.dma_semaphore, #tpu.memory_space<semaphore_mem>>) {add = true}
    %dma_wait3A_297 = arith.constant 0 : i32
    %dma_wait3A_298 = arith.constant 32 : i32
    %dma_wait3A_299 = arith.constant 0 : i32
    %dma_wait3A_300 = arith.constant 0 : i32
    %dma_wait3A_301 = tpu.memref_slice %arg10[%dma_wait3A_297, %dma_wait3A_299, %dma_wait3A_300] : memref<8x256x32xf32, #tpu.memory_space<vmem>> -> memref<1x256x32xf32, #tpu.memory_space<vmem>>
    %dma_wait3A_302 = tpu.memref_squeeze %dma_wait3A_301 : memref<1x256x32xf32, #tpu.memory_space<vmem>> -> memref<256x32xf32, #tpu.memory_space<vmem>>
    %dma_wait3A_303 = arith.constant 0 : i32
    %dma_wait3A_304 = tpu.memref_slice %arg9[%dma_wait3A_298, %dma_wait3A_303] : memref<40x256xi32, #tpu.memory_space<vmem>> -> memref<1x256xi32, #tpu.memory_space<vmem>>
    %dma_wait3A_305 = tpu.memref_squeeze %dma_wait3A_304 : memref<1x256xi32, #tpu.memory_space<vmem>> -> memref<256xi32, #tpu.memory_space<vmem>>
    %dma_wait3A_306 = arith.constant 0 : i32
    %dma_wait3A_307 = arith.constant 0 : i32
    %dma_wait3A_308 = tpu.memref_slice %arg6[%dma_wait3A_306, %dma_wait3A_307] : memref<10112x32xf32, #tpu.memory_space<vmem_shared>> -> memref<10112x32xf32, #tpu.memory_space<vmem_shared>>
    tpu.wait_indirect_dma semaphore(%arg19 : memref<!tpu.dma_semaphore, #tpu.memory_space<semaphore_mem>>) src(%dma_wait3A_302 : memref<256x32xf32, #tpu.memory_space<vmem>>) dst(%dma_wait3A_308 : memref<10112x32xf32, #tpu.memory_space<vmem_shared>>)
    %dma_wait3A_309 = arith.constant 1 : i32
    %dma_wait3A_310 = arith.constant 33 : i32
    %dma_wait3A_311 = arith.constant 0 : i32
    %dma_wait3A_312 = arith.constant 0 : i32
    %dma_wait3A_313 = tpu.memref_slice %arg10[%dma_wait3A_309, %dma_wait3A_311, %dma_wait3A_312] : memref<8x256x32xf32, #tpu.memory_space<vmem>> -> memref<1x256x32xf32, #tpu.memory_space<vmem>>
    %dma_wait3A_314 = tpu.memref_squeeze %dma_wait3A_313 : memref<1x256x32xf32, #tpu.memory_space<vmem>> -> memref<256x32xf32, #tpu.memory_space<vmem>>
    %dma_wait3A_315 = arith.constant 0 : i32
    %dma_wait3A_316 = tpu.memref_slice %arg9[%dma_wait3A_310, %dma_wait3A_315] : memref<40x256xi32, #tpu.memory_space<vmem>> -> memref<1x256xi32, #tpu.memory_space<vmem>>
    %dma_wait3A_317 = tpu.memref_squeeze %dma_wait3A_316 : memref<1x256xi32, #tpu.memory_space<vmem>> -> memref<256xi32, #tpu.memory_space<vmem>>
    %dma_wait3A_318 = arith.constant 0 : i32
    %dma_wait3A_319 = arith.constant 0 : i32
    %dma_wait3A_320 = tpu.memref_slice %arg6[%dma_wait3A_318, %dma_wait3A_319] : memref<10112x32xf32, #tpu.memory_space<vmem_shared>> -> memref<10112x32xf32, #tpu.memory_space<vmem_shared>>
    tpu.wait_indirect_dma semaphore(%arg20 : memref<!tpu.dma_semaphore, #tpu.memory_space<semaphore_mem>>) src(%dma_wait3A_314 : memref<256x32xf32, #tpu.memory_space<vmem>>) dst(%dma_wait3A_320 : memref<10112x32xf32, #tpu.memory_space<vmem_shared>>)
    %dma_wait3A_321 = arith.constant 2 : i32
    %dma_wait3A_322 = arith.constant 34 : i32
    %dma_wait3A_323 = arith.constant 0 : i32
    %dma_wait3A_324 = arith.constant 0 : i32
    %dma_wait3A_325 = tpu.memref_slice %arg10[%dma_wait3A_321, %dma_wait3A_323, %dma_wait3A_324] : memref<8x256x32xf32, #tpu.memory_space<vmem>> -> memref<1x256x32xf32, #tpu.memory_space<vmem>>
    %dma_wait3A_326 = tpu.memref_squeeze %dma_wait3A_325 : memref<1x256x32xf32, #tpu.memory_space<vmem>> -> memref<256x32xf32, #tpu.memory_space<vmem>>
    %dma_wait3A_327 = arith.constant 0 : i32
    %dma_wait3A_328 = tpu.memref_slice %arg9[%dma_wait3A_322, %dma_wait3A_327] : memref<40x256xi32, #tpu.memory_space<vmem>> -> memref<1x256xi32, #tpu.memory_space<vmem>>
    %dma_wait3A_329 = tpu.memref_squeeze %dma_wait3A_328 : memref<1x256xi32, #tpu.memory_space<vmem>> -> memref<256xi32, #tpu.memory_space<vmem>>
    %dma_wait3A_330 = arith.constant 0 : i32
    %dma_wait3A_331 = arith.constant 0 : i32
    %dma_wait3A_332 = tpu.memref_slice %arg6[%dma_wait3A_330, %dma_wait3A_331] : memref<10112x32xf32, #tpu.memory_space<vmem_shared>> -> memref<10112x32xf32, #tpu.memory_space<vmem_shared>>
    tpu.wait_indirect_dma semaphore(%arg21 : memref<!tpu.dma_semaphore, #tpu.memory_space<semaphore_mem>>) src(%dma_wait3A_326 : memref<256x32xf32, #tpu.memory_space<vmem>>) dst(%dma_wait3A_332 : memref<10112x32xf32, #tpu.memory_space<vmem_shared>>)
    %dma_wait3A_333 = arith.constant 3 : i32
    %dma_wait3A_334 = arith.constant 35 : i32
    %dma_wait3A_335 = arith.constant 0 : i32
    %dma_wait3A_336 = arith.constant 0 : i32
    %dma_wait3A_337 = tpu.memref_slice %arg10[%dma_wait3A_333, %dma_wait3A_335, %dma_wait3A_336] : memref<8x256x32xf32, #tpu.memory_space<vmem>> -> memref<1x256x32xf32, #tpu.memory_space<vmem>>
    %dma_wait3A_338 = tpu.memref_squeeze %dma_wait3A_337 : memref<1x256x32xf32, #tpu.memory_space<vmem>> -> memref<256x32xf32, #tpu.memory_space<vmem>>
    %dma_wait3A_339 = arith.constant 0 : i32
    %dma_wait3A_340 = tpu.memref_slice %arg9[%dma_wait3A_334, %dma_wait3A_339] : memref<40x256xi32, #tpu.memory_space<vmem>> -> memref<1x256xi32, #tpu.memory_space<vmem>>
    %dma_wait3A_341 = tpu.memref_squeeze %dma_wait3A_340 : memref<1x256xi32, #tpu.memory_space<vmem>> -> memref<256xi32, #tpu.memory_space<vmem>>
    %dma_wait3A_342 = arith.constant 0 : i32
    %dma_wait3A_343 = arith.constant 0 : i32
    %dma_wait3A_344 = tpu.memref_slice %arg6[%dma_wait3A_342, %dma_wait3A_343] : memref<10112x32xf32, #tpu.memory_space<vmem_shared>> -> memref<10112x32xf32, #tpu.memory_space<vmem_shared>>
    tpu.wait_indirect_dma semaphore(%arg22 : memref<!tpu.dma_semaphore, #tpu.memory_space<semaphore_mem>>) src(%dma_wait3A_338 : memref<256x32xf32, #tpu.memory_space<vmem>>) dst(%dma_wait3A_344 : memref<10112x32xf32, #tpu.memory_space<vmem_shared>>)
    %dma_wait3A_345 = arith.constant 4 : i32
    %dma_wait3A_346 = arith.constant 36 : i32
    %dma_wait3A_347 = arith.constant 0 : i32
    %dma_wait3A_348 = arith.constant 0 : i32
    %dma_wait3A_349 = tpu.memref_slice %arg10[%dma_wait3A_345, %dma_wait3A_347, %dma_wait3A_348] : memref<8x256x32xf32, #tpu.memory_space<vmem>> -> memref<1x256x32xf32, #tpu.memory_space<vmem>>
    %dma_wait3A_350 = tpu.memref_squeeze %dma_wait3A_349 : memref<1x256x32xf32, #tpu.memory_space<vmem>> -> memref<256x32xf32, #tpu.memory_space<vmem>>
    %dma_wait3A_351 = arith.constant 0 : i32
    %dma_wait3A_352 = tpu.memref_slice %arg9[%dma_wait3A_346, %dma_wait3A_351] : memref<40x256xi32, #tpu.memory_space<vmem>> -> memref<1x256xi32, #tpu.memory_space<vmem>>
    %dma_wait3A_353 = tpu.memref_squeeze %dma_wait3A_352 : memref<1x256xi32, #tpu.memory_space<vmem>> -> memref<256xi32, #tpu.memory_space<vmem>>
    %dma_wait3A_354 = arith.constant 0 : i32
    %dma_wait3A_355 = arith.constant 0 : i32
    %dma_wait3A_356 = tpu.memref_slice %arg6[%dma_wait3A_354, %dma_wait3A_355] : memref<10112x32xf32, #tpu.memory_space<vmem_shared>> -> memref<10112x32xf32, #tpu.memory_space<vmem_shared>>
    tpu.wait_indirect_dma semaphore(%arg23 : memref<!tpu.dma_semaphore, #tpu.memory_space<semaphore_mem>>) src(%dma_wait3A_350 : memref<256x32xf32, #tpu.memory_space<vmem>>) dst(%dma_wait3A_356 : memref<10112x32xf32, #tpu.memory_space<vmem_shared>>)
    %dma_wait3A_357 = arith.constant 5 : i32
    %dma_wait3A_358 = arith.constant 37 : i32
    %dma_wait3A_359 = arith.constant 0 : i32
    %dma_wait3A_360 = arith.constant 0 : i32
    %dma_wait3A_361 = tpu.memref_slice %arg10[%dma_wait3A_357, %dma_wait3A_359, %dma_wait3A_360] : memref<8x256x32xf32, #tpu.memory_space<vmem>> -> memref<1x256x32xf32, #tpu.memory_space<vmem>>
    %dma_wait3A_362 = tpu.memref_squeeze %dma_wait3A_361 : memref<1x256x32xf32, #tpu.memory_space<vmem>> -> memref<256x32xf32, #tpu.memory_space<vmem>>
    %dma_wait3A_363 = arith.constant 0 : i32
    %dma_wait3A_364 = tpu.memref_slice %arg9[%dma_wait3A_358, %dma_wait3A_363] : memref<40x256xi32, #tpu.memory_space<vmem>> -> memref<1x256xi32, #tpu.memory_space<vmem>>
    %dma_wait3A_365 = tpu.memref_squeeze %dma_wait3A_364 : memref<1x256xi32, #tpu.memory_space<vmem>> -> memref<256xi32, #tpu.memory_space<vmem>>
    %dma_wait3A_366 = arith.constant 0 : i32
    %dma_wait3A_367 = arith.constant 0 : i32
    %dma_wait3A_368 = tpu.memref_slice %arg6[%dma_wait3A_366, %dma_wait3A_367] : memref<10112x32xf32, #tpu.memory_space<vmem_shared>> -> memref<10112x32xf32, #tpu.memory_space<vmem_shared>>
    tpu.wait_indirect_dma semaphore(%arg24 : memref<!tpu.dma_semaphore, #tpu.memory_space<semaphore_mem>>) src(%dma_wait3A_362 : memref<256x32xf32, #tpu.memory_space<vmem>>) dst(%dma_wait3A_368 : memref<10112x32xf32, #tpu.memory_space<vmem_shared>>)
    %dma_wait3A_369 = arith.constant 6 : i32
    %dma_wait3A_370 = arith.constant 38 : i32
    %dma_wait3A_371 = arith.constant 0 : i32
    %dma_wait3A_372 = arith.constant 0 : i32
    %dma_wait3A_373 = tpu.memref_slice %arg10[%dma_wait3A_369, %dma_wait3A_371, %dma_wait3A_372] : memref<8x256x32xf32, #tpu.memory_space<vmem>> -> memref<1x256x32xf32, #tpu.memory_space<vmem>>
    %dma_wait3A_374 = tpu.memref_squeeze %dma_wait3A_373 : memref<1x256x32xf32, #tpu.memory_space<vmem>> -> memref<256x32xf32, #tpu.memory_space<vmem>>
    %dma_wait3A_375 = arith.constant 0 : i32
    %dma_wait3A_376 = tpu.memref_slice %arg9[%dma_wait3A_370, %dma_wait3A_375] : memref<40x256xi32, #tpu.memory_space<vmem>> -> memref<1x256xi32, #tpu.memory_space<vmem>>
    %dma_wait3A_377 = tpu.memref_squeeze %dma_wait3A_376 : memref<1x256xi32, #tpu.memory_space<vmem>> -> memref<256xi32, #tpu.memory_space<vmem>>
    %dma_wait3A_378 = arith.constant 0 : i32
    %dma_wait3A_379 = arith.constant 0 : i32
    %dma_wait3A_380 = tpu.memref_slice %arg6[%dma_wait3A_378, %dma_wait3A_379] : memref<10112x32xf32, #tpu.memory_space<vmem_shared>> -> memref<10112x32xf32, #tpu.memory_space<vmem_shared>>
    tpu.wait_indirect_dma semaphore(%arg25 : memref<!tpu.dma_semaphore, #tpu.memory_space<semaphore_mem>>) src(%dma_wait3A_374 : memref<256x32xf32, #tpu.memory_space<vmem>>) dst(%dma_wait3A_380 : memref<10112x32xf32, #tpu.memory_space<vmem_shared>>)
    %dma_wait3A_381 = arith.constant 7 : i32
    %dma_wait3A_382 = arith.constant 39 : i32
    %dma_wait3A_383 = arith.constant 0 : i32
    %dma_wait3A_384 = arith.constant 0 : i32
    %dma_wait3A_385 = tpu.memref_slice %arg10[%dma_wait3A_381, %dma_wait3A_383, %dma_wait3A_384] : memref<8x256x32xf32, #tpu.memory_space<vmem>> -> memref<1x256x32xf32, #tpu.memory_space<vmem>>
    %dma_wait3A_386 = tpu.memref_squeeze %dma_wait3A_385 : memref<1x256x32xf32, #tpu.memory_space<vmem>> -> memref<256x32xf32, #tpu.memory_space<vmem>>
    %dma_wait3A_387 = arith.constant 0 : i32
    %dma_wait3A_388 = tpu.memref_slice %arg9[%dma_wait3A_382, %dma_wait3A_387] : memref<40x256xi32, #tpu.memory_space<vmem>> -> memref<1x256xi32, #tpu.memory_space<vmem>>
    %dma_wait3A_389 = tpu.memref_squeeze %dma_wait3A_388 : memref<1x256xi32, #tpu.memory_space<vmem>> -> memref<256xi32, #tpu.memory_space<vmem>>
    %dma_wait3A_390 = arith.constant 0 : i32
    %dma_wait3A_391 = arith.constant 0 : i32
    %dma_wait3A_392 = tpu.memref_slice %arg6[%dma_wait3A_390, %dma_wait3A_391] : memref<10112x32xf32, #tpu.memory_space<vmem_shared>> -> memref<10112x32xf32, #tpu.memory_space<vmem_shared>>
    tpu.wait_indirect_dma semaphore(%arg26 : memref<!tpu.dma_semaphore, #tpu.memory_space<semaphore_mem>>) src(%dma_wait3A_386 : memref<256x32xf32, #tpu.memory_space<vmem>>) dst(%dma_wait3A_392 : memref<10112x32xf32, #tpu.memory_space<vmem_shared>>)
    %barrier3A_393 = arith.constant 0 : index
    tpu.barrier barrier_id(%barrier3A_393)
    "tpu.region"() ({
      %run_scoped3A = tpu.sem_alloc : memref<!tpu.dma_semaphore, #tpu.memory_space<semaphore_mem>>
      %dma_start3A_394 = arith.constant 0 : i32
      %dma_start3A_395 = tpu.memref_slice %arg5[%arg0, %mul3A_2, %dma_start3A_394] : memref<2x10112x32xf32, #tpu.memory_space<hbm>> -> memref<1x632x32xf32, #tpu.memory_space<hbm>>
      %dma_start3A_396 = tpu.memref_squeeze %dma_start3A_395 : memref<1x632x32xf32, #tpu.memory_space<hbm>> -> memref<632x32xf32, #tpu.memory_space<hbm>>
      %dma_start3A_397 = arith.constant 0 : i32
      %dma_start3A_398 = tpu.memref_slice %arg6[%mul3A_2, %dma_start3A_397] : memref<10112x32xf32, #tpu.memory_space<vmem_shared>> -> memref<632x32xf32, #tpu.memory_space<vmem_shared>>
      tpu.enqueue_dma source(%dma_start3A_398 : memref<632x32xf32, #tpu.memory_space<vmem_shared>>) target(%dma_start3A_396 : memref<632x32xf32, #tpu.memory_space<hbm>>) target_semaphore(%run_scoped3A : memref<!tpu.dma_semaphore, #tpu.memory_space<semaphore_mem>>)
      %dma_wait3A_399 = arith.constant 0 : i32
      %dma_wait3A_400 = tpu.memref_slice %arg5[%arg0, %mul3A_2, %dma_wait3A_399] : memref<2x10112x32xf32, #tpu.memory_space<hbm>> -> memref<1x632x32xf32, #tpu.memory_space<hbm>>
      %dma_wait3A_401 = tpu.memref_squeeze %dma_wait3A_400 : memref<1x632x32xf32, #tpu.memory_space<hbm>> -> memref<632x32xf32, #tpu.memory_space<hbm>>
      %dma_wait3A_402 = arith.constant 0 : i32
      %dma_wait3A_403 = tpu.memref_slice %arg6[%mul3A_2, %dma_wait3A_402] : memref<10112x32xf32, #tpu.memory_space<vmem_shared>> -> memref<632x32xf32, #tpu.memory_space<vmem_shared>>
      tpu.wait_dma2 semaphore(%run_scoped3A : memref<!tpu.dma_semaphore, #tpu.memory_space<semaphore_mem>>) src(%dma_wait3A_403 : memref<632x32xf32, #tpu.memory_space<vmem_shared>>) dst(%dma_wait3A_401 : memref<632x32xf32, #tpu.memory_space<hbm>>)
      tpu.yield
    }) : () -> ()
    return
  }
}

module attributes {stable_mosaic.version = 14 : i64} {
  func.func @body(%arg0: memref<10112x128xf32, #tpu.memory_space<vmem>>, %arg1: memref<128x32xf32, #tpu.memory_space<vmem>>, %arg2: memref<20224x32xf32, #tpu.memory_space<vmem>>) attributes {dimension_semantics = [], scalar_prefetch = 0 : i64, scratch_operands = 0 : i64, tpu.core_type = #tpu.core_type<tc>} {
    %get3A = arith.constant 0 : index
    %get3A_0 = arith.constant 0 : index
    %get3A_1 = vector.load %arg0[%get3A, %get3A_0] : memref<10112x128xf32, #tpu.memory_space<vmem>>, vector<10112x128xf32>
    %get3A_2 = arith.constant 0 : index
    %get3A_3 = arith.constant 0 : index
    %get3A_4 = vector.load %arg1[%get3A_2, %get3A_3] : memref<128x32xf32, #tpu.memory_space<vmem>>, vector<128x32xf32>
    %dot_general3A = arith.constant dense<0.000000e+00> : vector<10112x32xf32>
    %dot_general3A_5 = tpu.matmul %get3A_1, %get3A_4, %dot_general3A {dimension_numbers = #tpu.dot_dimension_numbers<[1], [0], [0], [1], [0, 0, 1, 1], [], []>, transpose_lhs_hint = false} : vector<10112x128xf32>, vector<128x32xf32>, vector<10112x32xf32> -> vector<10112x32xf32>
    %swap3A = arith.constant 0 : index
    %swap3A_6 = arith.constant 0 : index
    %swap3A_7 = vector.load %arg2[%swap3A, %swap3A_6] : memref<20224x32xf32, #tpu.memory_space<vmem>>, vector<10112x32xf32>
    tpu.vector_store %arg2[%swap3A, %swap3A_6], %dot_general3A_5 {strides = array<i32>} : memref<20224x32xf32, #tpu.memory_space<vmem>>, vector<10112x32xf32>,
    %broadcast_in_dim3A = arith.constant 0.000000e+00 : f32
    %broadcast_in_dim3A_8 = vector.broadcast %broadcast_in_dim3A : f32 to vector<10112x32xf32>
    %swap3A_9 = arith.constant 10112 : index
    %swap3A_10 = arith.constant 0 : index
    %swap3A_11 = vector.load %arg2[%swap3A_9, %swap3A_10] : memref<20224x32xf32, #tpu.memory_space<vmem>>, vector<10112x32xf32>
    tpu.vector_store %arg2[%swap3A_9, %swap3A_10], %broadcast_in_dim3A_8 {strides = array<i32>} : memref<20224x32xf32, #tpu.memory_space<vmem>>, vector<10112x32xf32>,
    return
  }
}

module attributes {stable_mosaic.version = 14 : i64} {
  func.func @body(%arg0: memref<2x10112x32xf32, #tpu.memory_space<vmem>>, %arg1: memref<1x32xf32, #tpu.memory_space<vmem>>, %arg2: memref<32x32xf32, #tpu.memory_space<vmem>>, %arg3: memref<1x32xf32, #tpu.memory_space<vmem>>, %arg4: memref<32x32xf32, #tpu.memory_space<vmem>>, %arg5: memref<20224x32xf32, #tpu.memory_space<vmem>>) attributes {dimension_semantics = [], scalar_prefetch = 0 : i64, scratch_operands = 0 : i64, tpu.core_type = #tpu.core_type<tc>} {
    %get3A = arith.constant 0 : index
    %get3A_0 = arith.constant 0 : index
    %get3A_1 = arith.constant 0 : index
    %get3A_2 = vector.load %arg0[%get3A, %get3A_0, %get3A_1] : memref<2x10112x32xf32, #tpu.memory_space<vmem>>, vector<1x10112x32xf32>
    %get3A_3 = vector.shape_cast %get3A_2 : vector<1x10112x32xf32> to vector<10112x32xf32>
    %get3A_4 = arith.constant 1 : index
    %get3A_5 = arith.constant 0 : index
    %get3A_6 = arith.constant 0 : index
    %get3A_7 = vector.load %arg0[%get3A_4, %get3A_5, %get3A_6] : memref<2x10112x32xf32, #tpu.memory_space<vmem>>, vector<1x10112x32xf32>
    %get3A_8 = vector.shape_cast %get3A_7 : vector<1x10112x32xf32> to vector<10112x32xf32>
    %add3A = arith.addf %get3A_3, %get3A_8 : vector<10112x32xf32>
    %get3A_9 = arith.constant 0 : index
    %get3A_10 = arith.constant 0 : index
    %get3A_11 = vector.load %arg1[%get3A_9, %get3A_10] : memref<1x32xf32, #tpu.memory_space<vmem>>, vector<1x32xf32>
    %add3A_12 = vector.broadcast %get3A_11 : vector<1x32xf32> to vector<10112x32xf32>
    %add3A_13 = arith.addf %add3A, %add3A_12 : vector<10112x32xf32>
    %max3A = arith.constant 0.000000e+00 : f32
    %max3A_14 = vector.broadcast %max3A : f32 to vector<10112x32xf32>
    %max3A_15 = arith.maximumf %add3A_13, %max3A_14 : vector<10112x32xf32>
    %get3A_16 = arith.constant 0 : index
    %get3A_17 = arith.constant 0 : index
    %get3A_18 = vector.load %arg2[%get3A_16, %get3A_17] : memref<32x32xf32, #tpu.memory_space<vmem>>, vector<32x32xf32>
    %dot_general3A = arith.constant dense<0.000000e+00> : vector<10112x32xf32>
    %dot_general3A_19 = tpu.matmul %max3A_15, %get3A_18, %dot_general3A {dimension_numbers = #tpu.dot_dimension_numbers<[1], [0], [0], [1], [0, 0, 1, 1], [], []>, transpose_lhs_hint = false} : vector<10112x32xf32>, vector<32x32xf32>, vector<10112x32xf32> -> vector<10112x32xf32>
    %get3A_20 = arith.constant 0 : index
    %get3A_21 = arith.constant 0 : index
    %get3A_22 = vector.load %arg3[%get3A_20, %get3A_21] : memref<1x32xf32, #tpu.memory_space<vmem>>, vector<1x32xf32>
    %add3A_23 = vector.broadcast %get3A_22 : vector<1x32xf32> to vector<10112x32xf32>
    %add3A_24 = arith.addf %dot_general3A_19, %add3A_23 : vector<10112x32xf32>
    %max3A_25 = arith.constant 0.000000e+00 : f32
    %max3A_26 = vector.broadcast %max3A_25 : f32 to vector<10112x32xf32>
    %max3A_27 = arith.maximumf %add3A_24, %max3A_26 : vector<10112x32xf32>
    %get3A_28 = arith.constant 0 : index
    %get3A_29 = arith.constant 0 : index
    %get3A_30 = vector.load %arg4[%get3A_28, %get3A_29] : memref<32x32xf32, #tpu.memory_space<vmem>>, vector<32x32xf32>
    %dot_general3A_31 = arith.constant dense<0.000000e+00> : vector<10112x32xf32>
    %dot_general3A_32 = tpu.matmul %max3A_27, %get3A_30, %dot_general3A_31 {dimension_numbers = #tpu.dot_dimension_numbers<[1], [0], [0], [1], [0, 0, 1, 1], [], []>, transpose_lhs_hint = false} : vector<10112x32xf32>, vector<32x32xf32>, vector<10112x32xf32> -> vector<10112x32xf32>
    %iota3A = tpu.iota {dimensions = array<i32: 0>} : vector<10112x32xi32>
    %lt3A = arith.constant 10000 : i32
    %lt3A_33 = vector.broadcast %lt3A : i32 to vector<10112x32xi32>
    %lt3A_34 = arith.cmpi slt, %iota3A, %lt3A_33 : vector<10112x32xi32>
    %jit3A = arith.constant 0.000000e+00 : f32
    %broadcast_in_dim3A = vector.broadcast %jit3A : f32 to vector<10112x32xf32>
    %select_n3A = arith.select %lt3A_34, %dot_general3A_32, %broadcast_in_dim3A : vector<10112x32xi1>, vector<10112x32xf32>
    %swap3A = arith.constant 0 : index
    %swap3A_35 = arith.constant 0 : index
    %swap3A_36 = vector.load %arg5[%swap3A, %swap3A_35] : memref<20224x32xf32, #tpu.memory_space<vmem>>, vector<10112x32xf32>
    tpu.vector_store %arg5[%swap3A, %swap3A_35], %select_n3A {strides = array<i32>} : memref<20224x32xf32, #tpu.memory_space<vmem>>, vector<10112x32xf32>,
    %broadcast_in_dim3A_37 = arith.constant 0.000000e+00 : f32
    %broadcast_in_dim3A_38 = vector.broadcast %broadcast_in_dim3A_37 : f32 to vector<10112x32xf32>
    %swap3A_39 = arith.constant 10112 : index
    %swap3A_40 = arith.constant 0 : index
    %swap3A_41 = vector.load %arg5[%swap3A_39, %swap3A_40] : memref<20224x32xf32, #tpu.memory_space<vmem>>, vector<10112x32xf32>
    tpu.vector_store %arg5[%swap3A_39, %swap3A_40], %broadcast_in_dim3A_38 {strides = array<i32>} : memref<20224x32xf32, #tpu.memory_space<vmem>>, vector<10112x32xf32>,
    return
  }
}

module attributes {stable_mosaic.version = 14 : i64} {
  func.func @body(%arg0: memref<2x10112x32xf32, #tpu.memory_space<vmem>>, %arg1: memref<1x32xf32, #tpu.memory_space<vmem>>, %arg2: memref<32x32xf32, #tpu.memory_space<vmem>>, %arg3: memref<1x32xf32, #tpu.memory_space<vmem>>, %arg4: memref<10112x32xf32, #tpu.memory_space<vmem>>) attributes {dimension_semantics = [], scalar_prefetch = 0 : i64, scratch_operands = 0 : i64, tpu.core_type = #tpu.core_type<tc>} {
    %get3A = arith.constant 0 : index
    %get3A_0 = arith.constant 0 : index
    %get3A_1 = arith.constant 0 : index
    %get3A_2 = vector.load %arg0[%get3A, %get3A_0, %get3A_1] : memref<2x10112x32xf32, #tpu.memory_space<vmem>>, vector<1x10112x32xf32>
    %get3A_3 = vector.shape_cast %get3A_2 : vector<1x10112x32xf32> to vector<10112x32xf32>
    %get3A_4 = arith.constant 1 : index
    %get3A_5 = arith.constant 0 : index
    %get3A_6 = arith.constant 0 : index
    %get3A_7 = vector.load %arg0[%get3A_4, %get3A_5, %get3A_6] : memref<2x10112x32xf32, #tpu.memory_space<vmem>>, vector<1x10112x32xf32>
    %get3A_8 = vector.shape_cast %get3A_7 : vector<1x10112x32xf32> to vector<10112x32xf32>
    %add3A = arith.addf %get3A_3, %get3A_8 : vector<10112x32xf32>
    %get3A_9 = arith.constant 0 : index
    %get3A_10 = arith.constant 0 : index
    %get3A_11 = vector.load %arg1[%get3A_9, %get3A_10] : memref<1x32xf32, #tpu.memory_space<vmem>>, vector<1x32xf32>
    %add3A_12 = vector.broadcast %get3A_11 : vector<1x32xf32> to vector<10112x32xf32>
    %add3A_13 = arith.addf %add3A, %add3A_12 : vector<10112x32xf32>
    %max3A = arith.constant 0.000000e+00 : f32
    %max3A_14 = vector.broadcast %max3A : f32 to vector<10112x32xf32>
    %max3A_15 = arith.maximumf %add3A_13, %max3A_14 : vector<10112x32xf32>
    %get3A_16 = arith.constant 0 : index
    %get3A_17 = arith.constant 0 : index
    %get3A_18 = vector.load %arg2[%get3A_16, %get3A_17] : memref<32x32xf32, #tpu.memory_space<vmem>>, vector<32x32xf32>
    %dot_general3A = arith.constant dense<0.000000e+00> : vector<10112x32xf32>
    %dot_general3A_19 = tpu.matmul %max3A_15, %get3A_18, %dot_general3A {dimension_numbers = #tpu.dot_dimension_numbers<[1], [0], [0], [1], [0, 0, 1, 1], [], []>, transpose_lhs_hint = false} : vector<10112x32xf32>, vector<32x32xf32>, vector<10112x32xf32> -> vector<10112x32xf32>
    %get3A_20 = arith.constant 0 : index
    %get3A_21 = arith.constant 0 : index
    %get3A_22 = vector.load %arg3[%get3A_20, %get3A_21] : memref<1x32xf32, #tpu.memory_space<vmem>>, vector<1x32xf32>
    %add3A_23 = vector.broadcast %get3A_22 : vector<1x32xf32> to vector<10112x32xf32>
    %add3A_24 = arith.addf %dot_general3A_19, %add3A_23 : vector<10112x32xf32>
    %max3A_25 = arith.constant 0.000000e+00 : f32
    %max3A_26 = vector.broadcast %max3A_25 : f32 to vector<10112x32xf32>
    %max3A_27 = arith.maximumf %add3A_24, %max3A_26 : vector<10112x32xf32>
    %iota3A = tpu.iota {dimensions = array<i32: 1>} : vector<10112x32xi32>
    %lt3A = arith.constant 30 : i32
    %lt3A_28 = vector.broadcast %lt3A : i32 to vector<10112x32xi32>
    %lt3A_29 = arith.cmpi slt, %iota3A, %lt3A_28 : vector<10112x32xi32>
    %jit3A = arith.constant 0xFF800000 : f32
    %broadcast_in_dim3A = vector.broadcast %jit3A : f32 to vector<10112x32xf32>
    %select_n3A = arith.select %lt3A_29, %max3A_27, %broadcast_in_dim3A : vector<10112x32xi1>, vector<10112x32xf32>
    %reduce_max3A = arith.constant dense<0xFF800000> : vector<10112xf32>
    %reduce_max3A_30 = vector.multi_reduction <maximumf>, %select_n3A, %reduce_max3A [1] : vector<10112x32xf32> to vector<10112xf32>
    %broadcast_in_dim3A_31 = vector.shape_cast %reduce_max3A_30 : vector<10112xf32> to vector<10112x1xf32>
    %sub3A = vector.broadcast %broadcast_in_dim3A_31 : vector<10112x1xf32> to vector<10112x32xf32>
    %sub3A_32 = arith.subf %select_n3A, %sub3A : vector<10112x32xf32>
    %exp3A = math.exp %sub3A_32 : vector<10112x32xf32>
    %reduce_sum3A = arith.constant dense<0.000000e+00> : vector<10112xf32>
    %reduce_sum3A_33 = vector.multi_reduction <add>, %exp3A, %reduce_sum3A [1] : vector<10112x32xf32> to vector<10112xf32>
    %broadcast_in_dim3A_34 = vector.shape_cast %reduce_sum3A_33 : vector<10112xf32> to vector<10112x1xf32>
    %log3A = math.log %broadcast_in_dim3A_34 : vector<10112x1xf32>
    %add3A_35 = arith.addf %broadcast_in_dim3A_31, %log3A : vector<10112x1xf32>
    %sub3A_36 = vector.broadcast %add3A_35 : vector<10112x1xf32> to vector<10112x32xf32>
    %sub3A_37 = arith.subf %max3A_27, %sub3A_36 : vector<10112x32xf32>
    %swap3A = arith.constant 0 : index
    %swap3A_38 = arith.constant 0 : index
    %swap3A_39 = vector.load %arg4[%swap3A, %swap3A_38] : memref<10112x32xf32, #tpu.memory_space<vmem>>, vector<10112x32xf32>
    tpu.vector_store %arg4[%swap3A, %swap3A_38], %sub3A_37 {strides = array<i32>} : memref<10112x32xf32, #tpu.memory_space<vmem>>, vector<10112x32xf32>,
    return
  }
}

</mosaic_0001>

<sc_bundles>
// kernel: kernel.12.cloned.1.call-start
scs
__scs_entry_jumppad:
0x0: {  	(pc) =	sbr.rel $0x88, $3  }
0x1: {  	(tag) =	ssettag $0x0;
	lr =	simm.s32 $0x1  }
0x2: {  	[smem:$0x3F93] =	sst lr;
	_ =	strace $0xD0000000  }
0x3: {  	_ = 	snop  }
0x4: {  	_ = 	snop  }
0x5: {  	_ = 	snop  }
0x6: {  	_ = 	snop  }
0x7: {  	_ = 	snop  }
__scs_overlays_trampoline_lowered:
0x8: {  	[smem:$0x3FA2] =	sst s0  }
0x9: {  	[smem:$0x3FA3] =	sst s1  }
0xa: {  	[smem:$0x3FA4] =	sst s2  }
0xb: {  	[smem:$0x3FA5] =	sst s3  }
0xc: {  	[smem:$0x3FA6] =	sst s4  }
0xd: {  	[smem:$0x3FA7] =	sst s5  }
0xe: {  	[smem:$0x3FA8] =	sst s6  }
0xf: {  	[smem:$0x3FA9] =	sst s7  }
0x10: {  	[smem:$0x3FAA] =	sst s8  }
0x11: {  	[smem:$0x3FAB] =	sst s9;
	s0 =	simm.s32 @!p0 $0x0  }
0x12: {  	s1 =	sld [smem:$0x3F91];
	s0 =	simm.s32 @p0 $0x1  }
0x13: {  	[smem:$0x3FAC] =	sst s0;
	s0 =	simm.s32 @!p1 $0x0  }
0x14: {  	s2 =	sld [smem:$0x3F90];
	s0 =	simm.s32 @p1 $0x1  }
0x15: {  	[smem:$0x3FAD] =	sst s0;
	s0 =	simm.s32 @!p2 $0x0  }
0x16: {  	s3 =	sld [smem:$0x3FDB];
	s0 =	simm.s32 @p2 $0x1  }
0x17: {  	s4 =	simm.s32 $0x1BF5;
	[smem:$0x3FAF] =	sst s0  }
0x18: {  	s0 =	sld [smem:$0x3F92];
	_ =	swait.ge [sflag:s4], $0x0  }
0x19: {  	s7 =	sld [smem:$0x3F93]  }
0x1a: {  	s8 =	sadd.s32 $0xFFFFE003, lr  }
0x1b: {  	s9 =	sadd.s32 $0xFFFFFEF7, lr;
	s5 =	simm.s32 $0xFFFFFFFF;
	p2 =	slt.u32 s8, $0xFFFFF086  }
0x1c: {  	p1 =	slt.u32 s9, $0xF7A;
	s5 =	simm.s32 @!p2 $0x0  }
0x1d: {  	s5 =	simm.s32 @p1 $0x1;
	p0 =	seq.s32 s7, s2  }
0x1e: {  	s7 =	smul.u32 @!p0 $0xF7A, s2;
	p2 =	seq.s32 @!p0 s5, $0x0  }
0x1f: {  	s9 =	smul.u32 $0xF7A, s1;
	s8 =	simm.s32 @!p0 $0x1BF5;
	p2 =	por !p2, p0  }
0x20: {  	[sflag:s8] =	ssyncset.s32 @!p0 $0xFFFFF086;
	s6 =	sadd.s32 @!p0 s3, s7;
	s7 =	simm.s32 @!p0 $0x108  }
0x21: {  	s3 =	sadd.s32 s3, s9;
	s6 =	sadd.s32 @!p0 $0x88, s6;
	s7 =	simm.s32 @p2 $0x1082  }
0x22: {  	[simem:s7], [sflag:s8] =	dma.local @!p0 [hbm:s6], $0xF7A  }
0x23: {  	s9 =	sor.u32 $0xD0000000, s2;
	s6 =	simm.s32 $0x108;
	_ =	swait.ge @!p0 [sflag:s8], $0x0  }
0x24: {  	s3 =	sadd.s32 $0x88, s3;
	s6 =	simm.s32 @!p1 $0x1082;
	[sflag:s4] =	ssyncset.s32 $0xFFFFF086  }
0x25: {  	[simem:s6], [sflag:s4] =	dma.local [hbm:s3], $0xF7A  }
0x26: {  	[smem:$0x3F93] =	sst s1;
	(tag) =	ssettag s2;
	_ =	strace s9  }
0x27: {  	s1 =	sld [smem:$0x3FA3]  }
0x28: {  	s2 =	sld [smem:$0x3FA4]  }
0x29: {  	s4 =	sld [smem:$0x3FA6]  }
0x2a: {  	p0 =	seq.s32 s5, $0x0;
	s5 =	sld [smem:$0x3FA7]  }
0x2b: {  	s6 =	sld [smem:$0x3FA8]  }
0x2c: {  	s7 =	sld [smem:$0x3FA9]  }
0x2d: {  	s3 =	simm.s32 $0x108;
	s8 =	sld [smem:$0x3FAA]  }
0x2e: {  	s3 =	simm.s32 @!p0 $0x1082;
	s9 =	sld [smem:$0x3FAB]  }
0x2f: {  	lr =	sadd.s32 s0, s3;
	s0 =	sld [smem:$0x3FA2]  }
0x30: {  	s3 =	sld [smem:$0x3FA5]  }
0x31: {  	[smem:$0x3FAE] =	sst s10  }
0x32: {  	s10 =	sld [smem:$0x3FAC];
	_ =	sdelay $0x3  }
0x33: {  	p0 =	seq.s32 s10, $0x1;
	s10 =	sld [smem:$0x3FAE];
	_ =	sdelay $0x3  }
0x34: {  	[smem:$0x3FAE] =	sst s10  }
0x35: {  	s10 =	sld [smem:$0x3FAD];
	_ =	sdelay $0x3  }
0x36: {  	p1 =	seq.s32 s10, $0x1;
	s10 =	sld [smem:$0x3FAE];
	_ =	sdelay $0x3  }
0x37: {  	[smem:$0x3FAE] =	sst s10  }
0x38: {  	s10 =	sld [smem:$0x3FAF]  }
0x39: {  	_ = 	snop;
	(pc) =	sbr.ind lr, $3  }
0x3a: {  	_ = 	snop  }
0x3b: {  	_ = 	snop  }
0x3c: {  	p2 =	seq.s32 s10, $0x1;
	s10 =	sld [smem:$0x3FAE]  }
0x3d: {  	_ =	shalt  }
0x3e: {  	_ =	shalt  }
0x3f: {  	_ =	shalt  }
0x40: {  	_ =	shalt  }
0x41: {  	_ =	shalt  }
0x42: {  	_ =	shalt  }
0x43: {  	_ =	shalt  }
0x44: {  	_ =	shalt  }
0x45: {  	_ =	shalt  }
0x46: {  	_ =	shalt  }
0x47: {  	_ =	shalt  }
0x48: {  	_ =	shalt  }
0x49: {  	_ =	shalt  }
0x4a: {  	_ =	shalt  }
0x4b: {  	_ =	shalt  }
0x4c: {  	_ =	shalt  }
0x4d: {  	_ =	shalt  }
0x4e: {  	_ =	shalt  }
0x4f: {  	_ =	shalt  }
0x50: {  	_ =	shalt  }
0x51: {  	_ =	shalt  }
0x52: {  	_ =	shalt  }
0x53: {  	_ =	shalt  }
0x54: {  	_ =	shalt  }
0x55: {  	_ =	shalt  }
0x56: {  	_ =	shalt  }
0x57: {  	_ =	shalt  }
0x58: {  	_ =	shalt  }
0x59: {  	_ =	shalt  }
0x5a: {  	_ =	shalt  }
0x5b: {  	_ =	shalt  }
0x5c: {  	_ =	shalt  }
0x5d: {  	_ =	shalt  }
0x5e: {  	_ =	shalt  }
0x5f: {  	_ =	shalt  }
0x60: {  	_ =	shalt  }
0x61: {  	_ =	shalt  }
0x62: {  	_ =	shalt  }
0x63: {  	_ =	shalt  }
0x64: {  	_ =	shalt  }
0x65: {  	_ =	shalt  }
0x66: {  	_ =	shalt  }
0x67: {  	_ =	shalt  }
0x68: {  	_ =	shalt  }
0x69: {  	_ =	shalt  }
0x6a: {  	_ =	shalt  }
0x6b: {  	_ =	shalt  }
0x6c: {  	_ =	shalt  }
0x6d: {  	_ =	shalt  }
0x6e: {  	_ =	shalt  }
0x6f: {  	_ =	shalt  }
0x70: {  	_ =	shalt  }
0x71: {  	_ =	shalt  }
0x72: {  	_ =	shalt  }
0x73: {  	_ =	shalt  }
0x74: {  	_ =	shalt  }
0x75: {  	_ =	shalt  }
0x76: {  	_ =	shalt  }
0x77: {  	_ =	shalt  }
0x78: {  	_ =	shalt  }
0x79: {  	_ =	shalt  }
0x7a: {  	_ =	shalt  }
0x7b: {  	_ =	shalt  }
0x7c: {  	_ =	shalt  }
0x7d: {  	_ =	shalt  }
0x7e: {  	_ =	shalt  }
0x7f: {  	_ =	shalt  }
0x80: {  	_ =	shalt  }
0x81: {  	_ =	shalt  }
0x82: {  	_ =	shalt  }
0x83: {  	_ =	shalt  }
0x84: {  	_ =	shalt  }
0x85: {  	_ =	shalt  }
0x86: {  	_ =	shalt  }
0x87: {  	_ =	shalt  }
.Lfunc_end0:
.L_simem_size_0:
called_computation.1_lowered:
.L_overlay_start_0:
0x88: {  	s2 =	sld [smem:$0x3FD9]  }
0x89: {  	s3 =	sld [smem:$0x3FFE];
	_ =	sdelay $0x1  }
0x8a: {  	s1 =	srdreg.scid  }
0x8b: {  	s0 =	sand.u32 $0x1, s1  }
0x8c: {  	s16 =	sshll.u32 s0, $0xA;
	s2 =	sadd.s32 s3, s2  }
0x8d: {  	s2 =	sadd.s32 s2, s16  }
0x8e: {  	[smem:$0x3FBA] =	sst s2  }
0x8f: {  	_ = 	snop  }
0x90: {  	(tm) =	ssettm $0x1  }
0x91: {  	s17 =	sld [smem:$0x3FFB];
	_ =	sdelay $0x3  }
0x92: {  	_ =	strace s17  }
0x93: {  	s2 =	sld [smem:$0x3FFC];
	_ =	sdelay $0x3  }
0x94: {  	_ =	strace s2  }
0x95: {  	s2 =	sld [smem:$0x3FFD];
	_ =	sdelay $0x3  }
0x96: {  	_ =	strace s2  }
0x97: {  	_ =	strace $0x8FFFFFFF  }
0x98: {  	s18 =	sld [smem:$0x3FDB];
	_ =	sdelay $0x1  }
0x99: {  	s19 =	simm.s32 $_scs_section_size  }
0x9a: {  	s4 =	simm.s32 $_size__tile_overlayer_lowered;
	s5 =	simm.s32 $_tile_overlayer_lowered  }
0x9b: {  	s22 =	simm.s32 $0x1BFF;
	s21 =	sshll.u32 s5, $0x1;
	s2 =	sadd.s32 s19, s18  }
0x9c: {  	s6 =	simm.s32 $0x0;
	s20 =	sshll.u32 s4, $0x1;
	s4 =	sadd.s32 s21, s2  }
0x9d: {  	[timem:s6], [sflag:s22] =	dma.local [hbm:s4], s20  }
0x9e: {  	_ =	swait.ge [sflag:s22], s20  }
0x9f: {  	s3 =	ssub.s32 $0x0, s20;
	[sflag:s22] =	ssyncset.done $0x0  }
0xa0: {  	[sflag:s22] =	ssyncadd.s32 s3;
	_ =	sdelay $0x1  }
0xa1: {  	s23 =	simm.s32 $0x1B8B  }
0xa2: {  	_ =	swait.ge [sflag:s23], $0x1  }
0xa3: {  	[sflag:s23] =	ssyncset.done $0x0  }
0xa4: {  	s25 =	simm.s32 $0x1B8E;
	s24 =	sld [smem:$0x3FFE];
	[sflag:s23] =	ssyncadd.s32 $0xFFFFFFFF  }
0xa5: {  	s26 =	simm.s32 $execute0_lowered;
	[smem:$0x3FD2] =	sst s25  }
0xa6: {  	s4 =	sshll.u32 s26, $0x1;
	_ =	strace $0x80000049;
	[dreg:$0x1] =	wrdreg $0xFFFFFFFF  }
0xa7: {  	s28 =	simm.s32 $_size_execute0_lowered;
	s2 =	sadd.s32 s2, s4;
	[dreg:$0x0] =	wrdreg $0x0  }
0xa8: {  	s4 =	sshll.u32 s28, $0x1;
	[dreg:$0x2] =	wrdreg s2  }
0xa9: {  	[dreg:$0x3] =	wrdreg s4  }
0xaa: {  	[dreg:$0x4] =	wrdreg $0xC0  }
0xab: {  	_ =	task [dreg:s6], $0x5FFFF  }
0xac: {  	[dreg:$0x1] =	wrdreg $0xFFFFFFFF  }
0xad: {  	[dreg:$0x0] =	wrdreg $0x60  }
0xae: {  	[dreg:$0x2] =	wrdreg s24  }
0xaf: {  	[dreg:$0x3] =	wrdreg $0x0  }
0xb0: {  	[dreg:$0x4] =	wrdreg $0x4F000  }
0xb1: {  	[dreg:$0x5] =	wrdreg $0x9  }
0xb2: {  	_ =	task.clear_ibuf [dreg:s6], $0x6FFFF;
	_ =	strace $0x90000049  }
0xb3: {  	s29 =	simm.s32 $0x9;
	_ =	strace $0x8000004B  }
0xb4: {  	_ =	swait.ge [sflag:s29], $0x1  }
0xb5: {  	[sflag:s29] =	ssyncadd.s32 $0xFFFFFFFF  }
0xb6: {  	_ =	strace $0x9000004B  }
0xb7: {  	_ =	sfence  }
0xb8: {  	s30 =	sld [smem:$0x0];
	_ =	sdelay $0x2  }
0xb9: {  	s31 =	sshll.u32 s1, $0xD;
	s1 =	sshrl.u32 s1, $0x2  }
0xba: {  	s3 =	sand.u32 $0x4000, s31;
	s1 =	sadd.s32 s1, s30  }
0xbb: {  	s0 =	sor.u32 s3, s0;
	s1 =	sshll.u32 s1, $0x11  }
0xbc: {  	s0 =	sor.u32 s1, s0  }
0xbd: {  	s0 =	sadd.s32 $0x8F2B, s0  }
0xbe: {  	[sflag:s0] =	ssyncadd.remote.s32 $0x1  }
0xbf: {  	_ =	sfence.sel $0xFFFF  }
0xc0: {  	[dreg:$0x0] =	wrdreg $0xFFFFFFFF;
	(pc) =	sbr.abs _section_cstart, $3  }
0xc1: {  	[dreg:$0x1] =	wrdreg $0xFFFFFFFF  }
0xc2: {  	_ =	task.clear_ibuf [dreg:s6], $0x2FFFF;
	_ =	strace $0x9FFFFFFF  }
0xc3: {  	(tm) =	ssettm $0x7FFFFFFF  }
tec
execute0_lowered:
.L_overlay_start_1:
0x0: {  	(tag) =	ssettag $0x1  }
0x1: {  	s0 =	rddreg [dreg:$0x0]  }
0x2: {  	s1 =	rddreg [dreg:$0x1]  }
0x3: {  	s3 =	rddreg [dreg:$0x2];
	s6 =	simm.s32 $0x0  }
0x4: {  	s2 =	srdreg.scid;
	s11 =	stileid.u32;
	s17 =	simm.s32 $0x100  }
0x5: {  	s28 =	simm.s32 $0x16E00;
	s29 =	simm.s32 $0x2;
	s30 =	simm.s32 $0x9  }
0x6: {  	s31 =	simm.s32 $0x6;
	s15 =	simm.s32 $0xC;
	s16 =	simm.s32 $0xF  }
0x7: {  	s14 =	simm.s32 $0x0;
	s2 =	sand.u32 $0x1, s2;
	s4 =	sshll.u32 s11, $0x1  }
0x8: {  	s5 =	smul.u32 $0x4F00, s11;
	[smem:$0x7FF] =	sst s6;
	s7 =	sadd.s32 $0x2400, s0  }
0x9: {  	s10 =	smul.u32 $0x9E0, s11;
	s21 =	sshll.u32 s11, $0x6;
	s11 =	simm.s32 $0x10  }
0xa: {  	s4 =	sor.u32 s2, s4;
	s18 =	smul.u32 $0x4F000, s2;
	_ =	strace $0x8000004A  }
0xb: {  	s8 =	ssub.s32 $0x2, s2;
	s2 =	smul.u32 $0x9E00, s2;
	s12 =	sor.u32 $0x1C11, s21  }
0xc: {  	s21 =	simm.s32 $0x5;
	s4 =	smul.u32 $0x500, s4;
	s9 =	sshrl.u32 s8, $0x1  }
0xd: {  	s20 =	sadd.s32 s5, s1;
	s22 =	sshrl.u32 s5, $0x3;
	[dreg:$0x5] =	wrdreg s12  }
0xe: {  	s6 =	sadd.s32 s5, s18;
	s19 =	ssub.s32 s8, s9;
	s2 =	sadd.s32 s10, s2  }
0xf: {  	s5 =	sadd.s32 s5, s3;
	s13 =	sshrl.u32 s20, $0x3;
	s18 =	simm.s32 $0xEE00  }
0x10: {  	s20 =	simm.s32 $0x10E00;
	s8 =	simm.s32 $0x8;
	s9 =	simm.s32 $0xD  }
0x11: {  	s10 =	simm.s32 $0xE;
	s6 =	sshrl.u32 s6, $0x3;
	s4 =	sadd.s32 s4, s0  }
0x12: {  	s2 =	sadd.s32 s7, s2;
	s25 =	smax.u32 s19, $0x1;
	[dreg:$0xb] =	wrdreg s13  }
0x13: {  	s26 =	sshrl.u32 s5, $0x3;
	s19 =	simm.s32 $0x1CE00;
	[dreg:$0x4] =	wrdreg s2  }
0x14: {  	s5 =	simm.s32 $0x7;
	s0 =	sadd.s32 s6, s0;
	[dreg:$0xa] =	wrdreg s25  }
0x15: {  	s2 =	sadd.s32 s7, s22;
	s23 =	sadd.s32 $0x16000, s4;
	[dreg:$0xc] =	wrdreg s26  }
0x16: {  	s24 =	sadd.s32 $0x20000, s4;
	s22 =	simm.s32 $0x12E00;
	[dreg:$0x6] =	wrdreg s2  }
0x17: {  	s25 =	simm.s32 $0x1;
	s26 =	simm.s32 $0x4;
	[dreg:$0x7] =	wrdreg s23  }
0x18: {  	s4 =	simm.s32 $0xA;
	s7 =	simm.s32 $0xB;
	[dreg:$0x8] =	wrdreg s24  }
0x19: {  	s0 =	sadd.s32 $0x2A000, s0;
	s24 =	simm.s32 $0x14E00;
	s2 =	simm.s32 $0x3  }
0x1a: {  	s23 =	simm.s32 $0x1AE00;
	[dreg:$0x9] =	wrdreg s0;
	s0 =	simm.s32 $0x18E00  }
.LBB2_1:
0x1b: {  	[dreg:$0xd] =	wrdreg s14  }
0x1c: {  	s14 =	simm.s32 $0x11;
	s6 =	rddreg [dreg:$0x4]  }
0x1d: {  	[spmem:s13], [sflag:s12] =	dma.local [hbm:s6], $0x9E0  }
0x1e: {  	_ =	swait.ge [sflag:s14], $0x9E0  }
0x1f: {  	[sflag:s14] =	ssyncset.done $0x0;
	s6 =	rddreg [dreg:$0x6]  }
0x20: {  	s13 =	rddreg [dreg:$0xc];
	[sflag:s14] =	ssyncadd.s32 $0xFFFFF620  }
0x21: {  	[spmem:s13], [sflag:s12] =	dma.local [hbm:s6], $0x9E0  }
0x22: {  	_ =	swait.ge [sflag:s14], $0x9E0  }
0x23: {  	s6 =	simm.s32 $0x0;
	[sflag:s14] =	ssyncset.done $0x0  }
0x24: {  	s13 =	simm.s32 $0x9E00;
	s12 =	rddreg [dreg:$0x7];
	[sflag:s14] =	ssyncadd.s32 $0xFFFFF620  }
0x25: {  	[tilespmem:s13], [sflag:$0x11] =	stream.linear.gather [hbm4b:s12+s6], $0x2800, $0x38;
	[tilespmem:$0x1EE00] =	vst v63  }
0x26: {  	_ =	swait.ge [sflag:s14], $0x2800  }
0x27: {  	[sflag:s14] =	ssyncset.done $0x0  }
0x28: {  	s13 =	simm.s32 $0xC600;
	s12 =	rddreg [dreg:$0x8];
	[sflag:s14] =	ssyncadd.s32 $0xFFFFD800  }
0x29: {  	[tilespmem:s13], [sflag:$0x11] =	stream.linear.gather [hbm4b:s12+s6], $0x2800, $0x38;
	[tilespmem:$0x1EE00] =	vst v63  }
0x2a: {  	_ =	swait.ge [sflag:s14], $0x2800  }
0x2b: {  	[sflag:s14] =	ssyncset.done $0x0  }
0x2c: {  	[sflag:s14] =	ssyncadd.s32 $0xFFFFD800  }
0x2d: {  	s14 =	simm.s32 $0x9E00;
	[bflag:$0x0] =	sbarrier.arrive $0xFFFF  }
0x2e: {  	[tilespmem:s18], [sflag:$0x1] =	stream.indirect.gather [spmem:s3], $0x20, s14, s17, $0xb8;
	[tilespmem:$0x1EE00] =	vst v63  }
0x2f: {  	s13 =	simm.s32 $0x9F00  }
0x30: {  	[tilespmem:s20], [sflag:$0x2] =	stream.indirect.gather [spmem:s3], $0x20, s13, s17, $0xb8;
	[tilespmem:$0x1EE00] =	vst v63  }
0x31: {  	s14 =	simm.s32 $0xA000  }
0x32: {  	[tilespmem:s22], [sflag:$0x3] =	stream.indirect.gather [spmem:s3], $0x20, s14, s17, $0xb8;
	[tilespmem:$0x1EE00] =	vst v63  }
0x33: {  	s13 =	simm.s32 $0xA100  }
0x34: {  	[tilespmem:s24], [sflag:$0x4] =	stream.indirect.gather [spmem:s3], $0x20, s13, s17, $0xb8;
	[tilespmem:$0x1EE00] =	vst v63  }
0x35: {  	_ =	swait.ge [sflag:s25], $0x2000  }
0x36: {  	[sflag:s25] =	ssyncset.done $0x0  }
0x37: {  	s12 =	simm.s32 $0xC600;
	[sflag:s25] =	ssyncadd.s32 $0xFFFFE000  }
0x38: {  	[spmem:s1] =	stream.indirect.scatter.add.f32 [tilespmem:s18], [sflag:$0x9], $0x20, s12, s17, $0xb8;
	[tilespmem:$0x1EE00] =	vst v63  }
0x39: {  	s14 =	simm.s32 $0xA200  }
0x3a: {  	[tilespmem:s28], [sflag:$0x5] =	stream.indirect.gather [spmem:s3], $0x20, s14, s17, $0xb8;
	[tilespmem:$0x1EE00] =	vst v63  }
0x3b: {  	_ =	swait.ge [sflag:s29], $0x2000  }
0x3c: {  	[sflag:s29] =	ssyncset.done $0x0  }
0x3d: {  	s12 =	simm.s32 $0xC700;
	[sflag:s29] =	ssyncadd.s32 $0xFFFFE000  }
0x3e: {  	[spmem:s1] =	stream.indirect.scatter.add.f32 [tilespmem:s20], [sflag:$0xA], $0x20, s12, s17, $0xb8;
	[tilespmem:$0x1EE00] =	vst v63  }
0x3f: {  	s13 =	simm.s32 $0xA300  }
0x40: {  	[tilespmem:s0], [sflag:$0x6] =	stream.indirect.gather [spmem:s3], $0x20, s13, s17, $0xb8;
	[tilespmem:$0x1EE00] =	vst v63  }
0x41: {  	_ =	swait.ge [sflag:s2], $0x2000  }
0x42: {  	[sflag:s2] =	ssyncset.done $0x0  }
0x43: {  	s14 =	simm.s32 $0xC800;
	[sflag:s2] =	ssyncadd.s32 $0xFFFFE000  }
0x44: {  	[spmem:s1] =	stream.indirect.scatter.add.f32 [tilespmem:s22], [sflag:$0xB], $0x20, s14, s17, $0xb8;
	[tilespmem:$0x1EE00] =	vst v63  }
0x45: {  	s12 =	simm.s32 $0xA400  }
0x46: {  	[tilespmem:s23], [sflag:$0x7] =	stream.indirect.gather [spmem:s3], $0x20, s12, s17, $0xb8;
	[tilespmem:$0x1EE00] =	vst v63  }
0x47: {  	_ =	swait.ge [sflag:s26], $0x2000  }
0x48: {  	[sflag:s26] =	ssyncset.done $0x0  }
0x49: {  	s13 =	simm.s32 $0xC900;
	[sflag:s26] =	ssyncadd.s32 $0xFFFFE000  }
0x4a: {  	[spmem:s1] =	stream.indirect.scatter.add.f32 [tilespmem:s24], [sflag:$0xC], $0x20, s13, s17, $0xb8;
	[tilespmem:$0x1EE00] =	vst v63  }
0x4b: {  	s14 =	simm.s32 $0xA500  }
0x4c: {  	[tilespmem:s19], [sflag:$0x8] =	stream.indirect.gather [spmem:s3], $0x20, s14, s17, $0xb8;
	[tilespmem:$0x1EE00] =	vst v63  }
0x4d: {  	_ =	swait.ge [sflag:s21], $0x2000  }
0x4e: {  	[sflag:s21] =	ssyncset.done $0x0  }
0x4f: {  	s12 =	simm.s32 $0xCA00;
	[sflag:s21] =	ssyncadd.s32 $0xFFFFE000  }
0x50: {  	[spmem:s1] =	stream.indirect.scatter.add.f32 [tilespmem:s28], [sflag:$0xD], $0x20, s12, s17, $0xb8;
	[tilespmem:$0x1EE00] =	vst v63  }
0x51: {  	_ =	swait.ge [sflag:s30], $0x2000  }
0x52: {  	[sflag:s30] =	ssyncset.done $0x0  }
0x53: {  	s13 =	simm.s32 $0xA600;
	[sflag:s30] =	ssyncadd.s32 $0xFFFFE000  }
0x54: {  	[tilespmem:s18], [sflag:$0x1] =	stream.indirect.gather [spmem:s3], $0x20, s13, s17, $0xb8;
	[tilespmem:$0x1EE00] =	vst v63  }
0x55: {  	_ =	swait.ge [sflag:s31], $0x2000  }
0x56: {  	[sflag:s31] =	ssyncset.done $0x0  }
0x57: {  	s14 =	simm.s32 $0xCB00;
	[sflag:s31] =	ssyncadd.s32 $0xFFFFE000  }
0x58: {  	[spmem:s1] =	stream.indirect.scatter.add.f32 [tilespmem:s0], [sflag:$0xE], $0x20, s14, s17, $0xb8;
	[tilespmem:$0x1EE00] =	vst v63  }
0x59: {  	_ =	swait.ge [sflag:s4], $0x2000  }
0x5a: {  	[sflag:s4] =	ssyncset.done $0x0  }
0x5b: {  	s12 =	simm.s32 $0xA700;
	[sflag:s4] =	ssyncadd.s32 $0xFFFFE000  }
0x5c: {  	[tilespmem:s20], [sflag:$0x2] =	stream.indirect.gather [spmem:s3], $0x20, s12, s17, $0xb8;
	[tilespmem:$0x1EE00] =	vst v63  }
0x5d: {  	_ =	swait.ge [sflag:s5], $0x2000  }
0x5e: {  	[sflag:s5] =	ssyncset.done $0x0  }
0x5f: {  	s13 =	simm.s32 $0xCC00;
	[sflag:s5] =	ssyncadd.s32 $0xFFFFE000  }
0x60: {  	[spmem:s1] =	stream.indirect.scatter.add.f32 [tilespmem:s23], [sflag:$0xF], $0x20, s13, s17, $0xb8;
	[tilespmem:$0x1EE00] =	vst v63  }
0x61: {  	_ =	swait.ge [sflag:s7], $0x2000  }
0x62: {  	[sflag:s7] =	ssyncset.done $0x0  }
0x63: {  	s14 =	simm.s32 $0xA800;
	[sflag:s7] =	ssyncadd.s32 $0xFFFFE000  }
0x64: {  	[tilespmem:s22], [sflag:$0x3] =	stream.indirect.gather [spmem:s3], $0x20, s14, s17, $0xb8;
	[tilespmem:$0x1EE00] =	vst v63  }
0x65: {  	_ =	swait.ge [sflag:s8], $0x2000  }
0x66: {  	[sflag:s8] =	ssyncset.done $0x0  }
0x67: {  	s12 =	simm.s32 $0xCD00;
	[sflag:s8] =	ssyncadd.s32 $0xFFFFE000  }
0x68: {  	[spmem:s1] =	stream.indirect.scatter.add.f32 [tilespmem:s19], [sflag:$0x10], $0x20, s12, s17, $0xb8;
	[tilespmem:$0x1EE00] =	vst v63  }
0x69: {  	_ =	swait.ge [sflag:s15], $0x2000  }
0x6a: {  	[sflag:s15] =	ssyncset.done $0x0  }
0x6b: {  	s13 =	simm.s32 $0xA900;
	[sflag:s15] =	ssyncadd.s32 $0xFFFFE000  }
0x6c: {  	[tilespmem:s24], [sflag:$0x4] =	stream.indirect.gather [spmem:s3], $0x20, s13, s17, $0xb8;
	[tilespmem:$0x1EE00] =	vst v63  }
0x6d: {  	_ =	swait.ge [sflag:s25], $0x2000  }
0x6e: {  	[sflag:s25] =	ssyncset.done $0x0  }
0x6f: {  	s14 =	simm.s32 $0xCE00;
	[sflag:s25] =	ssyncadd.s32 $0xFFFFE000  }
0x70: {  	[spmem:s1] =	stream.indirect.scatter.add.f32 [tilespmem:s18], [sflag:$0x9], $0x20, s14, s17, $0xb8;
	[tilespmem:$0x1EE00] =	vst v63  }
0x71: {  	_ =	swait.ge [sflag:s9], $0x2000  }
0x72: {  	[sflag:s9] =	ssyncset.done $0x0  }
0x73: {  	s12 =	simm.s32 $0xAA00;
	[sflag:s9] =	ssyncadd.s32 $0xFFFFE000  }
0x74: {  	[tilespmem:s28], [sflag:$0x5] =	stream.indirect.gather [spmem:s3], $0x20, s12, s17, $0xb8;
	[tilespmem:$0x1EE00] =	vst v63  }
0x75: {  	_ =	swait.ge [sflag:s29], $0x2000  }
0x76: {  	[sflag:s29] =	ssyncset.done $0x0  }
0x77: {  	s13 =	simm.s32 $0xCF00;
	[sflag:s29] =	ssyncadd.s32 $0xFFFFE000  }
0x78: {  	[spmem:s1] =	stream.indirect.scatter.add.f32 [tilespmem:s20], [sflag:$0xA], $0x20, s13, s17, $0xb8;
	[tilespmem:$0x1EE00] =	vst v63  }
0x79: {  	_ =	swait.ge [sflag:s10], $0x2000  }
0x7a: {  	[sflag:s10] =	ssyncset.done $0x0  }
0x7b: {  	s14 =	simm.s32 $0xAB00;
	[sflag:s10] =	ssyncadd.s32 $0xFFFFE000  }
0x7c: {  	[tilespmem:s0], [sflag:$0x6] =	stream.indirect.gather [spmem:s3], $0x20, s14, s17, $0xb8;
	[tilespmem:$0x1EE00] =	vst v63  }
0x7d: {  	_ =	swait.ge [sflag:s2], $0x2000  }
0x7e: {  	[sflag:s2] =	ssyncset.done $0x0  }
0x7f: {  	s12 =	simm.s32 $0xD000;
	[sflag:s2] =	ssyncadd.s32 $0xFFFFE000  }
0x80: {  	[spmem:s1] =	stream.indirect.scatter.add.f32 [tilespmem:s22], [sflag:$0xB], $0x20, s12, s17, $0xb8;
	[tilespmem:$0x1EE00] =	vst v63  }
0x81: {  	_ =	swait.ge [sflag:s16], $0x2000  }
0x82: {  	[sflag:s16] =	ssyncset.done $0x0  }
0x83: {  	s13 =	simm.s32 $0xAC00;
	[sflag:s16] =	ssyncadd.s32 $0xFFFFE000  }
0x84: {  	[tilespmem:s23], [sflag:$0x7] =	stream.indirect.gather [spmem:s3], $0x20, s13, s17, $0xb8;
	[tilespmem:$0x1EE00] =	vst v63  }
0x85: {  	_ =	swait.ge [sflag:s26], $0x2000  }
0x86: {  	[sflag:s26] =	ssyncset.done $0x0  }
0x87: {  	s14 =	simm.s32 $0xD100;
	[sflag:s26] =	ssyncadd.s32 $0xFFFFE000  }
0x88: {  	[spmem:s1] =	stream.indirect.scatter.add.f32 [tilespmem:s24], [sflag:$0xC], $0x20, s14, s17, $0xb8;
	[tilespmem:$0x1EE00] =	vst v63  }
0x89: {  	_ =	swait.ge [sflag:s11], $0x2000  }
0x8a: {  	[sflag:s11] =	ssyncset.done $0x0  }
0x8b: {  	s6 =	simm.s32 $0xAD00;
	s12 =	simm.s32 $0x2000;
	[sflag:s11] =	ssyncadd.s32 $0xFFFFE000  }
.LBB2_2:
0x8c: {  	[tilespmem:s19], [sflag:$0x8] =	stream.indirect.gather [spmem:s3], $0x20, s6, s17, $0xb8;
	[tilespmem:$0x1EE00] =	vst v63  }
0x8d: {  	s6 =	smov.u32 s12  }
0x8e: {  	p0 =	sne.s32 s12, $0x6000;
	s12 =	sadd.s32 $0x2000, s12;
	_ =	swait.ge [sflag:s21], $0x2000  }
0x8f: {  	s6 =	sshra.s32 s6, $0x2;
	[sflag:s21] =	ssyncset.done $0x0  }
0x90: {  	s13 =	sadd.s32 $0xCA00, s6;
	[sflag:s21] =	ssyncadd.s32 $0xFFFFE000  }
0x91: {  	[spmem:s1] =	stream.indirect.scatter.add.f32 [tilespmem:s28], [sflag:$0xD], $0x20, s13, s17, $0xb8;
	[tilespmem:$0x1EE00] =	vst v63  }
0x92: {  	_ =	swait.ge [sflag:s30], $0x2000  }
0x93: {  	[sflag:s30] =	ssyncset.done $0x0  }
0x94: {  	s13 =	sadd.s32 $0xA600, s6;
	[sflag:s30] =	ssyncadd.s32 $0xFFFFE000  }
0x95: {  	[tilespmem:s18], [sflag:$0x1] =	stream.indirect.gather [spmem:s3], $0x20, s13, s17, $0xb8;
	[tilespmem:$0x1EE00] =	vst v63  }
0x96: {  	_ =	swait.ge [sflag:s31], $0x2000  }
0x97: {  	[sflag:s31] =	ssyncset.done $0x0  }
0x98: {  	s13 =	sadd.s32 $0xCB00, s6;
	[sflag:s31] =	ssyncadd.s32 $0xFFFFE000  }
0x99: {  	[spmem:s1] =	stream.indirect.scatter.add.f32 [tilespmem:s0], [sflag:$0xE], $0x20, s13, s17, $0xb8;
	[tilespmem:$0x1EE00] =	vst v63  }
0x9a: {  	_ =	swait.ge [sflag:s4], $0x2000  }
0x9b: {  	[sflag:s4] =	ssyncset.done $0x0  }
0x9c: {  	s13 =	sadd.s32 $0xA700, s6;
	[sflag:s4] =	ssyncadd.s32 $0xFFFFE000  }
0x9d: {  	[tilespmem:s20], [sflag:$0x2] =	stream.indirect.gather [spmem:s3], $0x20, s13, s17, $0xb8;
	[tilespmem:$0x1EE00] =	vst v63  }
0x9e: {  	_ =	swait.ge [sflag:s5], $0x2000  }
0x9f: {  	[sflag:s5] =	ssyncset.done $0x0  }
0xa0: {  	s13 =	sadd.s32 $0xCC00, s6;
	[sflag:s5] =	ssyncadd.s32 $0xFFFFE000  }
0xa1: {  	[spmem:s1] =	stream.indirect.scatter.add.f32 [tilespmem:s23], [sflag:$0xF], $0x20, s13, s17, $0xb8;
	[tilespmem:$0x1EE00] =	vst v63  }
0xa2: {  	_ =	swait.ge [sflag:s7], $0x2000  }
0xa3: {  	[sflag:s7] =	ssyncset.done $0x0  }
0xa4: {  	s13 =	sadd.s32 $0xA800, s6;
	[sflag:s7] =	ssyncadd.s32 $0xFFFFE000  }
0xa5: {  	[tilespmem:s22], [sflag:$0x3] =	stream.indirect.gather [spmem:s3], $0x20, s13, s17, $0xb8;
	[tilespmem:$0x1EE00] =	vst v63  }
0xa6: {  	_ =	swait.ge [sflag:s8], $0x2000  }
0xa7: {  	[sflag:s8] =	ssyncset.done $0x0  }
0xa8: {  	s13 =	sadd.s32 $0xCD00, s6;
	[sflag:s8] =	ssyncadd.s32 $0xFFFFE000  }
0xa9: {  	[spmem:s1] =	stream.indirect.scatter.add.f32 [tilespmem:s19], [sflag:$0x10], $0x20, s13, s17, $0xb8;
	[tilespmem:$0x1EE00] =	vst v63  }
0xaa: {  	_ =	swait.ge [sflag:s15], $0x2000  }
0xab: {  	[sflag:s15] =	ssyncset.done $0x0  }
0xac: {  	s13 =	sadd.s32 $0xA900, s6;
	[sflag:s15] =	ssyncadd.s32 $0xFFFFE000  }
0xad: {  	[tilespmem:s24], [sflag:$0x4] =	stream.indirect.gather [spmem:s3], $0x20, s13, s17, $0xb8;
	[tilespmem:$0x1EE00] =	vst v63  }
0xae: {  	_ =	swait.ge [sflag:s25], $0x2000  }
0xaf: {  	[sflag:s25] =	ssyncset.done $0x0  }
0xb0: {  	s13 =	sadd.s32 $0xCE00, s6;
	[sflag:s25] =	ssyncadd.s32 $0xFFFFE000  }
0xb1: {  	[spmem:s1] =	stream.indirect.scatter.add.f32 [tilespmem:s18], [sflag:$0x9], $0x20, s13, s17, $0xb8;
	[tilespmem:$0x1EE00] =	vst v63  }
0xb2: {  	_ =	swait.ge [sflag:s9], $0x2000  }
0xb3: {  	[sflag:s9] =	ssyncset.done $0x0  }
0xb4: {  	s13 =	sadd.s32 $0xAA00, s6;
	[sflag:s9] =	ssyncadd.s32 $0xFFFFE000  }
0xb5: {  	[tilespmem:s28], [sflag:$0x5] =	stream.indirect.gather [spmem:s3], $0x20, s13, s17, $0xb8;
	[tilespmem:$0x1EE00] =	vst v63  }
0xb6: {  	_ =	swait.ge [sflag:s29], $0x2000  }
0xb7: {  	[sflag:s29] =	ssyncset.done $0x0  }
0xb8: {  	s13 =	sadd.s32 $0xCF00, s6;
	[sflag:s29] =	ssyncadd.s32 $0xFFFFE000  }
0xb9: {  	[spmem:s1] =	stream.indirect.scatter.add.f32 [tilespmem:s20], [sflag:$0xA], $0x20, s13, s17, $0xb8;
	[tilespmem:$0x1EE00] =	vst v63  }
0xba: {  	_ =	swait.ge [sflag:s10], $0x2000  }
0xbb: {  	[sflag:s10] =	ssyncset.done $0x0  }
0xbc: {  	s13 =	sadd.s32 $0xAB00, s6;
	[sflag:s10] =	ssyncadd.s32 $0xFFFFE000  }
0xbd: {  	[tilespmem:s0], [sflag:$0x6] =	stream.indirect.gather [spmem:s3], $0x20, s13, s17, $0xb8;
	[tilespmem:$0x1EE00] =	vst v63  }
0xbe: {  	_ =	swait.ge [sflag:s2], $0x2000  }
0xbf: {  	[sflag:s2] =	ssyncset.done $0x0  }
0xc0: {  	s13 =	sadd.s32 $0xD000, s6;
	[sflag:s2] =	ssyncadd.s32 $0xFFFFE000  }
0xc1: {  	[spmem:s1] =	stream.indirect.scatter.add.f32 [tilespmem:s22], [sflag:$0xB], $0x20, s13, s17, $0xb8;
	[tilespmem:$0x1EE00] =	vst v63  }
0xc2: {  	_ =	swait.ge [sflag:s16], $0x2000  }
0xc3: {  	[sflag:s16] =	ssyncset.done $0x0  }
0xc4: {  	s13 =	sadd.s32 $0xAC00, s6;
	[sflag:s16] =	ssyncadd.s32 $0xFFFFE000  }
0xc5: {  	[tilespmem:s23], [sflag:$0x7] =	stream.indirect.gather [spmem:s3], $0x20, s13, s17, $0xb8;
	[tilespmem:$0x1EE00] =	vst v63  }
0xc6: {  	_ =	swait.ge [sflag:s26], $0x2000  }
0xc7: {  	[sflag:s26] =	ssyncset.done $0x0  }
.Ltmp0:
0xc8: {  	s13 =	sadd.s32 $0xD100, s6;
	[sflag:s26] =	ssyncadd.s32 $0xFFFFE000;
	(pc) =	sbr.rel @p0 .LBB2_2-.Ltmp0, $4  }
0xc9: {  	[spmem:s1] =	stream.indirect.scatter.add.f32 [tilespmem:s24], [sflag:$0xC], $0x20, s13, s17, $0xb8;
	[tilespmem:$0x1EE00] =	vst v63  }
0xca: {  	_ =	swait.ge [sflag:s11], $0x2000  }
0xcb: {  	[sflag:s11] =	ssyncset.done $0x0  }
0xcc: {  	s6 =	sadd.s32 $0xAD00, s6;
	[sflag:s11] =	ssyncadd.s32 $0xFFFFE000  }
0xcd: {  	[tilespmem:s19], [sflag:$0x8] =	stream.indirect.gather [spmem:s3], $0x20, s6, s17, $0xb8;
	[tilespmem:$0x1EE00] =	vst v63  }
0xce: {  	_ =	swait.ge [sflag:s21], $0x2000  }
0xcf: {  	[sflag:s21] =	ssyncset.done $0x0  }
0xd0: {  	s13 =	simm.s32 $0xEA00;
	[sflag:s21] =	ssyncadd.s32 $0xFFFFE000  }
0xd1: {  	[spmem:s1] =	stream.indirect.scatter.add.f32 [tilespmem:s28], [sflag:$0xD], $0x20, s13, s17, $0xb8;
	[tilespmem:$0x1EE00] =	vst v63  }
0xd2: {  	_ =	swait.ge [sflag:s31], $0x2000  }
0xd3: {  	[sflag:s31] =	ssyncset.done $0x0  }
0xd4: {  	s14 =	simm.s32 $0xEB00;
	[sflag:s31] =	ssyncadd.s32 $0xFFFFE000  }
0xd5: {  	[spmem:s1] =	stream.indirect.scatter.add.f32 [tilespmem:s0], [sflag:$0xE], $0x20, s14, s17, $0xb8;
	[tilespmem:$0x1EE00] =	vst v63  }
0xd6: {  	_ =	swait.ge [sflag:s5], $0x2000  }
0xd7: {  	[sflag:s5] =	ssyncset.done $0x0  }
0xd8: {  	s12 =	simm.s32 $0xEC00;
	[sflag:s5] =	ssyncadd.s32 $0xFFFFE000  }
0xd9: {  	[spmem:s1] =	stream.indirect.scatter.add.f32 [tilespmem:s23], [sflag:$0xF], $0x20, s12, s17, $0xb8;
	[tilespmem:$0x1EE00] =	vst v63  }
0xda: {  	_ =	swait.ge [sflag:s8], $0x2000  }
0xdb: {  	[sflag:s8] =	ssyncset.done $0x0  }
0xdc: {  	s13 =	simm.s32 $0xED00;
	[sflag:s8] =	ssyncadd.s32 $0xFFFFE000  }
0xdd: {  	[spmem:s1] =	stream.indirect.scatter.add.f32 [tilespmem:s19], [sflag:$0x10], $0x20, s13, s17, $0xb8;
	[tilespmem:$0x1EE00] =	vst v63  }
0xde: {  	_ =	swait.ge [sflag:s30], $0x2000  }
0xdf: {  	[sflag:s30] =	ssyncset.done $0x0  }
0xe0: {  	[sflag:s30] =	ssyncadd.s32 $0xFFFFE000  }
0xe1: {  	_ =	swait.ge [sflag:s4], $0x2000  }
0xe2: {  	[sflag:s4] =	ssyncset.done $0x0  }
0xe3: {  	[sflag:s4] =	ssyncadd.s32 $0xFFFFE000  }
0xe4: {  	_ =	swait.ge [sflag:s7], $0x2000  }
0xe5: {  	[sflag:s7] =	ssyncset.done $0x0  }
0xe6: {  	[sflag:s7] =	ssyncadd.s32 $0xFFFFE000  }
0xe7: {  	_ =	swait.ge [sflag:s15], $0x2000  }
0xe8: {  	[sflag:s15] =	ssyncset.done $0x0  }
0xe9: {  	[sflag:s15] =	ssyncadd.s32 $0xFFFFE000  }
0xea: {  	_ =	swait.ge [sflag:s9], $0x2000  }
0xeb: {  	[sflag:s9] =	ssyncset.done $0x0  }
0xec: {  	[sflag:s9] =	ssyncadd.s32 $0xFFFFE000  }
0xed: {  	_ =	swait.ge [sflag:s10], $0x2000  }
0xee: {  	[sflag:s10] =	ssyncset.done $0x0  }
0xef: {  	[sflag:s10] =	ssyncadd.s32 $0xFFFFE000  }
0xf0: {  	_ =	swait.ge [sflag:s16], $0x2000  }
0xf1: {  	[sflag:s16] =	ssyncset.done $0x0  }
0xf2: {  	[sflag:s16] =	ssyncadd.s32 $0xFFFFE000  }
0xf3: {  	_ =	swait.ge [sflag:s11], $0x2000  }
0xf4: {  	[sflag:s11] =	ssyncset.done $0x0  }
0xf5: {  	[sflag:s11] =	ssyncadd.s32 $0xFFFFE000  }
0xf6: {  	[bflag:$0x0] =	sbarrier.arrive $0xFFFF  }
0xf7: {  	s12 =	rddreg [dreg:$0x5]  }
0xf8: {  	s14 =	rddreg [dreg:$0x9]  }
0xf9: {  	s6 =	simm.s32 $0x11;
	s13 =	rddreg [dreg:$0xb]  }
0xfa: {  	[hbm:s14], [sflag:s12] =	dma.local [spmem:s13], $0x9E0  }
0xfb: {  	_ =	swait.ge [sflag:s6], $0x9E0  }
0xfc: {  	s14 =	rddreg [dreg:$0xd]  }
0xfd: {  	[sflag:s6] =	ssyncset.done $0x0;
	s6 =	rddreg [dreg:$0xa];
	s14 =	sadd.s32 $0x1, s14  }
0xfe: {  	p0 =	sne.s32 s14, s6  }
.Ltmp1:
0xff: {  	_ = 	snop;
	(pc) =	sbr.rel @p0 .LBB2_1-.Ltmp1, $3  }
0x100: {  	_ =	sdelay $0x1  }
0x101: {  	s6 =	simm.s32 $0x11  }
0x102: {  	[sflag:s6] =	ssyncadd.s32 $0xFFFFF620  }
0x103: {  	_ =	sfence.sel $0x180000  }
0x104: {  	[bflag:$0x0] =	sbarrier.arrive $0xFFFF  }
0x105: {  	_ =	strace $0x9000004A  }
0x106: {  	s0 =	stileid.u32;
	[bflag:$0x2] =	sbarrier.arrive $0xFFFF  }
0x107: {  	p0 =	sne.s32 s0, $0x0;
	s0 =	rddreg [dreg:$0x3]  }
0x108: {  	s0 =	sadd.s32 @!p0 $0x100000, s0  }
0x109: {  	[sflag:s0] =	ssyncadd.tile.s32 @!p0 $0x1;
	_ =	shalt  }
.Lfunc_end2:
_tile_overlayer_lowered:
.L_overlay_start_2:
0x10a: {  	(tag) =	ssettag $0x2  }
0x10b: {  	s0 =	rddreg [dreg:$0x0];
	s2 =	stileid.u32  }
0x10c: {  	s1 =	rddreg [dreg:$0x1];
	p0 =	sne.s32 s2, $0x0  }
0x10d: {  	s3 =	rddreg [dreg:$0x2];
	[bflag:$0x3] =	sbarrier.arrive $0xFFFF;
	s2 =	simm.s32 @!p0 $0x1C11  }
0x10e: {  	[timem:s3], [sflag:s2] =	dma.local @!p0 [hbm:s0], s1  }
0x10f: {  	s0 =	simm.s32 @!p0 $0x11  }
0x110: {  	_ =	swait.ge @!p0 [sflag:s0], s1  }
0x111: {  	s1 =	ssub.s32 @!p0 $0x0, s1;
	[sflag:s0] =	ssyncset.done @!p0 $0x0  }
0x112: {  	[sflag:s0] =	ssyncadd.s32 @!p0 s1  }
0x113: {  	[bflag:$0x3] =	sbarrier.arrive $0xFFFF  }
0x114: {  	_ =	shalt  }

// kernel: kernel.15.cloned.1.call-start
scs
__scs_entry_jumppad:
0x0: {  	(pc) =	sbr.rel $0x88, $3  }
0x1: {  	(tag) =	ssettag $0x0;
	lr =	simm.s32 $0x1  }
0x2: {  	[smem:$0x3F93] =	sst lr;
	_ =	strace $0xD0000000  }
0x3: {  	_ = 	snop  }
0x4: {  	_ = 	snop  }
0x5: {  	_ = 	snop  }
0x6: {  	_ = 	snop  }
0x7: {  	_ = 	snop  }
__scs_overlays_trampoline_lowered:
0x8: {  	[smem:$0x3FA2] =	sst s0  }
0x9: {  	[smem:$0x3FA3] =	sst s1  }
0xa: {  	[smem:$0x3FA4] =	sst s2  }
0xb: {  	[smem:$0x3FA5] =	sst s3  }
0xc: {  	[smem:$0x3FA6] =	sst s4  }
0xd: {  	[smem:$0x3FA7] =	sst s5  }
0xe: {  	[smem:$0x3FA8] =	sst s6  }
0xf: {  	[smem:$0x3FA9] =	sst s7  }
0x10: {  	[smem:$0x3FAA] =	sst s8  }
0x11: {  	[smem:$0x3FAB] =	sst s9;
	s0 =	simm.s32 @!p0 $0x0  }
0x12: {  	s1 =	sld [smem:$0x3F91];
	s0 =	simm.s32 @p0 $0x1  }
0x13: {  	[smem:$0x3FAC] =	sst s0;
	s0 =	simm.s32 @!p1 $0x0  }
0x14: {  	s2 =	sld [smem:$0x3F90];
	s0 =	simm.s32 @p1 $0x1  }
0x15: {  	[smem:$0x3FAD] =	sst s0;
	s0 =	simm.s32 @!p2 $0x0  }
0x16: {  	s3 =	sld [smem:$0x3FDB];
	s0 =	simm.s32 @p2 $0x1  }
0x17: {  	s4 =	simm.s32 $0x1BF5;
	[smem:$0x3FAF] =	sst s0  }
0x18: {  	s0 =	sld [smem:$0x3F92];
	_ =	swait.ge [sflag:s4], $0x0  }
0x19: {  	s7 =	sld [smem:$0x3F93]  }
0x1a: {  	s8 =	sadd.s32 $0xFFFFE003, lr  }
0x1b: {  	s9 =	sadd.s32 $0xFFFFFEF7, lr;
	s5 =	simm.s32 $0xFFFFFFFF;
	p2 =	slt.u32 s8, $0xFFFFF086  }
0x1c: {  	p1 =	slt.u32 s9, $0xF7A;
	s5 =	simm.s32 @!p2 $0x0  }
0x1d: {  	s5 =	simm.s32 @p1 $0x1;
	p0 =	seq.s32 s7, s2  }
0x1e: {  	s7 =	smul.u32 @!p0 $0xF7A, s2;
	p2 =	seq.s32 @!p0 s5, $0x0  }
0x1f: {  	s9 =	smul.u32 $0xF7A, s1;
	s8 =	simm.s32 @!p0 $0x1BF5;
	p2 =	por !p2, p0  }
0x20: {  	[sflag:s8] =	ssyncset.s32 @!p0 $0xFFFFF086;
	s6 =	sadd.s32 @!p0 s3, s7;
	s7 =	simm.s32 @!p0 $0x108  }
0x21: {  	s3 =	sadd.s32 s3, s9;
	s6 =	sadd.s32 @!p0 $0x88, s6;
	s7 =	simm.s32 @p2 $0x1082  }
0x22: {  	[simem:s7], [sflag:s8] =	dma.local @!p0 [hbm:s6], $0xF7A  }
0x23: {  	s9 =	sor.u32 $0xD0000000, s2;
	s6 =	simm.s32 $0x108;
	_ =	swait.ge @!p0 [sflag:s8], $0x0  }
0x24: {  	s3 =	sadd.s32 $0x88, s3;
	s6 =	simm.s32 @!p1 $0x1082;
	[sflag:s4] =	ssyncset.s32 $0xFFFFF086  }
0x25: {  	[simem:s6], [sflag:s4] =	dma.local [hbm:s3], $0xF7A  }
0x26: {  	[smem:$0x3F93] =	sst s1;
	(tag) =	ssettag s2;
	_ =	strace s9  }
0x27: {  	s1 =	sld [smem:$0x3FA3]  }
0x28: {  	s2 =	sld [smem:$0x3FA4]  }
0x29: {  	s4 =	sld [smem:$0x3FA6]  }
0x2a: {  	p0 =	seq.s32 s5, $0x0;
	s5 =	sld [smem:$0x3FA7]  }
0x2b: {  	s6 =	sld [smem:$0x3FA8]  }
0x2c: {  	s7 =	sld [smem:$0x3FA9]  }
0x2d: {  	s3 =	simm.s32 $0x108;
	s8 =	sld [smem:$0x3FAA]  }
0x2e: {  	s3 =	simm.s32 @!p0 $0x1082;
	s9 =	sld [smem:$0x3FAB]  }
0x2f: {  	lr =	sadd.s32 s0, s3;
	s0 =	sld [smem:$0x3FA2]  }
0x30: {  	s3 =	sld [smem:$0x3FA5]  }
0x31: {  	[smem:$0x3FAE] =	sst s10  }
0x32: {  	s10 =	sld [smem:$0x3FAC];
	_ =	sdelay $0x3  }
0x33: {  	p0 =	seq.s32 s10, $0x1;
	s10 =	sld [smem:$0x3FAE];
	_ =	sdelay $0x3  }
0x34: {  	[smem:$0x3FAE] =	sst s10  }
0x35: {  	s10 =	sld [smem:$0x3FAD];
	_ =	sdelay $0x3  }
0x36: {  	p1 =	seq.s32 s10, $0x1;
	s10 =	sld [smem:$0x3FAE];
	_ =	sdelay $0x3  }
0x37: {  	[smem:$0x3FAE] =	sst s10  }
0x38: {  	s10 =	sld [smem:$0x3FAF]  }
0x39: {  	_ = 	snop;
	(pc) =	sbr.ind lr, $3  }
0x3a: {  	_ = 	snop  }
0x3b: {  	_ = 	snop  }
0x3c: {  	p2 =	seq.s32 s10, $0x1;
	s10 =	sld [smem:$0x3FAE]  }
0x3d: {  	_ =	shalt  }
0x3e: {  	_ =	shalt  }
0x3f: {  	_ =	shalt  }
0x40: {  	_ =	shalt  }
0x41: {  	_ =	shalt  }
0x42: {  	_ =	shalt  }
0x43: {  	_ =	shalt  }
0x44: {  	_ =	shalt  }
0x45: {  	_ =	shalt  }
0x46: {  	_ =	shalt  }
0x47: {  	_ =	shalt  }
0x48: {  	_ =	shalt  }
0x49: {  	_ =	shalt  }
0x4a: {  	_ =	shalt  }
0x4b: {  	_ =	shalt  }
0x4c: {  	_ =	shalt  }
0x4d: {  	_ =	shalt  }
0x4e: {  	_ =	shalt  }
0x4f: {  	_ =	shalt  }
0x50: {  	_ =	shalt  }
0x51: {  	_ =	shalt  }
0x52: {  	_ =	shalt  }
0x53: {  	_ =	shalt  }
0x54: {  	_ =	shalt  }
0x55: {  	_ =	shalt  }
0x56: {  	_ =	shalt  }
0x57: {  	_ =	shalt  }
0x58: {  	_ =	shalt  }
0x59: {  	_ =	shalt  }
0x5a: {  	_ =	shalt  }
0x5b: {  	_ =	shalt  }
0x5c: {  	_ =	shalt  }
0x5d: {  	_ =	shalt  }
0x5e: {  	_ =	shalt  }
0x5f: {  	_ =	shalt  }
0x60: {  	_ =	shalt  }
0x61: {  	_ =	shalt  }
0x62: {  	_ =	shalt  }
0x63: {  	_ =	shalt  }
0x64: {  	_ =	shalt  }
0x65: {  	_ =	shalt  }
0x66: {  	_ =	shalt  }
0x67: {  	_ =	shalt  }
0x68: {  	_ =	shalt  }
0x69: {  	_ =	shalt  }
0x6a: {  	_ =	shalt  }
0x6b: {  	_ =	shalt  }
0x6c: {  	_ =	shalt  }
0x6d: {  	_ =	shalt  }
0x6e: {  	_ =	shalt  }
0x6f: {  	_ =	shalt  }
0x70: {  	_ =	shalt  }
0x71: {  	_ =	shalt  }
0x72: {  	_ =	shalt  }
0x73: {  	_ =	shalt  }
0x74: {  	_ =	shalt  }
0x75: {  	_ =	shalt  }
0x76: {  	_ =	shalt  }
0x77: {  	_ =	shalt  }
0x78: {  	_ =	shalt  }
0x79: {  	_ =	shalt  }
0x7a: {  	_ =	shalt  }
0x7b: {  	_ =	shalt  }
0x7c: {  	_ =	shalt  }
0x7d: {  	_ =	shalt  }
0x7e: {  	_ =	shalt  }
0x7f: {  	_ =	shalt  }
0x80: {  	_ =	shalt  }
0x81: {  	_ =	shalt  }
0x82: {  	_ =	shalt  }
0x83: {  	_ =	shalt  }
0x84: {  	_ =	shalt  }
0x85: {  	_ =	shalt  }
0x86: {  	_ =	shalt  }
0x87: {  	_ =	shalt  }
.Lfunc_end0:
.L_simem_size_0:
called_computation.2_lowered:
.L_overlay_start_0:
0x88: {  	s2 =	sld [smem:$0x3FD9]  }
0x89: {  	s3 =	sld [smem:$0x3FFE];
	_ =	sdelay $0x1  }
0x8a: {  	s1 =	srdreg.scid  }
0x8b: {  	s0 =	sand.u32 $0x1, s1  }
0x8c: {  	s16 =	sshll.u32 s0, $0xA;
	s2 =	sadd.s32 s3, s2  }
0x8d: {  	s2 =	sadd.s32 s2, s16  }
0x8e: {  	[smem:$0x3FBA] =	sst s2  }
0x8f: {  	_ = 	snop  }
0x90: {  	(tm) =	ssettm $0x1  }
0x91: {  	s17 =	sld [smem:$0x3FFB];
	_ =	sdelay $0x3  }
0x92: {  	_ =	strace s17  }
0x93: {  	s2 =	sld [smem:$0x3FFC];
	_ =	sdelay $0x3  }
0x94: {  	_ =	strace s2  }
0x95: {  	s2 =	sld [smem:$0x3FFD];
	_ =	sdelay $0x3  }
0x96: {  	_ =	strace s2  }
0x97: {  	_ =	strace $0x8FFFFFFF  }
0x98: {  	s18 =	sld [smem:$0x3FDB];
	_ =	sdelay $0x1  }
0x99: {  	s19 =	simm.s32 $_scs_section_size  }
0x9a: {  	s4 =	simm.s32 $_size__tile_overlayer_lowered;
	s5 =	simm.s32 $_tile_overlayer_lowered  }
0x9b: {  	s22 =	simm.s32 $0x1BFF;
	s21 =	sshll.u32 s5, $0x1;
	s2 =	sadd.s32 s19, s18  }
0x9c: {  	s6 =	simm.s32 $0x0;
	s20 =	sshll.u32 s4, $0x1;
	s4 =	sadd.s32 s21, s2  }
0x9d: {  	[timem:s6], [sflag:s22] =	dma.local [hbm:s4], s20  }
0x9e: {  	_ =	swait.ge [sflag:s22], s20  }
0x9f: {  	s3 =	ssub.s32 $0x0, s20;
	[sflag:s22] =	ssyncset.done $0x0  }
0xa0: {  	[sflag:s22] =	ssyncadd.s32 s3;
	_ =	sdelay $0x1  }
0xa1: {  	s23 =	simm.s32 $0x1B8B  }
0xa2: {  	_ =	swait.ge [sflag:s23], $0x1  }
0xa3: {  	[sflag:s23] =	ssyncset.done $0x0  }
0xa4: {  	s25 =	simm.s32 $0x1B8E;
	s24 =	sld [smem:$0x3FFE];
	[sflag:s23] =	ssyncadd.s32 $0xFFFFFFFF  }
0xa5: {  	s26 =	simm.s32 $execute0_lowered;
	[smem:$0x3FD2] =	sst s25  }
0xa6: {  	s4 =	sshll.u32 s26, $0x1;
	_ =	strace $0x8000004C;
	[dreg:$0x1] =	wrdreg $0xFFFFFFFF  }
0xa7: {  	s28 =	simm.s32 $_size_execute0_lowered;
	s2 =	sadd.s32 s2, s4;
	[dreg:$0x0] =	wrdreg $0x0  }
0xa8: {  	s4 =	sshll.u32 s28, $0x1;
	[dreg:$0x2] =	wrdreg s2  }
0xa9: {  	[dreg:$0x3] =	wrdreg s4  }
0xaa: {  	[dreg:$0x4] =	wrdreg $0xC0  }
0xab: {  	_ =	task [dreg:s6], $0x5FFFF  }
0xac: {  	[dreg:$0x1] =	wrdreg $0xFFFFFFFF  }
0xad: {  	[dreg:$0x0] =	wrdreg $0x60  }
0xae: {  	[dreg:$0x2] =	wrdreg s24  }
0xaf: {  	[dreg:$0x3] =	wrdreg $0x0  }
0xb0: {  	[dreg:$0x4] =	wrdreg $0x4F000  }
0xb1: {  	[dreg:$0x5] =	wrdreg $0x9  }
0xb2: {  	_ =	task.clear_ibuf [dreg:s6], $0x6FFFF;
	_ =	strace $0x9000004C  }
0xb3: {  	s29 =	simm.s32 $0x9;
	_ =	strace $0x8000004E  }
0xb4: {  	_ =	swait.ge [sflag:s29], $0x1  }
0xb5: {  	[sflag:s29] =	ssyncadd.s32 $0xFFFFFFFF  }
0xb6: {  	_ =	strace $0x9000004E  }
0xb7: {  	_ =	sfence  }
0xb8: {  	s30 =	sld [smem:$0x0];
	_ =	sdelay $0x2  }
0xb9: {  	s31 =	sshll.u32 s1, $0xD;
	s1 =	sshrl.u32 s1, $0x2  }
0xba: {  	s3 =	sand.u32 $0x4000, s31;
	s1 =	sadd.s32 s1, s30  }
0xbb: {  	s0 =	sor.u32 s3, s0;
	s1 =	sshll.u32 s1, $0x11  }
0xbc: {  	s0 =	sor.u32 s1, s0  }
0xbd: {  	s0 =	sadd.s32 $0x8F2B, s0  }
0xbe: {  	[sflag:s0] =	ssyncadd.remote.s32 $0x1  }
0xbf: {  	_ =	sfence.sel $0xFFFF  }
0xc0: {  	[dreg:$0x0] =	wrdreg $0xFFFFFFFF;
	(pc) =	sbr.abs _section_cstart, $3  }
0xc1: {  	[dreg:$0x1] =	wrdreg $0xFFFFFFFF  }
0xc2: {  	_ =	task.clear_ibuf [dreg:s6], $0x2FFFF;
	_ =	strace $0x9FFFFFFF  }
0xc3: {  	(tm) =	ssettm $0x7FFFFFFF  }
tec
execute0_lowered:
.L_overlay_start_1:
0x0: {  	(tag) =	ssettag $0x1  }
0x1: {  	s0 =	rddreg [dreg:$0x0]  }
0x2: {  	s1 =	rddreg [dreg:$0x1]  }
0x3: {  	s3 =	rddreg [dreg:$0x2];
	s6 =	simm.s32 $0x0  }
0x4: {  	s2 =	srdreg.scid;
	s11 =	stileid.u32;
	s17 =	simm.s32 $0x100  }
0x5: {  	s28 =	simm.s32 $0x16E00;
	s29 =	simm.s32 $0x2;
	s30 =	simm.s32 $0x9  }
0x6: {  	s31 =	simm.s32 $0x6;
	s15 =	simm.s32 $0xC;
	s16 =	simm.s32 $0xF  }
0x7: {  	s14 =	simm.s32 $0x0;
	s2 =	sand.u32 $0x1, s2;
	s4 =	sshll.u32 s11, $0x1  }
0x8: {  	s5 =	smul.u32 $0x4F00, s11;
	[smem:$0x7FF] =	sst s6;
	s7 =	sadd.s32 $0x2400, s0  }
0x9: {  	s10 =	smul.u32 $0x9E0, s11;
	s21 =	sshll.u32 s11, $0x6;
	s11 =	simm.s32 $0x10  }
0xa: {  	s4 =	sor.u32 s2, s4;
	s18 =	smul.u32 $0x4F000, s2;
	_ =	strace $0x8000004D  }
0xb: {  	s8 =	ssub.s32 $0x2, s2;
	s2 =	smul.u32 $0x9E00, s2;
	s12 =	sor.u32 $0x1C11, s21  }
0xc: {  	s21 =	simm.s32 $0x5;
	s4 =	smul.u32 $0x500, s4;
	s9 =	sshrl.u32 s8, $0x1  }
0xd: {  	s20 =	sadd.s32 s5, s1;
	s22 =	sshrl.u32 s5, $0x3;
	[dreg:$0x5] =	wrdreg s12  }
0xe: {  	s6 =	sadd.s32 s5, s18;
	s19 =	ssub.s32 s8, s9;
	s2 =	sadd.s32 s10, s2  }
0xf: {  	s5 =	sadd.s32 s5, s3;
	s13 =	sshrl.u32 s20, $0x3;
	s18 =	simm.s32 $0xEE00  }
0x10: {  	s20 =	simm.s32 $0x10E00;
	s8 =	simm.s32 $0x8;
	s9 =	simm.s32 $0xD  }
0x11: {  	s10 =	simm.s32 $0xE;
	s6 =	sshrl.u32 s6, $0x3;
	s4 =	sadd.s32 s4, s0  }
0x12: {  	s2 =	sadd.s32 s7, s2;
	s25 =	smax.u32 s19, $0x1;
	[dreg:$0xb] =	wrdreg s13  }
0x13: {  	s26 =	sshrl.u32 s5, $0x3;
	s19 =	simm.s32 $0x1CE00;
	[dreg:$0x4] =	wrdreg s2  }
0x14: {  	s5 =	simm.s32 $0x7;
	s0 =	sadd.s32 s6, s0;
	[dreg:$0xa] =	wrdreg s25  }
0x15: {  	s2 =	sadd.s32 s7, s22;
	s23 =	sadd.s32 $0x16000, s4;
	[dreg:$0xc] =	wrdreg s26  }
0x16: {  	s24 =	sadd.s32 $0x20000, s4;
	s22 =	simm.s32 $0x12E00;
	[dreg:$0x6] =	wrdreg s2  }
0x17: {  	s25 =	simm.s32 $0x1;
	s26 =	simm.s32 $0x4;
	[dreg:$0x7] =	wrdreg s23  }
0x18: {  	s4 =	simm.s32 $0xA;
	s7 =	simm.s32 $0xB;
	[dreg:$0x8] =	wrdreg s24  }
0x19: {  	s0 =	sadd.s32 $0x2A000, s0;
	s24 =	simm.s32 $0x14E00;
	s2 =	simm.s32 $0x3  }
0x1a: {  	s23 =	simm.s32 $0x1AE00;
	[dreg:$0x9] =	wrdreg s0;
	s0 =	simm.s32 $0x18E00  }
.LBB2_1:
0x1b: {  	[dreg:$0xd] =	wrdreg s14  }
0x1c: {  	s14 =	simm.s32 $0x11;
	s6 =	rddreg [dreg:$0x4]  }
0x1d: {  	[spmem:s13], [sflag:s12] =	dma.local [hbm:s6], $0x9E0  }
0x1e: {  	_ =	swait.ge [sflag:s14], $0x9E0  }
0x1f: {  	[sflag:s14] =	ssyncset.done $0x0;
	s6 =	rddreg [dreg:$0x6]  }
0x20: {  	s13 =	rddreg [dreg:$0xc];
	[sflag:s14] =	ssyncadd.s32 $0xFFFFF620  }
0x21: {  	[spmem:s13], [sflag:s12] =	dma.local [hbm:s6], $0x9E0  }
0x22: {  	_ =	swait.ge [sflag:s14], $0x9E0  }
0x23: {  	s6 =	simm.s32 $0x0;
	[sflag:s14] =	ssyncset.done $0x0  }
0x24: {  	s13 =	simm.s32 $0x9E00;
	s12 =	rddreg [dreg:$0x7];
	[sflag:s14] =	ssyncadd.s32 $0xFFFFF620  }
0x25: {  	[tilespmem:s13], [sflag:$0x11] =	stream.linear.gather [hbm4b:s12+s6], $0x2800, $0x38;
	[tilespmem:$0x1EE00] =	vst v63  }
0x26: {  	_ =	swait.ge [sflag:s14], $0x2800  }
0x27: {  	[sflag:s14] =	ssyncset.done $0x0  }
0x28: {  	s13 =	simm.s32 $0xC600;
	s12 =	rddreg [dreg:$0x8];
	[sflag:s14] =	ssyncadd.s32 $0xFFFFD800  }
0x29: {  	[tilespmem:s13], [sflag:$0x11] =	stream.linear.gather [hbm4b:s12+s6], $0x2800, $0x38;
	[tilespmem:$0x1EE00] =	vst v63  }
0x2a: {  	_ =	swait.ge [sflag:s14], $0x2800  }
0x2b: {  	[sflag:s14] =	ssyncset.done $0x0  }
0x2c: {  	[sflag:s14] =	ssyncadd.s32 $0xFFFFD800  }
0x2d: {  	s14 =	simm.s32 $0x9E00;
	[bflag:$0x0] =	sbarrier.arrive $0xFFFF  }
0x2e: {  	[tilespmem:s18], [sflag:$0x1] =	stream.indirect.gather [spmem:s3], $0x20, s14, s17, $0xb8;
	[tilespmem:$0x1EE00] =	vst v63  }
0x2f: {  	s13 =	simm.s32 $0x9F00  }
0x30: {  	[tilespmem:s20], [sflag:$0x2] =	stream.indirect.gather [spmem:s3], $0x20, s13, s17, $0xb8;
	[tilespmem:$0x1EE00] =	vst v63  }
0x31: {  	s14 =	simm.s32 $0xA000  }
0x32: {  	[tilespmem:s22], [sflag:$0x3] =	stream.indirect.gather [spmem:s3], $0x20, s14, s17, $0xb8;
	[tilespmem:$0x1EE00] =	vst v63  }
0x33: {  	s13 =	simm.s32 $0xA100  }
0x34: {  	[tilespmem:s24], [sflag:$0x4] =	stream.indirect.gather [spmem:s3], $0x20, s13, s17, $0xb8;
	[tilespmem:$0x1EE00] =	vst v63  }
0x35: {  	_ =	swait.ge [sflag:s25], $0x2000  }
0x36: {  	[sflag:s25] =	ssyncset.done $0x0  }
0x37: {  	s12 =	simm.s32 $0xC600;
	[sflag:s25] =	ssyncadd.s32 $0xFFFFE000  }
0x38: {  	[spmem:s1] =	stream.indirect.scatter.add.f32 [tilespmem:s18], [sflag:$0x9], $0x20, s12, s17, $0xb8;
	[tilespmem:$0x1EE00] =	vst v63  }
0x39: {  	s14 =	simm.s32 $0xA200  }
0x3a: {  	[tilespmem:s28], [sflag:$0x5] =	stream.indirect.gather [spmem:s3], $0x20, s14, s17, $0xb8;
	[tilespmem:$0x1EE00] =	vst v63  }
0x3b: {  	_ =	swait.ge [sflag:s29], $0x2000  }
0x3c: {  	[sflag:s29] =	ssyncset.done $0x0  }
0x3d: {  	s12 =	simm.s32 $0xC700;
	[sflag:s29] =	ssyncadd.s32 $0xFFFFE000  }
0x3e: {  	[spmem:s1] =	stream.indirect.scatter.add.f32 [tilespmem:s20], [sflag:$0xA], $0x20, s12, s17, $0xb8;
	[tilespmem:$0x1EE00] =	vst v63  }
0x3f: {  	s13 =	simm.s32 $0xA300  }
0x40: {  	[tilespmem:s0], [sflag:$0x6] =	stream.indirect.gather [spmem:s3], $0x20, s13, s17, $0xb8;
	[tilespmem:$0x1EE00] =	vst v63  }
0x41: {  	_ =	swait.ge [sflag:s2], $0x2000  }
0x42: {  	[sflag:s2] =	ssyncset.done $0x0  }
0x43: {  	s14 =	simm.s32 $0xC800;
	[sflag:s2] =	ssyncadd.s32 $0xFFFFE000  }
0x44: {  	[spmem:s1] =	stream.indirect.scatter.add.f32 [tilespmem:s22], [sflag:$0xB], $0x20, s14, s17, $0xb8;
	[tilespmem:$0x1EE00] =	vst v63  }
0x45: {  	s12 =	simm.s32 $0xA400  }
0x46: {  	[tilespmem:s23], [sflag:$0x7] =	stream.indirect.gather [spmem:s3], $0x20, s12, s17, $0xb8;
	[tilespmem:$0x1EE00] =	vst v63  }
0x47: {  	_ =	swait.ge [sflag:s26], $0x2000  }
0x48: {  	[sflag:s26] =	ssyncset.done $0x0  }
0x49: {  	s13 =	simm.s32 $0xC900;
	[sflag:s26] =	ssyncadd.s32 $0xFFFFE000  }
0x4a: {  	[spmem:s1] =	stream.indirect.scatter.add.f32 [tilespmem:s24], [sflag:$0xC], $0x20, s13, s17, $0xb8;
	[tilespmem:$0x1EE00] =	vst v63  }
0x4b: {  	s14 =	simm.s32 $0xA500  }
0x4c: {  	[tilespmem:s19], [sflag:$0x8] =	stream.indirect.gather [spmem:s3], $0x20, s14, s17, $0xb8;
	[tilespmem:$0x1EE00] =	vst v63  }
0x4d: {  	_ =	swait.ge [sflag:s21], $0x2000  }
0x4e: {  	[sflag:s21] =	ssyncset.done $0x0  }
0x4f: {  	s12 =	simm.s32 $0xCA00;
	[sflag:s21] =	ssyncadd.s32 $0xFFFFE000  }
0x50: {  	[spmem:s1] =	stream.indirect.scatter.add.f32 [tilespmem:s28], [sflag:$0xD], $0x20, s12, s17, $0xb8;
	[tilespmem:$0x1EE00] =	vst v63  }
0x51: {  	_ =	swait.ge [sflag:s30], $0x2000  }
0x52: {  	[sflag:s30] =	ssyncset.done $0x0  }
0x53: {  	s13 =	simm.s32 $0xA600;
	[sflag:s30] =	ssyncadd.s32 $0xFFFFE000  }
0x54: {  	[tilespmem:s18], [sflag:$0x1] =	stream.indirect.gather [spmem:s3], $0x20, s13, s17, $0xb8;
	[tilespmem:$0x1EE00] =	vst v63  }
0x55: {  	_ =	swait.ge [sflag:s31], $0x2000  }
0x56: {  	[sflag:s31] =	ssyncset.done $0x0  }
0x57: {  	s14 =	simm.s32 $0xCB00;
	[sflag:s31] =	ssyncadd.s32 $0xFFFFE000  }
0x58: {  	[spmem:s1] =	stream.indirect.scatter.add.f32 [tilespmem:s0], [sflag:$0xE], $0x20, s14, s17, $0xb8;
	[tilespmem:$0x1EE00] =	vst v63  }
0x59: {  	_ =	swait.ge [sflag:s4], $0x2000  }
0x5a: {  	[sflag:s4] =	ssyncset.done $0x0  }
0x5b: {  	s12 =	simm.s32 $0xA700;
	[sflag:s4] =	ssyncadd.s32 $0xFFFFE000  }
0x5c: {  	[tilespmem:s20], [sflag:$0x2] =	stream.indirect.gather [spmem:s3], $0x20, s12, s17, $0xb8;
	[tilespmem:$0x1EE00] =	vst v63  }
0x5d: {  	_ =	swait.ge [sflag:s5], $0x2000  }
0x5e: {  	[sflag:s5] =	ssyncset.done $0x0  }
0x5f: {  	s13 =	simm.s32 $0xCC00;
	[sflag:s5] =	ssyncadd.s32 $0xFFFFE000  }
0x60: {  	[spmem:s1] =	stream.indirect.scatter.add.f32 [tilespmem:s23], [sflag:$0xF], $0x20, s13, s17, $0xb8;
	[tilespmem:$0x1EE00] =	vst v63  }
0x61: {  	_ =	swait.ge [sflag:s7], $0x2000  }
0x62: {  	[sflag:s7] =	ssyncset.done $0x0  }
0x63: {  	s14 =	simm.s32 $0xA800;
	[sflag:s7] =	ssyncadd.s32 $0xFFFFE000  }
0x64: {  	[tilespmem:s22], [sflag:$0x3] =	stream.indirect.gather [spmem:s3], $0x20, s14, s17, $0xb8;
	[tilespmem:$0x1EE00] =	vst v63  }
0x65: {  	_ =	swait.ge [sflag:s8], $0x2000  }
0x66: {  	[sflag:s8] =	ssyncset.done $0x0  }
0x67: {  	s12 =	simm.s32 $0xCD00;
	[sflag:s8] =	ssyncadd.s32 $0xFFFFE000  }
0x68: {  	[spmem:s1] =	stream.indirect.scatter.add.f32 [tilespmem:s19], [sflag:$0x10], $0x20, s12, s17, $0xb8;
	[tilespmem:$0x1EE00] =	vst v63  }
0x69: {  	_ =	swait.ge [sflag:s15], $0x2000  }
0x6a: {  	[sflag:s15] =	ssyncset.done $0x0  }
0x6b: {  	s13 =	simm.s32 $0xA900;
	[sflag:s15] =	ssyncadd.s32 $0xFFFFE000  }
0x6c: {  	[tilespmem:s24], [sflag:$0x4] =	stream.indirect.gather [spmem:s3], $0x20, s13, s17, $0xb8;
	[tilespmem:$0x1EE00] =	vst v63  }
0x6d: {  	_ =	swait.ge [sflag:s25], $0x2000  }
0x6e: {  	[sflag:s25] =	ssyncset.done $0x0  }
0x6f: {  	s14 =	simm.s32 $0xCE00;
	[sflag:s25] =	ssyncadd.s32 $0xFFFFE000  }
0x70: {  	[spmem:s1] =	stream.indirect.scatter.add.f32 [tilespmem:s18], [sflag:$0x9], $0x20, s14, s17, $0xb8;
	[tilespmem:$0x1EE00] =	vst v63  }
0x71: {  	_ =	swait.ge [sflag:s9], $0x2000  }
0x72: {  	[sflag:s9] =	ssyncset.done $0x0  }
0x73: {  	s12 =	simm.s32 $0xAA00;
	[sflag:s9] =	ssyncadd.s32 $0xFFFFE000  }
0x74: {  	[tilespmem:s28], [sflag:$0x5] =	stream.indirect.gather [spmem:s3], $0x20, s12, s17, $0xb8;
	[tilespmem:$0x1EE00] =	vst v63  }
0x75: {  	_ =	swait.ge [sflag:s29], $0x2000  }
0x76: {  	[sflag:s29] =	ssyncset.done $0x0  }
0x77: {  	s13 =	simm.s32 $0xCF00;
	[sflag:s29] =	ssyncadd.s32 $0xFFFFE000  }
0x78: {  	[spmem:s1] =	stream.indirect.scatter.add.f32 [tilespmem:s20], [sflag:$0xA], $0x20, s13, s17, $0xb8;
	[tilespmem:$0x1EE00] =	vst v63  }
0x79: {  	_ =	swait.ge [sflag:s10], $0x2000  }
0x7a: {  	[sflag:s10] =	ssyncset.done $0x0  }
0x7b: {  	s14 =	simm.s32 $0xAB00;
	[sflag:s10] =	ssyncadd.s32 $0xFFFFE000  }
0x7c: {  	[tilespmem:s0], [sflag:$0x6] =	stream.indirect.gather [spmem:s3], $0x20, s14, s17, $0xb8;
	[tilespmem:$0x1EE00] =	vst v63  }
0x7d: {  	_ =	swait.ge [sflag:s2], $0x2000  }
0x7e: {  	[sflag:s2] =	ssyncset.done $0x0  }
0x7f: {  	s12 =	simm.s32 $0xD000;
	[sflag:s2] =	ssyncadd.s32 $0xFFFFE000  }
0x80: {  	[spmem:s1] =	stream.indirect.scatter.add.f32 [tilespmem:s22], [sflag:$0xB], $0x20, s12, s17, $0xb8;
	[tilespmem:$0x1EE00] =	vst v63  }
0x81: {  	_ =	swait.ge [sflag:s16], $0x2000  }
0x82: {  	[sflag:s16] =	ssyncset.done $0x0  }
0x83: {  	s13 =	simm.s32 $0xAC00;
	[sflag:s16] =	ssyncadd.s32 $0xFFFFE000  }
0x84: {  	[tilespmem:s23], [sflag:$0x7] =	stream.indirect.gather [spmem:s3], $0x20, s13, s17, $0xb8;
	[tilespmem:$0x1EE00] =	vst v63  }
0x85: {  	_ =	swait.ge [sflag:s26], $0x2000  }
0x86: {  	[sflag:s26] =	ssyncset.done $0x0  }
0x87: {  	s14 =	simm.s32 $0xD100;
	[sflag:s26] =	ssyncadd.s32 $0xFFFFE000  }
0x88: {  	[spmem:s1] =	stream.indirect.scatter.add.f32 [tilespmem:s24], [sflag:$0xC], $0x20, s14, s17, $0xb8;
	[tilespmem:$0x1EE00] =	vst v63  }
0x89: {  	_ =	swait.ge [sflag:s11], $0x2000  }
0x8a: {  	[sflag:s11] =	ssyncset.done $0x0  }
0x8b: {  	s6 =	simm.s32 $0xAD00;
	s12 =	simm.s32 $0x2000;
	[sflag:s11] =	ssyncadd.s32 $0xFFFFE000  }
.LBB2_2:
0x8c: {  	[tilespmem:s19], [sflag:$0x8] =	stream.indirect.gather [spmem:s3], $0x20, s6, s17, $0xb8;
	[tilespmem:$0x1EE00] =	vst v63  }
0x8d: {  	s6 =	smov.u32 s12  }
0x8e: {  	p0 =	sne.s32 s12, $0x6000;
	s12 =	sadd.s32 $0x2000, s12;
	_ =	swait.ge [sflag:s21], $0x2000  }
0x8f: {  	s6 =	sshra.s32 s6, $0x2;
	[sflag:s21] =	ssyncset.done $0x0  }
0x90: {  	s13 =	sadd.s32 $0xCA00, s6;
	[sflag:s21] =	ssyncadd.s32 $0xFFFFE000  }
0x91: {  	[spmem:s1] =	stream.indirect.scatter.add.f32 [tilespmem:s28], [sflag:$0xD], $0x20, s13, s17, $0xb8;
	[tilespmem:$0x1EE00] =	vst v63  }
0x92: {  	_ =	swait.ge [sflag:s30], $0x2000  }
0x93: {  	[sflag:s30] =	ssyncset.done $0x0  }
0x94: {  	s13 =	sadd.s32 $0xA600, s6;
	[sflag:s30] =	ssyncadd.s32 $0xFFFFE000  }
0x95: {  	[tilespmem:s18], [sflag:$0x1] =	stream.indirect.gather [spmem:s3], $0x20, s13, s17, $0xb8;
	[tilespmem:$0x1EE00] =	vst v63  }
0x96: {  	_ =	swait.ge [sflag:s31], $0x2000  }
0x97: {  	[sflag:s31] =	ssyncset.done $0x0  }
0x98: {  	s13 =	sadd.s32 $0xCB00, s6;
	[sflag:s31] =	ssyncadd.s32 $0xFFFFE000  }
0x99: {  	[spmem:s1] =	stream.indirect.scatter.add.f32 [tilespmem:s0], [sflag:$0xE], $0x20, s13, s17, $0xb8;
	[tilespmem:$0x1EE00] =	vst v63  }
0x9a: {  	_ =	swait.ge [sflag:s4], $0x2000  }
0x9b: {  	[sflag:s4] =	ssyncset.done $0x0  }
0x9c: {  	s13 =	sadd.s32 $0xA700, s6;
	[sflag:s4] =	ssyncadd.s32 $0xFFFFE000  }
0x9d: {  	[tilespmem:s20], [sflag:$0x2] =	stream.indirect.gather [spmem:s3], $0x20, s13, s17, $0xb8;
	[tilespmem:$0x1EE00] =	vst v63  }
0x9e: {  	_ =	swait.ge [sflag:s5], $0x2000  }
0x9f: {  	[sflag:s5] =	ssyncset.done $0x0  }
0xa0: {  	s13 =	sadd.s32 $0xCC00, s6;
	[sflag:s5] =	ssyncadd.s32 $0xFFFFE000  }
0xa1: {  	[spmem:s1] =	stream.indirect.scatter.add.f32 [tilespmem:s23], [sflag:$0xF], $0x20, s13, s17, $0xb8;
	[tilespmem:$0x1EE00] =	vst v63  }
0xa2: {  	_ =	swait.ge [sflag:s7], $0x2000  }
0xa3: {  	[sflag:s7] =	ssyncset.done $0x0  }
0xa4: {  	s13 =	sadd.s32 $0xA800, s6;
	[sflag:s7] =	ssyncadd.s32 $0xFFFFE000  }
0xa5: {  	[tilespmem:s22], [sflag:$0x3] =	stream.indirect.gather [spmem:s3], $0x20, s13, s17, $0xb8;
	[tilespmem:$0x1EE00] =	vst v63  }
0xa6: {  	_ =	swait.ge [sflag:s8], $0x2000  }
0xa7: {  	[sflag:s8] =	ssyncset.done $0x0  }
0xa8: {  	s13 =	sadd.s32 $0xCD00, s6;
	[sflag:s8] =	ssyncadd.s32 $0xFFFFE000  }
0xa9: {  	[spmem:s1] =	stream.indirect.scatter.add.f32 [tilespmem:s19], [sflag:$0x10], $0x20, s13, s17, $0xb8;
	[tilespmem:$0x1EE00] =	vst v63  }
0xaa: {  	_ =	swait.ge [sflag:s15], $0x2000  }
0xab: {  	[sflag:s15] =	ssyncset.done $0x0  }
0xac: {  	s13 =	sadd.s32 $0xA900, s6;
	[sflag:s15] =	ssyncadd.s32 $0xFFFFE000  }
0xad: {  	[tilespmem:s24], [sflag:$0x4] =	stream.indirect.gather [spmem:s3], $0x20, s13, s17, $0xb8;
	[tilespmem:$0x1EE00] =	vst v63  }
0xae: {  	_ =	swait.ge [sflag:s25], $0x2000  }
0xaf: {  	[sflag:s25] =	ssyncset.done $0x0  }
0xb0: {  	s13 =	sadd.s32 $0xCE00, s6;
	[sflag:s25] =	ssyncadd.s32 $0xFFFFE000  }
0xb1: {  	[spmem:s1] =	stream.indirect.scatter.add.f32 [tilespmem:s18], [sflag:$0x9], $0x20, s13, s17, $0xb8;
	[tilespmem:$0x1EE00] =	vst v63  }
0xb2: {  	_ =	swait.ge [sflag:s9], $0x2000  }
0xb3: {  	[sflag:s9] =	ssyncset.done $0x0  }
0xb4: {  	s13 =	sadd.s32 $0xAA00, s6;
	[sflag:s9] =	ssyncadd.s32 $0xFFFFE000  }
0xb5: {  	[tilespmem:s28], [sflag:$0x5] =	stream.indirect.gather [spmem:s3], $0x20, s13, s17, $0xb8;
	[tilespmem:$0x1EE00] =	vst v63  }
0xb6: {  	_ =	swait.ge [sflag:s29], $0x2000  }
0xb7: {  	[sflag:s29] =	ssyncset.done $0x0  }
0xb8: {  	s13 =	sadd.s32 $0xCF00, s6;
	[sflag:s29] =	ssyncadd.s32 $0xFFFFE000  }
0xb9: {  	[spmem:s1] =	stream.indirect.scatter.add.f32 [tilespmem:s20], [sflag:$0xA], $0x20, s13, s17, $0xb8;
	[tilespmem:$0x1EE00] =	vst v63  }
0xba: {  	_ =	swait.ge [sflag:s10], $0x2000  }
0xbb: {  	[sflag:s10] =	ssyncset.done $0x0  }
0xbc: {  	s13 =	sadd.s32 $0xAB00, s6;
	[sflag:s10] =	ssyncadd.s32 $0xFFFFE000  }
0xbd: {  	[tilespmem:s0], [sflag:$0x6] =	stream.indirect.gather [spmem:s3], $0x20, s13, s17, $0xb8;
	[tilespmem:$0x1EE00] =	vst v63  }
0xbe: {  	_ =	swait.ge [sflag:s2], $0x2000  }
0xbf: {  	[sflag:s2] =	ssyncset.done $0x0  }
0xc0: {  	s13 =	sadd.s32 $0xD000, s6;
	[sflag:s2] =	ssyncadd.s32 $0xFFFFE000  }
0xc1: {  	[spmem:s1] =	stream.indirect.scatter.add.f32 [tilespmem:s22], [sflag:$0xB], $0x20, s13, s17, $0xb8;
	[tilespmem:$0x1EE00] =	vst v63  }
0xc2: {  	_ =	swait.ge [sflag:s16], $0x2000  }
0xc3: {  	[sflag:s16] =	ssyncset.done $0x0  }
0xc4: {  	s13 =	sadd.s32 $0xAC00, s6;
	[sflag:s16] =	ssyncadd.s32 $0xFFFFE000  }
0xc5: {  	[tilespmem:s23], [sflag:$0x7] =	stream.indirect.gather [spmem:s3], $0x20, s13, s17, $0xb8;
	[tilespmem:$0x1EE00] =	vst v63  }
0xc6: {  	_ =	swait.ge [sflag:s26], $0x2000  }
0xc7: {  	[sflag:s26] =	ssyncset.done $0x0  }
.Ltmp0:
0xc8: {  	s13 =	sadd.s32 $0xD100, s6;
	[sflag:s26] =	ssyncadd.s32 $0xFFFFE000;
	(pc) =	sbr.rel @p0 .LBB2_2-.Ltmp0, $4  }
0xc9: {  	[spmem:s1] =	stream.indirect.scatter.add.f32 [tilespmem:s24], [sflag:$0xC], $0x20, s13, s17, $0xb8;
	[tilespmem:$0x1EE00] =	vst v63  }
0xca: {  	_ =	swait.ge [sflag:s11], $0x2000  }
0xcb: {  	[sflag:s11] =	ssyncset.done $0x0  }
0xcc: {  	s6 =	sadd.s32 $0xAD00, s6;
	[sflag:s11] =	ssyncadd.s32 $0xFFFFE000  }
0xcd: {  	[tilespmem:s19], [sflag:$0x8] =	stream.indirect.gather [spmem:s3], $0x20, s6, s17, $0xb8;
	[tilespmem:$0x1EE00] =	vst v63  }
0xce: {  	_ =	swait.ge [sflag:s21], $0x2000  }
0xcf: {  	[sflag:s21] =	ssyncset.done $0x0  }
0xd0: {  	s13 =	simm.s32 $0xEA00;
	[sflag:s21] =	ssyncadd.s32 $0xFFFFE000  }
0xd1: {  	[spmem:s1] =	stream.indirect.scatter.add.f32 [tilespmem:s28], [sflag:$0xD], $0x20, s13, s17, $0xb8;
	[tilespmem:$0x1EE00] =	vst v63  }
0xd2: {  	_ =	swait.ge [sflag:s31], $0x2000  }
0xd3: {  	[sflag:s31] =	ssyncset.done $0x0  }
0xd4: {  	s14 =	simm.s32 $0xEB00;
	[sflag:s31] =	ssyncadd.s32 $0xFFFFE000  }
0xd5: {  	[spmem:s1] =	stream.indirect.scatter.add.f32 [tilespmem:s0], [sflag:$0xE], $0x20, s14, s17, $0xb8;
	[tilespmem:$0x1EE00] =	vst v63  }
0xd6: {  	_ =	swait.ge [sflag:s5], $0x2000  }
0xd7: {  	[sflag:s5] =	ssyncset.done $0x0  }
0xd8: {  	s12 =	simm.s32 $0xEC00;
	[sflag:s5] =	ssyncadd.s32 $0xFFFFE000  }
0xd9: {  	[spmem:s1] =	stream.indirect.scatter.add.f32 [tilespmem:s23], [sflag:$0xF], $0x20, s12, s17, $0xb8;
	[tilespmem:$0x1EE00] =	vst v63  }
0xda: {  	_ =	swait.ge [sflag:s8], $0x2000  }
0xdb: {  	[sflag:s8] =	ssyncset.done $0x0  }
0xdc: {  	s13 =	simm.s32 $0xED00;
	[sflag:s8] =	ssyncadd.s32 $0xFFFFE000  }
0xdd: {  	[spmem:s1] =	stream.indirect.scatter.add.f32 [tilespmem:s19], [sflag:$0x10], $0x20, s13, s17, $0xb8;
	[tilespmem:$0x1EE00] =	vst v63  }
0xde: {  	_ =	swait.ge [sflag:s30], $0x2000  }
0xdf: {  	[sflag:s30] =	ssyncset.done $0x0  }
0xe0: {  	[sflag:s30] =	ssyncadd.s32 $0xFFFFE000  }
0xe1: {  	_ =	swait.ge [sflag:s4], $0x2000  }
0xe2: {  	[sflag:s4] =	ssyncset.done $0x0  }
0xe3: {  	[sflag:s4] =	ssyncadd.s32 $0xFFFFE000  }
0xe4: {  	_ =	swait.ge [sflag:s7], $0x2000  }
0xe5: {  	[sflag:s7] =	ssyncset.done $0x0  }
0xe6: {  	[sflag:s7] =	ssyncadd.s32 $0xFFFFE000  }
0xe7: {  	_ =	swait.ge [sflag:s15], $0x2000  }
0xe8: {  	[sflag:s15] =	ssyncset.done $0x0  }
0xe9: {  	[sflag:s15] =	ssyncadd.s32 $0xFFFFE000  }
0xea: {  	_ =	swait.ge [sflag:s9], $0x2000  }
0xeb: {  	[sflag:s9] =	ssyncset.done $0x0  }
0xec: {  	[sflag:s9] =	ssyncadd.s32 $0xFFFFE000  }
0xed: {  	_ =	swait.ge [sflag:s10], $0x2000  }
0xee: {  	[sflag:s10] =	ssyncset.done $0x0  }
0xef: {  	[sflag:s10] =	ssyncadd.s32 $0xFFFFE000  }
0xf0: {  	_ =	swait.ge [sflag:s16], $0x2000  }
0xf1: {  	[sflag:s16] =	ssyncset.done $0x0  }
0xf2: {  	[sflag:s16] =	ssyncadd.s32 $0xFFFFE000  }
0xf3: {  	_ =	swait.ge [sflag:s11], $0x2000  }
0xf4: {  	[sflag:s11] =	ssyncset.done $0x0  }
0xf5: {  	[sflag:s11] =	ssyncadd.s32 $0xFFFFE000  }
0xf6: {  	[bflag:$0x0] =	sbarrier.arrive $0xFFFF  }
0xf7: {  	s12 =	rddreg [dreg:$0x5]  }
0xf8: {  	s14 =	rddreg [dreg:$0x9]  }
0xf9: {  	s6 =	simm.s32 $0x11;
	s13 =	rddreg [dreg:$0xb]  }
0xfa: {  	[hbm:s14], [sflag:s12] =	dma.local [spmem:s13], $0x9E0  }
0xfb: {  	_ =	swait.ge [sflag:s6], $0x9E0  }
0xfc: {  	s14 =	rddreg [dreg:$0xd]  }
0xfd: {  	[sflag:s6] =	ssyncset.done $0x0;
	s6 =	rddreg [dreg:$0xa];
	s14 =	sadd.s32 $0x1, s14  }
0xfe: {  	p0 =	sne.s32 s14, s6  }
.Ltmp1:
0xff: {  	_ = 	snop;
	(pc) =	sbr.rel @p0 .LBB2_1-.Ltmp1, $3  }
0x100: {  	_ =	sdelay $0x1  }
0x101: {  	s6 =	simm.s32 $0x11  }
0x102: {  	[sflag:s6] =	ssyncadd.s32 $0xFFFFF620  }
0x103: {  	_ =	sfence.sel $0x180000  }
0x104: {  	[bflag:$0x0] =	sbarrier.arrive $0xFFFF  }
0x105: {  	_ =	strace $0x9000004D  }
0x106: {  	s0 =	stileid.u32;
	[bflag:$0x2] =	sbarrier.arrive $0xFFFF  }
0x107: {  	p0 =	sne.s32 s0, $0x0;
	s0 =	rddreg [dreg:$0x3]  }
0x108: {  	s0 =	sadd.s32 @!p0 $0x100000, s0  }
0x109: {  	[sflag:s0] =	ssyncadd.tile.s32 @!p0 $0x1;
	_ =	shalt  }
.Lfunc_end2:
_tile_overlayer_lowered:
.L_overlay_start_2:
0x10a: {  	(tag) =	ssettag $0x2  }
0x10b: {  	s0 =	rddreg [dreg:$0x0];
	s2 =	stileid.u32  }
0x10c: {  	s1 =	rddreg [dreg:$0x1];
	p0 =	sne.s32 s2, $0x0  }
0x10d: {  	s3 =	rddreg [dreg:$0x2];
	[bflag:$0x3] =	sbarrier.arrive $0xFFFF;
	s2 =	simm.s32 @!p0 $0x1C11  }
0x10e: {  	[timem:s3], [sflag:s2] =	dma.local @!p0 [hbm:s0], s1  }
0x10f: {  	s0 =	simm.s32 @!p0 $0x11  }
0x110: {  	_ =	swait.ge @!p0 [sflag:s0], s1  }
0x111: {  	s1 =	ssub.s32 @!p0 $0x0, s1;
	[sflag:s0] =	ssyncset.done @!p0 $0x0  }
0x112: {  	[sflag:s0] =	ssyncadd.s32 @!p0 s1  }
0x113: {  	[bflag:$0x3] =	sbarrier.arrive $0xFFFF  }
0x114: {  	_ =	shalt  }

// kernel: kernel.9.cloned.1.call-start
scs
__scs_entry_jumppad:
0x0: {  	(pc) =	sbr.rel $0x88, $3  }
0x1: {  	(tag) =	ssettag $0x0;
	lr =	simm.s32 $0x1  }
0x2: {  	[smem:$0x3F93] =	sst lr;
	_ =	strace $0xD0000000  }
0x3: {  	_ = 	snop  }
0x4: {  	_ = 	snop  }
0x5: {  	_ = 	snop  }
0x6: {  	_ = 	snop  }
0x7: {  	_ = 	snop  }
__scs_overlays_trampoline_lowered:
0x8: {  	[smem:$0x3FA2] =	sst s0  }
0x9: {  	[smem:$0x3FA3] =	sst s1  }
0xa: {  	[smem:$0x3FA4] =	sst s2  }
0xb: {  	[smem:$0x3FA5] =	sst s3  }
0xc: {  	[smem:$0x3FA6] =	sst s4  }
0xd: {  	[smem:$0x3FA7] =	sst s5  }
0xe: {  	[smem:$0x3FA8] =	sst s6  }
0xf: {  	[smem:$0x3FA9] =	sst s7  }
0x10: {  	[smem:$0x3FAA] =	sst s8  }
0x11: {  	[smem:$0x3FAB] =	sst s9;
	s0 =	simm.s32 @!p0 $0x0  }
0x12: {  	s1 =	sld [smem:$0x3F91];
	s0 =	simm.s32 @p0 $0x1  }
0x13: {  	[smem:$0x3FAC] =	sst s0;
	s0 =	simm.s32 @!p1 $0x0  }
0x14: {  	s2 =	sld [smem:$0x3F90];
	s0 =	simm.s32 @p1 $0x1  }
0x15: {  	[smem:$0x3FAD] =	sst s0;
	s0 =	simm.s32 @!p2 $0x0  }
0x16: {  	s3 =	sld [smem:$0x3FDB];
	s0 =	simm.s32 @p2 $0x1  }
0x17: {  	s4 =	simm.s32 $0x1BF5;
	[smem:$0x3FAF] =	sst s0  }
0x18: {  	s0 =	sld [smem:$0x3F92];
	_ =	swait.ge [sflag:s4], $0x0  }
0x19: {  	s7 =	sld [smem:$0x3F93]  }
0x1a: {  	s8 =	sadd.s32 $0xFFFFE003, lr  }
0x1b: {  	s9 =	sadd.s32 $0xFFFFFEF7, lr;
	s5 =	simm.s32 $0xFFFFFFFF;
	p2 =	slt.u32 s8, $0xFFFFF086  }
0x1c: {  	p1 =	slt.u32 s9, $0xF7A;
	s5 =	simm.s32 @!p2 $0x0  }
0x1d: {  	s5 =	simm.s32 @p1 $0x1;
	p0 =	seq.s32 s7, s2  }
0x1e: {  	s7 =	smul.u32 @!p0 $0xF7A, s2;
	p2 =	seq.s32 @!p0 s5, $0x0  }
0x1f: {  	s9 =	smul.u32 $0xF7A, s1;
	s8 =	simm.s32 @!p0 $0x1BF5;
	p2 =	por !p2, p0  }
0x20: {  	[sflag:s8] =	ssyncset.s32 @!p0 $0xFFFFF086;
	s6 =	sadd.s32 @!p0 s3, s7;
	s7 =	simm.s32 @!p0 $0x108  }
0x21: {  	s3 =	sadd.s32 s3, s9;
	s6 =	sadd.s32 @!p0 $0x88, s6;
	s7 =	simm.s32 @p2 $0x1082  }
0x22: {  	[simem:s7], [sflag:s8] =	dma.local @!p0 [hbm:s6], $0xF7A  }
0x23: {  	s9 =	sor.u32 $0xD0000000, s2;
	s6 =	simm.s32 $0x108;
	_ =	swait.ge @!p0 [sflag:s8], $0x0  }
0x24: {  	s3 =	sadd.s32 $0x88, s3;
	s6 =	simm.s32 @!p1 $0x1082;
	[sflag:s4] =	ssyncset.s32 $0xFFFFF086  }
0x25: {  	[simem:s6], [sflag:s4] =	dma.local [hbm:s3], $0xF7A  }
0x26: {  	[smem:$0x3F93] =	sst s1;
	(tag) =	ssettag s2;
	_ =	strace s9  }
0x27: {  	s1 =	sld [smem:$0x3FA3]  }
0x28: {  	s2 =	sld [smem:$0x3FA4]  }
0x29: {  	s4 =	sld [smem:$0x3FA6]  }
0x2a: {  	p0 =	seq.s32 s5, $0x0;
	s5 =	sld [smem:$0x3FA7]  }
0x2b: {  	s6 =	sld [smem:$0x3FA8]  }
0x2c: {  	s7 =	sld [smem:$0x3FA9]  }
0x2d: {  	s3 =	simm.s32 $0x108;
	s8 =	sld [smem:$0x3FAA]  }
0x2e: {  	s3 =	simm.s32 @!p0 $0x1082;
	s9 =	sld [smem:$0x3FAB]  }
0x2f: {  	lr =	sadd.s32 s0, s3;
	s0 =	sld [smem:$0x3FA2]  }
0x30: {  	s3 =	sld [smem:$0x3FA5]  }
0x31: {  	[smem:$0x3FAE] =	sst s10  }
0x32: {  	s10 =	sld [smem:$0x3FAC];
	_ =	sdelay $0x3  }
0x33: {  	p0 =	seq.s32 s10, $0x1;
	s10 =	sld [smem:$0x3FAE];
	_ =	sdelay $0x3  }
0x34: {  	[smem:$0x3FAE] =	sst s10  }
0x35: {  	s10 =	sld [smem:$0x3FAD];
	_ =	sdelay $0x3  }
0x36: {  	p1 =	seq.s32 s10, $0x1;
	s10 =	sld [smem:$0x3FAE];
	_ =	sdelay $0x3  }
0x37: {  	[smem:$0x3FAE] =	sst s10  }
0x38: {  	s10 =	sld [smem:$0x3FAF]  }
0x39: {  	_ = 	snop;
	(pc) =	sbr.ind lr, $3  }
0x3a: {  	_ = 	snop  }
0x3b: {  	_ = 	snop  }
0x3c: {  	p2 =	seq.s32 s10, $0x1;
	s10 =	sld [smem:$0x3FAE]  }
0x3d: {  	_ =	shalt  }
0x3e: {  	_ =	shalt  }
0x3f: {  	_ =	shalt  }
0x40: {  	_ =	shalt  }
0x41: {  	_ =	shalt  }
0x42: {  	_ =	shalt  }
0x43: {  	_ =	shalt  }
0x44: {  	_ =	shalt  }
0x45: {  	_ =	shalt  }
0x46: {  	_ =	shalt  }
0x47: {  	_ =	shalt  }
0x48: {  	_ =	shalt  }
0x49: {  	_ =	shalt  }
0x4a: {  	_ =	shalt  }
0x4b: {  	_ =	shalt  }
0x4c: {  	_ =	shalt  }
0x4d: {  	_ =	shalt  }
0x4e: {  	_ =	shalt  }
0x4f: {  	_ =	shalt  }
0x50: {  	_ =	shalt  }
0x51: {  	_ =	shalt  }
0x52: {  	_ =	shalt  }
0x53: {  	_ =	shalt  }
0x54: {  	_ =	shalt  }
0x55: {  	_ =	shalt  }
0x56: {  	_ =	shalt  }
0x57: {  	_ =	shalt  }
0x58: {  	_ =	shalt  }
0x59: {  	_ =	shalt  }
0x5a: {  	_ =	shalt  }
0x5b: {  	_ =	shalt  }
0x5c: {  	_ =	shalt  }
0x5d: {  	_ =	shalt  }
0x5e: {  	_ =	shalt  }
0x5f: {  	_ =	shalt  }
0x60: {  	_ =	shalt  }
0x61: {  	_ =	shalt  }
0x62: {  	_ =	shalt  }
0x63: {  	_ =	shalt  }
0x64: {  	_ =	shalt  }
0x65: {  	_ =	shalt  }
0x66: {  	_ =	shalt  }
0x67: {  	_ =	shalt  }
0x68: {  	_ =	shalt  }
0x69: {  	_ =	shalt  }
0x6a: {  	_ =	shalt  }
0x6b: {  	_ =	shalt  }
0x6c: {  	_ =	shalt  }
0x6d: {  	_ =	shalt  }
0x6e: {  	_ =	shalt  }
0x6f: {  	_ =	shalt  }
0x70: {  	_ =	shalt  }
0x71: {  	_ =	shalt  }
0x72: {  	_ =	shalt  }
0x73: {  	_ =	shalt  }
0x74: {  	_ =	shalt  }
0x75: {  	_ =	shalt  }
0x76: {  	_ =	shalt  }
0x77: {  	_ =	shalt  }
0x78: {  	_ =	shalt  }
0x79: {  	_ =	shalt  }
0x7a: {  	_ =	shalt  }
0x7b: {  	_ =	shalt  }
0x7c: {  	_ =	shalt  }
0x7d: {  	_ =	shalt  }
0x7e: {  	_ =	shalt  }
0x7f: {  	_ =	shalt  }
0x80: {  	_ =	shalt  }
0x81: {  	_ =	shalt  }
0x82: {  	_ =	shalt  }
0x83: {  	_ =	shalt  }
0x84: {  	_ =	shalt  }
0x85: {  	_ =	shalt  }
0x86: {  	_ =	shalt  }
0x87: {  	_ =	shalt  }
.Lfunc_end0:
.L_simem_size_0:
called_computation_lowered:
.L_overlay_start_0:
0x88: {  	s2 =	sld [smem:$0x3FD9]  }
0x89: {  	s3 =	sld [smem:$0x3FFE];
	_ =	sdelay $0x1  }
0x8a: {  	s1 =	srdreg.scid  }
0x8b: {  	s0 =	sand.u32 $0x1, s1  }
0x8c: {  	s16 =	sshll.u32 s0, $0xA;
	s2 =	sadd.s32 s3, s2  }
0x8d: {  	s2 =	sadd.s32 s2, s16  }
0x8e: {  	[smem:$0x3FBA] =	sst s2  }
0x8f: {  	_ = 	snop  }
0x90: {  	(tm) =	ssettm $0x1  }
0x91: {  	s17 =	sld [smem:$0x3FFB];
	_ =	sdelay $0x3  }
0x92: {  	_ =	strace s17  }
0x93: {  	s2 =	sld [smem:$0x3FFC];
	_ =	sdelay $0x3  }
0x94: {  	_ =	strace s2  }
0x95: {  	s2 =	sld [smem:$0x3FFD];
	_ =	sdelay $0x3  }
0x96: {  	_ =	strace s2  }
0x97: {  	_ =	strace $0x8FFFFFFF  }
0x98: {  	s18 =	sld [smem:$0x3FDB];
	_ =	sdelay $0x1  }
0x99: {  	s19 =	simm.s32 $_scs_section_size  }
0x9a: {  	s4 =	simm.s32 $_size__tile_overlayer_lowered;
	s5 =	simm.s32 $_tile_overlayer_lowered  }
0x9b: {  	s22 =	simm.s32 $0x1BFF;
	s21 =	sshll.u32 s5, $0x1;
	s2 =	sadd.s32 s19, s18  }
0x9c: {  	s6 =	simm.s32 $0x0;
	s20 =	sshll.u32 s4, $0x1;
	s4 =	sadd.s32 s21, s2  }
0x9d: {  	[timem:s6], [sflag:s22] =	dma.local [hbm:s4], s20  }
0x9e: {  	_ =	swait.ge [sflag:s22], s20  }
0x9f: {  	s3 =	ssub.s32 $0x0, s20;
	[sflag:s22] =	ssyncset.done $0x0  }
0xa0: {  	[sflag:s22] =	ssyncadd.s32 s3;
	_ =	sdelay $0x1  }
0xa1: {  	s23 =	simm.s32 $0x1B8B  }
0xa2: {  	_ =	swait.ge [sflag:s23], $0x1  }
0xa3: {  	[sflag:s23] =	ssyncset.done $0x0  }
0xa4: {  	s25 =	simm.s32 $0x1B8E;
	s24 =	sld [smem:$0x3FFE];
	[sflag:s23] =	ssyncadd.s32 $0xFFFFFFFF  }
0xa5: {  	s26 =	simm.s32 $execute0_lowered;
	[smem:$0x3FD2] =	sst s25  }
0xa6: {  	s4 =	sshll.u32 s26, $0x1;
	_ =	strace $0x80000046;
	[dreg:$0x1] =	wrdreg $0xFFFFFFFF  }
0xa7: {  	s28 =	simm.s32 $_size_execute0_lowered;
	s2 =	sadd.s32 s2, s4;
	[dreg:$0x0] =	wrdreg $0x0  }
0xa8: {  	s4 =	sshll.u32 s28, $0x1;
	[dreg:$0x2] =	wrdreg s2  }
0xa9: {  	[dreg:$0x3] =	wrdreg s4  }
0xaa: {  	[dreg:$0x4] =	wrdreg $0xC0  }
0xab: {  	_ =	task [dreg:s6], $0x5FFFF  }
0xac: {  	[dreg:$0x1] =	wrdreg $0xFFFFFFFF  }
0xad: {  	[dreg:$0x0] =	wrdreg $0x60  }
0xae: {  	[dreg:$0x2] =	wrdreg s24  }
0xaf: {  	[dreg:$0x3] =	wrdreg $0x0  }
0xb0: {  	[dreg:$0x4] =	wrdreg $0x4F000  }
0xb1: {  	[dreg:$0x5] =	wrdreg $0x9  }
0xb2: {  	_ =	task.clear_ibuf [dreg:s6], $0x6FFFF;
	_ =	strace $0x90000046  }
0xb3: {  	s29 =	simm.s32 $0x9;
	_ =	strace $0x80000048  }
0xb4: {  	_ =	swait.ge [sflag:s29], $0x1  }
0xb5: {  	[sflag:s29] =	ssyncadd.s32 $0xFFFFFFFF  }
0xb6: {  	_ =	strace $0x90000048  }
0xb7: {  	_ =	sfence  }
0xb8: {  	s30 =	sld [smem:$0x0];
	_ =	sdelay $0x2  }
0xb9: {  	s31 =	sshll.u32 s1, $0xD;
	s1 =	sshrl.u32 s1, $0x2  }
0xba: {  	s3 =	sand.u32 $0x4000, s31;
	s1 =	sadd.s32 s1, s30  }
0xbb: {  	s0 =	sor.u32 s3, s0;
	s1 =	sshll.u32 s1, $0x11  }
0xbc: {  	s0 =	sor.u32 s1, s0  }
0xbd: {  	s0 =	sadd.s32 $0x8F2B, s0  }
0xbe: {  	[sflag:s0] =	ssyncadd.remote.s32 $0x1  }
0xbf: {  	_ =	sfence.sel $0xFFFF  }
0xc0: {  	[dreg:$0x0] =	wrdreg $0xFFFFFFFF;
	(pc) =	sbr.abs _section_cstart, $3  }
0xc1: {  	[dreg:$0x1] =	wrdreg $0xFFFFFFFF  }
0xc2: {  	_ =	task.clear_ibuf [dreg:s6], $0x2FFFF;
	_ =	strace $0x9FFFFFFF  }
0xc3: {  	(tm) =	ssettm $0x7FFFFFFF  }
tec
execute0_lowered:
.L_overlay_start_1:
0x0: {  	(tag) =	ssettag $0x1  }
0x1: {  	s0 =	rddreg [dreg:$0x0]  }
0x2: {  	s1 =	rddreg [dreg:$0x1]  }
0x3: {  	s3 =	rddreg [dreg:$0x2];
	s6 =	simm.s32 $0x0  }
0x4: {  	s2 =	srdreg.scid;
	s11 =	stileid.u32;
	s17 =	simm.s32 $0x100  }
0x5: {  	s28 =	simm.s32 $0x16E00;
	s29 =	simm.s32 $0x2;
	s30 =	simm.s32 $0x9  }
0x6: {  	s31 =	simm.s32 $0x6;
	s15 =	simm.s32 $0xC;
	s16 =	simm.s32 $0xF  }
0x7: {  	s14 =	simm.s32 $0x0;
	s2 =	sand.u32 $0x1, s2;
	s4 =	sshll.u32 s11, $0x1  }
0x8: {  	s5 =	smul.u32 $0x4F00, s11;
	[smem:$0x7FF] =	sst s6;
	s7 =	sadd.s32 $0x2400, s0  }
0x9: {  	s10 =	smul.u32 $0x9E0, s11;
	s21 =	sshll.u32 s11, $0x6;
	s11 =	simm.s32 $0x10  }
0xa: {  	s4 =	sor.u32 s2, s4;
	s18 =	smul.u32 $0x4F000, s2;
	_ =	strace $0x80000047  }
0xb: {  	s8 =	ssub.s32 $0x2, s2;
	s2 =	smul.u32 $0x9E00, s2;
	s12 =	sor.u32 $0x1C11, s21  }
0xc: {  	s21 =	simm.s32 $0x5;
	s4 =	smul.u32 $0x500, s4;
	s9 =	sshrl.u32 s8, $0x1  }
0xd: {  	s20 =	sadd.s32 s5, s1;
	s22 =	sshrl.u32 s5, $0x3;
	[dreg:$0x5] =	wrdreg s12  }
0xe: {  	s6 =	sadd.s32 s5, s18;
	s19 =	ssub.s32 s8, s9;
	s2 =	sadd.s32 s10, s2  }
0xf: {  	s5 =	sadd.s32 s5, s3;
	s13 =	sshrl.u32 s20, $0x3;
	s18 =	simm.s32 $0xEE00  }
0x10: {  	s20 =	simm.s32 $0x10E00;
	s8 =	simm.s32 $0x8;
	s9 =	simm.s32 $0xD  }
0x11: {  	s10 =	simm.s32 $0xE;
	s6 =	sshrl.u32 s6, $0x3;
	s4 =	sadd.s32 s4, s0  }
0x12: {  	s2 =	sadd.s32 s7, s2;
	s25 =	smax.u32 s19, $0x1;
	[dreg:$0xb] =	wrdreg s13  }
0x13: {  	s26 =	sshrl.u32 s5, $0x3;
	s19 =	simm.s32 $0x1CE00;
	[dreg:$0x4] =	wrdreg s2  }
0x14: {  	s5 =	simm.s32 $0x7;
	s0 =	sadd.s32 s6, s0;
	[dreg:$0xa] =	wrdreg s25  }
0x15: {  	s2 =	sadd.s32 s7, s22;
	s23 =	sadd.s32 $0x16000, s4;
	[dreg:$0xc] =	wrdreg s26  }
0x16: {  	s24 =	sadd.s32 $0x20000, s4;
	s22 =	simm.s32 $0x12E00;
	[dreg:$0x6] =	wrdreg s2  }
0x17: {  	s25 =	simm.s32 $0x1;
	s26 =	simm.s32 $0x4;
	[dreg:$0x7] =	wrdreg s23  }
0x18: {  	s4 =	simm.s32 $0xA;
	s7 =	simm.s32 $0xB;
	[dreg:$0x8] =	wrdreg s24  }
0x19: {  	s0 =	sadd.s32 $0x2A000, s0;
	s24 =	simm.s32 $0x14E00;
	s2 =	simm.s32 $0x3  }
0x1a: {  	s23 =	simm.s32 $0x1AE00;
	[dreg:$0x9] =	wrdreg s0;
	s0 =	simm.s32 $0x18E00  }
.LBB2_1:
0x1b: {  	[dreg:$0xd] =	wrdreg s14  }
0x1c: {  	s14 =	simm.s32 $0x11;
	s6 =	rddreg [dreg:$0x4]  }
0x1d: {  	[spmem:s13], [sflag:s12] =	dma.local [hbm:s6], $0x9E0  }
0x1e: {  	_ =	swait.ge [sflag:s14], $0x9E0  }
0x1f: {  	[sflag:s14] =	ssyncset.done $0x0;
	s6 =	rddreg [dreg:$0x6]  }
0x20: {  	s13 =	rddreg [dreg:$0xc];
	[sflag:s14] =	ssyncadd.s32 $0xFFFFF620  }
0x21: {  	[spmem:s13], [sflag:s12] =	dma.local [hbm:s6], $0x9E0  }
0x22: {  	_ =	swait.ge [sflag:s14], $0x9E0  }
0x23: {  	s6 =	simm.s32 $0x0;
	[sflag:s14] =	ssyncset.done $0x0  }
0x24: {  	s13 =	simm.s32 $0x9E00;
	s12 =	rddreg [dreg:$0x7];
	[sflag:s14] =	ssyncadd.s32 $0xFFFFF620  }
0x25: {  	[tilespmem:s13], [sflag:$0x11] =	stream.linear.gather [hbm4b:s12+s6], $0x2800, $0x38;
	[tilespmem:$0x1EE00] =	vst v63  }
0x26: {  	_ =	swait.ge [sflag:s14], $0x2800  }
0x27: {  	[sflag:s14] =	ssyncset.done $0x0  }
0x28: {  	s13 =	simm.s32 $0xC600;
	s12 =	rddreg [dreg:$0x8];
	[sflag:s14] =	ssyncadd.s32 $0xFFFFD800  }
0x29: {  	[tilespmem:s13], [sflag:$0x11] =	stream.linear.gather [hbm4b:s12+s6], $0x2800, $0x38;
	[tilespmem:$0x1EE00] =	vst v63  }
0x2a: {  	_ =	swait.ge [sflag:s14], $0x2800  }
0x2b: {  	[sflag:s14] =	ssyncset.done $0x0  }
0x2c: {  	[sflag:s14] =	ssyncadd.s32 $0xFFFFD800  }
0x2d: {  	s14 =	simm.s32 $0x9E00;
	[bflag:$0x0] =	sbarrier.arrive $0xFFFF  }
0x2e: {  	[tilespmem:s18], [sflag:$0x1] =	stream.indirect.gather [spmem:s3], $0x20, s14, s17, $0xb8;
	[tilespmem:$0x1EE00] =	vst v63  }
0x2f: {  	s13 =	simm.s32 $0x9F00  }
0x30: {  	[tilespmem:s20], [sflag:$0x2] =	stream.indirect.gather [spmem:s3], $0x20, s13, s17, $0xb8;
	[tilespmem:$0x1EE00] =	vst v63  }
0x31: {  	s14 =	simm.s32 $0xA000  }
0x32: {  	[tilespmem:s22], [sflag:$0x3] =	stream.indirect.gather [spmem:s3], $0x20, s14, s17, $0xb8;
	[tilespmem:$0x1EE00] =	vst v63  }
0x33: {  	s13 =	simm.s32 $0xA100  }
0x34: {  	[tilespmem:s24], [sflag:$0x4] =	stream.indirect.gather [spmem:s3], $0x20, s13, s17, $0xb8;
	[tilespmem:$0x1EE00] =	vst v63  }
0x35: {  	_ =	swait.ge [sflag:s25], $0x2000  }
0x36: {  	[sflag:s25] =	ssyncset.done $0x0  }
0x37: {  	s12 =	simm.s32 $0xC600;
	[sflag:s25] =	ssyncadd.s32 $0xFFFFE000  }
0x38: {  	[spmem:s1] =	stream.indirect.scatter.add.f32 [tilespmem:s18], [sflag:$0x9], $0x20, s12, s17, $0xb8;
	[tilespmem:$0x1EE00] =	vst v63  }
0x39: {  	s14 =	simm.s32 $0xA200  }
0x3a: {  	[tilespmem:s28], [sflag:$0x5] =	stream.indirect.gather [spmem:s3], $0x20, s14, s17, $0xb8;
	[tilespmem:$0x1EE00] =	vst v63  }
0x3b: {  	_ =	swait.ge [sflag:s29], $0x2000  }
0x3c: {  	[sflag:s29] =	ssyncset.done $0x0  }
0x3d: {  	s12 =	simm.s32 $0xC700;
	[sflag:s29] =	ssyncadd.s32 $0xFFFFE000  }
0x3e: {  	[spmem:s1] =	stream.indirect.scatter.add.f32 [tilespmem:s20], [sflag:$0xA], $0x20, s12, s17, $0xb8;
	[tilespmem:$0x1EE00] =	vst v63  }
0x3f: {  	s13 =	simm.s32 $0xA300  }
0x40: {  	[tilespmem:s0], [sflag:$0x6] =	stream.indirect.gather [spmem:s3], $0x20, s13, s17, $0xb8;
	[tilespmem:$0x1EE00] =	vst v63  }
0x41: {  	_ =	swait.ge [sflag:s2], $0x2000  }
0x42: {  	[sflag:s2] =	ssyncset.done $0x0  }
0x43: {  	s14 =	simm.s32 $0xC800;
	[sflag:s2] =	ssyncadd.s32 $0xFFFFE000  }
0x44: {  	[spmem:s1] =	stream.indirect.scatter.add.f32 [tilespmem:s22], [sflag:$0xB], $0x20, s14, s17, $0xb8;
	[tilespmem:$0x1EE00] =	vst v63  }
0x45: {  	s12 =	simm.s32 $0xA400  }
0x46: {  	[tilespmem:s23], [sflag:$0x7] =	stream.indirect.gather [spmem:s3], $0x20, s12, s17, $0xb8;
	[tilespmem:$0x1EE00] =	vst v63  }
0x47: {  	_ =	swait.ge [sflag:s26], $0x2000  }
0x48: {  	[sflag:s26] =	ssyncset.done $0x0  }
0x49: {  	s13 =	simm.s32 $0xC900;
	[sflag:s26] =	ssyncadd.s32 $0xFFFFE000  }
0x4a: {  	[spmem:s1] =	stream.indirect.scatter.add.f32 [tilespmem:s24], [sflag:$0xC], $0x20, s13, s17, $0xb8;
	[tilespmem:$0x1EE00] =	vst v63  }
0x4b: {  	s14 =	simm.s32 $0xA500  }
0x4c: {  	[tilespmem:s19], [sflag:$0x8] =	stream.indirect.gather [spmem:s3], $0x20, s14, s17, $0xb8;
	[tilespmem:$0x1EE00] =	vst v63  }
0x4d: {  	_ =	swait.ge [sflag:s21], $0x2000  }
0x4e: {  	[sflag:s21] =	ssyncset.done $0x0  }
0x4f: {  	s12 =	simm.s32 $0xCA00;
	[sflag:s21] =	ssyncadd.s32 $0xFFFFE000  }
0x50: {  	[spmem:s1] =	stream.indirect.scatter.add.f32 [tilespmem:s28], [sflag:$0xD], $0x20, s12, s17, $0xb8;
	[tilespmem:$0x1EE00] =	vst v63  }
0x51: {  	_ =	swait.ge [sflag:s30], $0x2000  }
0x52: {  	[sflag:s30] =	ssyncset.done $0x0  }
0x53: {  	s13 =	simm.s32 $0xA600;
	[sflag:s30] =	ssyncadd.s32 $0xFFFFE000  }
0x54: {  	[tilespmem:s18], [sflag:$0x1] =	stream.indirect.gather [spmem:s3], $0x20, s13, s17, $0xb8;
	[tilespmem:$0x1EE00] =	vst v63  }
0x55: {  	_ =	swait.ge [sflag:s31], $0x2000  }
0x56: {  	[sflag:s31] =	ssyncset.done $0x0  }
0x57: {  	s14 =	simm.s32 $0xCB00;
	[sflag:s31] =	ssyncadd.s32 $0xFFFFE000  }
0x58: {  	[spmem:s1] =	stream.indirect.scatter.add.f32 [tilespmem:s0], [sflag:$0xE], $0x20, s14, s17, $0xb8;
	[tilespmem:$0x1EE00] =	vst v63  }
0x59: {  	_ =	swait.ge [sflag:s4], $0x2000  }
0x5a: {  	[sflag:s4] =	ssyncset.done $0x0  }
0x5b: {  	s12 =	simm.s32 $0xA700;
	[sflag:s4] =	ssyncadd.s32 $0xFFFFE000  }
0x5c: {  	[tilespmem:s20], [sflag:$0x2] =	stream.indirect.gather [spmem:s3], $0x20, s12, s17, $0xb8;
	[tilespmem:$0x1EE00] =	vst v63  }
0x5d: {  	_ =	swait.ge [sflag:s5], $0x2000  }
0x5e: {  	[sflag:s5] =	ssyncset.done $0x0  }
0x5f: {  	s13 =	simm.s32 $0xCC00;
	[sflag:s5] =	ssyncadd.s32 $0xFFFFE000  }
0x60: {  	[spmem:s1] =	stream.indirect.scatter.add.f32 [tilespmem:s23], [sflag:$0xF], $0x20, s13, s17, $0xb8;
	[tilespmem:$0x1EE00] =	vst v63  }
0x61: {  	_ =	swait.ge [sflag:s7], $0x2000  }
0x62: {  	[sflag:s7] =	ssyncset.done $0x0  }
0x63: {  	s14 =	simm.s32 $0xA800;
	[sflag:s7] =	ssyncadd.s32 $0xFFFFE000  }
0x64: {  	[tilespmem:s22], [sflag:$0x3] =	stream.indirect.gather [spmem:s3], $0x20, s14, s17, $0xb8;
	[tilespmem:$0x1EE00] =	vst v63  }
0x65: {  	_ =	swait.ge [sflag:s8], $0x2000  }
0x66: {  	[sflag:s8] =	ssyncset.done $0x0  }
0x67: {  	s12 =	simm.s32 $0xCD00;
	[sflag:s8] =	ssyncadd.s32 $0xFFFFE000  }
0x68: {  	[spmem:s1] =	stream.indirect.scatter.add.f32 [tilespmem:s19], [sflag:$0x10], $0x20, s12, s17, $0xb8;
	[tilespmem:$0x1EE00] =	vst v63  }
0x69: {  	_ =	swait.ge [sflag:s15], $0x2000  }
0x6a: {  	[sflag:s15] =	ssyncset.done $0x0  }
0x6b: {  	s13 =	simm.s32 $0xA900;
	[sflag:s15] =	ssyncadd.s32 $0xFFFFE000  }
0x6c: {  	[tilespmem:s24], [sflag:$0x4] =	stream.indirect.gather [spmem:s3], $0x20, s13, s17, $0xb8;
	[tilespmem:$0x1EE00] =	vst v63  }
0x6d: {  	_ =	swait.ge [sflag:s25], $0x2000  }
0x6e: {  	[sflag:s25] =	ssyncset.done $0x0  }
0x6f: {  	s14 =	simm.s32 $0xCE00;
	[sflag:s25] =	ssyncadd.s32 $0xFFFFE000  }
0x70: {  	[spmem:s1] =	stream.indirect.scatter.add.f32 [tilespmem:s18], [sflag:$0x9], $0x20, s14, s17, $0xb8;
	[tilespmem:$0x1EE00] =	vst v63  }
0x71: {  	_ =	swait.ge [sflag:s9], $0x2000  }
0x72: {  	[sflag:s9] =	ssyncset.done $0x0  }
0x73: {  	s12 =	simm.s32 $0xAA00;
	[sflag:s9] =	ssyncadd.s32 $0xFFFFE000  }
0x74: {  	[tilespmem:s28], [sflag:$0x5] =	stream.indirect.gather [spmem:s3], $0x20, s12, s17, $0xb8;
	[tilespmem:$0x1EE00] =	vst v63  }
0x75: {  	_ =	swait.ge [sflag:s29], $0x2000  }
0x76: {  	[sflag:s29] =	ssyncset.done $0x0  }
0x77: {  	s13 =	simm.s32 $0xCF00;
	[sflag:s29] =	ssyncadd.s32 $0xFFFFE000  }
0x78: {  	[spmem:s1] =	stream.indirect.scatter.add.f32 [tilespmem:s20], [sflag:$0xA], $0x20, s13, s17, $0xb8;
	[tilespmem:$0x1EE00] =	vst v63  }
0x79: {  	_ =	swait.ge [sflag:s10], $0x2000  }
0x7a: {  	[sflag:s10] =	ssyncset.done $0x0  }
0x7b: {  	s14 =	simm.s32 $0xAB00;
	[sflag:s10] =	ssyncadd.s32 $0xFFFFE000  }
0x7c: {  	[tilespmem:s0], [sflag:$0x6] =	stream.indirect.gather [spmem:s3], $0x20, s14, s17, $0xb8;
	[tilespmem:$0x1EE00] =	vst v63  }
0x7d: {  	_ =	swait.ge [sflag:s2], $0x2000  }
0x7e: {  	[sflag:s2] =	ssyncset.done $0x0  }
0x7f: {  	s12 =	simm.s32 $0xD000;
	[sflag:s2] =	ssyncadd.s32 $0xFFFFE000  }
0x80: {  	[spmem:s1] =	stream.indirect.scatter.add.f32 [tilespmem:s22], [sflag:$0xB], $0x20, s12, s17, $0xb8;
	[tilespmem:$0x1EE00] =	vst v63  }
0x81: {  	_ =	swait.ge [sflag:s16], $0x2000  }
0x82: {  	[sflag:s16] =	ssyncset.done $0x0  }
0x83: {  	s13 =	simm.s32 $0xAC00;
	[sflag:s16] =	ssyncadd.s32 $0xFFFFE000  }
0x84: {  	[tilespmem:s23], [sflag:$0x7] =	stream.indirect.gather [spmem:s3], $0x20, s13, s17, $0xb8;
	[tilespmem:$0x1EE00] =	vst v63  }
0x85: {  	_ =	swait.ge [sflag:s26], $0x2000  }
0x86: {  	[sflag:s26] =	ssyncset.done $0x0  }
0x87: {  	s14 =	simm.s32 $0xD100;
	[sflag:s26] =	ssyncadd.s32 $0xFFFFE000  }
0x88: {  	[spmem:s1] =	stream.indirect.scatter.add.f32 [tilespmem:s24], [sflag:$0xC], $0x20, s14, s17, $0xb8;
	[tilespmem:$0x1EE00] =	vst v63  }
0x89: {  	_ =	swait.ge [sflag:s11], $0x2000  }
0x8a: {  	[sflag:s11] =	ssyncset.done $0x0  }
0x8b: {  	s6 =	simm.s32 $0xAD00;
	s12 =	simm.s32 $0x2000;
	[sflag:s11] =	ssyncadd.s32 $0xFFFFE000  }
.LBB2_2:
0x8c: {  	[tilespmem:s19], [sflag:$0x8] =	stream.indirect.gather [spmem:s3], $0x20, s6, s17, $0xb8;
	[tilespmem:$0x1EE00] =	vst v63  }
0x8d: {  	s6 =	smov.u32 s12  }
0x8e: {  	p0 =	sne.s32 s12, $0x6000;
	s12 =	sadd.s32 $0x2000, s12;
	_ =	swait.ge [sflag:s21], $0x2000  }
0x8f: {  	s6 =	sshra.s32 s6, $0x2;
	[sflag:s21] =	ssyncset.done $0x0  }
0x90: {  	s13 =	sadd.s32 $0xCA00, s6;
	[sflag:s21] =	ssyncadd.s32 $0xFFFFE000  }
0x91: {  	[spmem:s1] =	stream.indirect.scatter.add.f32 [tilespmem:s28], [sflag:$0xD], $0x20, s13, s17, $0xb8;
	[tilespmem:$0x1EE00] =	vst v63  }
0x92: {  	_ =	swait.ge [sflag:s30], $0x2000  }
0x93: {  	[sflag:s30] =	ssyncset.done $0x0  }
0x94: {  	s13 =	sadd.s32 $0xA600, s6;
	[sflag:s30] =	ssyncadd.s32 $0xFFFFE000  }
0x95: {  	[tilespmem:s18], [sflag:$0x1] =	stream.indirect.gather [spmem:s3], $0x20, s13, s17, $0xb8;
	[tilespmem:$0x1EE00] =	vst v63  }
0x96: {  	_ =	swait.ge [sflag:s31], $0x2000  }
0x97: {  	[sflag:s31] =	ssyncset.done $0x0  }
0x98: {  	s13 =	sadd.s32 $0xCB00, s6;
	[sflag:s31] =	ssyncadd.s32 $0xFFFFE000  }
0x99: {  	[spmem:s1] =	stream.indirect.scatter.add.f32 [tilespmem:s0], [sflag:$0xE], $0x20, s13, s17, $0xb8;
	[tilespmem:$0x1EE00] =	vst v63  }
0x9a: {  	_ =	swait.ge [sflag:s4], $0x2000  }
0x9b: {  	[sflag:s4] =	ssyncset.done $0x0  }
0x9c: {  	s13 =	sadd.s32 $0xA700, s6;
	[sflag:s4] =	ssyncadd.s32 $0xFFFFE000  }
0x9d: {  	[tilespmem:s20], [sflag:$0x2] =	stream.indirect.gather [spmem:s3], $0x20, s13, s17, $0xb8;
	[tilespmem:$0x1EE00] =	vst v63  }
0x9e: {  	_ =	swait.ge [sflag:s5], $0x2000  }
0x9f: {  	[sflag:s5] =	ssyncset.done $0x0  }
0xa0: {  	s13 =	sadd.s32 $0xCC00, s6;
	[sflag:s5] =	ssyncadd.s32 $0xFFFFE000  }
0xa1: {  	[spmem:s1] =	stream.indirect.scatter.add.f32 [tilespmem:s23], [sflag:$0xF], $0x20, s13, s17, $0xb8;
	[tilespmem:$0x1EE00] =	vst v63  }
0xa2: {  	_ =	swait.ge [sflag:s7], $0x2000  }
0xa3: {  	[sflag:s7] =	ssyncset.done $0x0  }
0xa4: {  	s13 =	sadd.s32 $0xA800, s6;
	[sflag:s7] =	ssyncadd.s32 $0xFFFFE000  }
0xa5: {  	[tilespmem:s22], [sflag:$0x3] =	stream.indirect.gather [spmem:s3], $0x20, s13, s17, $0xb8;
	[tilespmem:$0x1EE00] =	vst v63  }
0xa6: {  	_ =	swait.ge [sflag:s8], $0x2000  }
0xa7: {  	[sflag:s8] =	ssyncset.done $0x0  }
0xa8: {  	s13 =	sadd.s32 $0xCD00, s6;
	[sflag:s8] =	ssyncadd.s32 $0xFFFFE000  }
0xa9: {  	[spmem:s1] =	stream.indirect.scatter.add.f32 [tilespmem:s19], [sflag:$0x10], $0x20, s13, s17, $0xb8;
	[tilespmem:$0x1EE00] =	vst v63  }
0xaa: {  	_ =	swait.ge [sflag:s15], $0x2000  }
0xab: {  	[sflag:s15] =	ssyncset.done $0x0  }
0xac: {  	s13 =	sadd.s32 $0xA900, s6;
	[sflag:s15] =	ssyncadd.s32 $0xFFFFE000  }
0xad: {  	[tilespmem:s24], [sflag:$0x4] =	stream.indirect.gather [spmem:s3], $0x20, s13, s17, $0xb8;
	[tilespmem:$0x1EE00] =	vst v63  }
0xae: {  	_ =	swait.ge [sflag:s25], $0x2000  }
0xaf: {  	[sflag:s25] =	ssyncset.done $0x0  }
0xb0: {  	s13 =	sadd.s32 $0xCE00, s6;
	[sflag:s25] =	ssyncadd.s32 $0xFFFFE000  }
0xb1: {  	[spmem:s1] =	stream.indirect.scatter.add.f32 [tilespmem:s18], [sflag:$0x9], $0x20, s13, s17, $0xb8;
	[tilespmem:$0x1EE00] =	vst v63  }
0xb2: {  	_ =	swait.ge [sflag:s9], $0x2000  }
0xb3: {  	[sflag:s9] =	ssyncset.done $0x0  }
0xb4: {  	s13 =	sadd.s32 $0xAA00, s6;
	[sflag:s9] =	ssyncadd.s32 $0xFFFFE000  }
0xb5: {  	[tilespmem:s28], [sflag:$0x5] =	stream.indirect.gather [spmem:s3], $0x20, s13, s17, $0xb8;
	[tilespmem:$0x1EE00] =	vst v63  }
0xb6: {  	_ =	swait.ge [sflag:s29], $0x2000  }
0xb7: {  	[sflag:s29] =	ssyncset.done $0x0  }
0xb8: {  	s13 =	sadd.s32 $0xCF00, s6;
	[sflag:s29] =	ssyncadd.s32 $0xFFFFE000  }
0xb9: {  	[spmem:s1] =	stream.indirect.scatter.add.f32 [tilespmem:s20], [sflag:$0xA], $0x20, s13, s17, $0xb8;
	[tilespmem:$0x1EE00] =	vst v63  }
0xba: {  	_ =	swait.ge [sflag:s10], $0x2000  }
0xbb: {  	[sflag:s10] =	ssyncset.done $0x0  }
0xbc: {  	s13 =	sadd.s32 $0xAB00, s6;
	[sflag:s10] =	ssyncadd.s32 $0xFFFFE000  }
0xbd: {  	[tilespmem:s0], [sflag:$0x6] =	stream.indirect.gather [spmem:s3], $0x20, s13, s17, $0xb8;
	[tilespmem:$0x1EE00] =	vst v63  }
0xbe: {  	_ =	swait.ge [sflag:s2], $0x2000  }
0xbf: {  	[sflag:s2] =	ssyncset.done $0x0  }
0xc0: {  	s13 =	sadd.s32 $0xD000, s6;
	[sflag:s2] =	ssyncadd.s32 $0xFFFFE000  }
0xc1: {  	[spmem:s1] =	stream.indirect.scatter.add.f32 [tilespmem:s22], [sflag:$0xB], $0x20, s13, s17, $0xb8;
	[tilespmem:$0x1EE00] =	vst v63  }
0xc2: {  	_ =	swait.ge [sflag:s16], $0x2000  }
0xc3: {  	[sflag:s16] =	ssyncset.done $0x0  }
0xc4: {  	s13 =	sadd.s32 $0xAC00, s6;
	[sflag:s16] =	ssyncadd.s32 $0xFFFFE000  }
0xc5: {  	[tilespmem:s23], [sflag:$0x7] =	stream.indirect.gather [spmem:s3], $0x20, s13, s17, $0xb8;
	[tilespmem:$0x1EE00] =	vst v63  }
0xc6: {  	_ =	swait.ge [sflag:s26], $0x2000  }
0xc7: {  	[sflag:s26] =	ssyncset.done $0x0  }
.Ltmp0:
0xc8: {  	s13 =	sadd.s32 $0xD100, s6;
	[sflag:s26] =	ssyncadd.s32 $0xFFFFE000;
	(pc) =	sbr.rel @p0 .LBB2_2-.Ltmp0, $4  }
0xc9: {  	[spmem:s1] =	stream.indirect.scatter.add.f32 [tilespmem:s24], [sflag:$0xC], $0x20, s13, s17, $0xb8;
	[tilespmem:$0x1EE00] =	vst v63  }
0xca: {  	_ =	swait.ge [sflag:s11], $0x2000  }
0xcb: {  	[sflag:s11] =	ssyncset.done $0x0  }
0xcc: {  	s6 =	sadd.s32 $0xAD00, s6;
	[sflag:s11] =	ssyncadd.s32 $0xFFFFE000  }
0xcd: {  	[tilespmem:s19], [sflag:$0x8] =	stream.indirect.gather [spmem:s3], $0x20, s6, s17, $0xb8;
	[tilespmem:$0x1EE00] =	vst v63  }
0xce: {  	_ =	swait.ge [sflag:s21], $0x2000  }
0xcf: {  	[sflag:s21] =	ssyncset.done $0x0  }
0xd0: {  	s13 =	simm.s32 $0xEA00;
	[sflag:s21] =	ssyncadd.s32 $0xFFFFE000  }
0xd1: {  	[spmem:s1] =	stream.indirect.scatter.add.f32 [tilespmem:s28], [sflag:$0xD], $0x20, s13, s17, $0xb8;
	[tilespmem:$0x1EE00] =	vst v63  }
0xd2: {  	_ =	swait.ge [sflag:s31], $0x2000  }
0xd3: {  	[sflag:s31] =	ssyncset.done $0x0  }
0xd4: {  	s14 =	simm.s32 $0xEB00;
	[sflag:s31] =	ssyncadd.s32 $0xFFFFE000  }
0xd5: {  	[spmem:s1] =	stream.indirect.scatter.add.f32 [tilespmem:s0], [sflag:$0xE], $0x20, s14, s17, $0xb8;
	[tilespmem:$0x1EE00] =	vst v63  }
0xd6: {  	_ =	swait.ge [sflag:s5], $0x2000  }
0xd7: {  	[sflag:s5] =	ssyncset.done $0x0  }
0xd8: {  	s12 =	simm.s32 $0xEC00;
	[sflag:s5] =	ssyncadd.s32 $0xFFFFE000  }
0xd9: {  	[spmem:s1] =	stream.indirect.scatter.add.f32 [tilespmem:s23], [sflag:$0xF], $0x20, s12, s17, $0xb8;
	[tilespmem:$0x1EE00] =	vst v63  }
0xda: {  	_ =	swait.ge [sflag:s8], $0x2000  }
0xdb: {  	[sflag:s8] =	ssyncset.done $0x0  }
0xdc: {  	s13 =	simm.s32 $0xED00;
	[sflag:s8] =	ssyncadd.s32 $0xFFFFE000  }
0xdd: {  	[spmem:s1] =	stream.indirect.scatter.add.f32 [tilespmem:s19], [sflag:$0x10], $0x20, s13, s17, $0xb8;
	[tilespmem:$0x1EE00] =	vst v63  }
0xde: {  	_ =	swait.ge [sflag:s30], $0x2000  }
0xdf: {  	[sflag:s30] =	ssyncset.done $0x0  }
0xe0: {  	[sflag:s30] =	ssyncadd.s32 $0xFFFFE000  }
0xe1: {  	_ =	swait.ge [sflag:s4], $0x2000  }
0xe2: {  	[sflag:s4] =	ssyncset.done $0x0  }
0xe3: {  	[sflag:s4] =	ssyncadd.s32 $0xFFFFE000  }
0xe4: {  	_ =	swait.ge [sflag:s7], $0x2000  }
0xe5: {  	[sflag:s7] =	ssyncset.done $0x0  }
0xe6: {  	[sflag:s7] =	ssyncadd.s32 $0xFFFFE000  }
0xe7: {  	_ =	swait.ge [sflag:s15], $0x2000  }
0xe8: {  	[sflag:s15] =	ssyncset.done $0x0  }
0xe9: {  	[sflag:s15] =	ssyncadd.s32 $0xFFFFE000  }
0xea: {  	_ =	swait.ge [sflag:s9], $0x2000  }
0xeb: {  	[sflag:s9] =	ssyncset.done $0x0  }
0xec: {  	[sflag:s9] =	ssyncadd.s32 $0xFFFFE000  }
0xed: {  	_ =	swait.ge [sflag:s10], $0x2000  }
0xee: {  	[sflag:s10] =	ssyncset.done $0x0  }
0xef: {  	[sflag:s10] =	ssyncadd.s32 $0xFFFFE000  }
0xf0: {  	_ =	swait.ge [sflag:s16], $0x2000  }
0xf1: {  	[sflag:s16] =	ssyncset.done $0x0  }
0xf2: {  	[sflag:s16] =	ssyncadd.s32 $0xFFFFE000  }
0xf3: {  	_ =	swait.ge [sflag:s11], $0x2000  }
0xf4: {  	[sflag:s11] =	ssyncset.done $0x0  }
0xf5: {  	[sflag:s11] =	ssyncadd.s32 $0xFFFFE000  }
0xf6: {  	[bflag:$0x0] =	sbarrier.arrive $0xFFFF  }
0xf7: {  	s12 =	rddreg [dreg:$0x5]  }
0xf8: {  	s14 =	rddreg [dreg:$0x9]  }
0xf9: {  	s6 =	simm.s32 $0x11;
	s13 =	rddreg [dreg:$0xb]  }
0xfa: {  	[hbm:s14], [sflag:s12] =	dma.local [spmem:s13], $0x9E0  }
0xfb: {  	_ =	swait.ge [sflag:s6], $0x9E0  }
0xfc: {  	s14 =	rddreg [dreg:$0xd]  }
0xfd: {  	[sflag:s6] =	ssyncset.done $0x0;
	s6 =	rddreg [dreg:$0xa];
	s14 =	sadd.s32 $0x1, s14  }
0xfe: {  	p0 =	sne.s32 s14, s6  }
.Ltmp1:
0xff: {  	_ = 	snop;
	(pc) =	sbr.rel @p0 .LBB2_1-.Ltmp1, $3  }
0x100: {  	_ =	sdelay $0x1  }
0x101: {  	s6 =	simm.s32 $0x11  }
0x102: {  	[sflag:s6] =	ssyncadd.s32 $0xFFFFF620  }
0x103: {  	_ =	sfence.sel $0x180000  }
0x104: {  	[bflag:$0x0] =	sbarrier.arrive $0xFFFF  }
0x105: {  	_ =	strace $0x90000047  }
0x106: {  	s0 =	stileid.u32;
	[bflag:$0x2] =	sbarrier.arrive $0xFFFF  }
0x107: {  	p0 =	sne.s32 s0, $0x0;
	s0 =	rddreg [dreg:$0x3]  }
0x108: {  	s0 =	sadd.s32 @!p0 $0x100000, s0  }
0x109: {  	[sflag:s0] =	ssyncadd.tile.s32 @!p0 $0x1;
	_ =	shalt  }
.Lfunc_end2:
_tile_overlayer_lowered:
.L_overlay_start_2:
0x10a: {  	(tag) =	ssettag $0x2  }
0x10b: {  	s0 =	rddreg [dreg:$0x0];
	s2 =	stileid.u32  }
0x10c: {  	s1 =	rddreg [dreg:$0x1];
	p0 =	sne.s32 s2, $0x0  }
0x10d: {  	s3 =	rddreg [dreg:$0x2];
	[bflag:$0x3] =	sbarrier.arrive $0xFFFF;
	s2 =	simm.s32 @!p0 $0x1C11  }
0x10e: {  	[timem:s3], [sflag:s2] =	dma.local @!p0 [hbm:s0], s1  }
0x10f: {  	s0 =	simm.s32 @!p0 $0x11  }
0x110: {  	_ =	swait.ge @!p0 [sflag:s0], s1  }
0x111: {  	s1 =	ssub.s32 @!p0 $0x0, s1;
	[sflag:s0] =	ssyncset.done @!p0 $0x0  }
0x112: {  	[sflag:s0] =	ssyncadd.s32 @!p0 s1  }
0x113: {  	[bflag:$0x3] =	sbarrier.arrive $0xFFFF  }
0x114: {  	_ =	shalt  }

</sc_bundles>
